<compile_context>
chip_gen: v7x
topology: tpu7x:2x2x1
jax: 0.10.2.dev20260603
libtpu: 0.0.44.dev20260713+nightly
codegen_flags: <defaults>
</compile_context>

<pallas_src>
import functools

import jax
import jax.numpy as jnp
from jax import lax
from jax.experimental import pallas as pl
from jax.experimental.pallas import tpu as pltpu
from jax.experimental.pallas import tpu_sc as plsc

SEQ, B, D = 200, 1024, 64
N = SEQ * B
NC, NS = 2, 16
NW = NC * NS
ROWS_W = N // NW
CHUNK = 128
NCHUNK = ROWS_W // CHUNK
GROUPS = CHUNK // 16
CT_ROWS = 24 * 4 * 7
NBUF = 2


def _prep_body(src_ref, time_ref, wd_ref, hour_ref, minute_ref, wde_ref,
               ct_idx_ref, ct_tab_ref):
    ct_idx_ref[...] = time_ref[...] * 7 + wd_ref[...]
    h = hour_ref[...]
    mi = minute_ref[...]
    w = wde_ref[...]
    ct_tab_ref[...] = (h[:, None, None, :] + mi[None, :, None, :]
                      + w[None, None, :, :])


_prep = pl.pallas_call(
    _prep_body,
    out_shape=(
        jax.ShapeDtypeStruct((SEQ, B), jnp.int32),
        jax.ShapeDtypeStruct((24, 4, 7, D), jnp.float32),
    ),
)


WCOLS = 2048


def _widen_body(x_ref, o_ref):
    o_ref[...] = jnp.pad(x_ref[...].T, ((0, 0), (0, D)))


_widen = pl.pallas_call(
    _widen_body,
    grid=(pl.cdiv(1000000, WCOLS),),
    in_specs=[pl.BlockSpec((D, WCOLS), lambda j: (0, j))],
    out_specs=pl.BlockSpec((WCOLS, 2 * D), lambda j: (j, 0)),
    out_shape=jax.ShapeDtypeStruct((1000000, 2 * D), jnp.float32),
)


def _sc_body(loc_hbm, ct_tab_hbm, dur_tab_hbm, src_hbm, ct_hbm,
             dur_hbm, out_hbm, ct_v, durt_v, srcf_v, ctf_v, durf_v,
             gbuf0, gbuf1, sbuf0, sbuf1, g0, g1, s0, s1):
    wid = lax.axis_index("s") * NC + lax.axis_index("c")
    base_w = wid * ROWS_W
    gbufs, sbufs, gsems, ssems = [gbuf0, gbuf1], [sbuf0, sbuf1], [g0, g1], [s0, s1]
    pltpu.sync_copy(ct_tab_hbm, ct_v)
    pltpu.sync_copy(dur_tab_hbm, durt_v)
    pltpu.sync_copy(src_hbm.at[pl.ds(base_w, ROWS_W)], srcf_v)
    pltpu.sync_copy(ct_hbm.at[pl.ds(base_w, ROWS_W)], ctf_v)
    pltpu.sync_copy(dur_hbm.at[pl.ds(base_w, ROWS_W)], durf_v)
    col_iota = lax.iota(jnp.int32, 16)

    def start_gather(c, b):
        pltpu.async_copy(loc_hbm.at[srcf_v.at[pl.ds(c * CHUNK, CHUNK)]],
                         gbufs[b], gsems[b])

    def wait_gather(c, b):
        pltpu.make_async_copy(loc_hbm.at[srcf_v.at[pl.ds(c * CHUNK, CHUNK)]],
                              gbufs[b], gsems[b]).wait()

    for b in range(NBUF):
        start_gather(b, b)

    def outer(i, carry):
        c0 = i * NBUF
        for b in range(NBUF):
            c = c0 + b
            wait_gather(c, b)

            @pl.when(c >= NBUF)
            def _():
                pltpu.make_async_copy(
                    sbufs[b], out_hbm.at[pl.ds(0, CHUNK * D)], ssems[b]).wait()

            @plsc.parallel_loop(0, GROUPS, unroll=2)
            def group_body(g):
                gb = c * CHUNK + g * 16
                ct16 = ctf_v[pl.ds(gb, 16)] * D
                dur16 = durf_v[pl.ds(gb, 16)] * D
                src16 = srcf_v[pl.ds(gb, 16)]
                keep16 = jnp.where(src16 == 0, 0.0, 1.0)
                for j in range(16):
                    r = g * 16 + j
                    ct_r, dur_r = ct16[j], dur16[j]
                    keep = keep16[j]
                    lcol = col_iota
                    rsp = jnp.full((16,), r, jnp.int32)
                    for k in range(D // 16):
                        a = ct_v[pl.ds(ct_r + k * 16, 16)]
                        t = durt_v[pl.ds(dur_r + k * 16, 16)]
                        l = plsc.load_gather(gbufs[b], [rsp, lcol + k * 16])
                        sbufs[b][pl.ds(r * D + k * 16, 16)] = a + t + l * keep

            pltpu.async_copy(
                sbufs[b],
                out_hbm.at[pl.ds((base_w + c * CHUNK) * D, CHUNK * D)],
                ssems[b])

            @pl.when(c + NBUF < NCHUNK)
            def _():
                start_gather(c + NBUF, b)
        return carry

    lax.fori_loop(0, NCHUNK // NBUF, outer, 0)
    for b in range(NBUF):
        pltpu.make_async_copy(
            sbufs[b], out_hbm.at[pl.ds(0, CHUNK * D)], ssems[b]).wait()


_sc_embed = functools.partial(
    pl.kernel,
    out_type=jax.ShapeDtypeStruct((N * D,), jnp.float32),
    mesh=plsc.VectorSubcoreMesh(core_axis_name="c", subcore_axis_name="s"),
    compiler_params=pltpu.CompilerParams(needs_layout_passes=False,
                                         use_tc_tiling_on_sc=True),
    scratch_types=[
        pltpu.VMEM((CT_ROWS * D,), jnp.float32),
        pltpu.VMEM((96 * D,), jnp.float32),
        pltpu.VMEM((ROWS_W,), jnp.int32),
        pltpu.VMEM((ROWS_W,), jnp.int32),
        pltpu.VMEM((ROWS_W,), jnp.int32),
        pltpu.VMEM((CHUNK, 2 * D), jnp.float32),
        pltpu.VMEM((CHUNK, 2 * D), jnp.float32),
        pltpu.VMEM((CHUNK * D,), jnp.float32),
        pltpu.VMEM((CHUNK * D,), jnp.float32),
        pltpu.SemaphoreType.DMA,
        pltpu.SemaphoreType.DMA,
        pltpu.SemaphoreType.DMA,
        pltpu.SemaphoreType.DMA,
    ],
)(_sc_body)


def kernel(src, time, weekday, duration, emb_loc, minute_embed, hour_embed,
           weekday_embed, emb_duration):
    src = src.astype(jnp.int32)
    ct_idx, ct_tab4 = _prep(src, time.astype(jnp.int32),
                            weekday.astype(jnp.int32),
                            hour_embed, minute_embed, weekday_embed)
    out1 = _sc_embed(_widen(emb_loc.T),
                     ct_tab4.reshape(CT_ROWS * D),
                     emb_duration.reshape(96 * D),
                     src.reshape(N),
                     ct_idx.reshape(N),
                     duration.reshape(N).astype(jnp.int32))
    return out1.reshape(SEQ, B, D)

# --- scband reference (transcript-rebuilt; emitter-appended) ---
"""Pipeline reference for scband-all-embedding-37701222924545 (READ-ONLY COPY).

The authoritative reference and input builder live on the scoring server;
editing this copy changes nothing except your own understanding.
"""

import jax, jax.numpy as jnp
import numpy as np

SEQ, B, D = 200, 1024, 64
VOCAB = 1000000

def setup_inputs(seed: int = 0) -> dict:
    key = jax.random.key(seed)
    ks = jax.random.split(key, 9)
    src = jax.random.randint(ks[0], (SEQ, B), 0, VOCAB, dtype=jnp.int64 if jax.config.jax_enable_x64 else jnp.int32)
    time = jax.random.randint(ks[1], (SEQ, B), 0, 96)
    weekday = jax.random.randint(ks[2], (SEQ, B), 0, 7)
    duration = jax.random.randint(ks[3], (SEQ, B), 0, 96)
    emb_loc = jax.random.normal(ks[4], (VOCAB, D), dtype=jnp.float32) * 0.02
    minute_embed = jax.random.normal(ks[5], (4, D), dtype=jnp.float32) * 0.02
    hour_embed = jax.random.normal(ks[6], (24, D), dtype=jnp.float32) * 0.02
    weekday_embed = jax.random.normal(ks[7], (7, D), dtype=jnp.float32) * 0.02
    emb_duration = jax.random.normal(ks[8], (96, D), dtype=jnp.float32) * 0.02
    return {"src": src, "time": time, "weekday": weekday, "duration": duration,
            "emb_loc": emb_loc, "minute_embed": minute_embed, "hour_embed": hour_embed,
            "weekday_embed": weekday_embed, "emb_duration": emb_duration}

def reference(src, time, weekday, duration, emb_loc, minute_embed, hour_embed, weekday_embed, emb_duration):
    # padding_idx=0: row 0 of the location table is always zero
    loc_table = emb_loc.at[0].set(0.0)
    emb = jnp.take(loc_table, src, axis=0)
    # TemporalEmbedding
    hour = jnp.clip(time // 4, 0, 23)
    minutes = jnp.clip(time % 4, 0, 3)
    wd = jnp.clip(weekday, 0, 6)
    temporal = (jnp.take(hour_embed, hour, axis=0)
                + jnp.take(minute_embed, minutes, axis=0)
                + jnp.take(weekday_embed, wd, axis=0))
    emb = emb + temporal
    # duration embedding
    dur = jnp.clip(duration, 0, 60 * 24 * 2 // 30 - 1)
    emb = emb + jnp.take(emb_duration, dur, axis=0)
    # dropout is identity in eval mode
    return emb

if __name__ == "__main__":
    import jax
    _d = setup_inputs()
    print(jax.jit(kernel)(*tuple(_d.values())))

</pallas_src>

<mosaic_0001>
#map = affine_map<(d0, d1) -> (0, 0)>
#map1 = affine_map<(d0, d1) -> (0)>
module attributes {stable_mosaic.version = 14 : i64} {
  func.func @_sc_body(%arg0: i32, %arg1: i32, %arg2: memref<1000000x128xf32, #tpu.memory_space<hbm>>, %arg3: memref<43008xf32, #tpu.memory_space<hbm>>, %arg4: memref<6144xf32, #tpu.memory_space<hbm>>, %arg5: memref<204800xi32, #tpu.memory_space<hbm>>, %arg6: memref<204800xi32, #tpu.memory_space<hbm>>, %arg7: memref<204800xi32, #tpu.memory_space<hbm>>, %arg8: memref<13107200xf32, #tpu.memory_space<hbm>>, %arg9: memref<43008xf32, #tpu.memory_space<vmem>>, %arg10: memref<6144xf32, #tpu.memory_space<vmem>>, %arg11: memref<6400xi32, #tpu.memory_space<vmem>>, %arg12: memref<6400xi32, #tpu.memory_space<vmem>>, %arg13: memref<6400xi32, #tpu.memory_space<vmem>>, %arg14: memref<128x128xf32, #tpu.memory_space<vmem>>, %arg15: memref<128x128xf32, #tpu.memory_space<vmem>>, %arg16: memref<8192xf32, #tpu.memory_space<vmem>>, %arg17: memref<8192xf32, #tpu.memory_space<vmem>>, %arg18: memref<!tpu.dma_semaphore, #tpu.memory_space<semaphore_mem>>, %arg19: memref<!tpu.dma_semaphore, #tpu.memory_space<semaphore_mem>>, %arg20: memref<!tpu.dma_semaphore, #tpu.memory_space<semaphore_mem>>, %arg21: memref<!tpu.dma_semaphore, #tpu.memory_space<semaphore_mem>>) attributes {dimension_semantics = [#tpu.dimension_semantics<core_parallel>, #tpu.dimension_semantics<subcore_parallel>], iteration_bounds = array<i64: 2, 16>, scalar_prefetch = 0 : i64, scratch_operands = 13 : i64, tpu.core_type = #tpu.core_type<sc_vector_subcore>, window_params = [{transform_indices = #map}, {transform_indices = #map1}, {transform_indices = #map1}, {transform_indices = #map1}, {transform_indices = #map1}, {transform_indices = #map1}, {transform_indices = #map1}]} {
    %mul3A = arith.constant 2 : i32
    %mul3A_0 = arith.muli %arg1, %mul3A : i32
    %add3A = arith.addi %mul3A_0, %arg0 : i32
    %mul3A_1 = arith.constant 6400 : i32
    %mul3A_2 = arith.muli %add3A, %mul3A_1 : i32
    "tpu.region"() ({
      %run_scoped3A = tpu.sem_alloc : memref<!tpu.dma_semaphore, #tpu.memory_space<semaphore_mem>>
      tpu.enqueue_dma source(%arg3 : memref<43008xf32, #tpu.memory_space<hbm>>) target(%arg9 : memref<43008xf32, #tpu.memory_space<vmem>>) target_semaphore(%run_scoped3A : memref<!tpu.dma_semaphore, #tpu.memory_space<semaphore_mem>>)
      tpu.wait_dma2 semaphore(%run_scoped3A : memref<!tpu.dma_semaphore, #tpu.memory_space<semaphore_mem>>) src(%arg3 : memref<43008xf32, #tpu.memory_space<hbm>>) dst(%arg9 : memref<43008xf32, #tpu.memory_space<vmem>>)
      tpu.yield
    }) : () -> ()
    "tpu.region"() ({
      %run_scoped3A = tpu.sem_alloc : memref<!tpu.dma_semaphore, #tpu.memory_space<semaphore_mem>>
      tpu.enqueue_dma source(%arg4 : memref<6144xf32, #tpu.memory_space<hbm>>) target(%arg10 : memref<6144xf32, #tpu.memory_space<vmem>>) target_semaphore(%run_scoped3A : memref<!tpu.dma_semaphore, #tpu.memory_space<semaphore_mem>>)
      tpu.wait_dma2 semaphore(%run_scoped3A : memref<!tpu.dma_semaphore, #tpu.memory_space<semaphore_mem>>) src(%arg4 : memref<6144xf32, #tpu.memory_space<hbm>>) dst(%arg10 : memref<6144xf32, #tpu.memory_space<vmem>>)
      tpu.yield
    }) : () -> ()
    "tpu.region"() ({
      %run_scoped3A = tpu.sem_alloc : memref<!tpu.dma_semaphore, #tpu.memory_space<semaphore_mem>>
      %dma_start3A_24 = tpu.memref_slice %arg5[%mul3A_2] : memref<204800xi32, #tpu.memory_space<hbm>> -> memref<6400xi32, #tpu.memory_space<hbm>>
      %dma_start3A_25 = tpu.memref_slice %arg5[%mul3A_2] : memref<204800xi32, #tpu.memory_space<hbm>> -> memref<6400xi32, #tpu.memory_space<hbm>>
      tpu.enqueue_dma source(%dma_start3A_25 : memref<6400xi32, #tpu.memory_space<hbm>>) target(%arg11 : memref<6400xi32, #tpu.memory_space<vmem>>) target_semaphore(%run_scoped3A : memref<!tpu.dma_semaphore, #tpu.memory_space<semaphore_mem>>)
      %dma_wait3A_26 = tpu.memref_slice %arg5[%mul3A_2] : memref<204800xi32, #tpu.memory_space<hbm>> -> memref<6400xi32, #tpu.memory_space<hbm>>
      %dma_wait3A_27 = tpu.memref_slice %arg5[%mul3A_2] : memref<204800xi32, #tpu.memory_space<hbm>> -> memref<6400xi32, #tpu.memory_space<hbm>>
      tpu.wait_dma2 semaphore(%run_scoped3A : memref<!tpu.dma_semaphore, #tpu.memory_space<semaphore_mem>>) src(%dma_wait3A_27 : memref<6400xi32, #tpu.memory_space<hbm>>) dst(%arg11 : memref<6400xi32, #tpu.memory_space<vmem>>)
      tpu.yield
    }) : () -> ()
    "tpu.region"() ({
      %run_scoped3A = tpu.sem_alloc : memref<!tpu.dma_semaphore, #tpu.memory_space<semaphore_mem>>
      %dma_start3A_24 = tpu.memref_slice %arg6[%mul3A_2] : memref<204800xi32, #tpu.memory_space<hbm>> -> memref<6400xi32, #tpu.memory_space<hbm>>
      %dma_start3A_25 = tpu.memref_slice %arg6[%mul3A_2] : memref<204800xi32, #tpu.memory_space<hbm>> -> memref<6400xi32, #tpu.memory_space<hbm>>
      tpu.enqueue_dma source(%dma_start3A_25 : memref<6400xi32, #tpu.memory_space<hbm>>) target(%arg12 : memref<6400xi32, #tpu.memory_space<vmem>>) target_semaphore(%run_scoped3A : memref<!tpu.dma_semaphore, #tpu.memory_space<semaphore_mem>>)
      %dma_wait3A_26 = tpu.memref_slice %arg6[%mul3A_2] : memref<204800xi32, #tpu.memory_space<hbm>> -> memref<6400xi32, #tpu.memory_space<hbm>>
      %dma_wait3A_27 = tpu.memref_slice %arg6[%mul3A_2] : memref<204800xi32, #tpu.memory_space<hbm>> -> memref<6400xi32, #tpu.memory_space<hbm>>
      tpu.wait_dma2 semaphore(%run_scoped3A : memref<!tpu.dma_semaphore, #tpu.memory_space<semaphore_mem>>) src(%dma_wait3A_27 : memref<6400xi32, #tpu.memory_space<hbm>>) dst(%arg12 : memref<6400xi32, #tpu.memory_space<vmem>>)
      tpu.yield
    }) : () -> ()
    "tpu.region"() ({
      %run_scoped3A = tpu.sem_alloc : memref<!tpu.dma_semaphore, #tpu.memory_space<semaphore_mem>>
      %dma_start3A_24 = tpu.memref_slice %arg7[%mul3A_2] : memref<204800xi32, #tpu.memory_space<hbm>> -> memref<6400xi32, #tpu.memory_space<hbm>>
      %dma_start3A_25 = tpu.memref_slice %arg7[%mul3A_2] : memref<204800xi32, #tpu.memory_space<hbm>> -> memref<6400xi32, #tpu.memory_space<hbm>>
      tpu.enqueue_dma source(%dma_start3A_25 : memref<6400xi32, #tpu.memory_space<hbm>>) target(%arg13 : memref<6400xi32, #tpu.memory_space<vmem>>) target_semaphore(%run_scoped3A : memref<!tpu.dma_semaphore, #tpu.memory_space<semaphore_mem>>)
      %dma_wait3A_26 = tpu.memref_slice %arg7[%mul3A_2] : memref<204800xi32, #tpu.memory_space<hbm>> -> memref<6400xi32, #tpu.memory_space<hbm>>
      %dma_wait3A_27 = tpu.memref_slice %arg7[%mul3A_2] : memref<204800xi32, #tpu.memory_space<hbm>> -> memref<6400xi32, #tpu.memory_space<hbm>>
      tpu.wait_dma2 semaphore(%run_scoped3A : memref<!tpu.dma_semaphore, #tpu.memory_space<semaphore_mem>>) src(%dma_wait3A_27 : memref<6400xi32, #tpu.memory_space<hbm>>) dst(%arg13 : memref<6400xi32, #tpu.memory_space<vmem>>)
      tpu.yield
    }) : () -> ()
    %iota3A = tpu.iota {dimensions = array<i32: 0>} : vector<16xi32>
    %dma_start3A = arith.constant 0 : i32
    %dma_start3A_3 = tpu.memref_slice %arg11[%dma_start3A] : memref<6400xi32, #tpu.memory_space<vmem>> -> memref<128xi32, #tpu.memory_space<vmem>>
    %dma_start3A_4 = arith.constant 0 : i32
    %dma_start3A_5 = arith.constant 0 : i32
    %dma_start3A_6 = tpu.memref_slice %arg2[%dma_start3A_4, %dma_start3A_5] : memref<1000000x128xf32, #tpu.memory_space<hbm>> -> memref<1000000x128xf32, #tpu.memory_space<hbm>>
    tpu.enqueue_indirect_dma source(%dma_start3A_6 : memref<1000000x128xf32, #tpu.memory_space<hbm>>) target(%arg14 : memref<128x128xf32, #tpu.memory_space<vmem>>) offsets(%dma_start3A_3 : memref<128xi32, #tpu.memory_space<vmem>>) semaphore(%arg18 : memref<!tpu.dma_semaphore, #tpu.memory_space<semaphore_mem>>)
    %dma_start3A_7 = arith.constant 128 : i32
    %dma_start3A_8 = tpu.memref_slice %arg11[%dma_start3A_7] : memref<6400xi32, #tpu.memory_space<vmem>> -> memref<128xi32, #tpu.memory_space<vmem>>
    %dma_start3A_9 = arith.constant 0 : i32
    %dma_start3A_10 = arith.constant 0 : i32
    %dma_start3A_11 = tpu.memref_slice %arg2[%dma_start3A_9, %dma_start3A_10] : memref<1000000x128xf32, #tpu.memory_space<hbm>> -> memref<1000000x128xf32, #tpu.memory_space<hbm>>
    tpu.enqueue_indirect_dma source(%dma_start3A_11 : memref<1000000x128xf32, #tpu.memory_space<hbm>>) target(%arg15 : memref<128x128xf32, #tpu.memory_space<vmem>>) offsets(%dma_start3A_8 : memref<128xi32, #tpu.memory_space<vmem>>) semaphore(%arg19 : memref<!tpu.dma_semaphore, #tpu.memory_space<semaphore_mem>>)
    %scan3A = arith.constant 0 : i32
    %scan3A_12 = arith.constant 0 : i32
    %scan3A_13 = arith.constant 25 : i32
    %scan3A_14 = arith.addi %scan3A_12, %scan3A_13 : i32
    %scan3A_15 = arith.constant 1 : i32
    scf.for %scan3A_24 = %scan3A_12 to %scan3A_14 step %scan3A_15  : i32 {
      %mul3A_25 = arith.constant 2 : i32
      %mul3A_26 = arith.muli %scan3A_24, %mul3A_25 : i32
      %add3A_27 = arith.constant 0 : i32
      %add3A_28 = arith.addi %mul3A_26, %add3A_27 : i32
      %mul3A_29 = arith.constant 128 : i32
      %mul3A_30 = arith.muli %add3A_28, %mul3A_29 : i32
      %dma_wait3A_31 = tpu.memref_slice %arg11[%mul3A_30] : memref<6400xi32, #tpu.memory_space<vmem>> -> memref<128xi32, #tpu.memory_space<vmem>>
      %dma_wait3A_32 = arith.constant 0 : i32
      %dma_wait3A_33 = arith.constant 0 : i32
      %dma_wait3A_34 = tpu.memref_slice %arg2[%dma_wait3A_32, %dma_wait3A_33] : memref<1000000x128xf32, #tpu.memory_space<hbm>> -> memref<1000000x128xf32, #tpu.memory_space<hbm>>
      tpu.wait_indirect_dma semaphore(%arg18 : memref<!tpu.dma_semaphore, #tpu.memory_space<semaphore_mem>>) src(%dma_wait3A_34 : memref<1000000x128xf32, #tpu.memory_space<hbm>>) dst(%arg14 : memref<128x128xf32, #tpu.memory_space<vmem>>)
      %ge3A = arith.constant 2 : i32
      %ge3A_35 = arith.cmpi sge, %add3A_28, %ge3A : i32
      %convert_element_type3A = arith.extui %ge3A_35 : i1 to i32
      %cond3A = arith.constant 0 : i32
      %cond3A_36 = arith.cmpi ne, %convert_element_type3A, %cond3A : i32
      scf.if %cond3A_36 {
        %dma_wait3A_82 = arith.constant 0 : i32
        %dma_wait3A_83 = tpu.memref_slice %arg8[%dma_wait3A_82] : memref<13107200xf32, #tpu.memory_space<hbm>> -> memref<8192xf32, #tpu.memory_space<hbm>>
        %dma_wait3A_84 = arith.constant 0 : i32
        %dma_wait3A_85 = tpu.memref_slice %arg8[%dma_wait3A_84] : memref<13107200xf32, #tpu.memory_space<hbm>> -> memref<8192xf32, #tpu.memory_space<hbm>>
        tpu.wait_dma2 semaphore(%arg20 : memref<!tpu.dma_semaphore, #tpu.memory_space<semaphore_mem>>) src(%arg16 : memref<8192xf32, #tpu.memory_space<vmem>>) dst(%dma_wait3A_85 : memref<8192xf32, #tpu.memory_space<hbm>>)
      } else {
      }
      %parallel_loop3A = arith.constant 0 : i32
      %parallel_loop3A_37 = arith.constant 8 : i32
      %parallel_loop3A_38 = arith.constant 1 : i32
      scf.for %parallel_loop3A_82 = %parallel_loop3A to %parallel_loop3A_37 step %parallel_loop3A_38  : i32 {
        %parallel_loop3A_83 = arith.constant 128 : i32
        %parallel_loop3A_84 = arith.muli %add3A_28, %parallel_loop3A_83 : i32
        %parallel_loop3A_85 = arith.constant 16 : i32
        %parallel_loop3A_86 = arith.muli %parallel_loop3A_82, %parallel_loop3A_85 : i32
        %parallel_loop3A_87 = arith.addi %parallel_loop3A_84, %parallel_loop3A_86 : i32
        %parallel_loop3A_88 = arith.index_cast %parallel_loop3A_87 : i32 to index
        %parallel_loop3A_89 = tpu.vector_load %arg12[%parallel_loop3A_88] {strides = array<i32>} : memref<6400xi32, #tpu.memory_space<vmem>>, vector<16xi32>,
        %parallel_loop3A_90 = arith.constant 64 : i32
        %parallel_loop3A_91 = vector.broadcast %parallel_loop3A_90 : i32 to vector<16xi32>
        %parallel_loop3A_92 = arith.muli %parallel_loop3A_89, %parallel_loop3A_91 : vector<16xi32>
        %parallel_loop3A_93 = arith.index_cast %parallel_loop3A_87 : i32 to index
        %parallel_loop3A_94 = tpu.vector_load %arg13[%parallel_loop3A_93] {strides = array<i32>} : memref<6400xi32, #tpu.memory_space<vmem>>, vector<16xi32>,
        %parallel_loop3A_95 = arith.constant 64 : i32
        %parallel_loop3A_96 = vector.broadcast %parallel_loop3A_95 : i32 to vector<16xi32>
        %parallel_loop3A_97 = arith.muli %parallel_loop3A_94, %parallel_loop3A_96 : vector<16xi32>
        %parallel_loop3A_98 = arith.index_cast %parallel_loop3A_87 : i32 to index
        %parallel_loop3A_99 = tpu.vector_load %arg11[%parallel_loop3A_98] {strides = array<i32>} : memref<6400xi32, #tpu.memory_space<vmem>>, vector<16xi32>,
        %parallel_loop3A_100 = arith.constant 0 : i32
        %parallel_loop3A_101 = vector.broadcast %parallel_loop3A_100 : i32 to vector<16xi32>
        %parallel_loop3A_102 = arith.cmpi eq, %parallel_loop3A_99, %parallel_loop3A_101 : vector<16xi32>
        %parallel_loop3A_103 = arith.constant 0.000000e+00 : f32
        %parallel_loop3A_104 = arith.constant 1.000000e+00 : f32
        %parallel_loop3A_105 = vector.broadcast %parallel_loop3A_103 : f32 to vector<16xf32>
        %parallel_loop3A_106 = vector.broadcast %parallel_loop3A_104 : f32 to vector<16xf32>
        %parallel_loop3A_107 = arith.select %parallel_loop3A_102, %parallel_loop3A_105, %parallel_loop3A_106 : vector<16xi1>, vector<16xf32>
        %parallel_loop3A_108 = arith.constant 16 : i32
        %parallel_loop3A_109 = arith.muli %parallel_loop3A_82, %parallel_loop3A_108 : i32
        %parallel_loop3A_110 = arith.constant 0 : i32
        %parallel_loop3A_111 = arith.addi %parallel_loop3A_109, %parallel_loop3A_110 : i32
        %parallel_loop3A_112 = vector.extract_strided_slice %parallel_loop3A_92 {offsets = [0], sizes = [1], strides = [1]} : vector<16xi32> to vector<1xi32>
        %parallel_loop3A_113 = vector.extract %parallel_loop3A_112[0] : i32 from vector<1xi32>
        %parallel_loop3A_114 = vector.extract_strided_slice %parallel_loop3A_97 {offsets = [0], sizes = [1], strides = [1]} : vector<16xi32> to vector<1xi32>
        %parallel_loop3A_115 = vector.extract %parallel_loop3A_114[0] : i32 from vector<1xi32>
        %parallel_loop3A_116 = vector.extract_strided_slice %parallel_loop3A_107 {offsets = [0], sizes = [1], strides = [1]} : vector<16xf32> to vector<1xf32>
        %parallel_loop3A_117 = vector.extract %parallel_loop3A_116[0] : f32 from vector<1xf32>
        %parallel_loop3A_118 = vector.broadcast %parallel_loop3A_111 : i32 to vector<16xi32>
        %parallel_loop3A_119 = arith.constant 0 : i32
        %parallel_loop3A_120 = arith.addi %parallel_loop3A_113, %parallel_loop3A_119 : i32
        %parallel_loop3A_121 = arith.index_cast %parallel_loop3A_120 : i32 to index
        %parallel_loop3A_122 = tpu.vector_load %arg9[%parallel_loop3A_121] {strides = array<i32>} : memref<43008xf32, #tpu.memory_space<vmem>>, vector<16xf32>,
        %parallel_loop3A_123 = arith.constant 0 : i32
        %parallel_loop3A_124 = arith.addi %parallel_loop3A_115, %parallel_loop3A_123 : i32
        %parallel_loop3A_125 = arith.index_cast %parallel_loop3A_124 : i32 to index
        %parallel_loop3A_126 = tpu.vector_load %arg10[%parallel_loop3A_125] {strides = array<i32>} : memref<6144xf32, #tpu.memory_space<vmem>>, vector<16xf32>,
        %parallel_loop3A_127 = arith.constant 0 : i32
        %parallel_loop3A_128 = vector.broadcast %parallel_loop3A_127 : i32 to vector<16xi32>
        %parallel_loop3A_129 = arith.addi %iota3A, %parallel_loop3A_128 : vector<16xi32>
        %parallel_loop3A_130 = tpu.vector_load_idx %arg14[%parallel_loop3A_118, %parallel_loop3A_129] : memref<128x128xf32, #tpu.memory_space<vmem>>[vector<16xi32>, vector<16xi32>], vector<16xf32>,
        %parallel_loop3A_131 = arith.addf %parallel_loop3A_122, %parallel_loop3A_126 : vector<16xf32>
        %parallel_loop3A_132 = vector.broadcast %parallel_loop3A_117 : f32 to vector<16xf32>
        %parallel_loop3A_133 = arith.mulf %parallel_loop3A_130, %parallel_loop3A_132 : vector<16xf32>
        %parallel_loop3A_134 = arith.addf %parallel_loop3A_131, %parallel_loop3A_133 : vector<16xf32>
        %parallel_loop3A_135 = arith.constant 64 : i32
        %parallel_loop3A_136 = arith.muli %parallel_loop3A_111, %parallel_loop3A_135 : i32
        %parallel_loop3A_137 = arith.constant 0 : i32
        %parallel_loop3A_138 = arith.addi %parallel_loop3A_136, %parallel_loop3A_137 : i32
        %parallel_loop3A_139 = arith.index_cast %parallel_loop3A_138 : i32 to index
        %parallel_loop3A_140 = tpu.vector_load %arg16[%parallel_loop3A_139] {strides = array<i32>} : memref<8192xf32, #tpu.memory_space<vmem>>, vector<16xf32>,
        tpu.vector_store %arg16[%parallel_loop3A_139], %parallel_loop3A_134 {strides = array<i32>} : memref<8192xf32, #tpu.memory_space<vmem>>, vector<16xf32>,
        %parallel_loop3A_141 = arith.constant 16 : i32
        %parallel_loop3A_142 = arith.addi %parallel_loop3A_113, %parallel_loop3A_141 : i32
        %parallel_loop3A_143 = arith.index_cast %parallel_loop3A_142 : i32 to index
        %parallel_loop3A_144 = tpu.vector_load %arg9[%parallel_loop3A_143] {strides = array<i32>} : memref<43008xf32, #tpu.memory_space<vmem>>, vector<16xf32>,
        %parallel_loop3A_145 = arith.constant 16 : i32
        %parallel_loop3A_146 = arith.addi %parallel_loop3A_115, %parallel_loop3A_145 : i32
        %parallel_loop3A_147 = arith.index_cast %parallel_loop3A_146 : i32 to index
        %parallel_loop3A_148 = tpu.vector_load %arg10[%parallel_loop3A_147] {strides = array<i32>} : memref<6144xf32, #tpu.memory_space<vmem>>, vector<16xf32>,
        %parallel_loop3A_149 = arith.constant 16 : i32
        %parallel_loop3A_150 = vector.broadcast %parallel_loop3A_149 : i32 to vector<16xi32>
        %parallel_loop3A_151 = arith.addi %iota3A, %parallel_loop3A_150 : vector<16xi32>
        %parallel_loop3A_152 = tpu.vector_load_idx %arg14[%parallel_loop3A_118, %parallel_loop3A_151] : memref<128x128xf32, #tpu.memory_space<vmem>>[vector<16xi32>, vector<16xi32>], vector<16xf32>,
        %parallel_loop3A_153 = arith.addf %parallel_loop3A_144, %parallel_loop3A_148 : vector<16xf32>
        %parallel_loop3A_154 = vector.broadcast %parallel_loop3A_117 : f32 to vector<16xf32>
        %parallel_loop3A_155 = arith.mulf %parallel_loop3A_152, %parallel_loop3A_154 : vector<16xf32>
        %parallel_loop3A_156 = arith.addf %parallel_loop3A_153, %parallel_loop3A_155 : vector<16xf32>
        %parallel_loop3A_157 = arith.constant 64 : i32
        %parallel_loop3A_158 = arith.muli %parallel_loop3A_111, %parallel_loop3A_157 : i32
        %parallel_loop3A_159 = arith.constant 16 : i32
        %parallel_loop3A_160 = arith.addi %parallel_loop3A_158, %parallel_loop3A_159 : i32
        %parallel_loop3A_161 = arith.index_cast %parallel_loop3A_160 : i32 to index
        %parallel_loop3A_162 = tpu.vector_load %arg16[%parallel_loop3A_161] {strides = array<i32>} : memref<8192xf32, #tpu.memory_space<vmem>>, vector<16xf32>,
        tpu.vector_store %arg16[%parallel_loop3A_161], %parallel_loop3A_156 {strides = array<i32>} : memref<8192xf32, #tpu.memory_space<vmem>>, vector<16xf32>,
        %parallel_loop3A_163 = arith.constant 32 : i32
        %parallel_loop3A_164 = arith.addi %parallel_loop3A_113, %parallel_loop3A_163 : i32
        %parallel_loop3A_165 = arith.index_cast %parallel_loop3A_164 : i32 to index
        %parallel_loop3A_166 = tpu.vector_load %arg9[%parallel_loop3A_165] {strides = array<i32>} : memref<43008xf32, #tpu.memory_space<vmem>>, vector<16xf32>,
        %parallel_loop3A_167 = arith.constant 32 : i32
        %parallel_loop3A_168 = arith.addi %parallel_loop3A_115, %parallel_loop3A_167 : i32
        %parallel_loop3A_169 = arith.index_cast %parallel_loop3A_168 : i32 to index
        %parallel_loop3A_170 = tpu.vector_load %arg10[%parallel_loop3A_169] {strides = array<i32>} : memref<6144xf32, #tpu.memory_space<vmem>>, vector<16xf32>,
        %parallel_loop3A_171 = arith.constant 32 : i32
        %parallel_loop3A_172 = vector.broadcast %parallel_loop3A_171 : i32 to vector<16xi32>
        %parallel_loop3A_173 = arith.addi %iota3A, %parallel_loop3A_172 : vector<16xi32>
        %parallel_loop3A_174 = tpu.vector_load_idx %arg14[%parallel_loop3A_118, %parallel_loop3A_173] : memref<128x128xf32, #tpu.memory_space<vmem>>[vector<16xi32>, vector<16xi32>], vector<16xf32>,
        %parallel_loop3A_175 = arith.addf %parallel_loop3A_166, %parallel_loop3A_170 : vector<16xf32>
        %parallel_loop3A_176 = vector.broadcast %parallel_loop3A_117 : f32 to vector<16xf32>
        %parallel_loop3A_177 = arith.mulf %parallel_loop3A_174, %parallel_loop3A_176 : vector<16xf32>
        %parallel_loop3A_178 = arith.addf %parallel_loop3A_175, %parallel_loop3A_177 : vector<16xf32>
        %parallel_loop3A_179 = arith.constant 64 : i32
        %parallel_loop3A_180 = arith.muli %parallel_loop3A_111, %parallel_loop3A_179 : i32
        %parallel_loop3A_181 = arith.constant 32 : i32
        %parallel_loop3A_182 = arith.addi %parallel_loop3A_180, %parallel_loop3A_181 : i32
        %parallel_loop3A_183 = arith.index_cast %parallel_loop3A_182 : i32 to index
        %parallel_loop3A_184 = tpu.vector_load %arg16[%parallel_loop3A_183] {strides = array<i32>} : memref<8192xf32, #tpu.memory_space<vmem>>, vector<16xf32>,
        tpu.vector_store %arg16[%parallel_loop3A_183], %parallel_loop3A_178 {strides = array<i32>} : memref<8192xf32, #tpu.memory_space<vmem>>, vector<16xf32>,
        %parallel_loop3A_185 = arith.constant 48 : i32
        %parallel_loop3A_186 = arith.addi %parallel_loop3A_113, %parallel_loop3A_185 : i32
        %parallel_loop3A_187 = arith.index_cast %parallel_loop3A_186 : i32 to index
        %parallel_loop3A_188 = tpu.vector_load %arg9[%parallel_loop3A_187] {strides = array<i32>} : memref<43008xf32, #tpu.memory_space<vmem>>, vector<16xf32>,
        %parallel_loop3A_189 = arith.constant 48 : i32
        %parallel_loop3A_190 = arith.addi %parallel_loop3A_115, %parallel_loop3A_189 : i32
        %parallel_loop3A_191 = arith.index_cast %parallel_loop3A_190 : i32 to index
        %parallel_loop3A_192 = tpu.vector_load %arg10[%parallel_loop3A_191] {strides = array<i32>} : memref<6144xf32, #tpu.memory_space<vmem>>, vector<16xf32>,
        %parallel_loop3A_193 = arith.constant 48 : i32
        %parallel_loop3A_194 = vector.broadcast %parallel_loop3A_193 : i32 to vector<16xi32>
        %parallel_loop3A_195 = arith.addi %iota3A, %parallel_loop3A_194 : vector<16xi32>
        %parallel_loop3A_196 = tpu.vector_load_idx %arg14[%parallel_loop3A_118, %parallel_loop3A_195] : memref<128x128xf32, #tpu.memory_space<vmem>>[vector<16xi32>, vector<16xi32>], vector<16xf32>,
        %parallel_loop3A_197 = arith.addf %parallel_loop3A_188, %parallel_loop3A_192 : vector<16xf32>
        %parallel_loop3A_198 = vector.broadcast %parallel_loop3A_117 : f32 to vector<16xf32>
        %parallel_loop3A_199 = arith.mulf %parallel_loop3A_196, %parallel_loop3A_198 : vector<16xf32>
        %parallel_loop3A_200 = arith.addf %parallel_loop3A_197, %parallel_loop3A_199 : vector<16xf32>
        %parallel_loop3A_201 = arith.constant 64 : i32
        %parallel_loop3A_202 = arith.muli %parallel_loop3A_111, %parallel_loop3A_201 : i32
        %parallel_loop3A_203 = arith.constant 48 : i32
        %parallel_loop3A_204 = arith.addi %parallel_loop3A_202, %parallel_loop3A_203 : i32
        %parallel_loop3A_205 = arith.index_cast %parallel_loop3A_204 : i32 to index
        %parallel_loop3A_206 = tpu.vector_load %arg16[%parallel_loop3A_205] {strides = array<i32>} : memref<8192xf32, #tpu.memory_space<vmem>>, vector<16xf32>,
        tpu.vector_store %arg16[%parallel_loop3A_205], %parallel_loop3A_200 {strides = array<i32>} : memref<8192xf32, #tpu.memory_space<vmem>>, vector<16xf32>,
        %parallel_loop3A_207 = arith.constant 16 : i32
        %parallel_loop3A_208 = arith.muli %parallel_loop3A_82, %parallel_loop3A_207 : i32
        %parallel_loop3A_209 = arith.constant 1 : i32
        %parallel_loop3A_210 = arith.addi %parallel_loop3A_208, %parallel_loop3A_209 : i32
        %parallel_loop3A_211 = vector.extract_strided_slice %parallel_loop3A_92 {offsets = [1], sizes = [1], strides = [1]} : vector<16xi32> to vector<1xi32>
        %parallel_loop3A_212 = vector.extract %parallel_loop3A_211[0] : i32 from vector<1xi32>
        %parallel_loop3A_213 = vector.extract_strided_slice %parallel_loop3A_97 {offsets = [1], sizes = [1], strides = [1]} : vector<16xi32> to vector<1xi32>
        %parallel_loop3A_214 = vector.extract %parallel_loop3A_213[0] : i32 from vector<1xi32>
        %parallel_loop3A_215 = vector.extract_strided_slice %parallel_loop3A_107 {offsets = [1], sizes = [1], strides = [1]} : vector<16xf32> to vector<1xf32>
        %parallel_loop3A_216 = vector.extract %parallel_loop3A_215[0] : f32 from vector<1xf32>
        %parallel_loop3A_217 = vector.broadcast %parallel_loop3A_210 : i32 to vector<16xi32>
        %parallel_loop3A_218 = arith.constant 0 : i32
        %parallel_loop3A_219 = arith.addi %parallel_loop3A_212, %parallel_loop3A_218 : i32
        %parallel_loop3A_220 = arith.index_cast %parallel_loop3A_219 : i32 to index
        %parallel_loop3A_221 = tpu.vector_load %arg9[%parallel_loop3A_220] {strides = array<i32>} : memref<43008xf32, #tpu.memory_space<vmem>>, vector<16xf32>,
        %parallel_loop3A_222 = arith.constant 0 : i32
        %parallel_loop3A_223 = arith.addi %parallel_loop3A_214, %parallel_loop3A_222 : i32
        %parallel_loop3A_224 = arith.index_cast %parallel_loop3A_223 : i32 to index
        %parallel_loop3A_225 = tpu.vector_load %arg10[%parallel_loop3A_224] {strides = array<i32>} : memref<6144xf32, #tpu.memory_space<vmem>>, vector<16xf32>,
        %parallel_loop3A_226 = arith.constant 0 : i32
        %parallel_loop3A_227 = vector.broadcast %parallel_loop3A_226 : i32 to vector<16xi32>
        %parallel_loop3A_228 = arith.addi %iota3A, %parallel_loop3A_227 : vector<16xi32>
        %parallel_loop3A_229 = tpu.vector_load_idx %arg14[%parallel_loop3A_217, %parallel_loop3A_228] : memref<128x128xf32, #tpu.memory_space<vmem>>[vector<16xi32>, vector<16xi32>], vector<16xf32>,
        %parallel_loop3A_230 = arith.addf %parallel_loop3A_221, %parallel_loop3A_225 : vector<16xf32>
        %parallel_loop3A_231 = vector.broadcast %parallel_loop3A_216 : f32 to vector<16xf32>
        %parallel_loop3A_232 = arith.mulf %parallel_loop3A_229, %parallel_loop3A_231 : vector<16xf32>
        %parallel_loop3A_233 = arith.addf %parallel_loop3A_230, %parallel_loop3A_232 : vector<16xf32>
        %parallel_loop3A_234 = arith.constant 64 : i32
        %parallel_loop3A_235 = arith.muli %parallel_loop3A_210, %parallel_loop3A_234 : i32
        %parallel_loop3A_236 = arith.constant 0 : i32
        %parallel_loop3A_237 = arith.addi %parallel_loop3A_235, %parallel_loop3A_236 : i32
        %parallel_loop3A_238 = arith.index_cast %parallel_loop3A_237 : i32 to index
        %parallel_loop3A_239 = tpu.vector_load %arg16[%parallel_loop3A_238] {strides = array<i32>} : memref<8192xf32, #tpu.memory_space<vmem>>, vector<16xf32>,
        tpu.vector_store %arg16[%parallel_loop3A_238], %parallel_loop3A_233 {strides = array<i32>} : memref<8192xf32, #tpu.memory_space<vmem>>, vector<16xf32>,
        %parallel_loop3A_240 = arith.constant 16 : i32
        %parallel_loop3A_241 = arith.addi %parallel_loop3A_212, %parallel_loop3A_240 : i32
        %parallel_loop3A_242 = arith.index_cast %parallel_loop3A_241 : i32 to index
        %parallel_loop3A_243 = tpu.vector_load %arg9[%parallel_loop3A_242] {strides = array<i32>} : memref<43008xf32, #tpu.memory_space<vmem>>, vector<16xf32>,
        %parallel_loop3A_244 = arith.constant 16 : i32
        %parallel_loop3A_245 = arith.addi %parallel_loop3A_214, %parallel_loop3A_244 : i32
        %parallel_loop3A_246 = arith.index_cast %parallel_loop3A_245 : i32 to index
        %parallel_loop3A_247 = tpu.vector_load %arg10[%parallel_loop3A_246] {strides = array<i32>} : memref<6144xf32, #tpu.memory_space<vmem>>, vector<16xf32>,
        %parallel_loop3A_248 = arith.constant 16 : i32
        %parallel_loop3A_249 = vector.broadcast %parallel_loop3A_248 : i32 to vector<16xi32>
        %parallel_loop3A_250 = arith.addi %iota3A, %parallel_loop3A_249 : vector<16xi32>
        %parallel_loop3A_251 = tpu.vector_load_idx %arg14[%parallel_loop3A_217, %parallel_loop3A_250] : memref<128x128xf32, #tpu.memory_space<vmem>>[vector<16xi32>, vector<16xi32>], vector<16xf32>,
        %parallel_loop3A_252 = arith.addf %parallel_loop3A_243, %parallel_loop3A_247 : vector<16xf32>
        %parallel_loop3A_253 = vector.broadcast %parallel_loop3A_216 : f32 to vector<16xf32>
        %parallel_loop3A_254 = arith.mulf %parallel_loop3A_251, %parallel_loop3A_253 : vector<16xf32>
        %parallel_loop3A_255 = arith.addf %parallel_loop3A_252, %parallel_loop3A_254 : vector<16xf32>
        %parallel_loop3A_256 = arith.constant 64 : i32
        %parallel_loop3A_257 = arith.muli %parallel_loop3A_210, %parallel_loop3A_256 : i32
        %parallel_loop3A_258 = arith.constant 16 : i32
        %parallel_loop3A_259 = arith.addi %parallel_loop3A_257, %parallel_loop3A_258 : i32
        %parallel_loop3A_260 = arith.index_cast %parallel_loop3A_259 : i32 to index
        %parallel_loop3A_261 = tpu.vector_load %arg16[%parallel_loop3A_260] {strides = array<i32>} : memref<8192xf32, #tpu.memory_space<vmem>>, vector<16xf32>,
        tpu.vector_store %arg16[%parallel_loop3A_260], %parallel_loop3A_255 {strides = array<i32>} : memref<8192xf32, #tpu.memory_space<vmem>>, vector<16xf32>,
        %parallel_loop3A_262 = arith.constant 32 : i32
        %parallel_loop3A_263 = arith.addi %parallel_loop3A_212, %parallel_loop3A_262 : i32
        %parallel_loop3A_264 = arith.index_cast %parallel_loop3A_263 : i32 to index
        %parallel_loop3A_265 = tpu.vector_load %arg9[%parallel_loop3A_264] {strides = array<i32>} : memref<43008xf32, #tpu.memory_space<vmem>>, vector<16xf32>,
        %parallel_loop3A_266 = arith.constant 32 : i32
        %parallel_loop3A_267 = arith.addi %parallel_loop3A_214, %parallel_loop3A_266 : i32
        %parallel_loop3A_268 = arith.index_cast %parallel_loop3A_267 : i32 to index
        %parallel_loop3A_269 = tpu.vector_load %arg10[%parallel_loop3A_268] {strides = array<i32>} : memref<6144xf32, #tpu.memory_space<vmem>>, vector<16xf32>,
        %parallel_loop3A_270 = arith.constant 32 : i32
        %parallel_loop3A_271 = vector.broadcast %parallel_loop3A_270 : i32 to vector<16xi32>
        %parallel_loop3A_272 = arith.addi %iota3A, %parallel_loop3A_271 : vector<16xi32>
        %parallel_loop3A_273 = tpu.vector_load_idx %arg14[%parallel_loop3A_217, %parallel_loop3A_272] : memref<128x128xf32, #tpu.memory_space<vmem>>[vector<16xi32>, vector<16xi32>], vector<16xf32>,
        %parallel_loop3A_274 = arith.addf %parallel_loop3A_265, %parallel_loop3A_269 : vector<16xf32>
        %parallel_loop3A_275 = vector.broadcast %parallel_loop3A_216 : f32 to vector<16xf32>
        %parallel_loop3A_276 = arith.mulf %parallel_loop3A_273, %parallel_loop3A_275 : vector<16xf32>
        %parallel_loop3A_277 = arith.addf %parallel_loop3A_274, %parallel_loop3A_276 : vector<16xf32>
        %parallel_loop3A_278 = arith.constant 64 : i32
        %parallel_loop3A_279 = arith.muli %parallel_loop3A_210, %parallel_loop3A_278 : i32
        %parallel_loop3A_280 = arith.constant 32 : i32
        %parallel_loop3A_281 = arith.addi %parallel_loop3A_279, %parallel_loop3A_280 : i32
        %parallel_loop3A_282 = arith.index_cast %parallel_loop3A_281 : i32 to index
        %parallel_loop3A_283 = tpu.vector_load %arg16[%parallel_loop3A_282] {strides = array<i32>} : memref<8192xf32, #tpu.memory_space<vmem>>, vector<16xf32>,
        tpu.vector_store %arg16[%parallel_loop3A_282], %parallel_loop3A_277 {strides = array<i32>} : memref<8192xf32, #tpu.memory_space<vmem>>, vector<16xf32>,
        %parallel_loop3A_284 = arith.constant 48 : i32
        %parallel_loop3A_285 = arith.addi %parallel_loop3A_212, %parallel_loop3A_284 : i32
        %parallel_loop3A_286 = arith.index_cast %parallel_loop3A_285 : i32 to index
        %parallel_loop3A_287 = tpu.vector_load %arg9[%parallel_loop3A_286] {strides = array<i32>} : memref<43008xf32, #tpu.memory_space<vmem>>, vector<16xf32>,
        %parallel_loop3A_288 = arith.constant 48 : i32
        %parallel_loop3A_289 = arith.addi %parallel_loop3A_214, %parallel_loop3A_288 : i32
        %parallel_loop3A_290 = arith.index_cast %parallel_loop3A_289 : i32 to index
        %parallel_loop3A_291 = tpu.vector_load %arg10[%parallel_loop3A_290] {strides = array<i32>} : memref<6144xf32, #tpu.memory_space<vmem>>, vector<16xf32>,
        %parallel_loop3A_292 = arith.constant 48 : i32
        %parallel_loop3A_293 = vector.broadcast %parallel_loop3A_292 : i32 to vector<16xi32>
        %parallel_loop3A_294 = arith.addi %iota3A, %parallel_loop3A_293 : vector<16xi32>
        %parallel_loop3A_295 = tpu.vector_load_idx %arg14[%parallel_loop3A_217, %parallel_loop3A_294] : memref<128x128xf32, #tpu.memory_space<vmem>>[vector<16xi32>, vector<16xi32>], vector<16xf32>,
        %parallel_loop3A_296 = arith.addf %parallel_loop3A_287, %parallel_loop3A_291 : vector<16xf32>
        %parallel_loop3A_297 = vector.broadcast %parallel_loop3A_216 : f32 to vector<16xf32>
        %parallel_loop3A_298 = arith.mulf %parallel_loop3A_295, %parallel_loop3A_297 : vector<16xf32>
        %parallel_loop3A_299 = arith.addf %parallel_loop3A_296, %parallel_loop3A_298 : vector<16xf32>
        %parallel_loop3A_300 = arith.constant 64 : i32
        %parallel_loop3A_301 = arith.muli %parallel_loop3A_210, %parallel_loop3A_300 : i32
        %parallel_loop3A_302 = arith.constant 48 : i32
        %parallel_loop3A_303 = arith.addi %parallel_loop3A_301, %parallel_loop3A_302 : i32
        %parallel_loop3A_304 = arith.index_cast %parallel_loop3A_303 : i32 to index
        %parallel_loop3A_305 = tpu.vector_load %arg16[%parallel_loop3A_304] {strides = array<i32>} : memref<8192xf32, #tpu.memory_space<vmem>>, vector<16xf32>,
        tpu.vector_store %arg16[%parallel_loop3A_304], %parallel_loop3A_299 {strides = array<i32>} : memref<8192xf32, #tpu.memory_space<vmem>>, vector<16xf32>,
        %parallel_loop3A_306 = arith.constant 16 : i32
        %parallel_loop3A_307 = arith.muli %parallel_loop3A_82, %parallel_loop3A_306 : i32
        %parallel_loop3A_308 = arith.constant 2 : i32
        %parallel_loop3A_309 = arith.addi %parallel_loop3A_307, %parallel_loop3A_308 : i32
        %parallel_loop3A_310 = vector.extract_strided_slice %parallel_loop3A_92 {offsets = [2], sizes = [1], strides = [1]} : vector<16xi32> to vector<1xi32>
        %parallel_loop3A_311 = vector.extract %parallel_loop3A_310[0] : i32 from vector<1xi32>
        %parallel_loop3A_312 = vector.extract_strided_slice %parallel_loop3A_97 {offsets = [2], sizes = [1], strides = [1]} : vector<16xi32> to vector<1xi32>
        %parallel_loop3A_313 = vector.extract %parallel_loop3A_312[0] : i32 from vector<1xi32>
        %parallel_loop3A_314 = vector.extract_strided_slice %parallel_loop3A_107 {offsets = [2], sizes = [1], strides = [1]} : vector<16xf32> to vector<1xf32>
        %parallel_loop3A_315 = vector.extract %parallel_loop3A_314[0] : f32 from vector<1xf32>
        %parallel_loop3A_316 = vector.broadcast %parallel_loop3A_309 : i32 to vector<16xi32>
        %parallel_loop3A_317 = arith.constant 0 : i32
        %parallel_loop3A_318 = arith.addi %parallel_loop3A_311, %parallel_loop3A_317 : i32
        %parallel_loop3A_319 = arith.index_cast %parallel_loop3A_318 : i32 to index
        %parallel_loop3A_320 = tpu.vector_load %arg9[%parallel_loop3A_319] {strides = array<i32>} : memref<43008xf32, #tpu.memory_space<vmem>>, vector<16xf32>,
        %parallel_loop3A_321 = arith.constant 0 : i32
        %parallel_loop3A_322 = arith.addi %parallel_loop3A_313, %parallel_loop3A_321 : i32
        %parallel_loop3A_323 = arith.index_cast %parallel_loop3A_322 : i32 to index
        %parallel_loop3A_324 = tpu.vector_load %arg10[%parallel_loop3A_323] {strides = array<i32>} : memref<6144xf32, #tpu.memory_space<vmem>>, vector<16xf32>,
        %parallel_loop3A_325 = arith.constant 0 : i32
        %parallel_loop3A_326 = vector.broadcast %parallel_loop3A_325 : i32 to vector<16xi32>
        %parallel_loop3A_327 = arith.addi %iota3A, %parallel_loop3A_326 : vector<16xi32>
        %parallel_loop3A_328 = tpu.vector_load_idx %arg14[%parallel_loop3A_316, %parallel_loop3A_327] : memref<128x128xf32, #tpu.memory_space<vmem>>[vector<16xi32>, vector<16xi32>], vector<16xf32>,
        %parallel_loop3A_329 = arith.addf %parallel_loop3A_320, %parallel_loop3A_324 : vector<16xf32>
        %parallel_loop3A_330 = vector.broadcast %parallel_loop3A_315 : f32 to vector<16xf32>
        %parallel_loop3A_331 = arith.mulf %parallel_loop3A_328, %parallel_loop3A_330 : vector<16xf32>
        %parallel_loop3A_332 = arith.addf %parallel_loop3A_329, %parallel_loop3A_331 : vector<16xf32>
        %parallel_loop3A_333 = arith.constant 64 : i32
        %parallel_loop3A_334 = arith.muli %parallel_loop3A_309, %parallel_loop3A_333 : i32
        %parallel_loop3A_335 = arith.constant 0 : i32
        %parallel_loop3A_336 = arith.addi %parallel_loop3A_334, %parallel_loop3A_335 : i32
        %parallel_loop3A_337 = arith.index_cast %parallel_loop3A_336 : i32 to index
        %parallel_loop3A_338 = tpu.vector_load %arg16[%parallel_loop3A_337] {strides = array<i32>} : memref<8192xf32, #tpu.memory_space<vmem>>, vector<16xf32>,
        tpu.vector_store %arg16[%parallel_loop3A_337], %parallel_loop3A_332 {strides = array<i32>} : memref<8192xf32, #tpu.memory_space<vmem>>, vector<16xf32>,
        %parallel_loop3A_339 = arith.constant 16 : i32
        %parallel_loop3A_340 = arith.addi %parallel_loop3A_311, %parallel_loop3A_339 : i32
        %parallel_loop3A_341 = arith.index_cast %parallel_loop3A_340 : i32 to index
        %parallel_loop3A_342 = tpu.vector_load %arg9[%parallel_loop3A_341] {strides = array<i32>} : memref<43008xf32, #tpu.memory_space<vmem>>, vector<16xf32>,
        %parallel_loop3A_343 = arith.constant 16 : i32
        %parallel_loop3A_344 = arith.addi %parallel_loop3A_313, %parallel_loop3A_343 : i32
        %parallel_loop3A_345 = arith.index_cast %parallel_loop3A_344 : i32 to index
        %parallel_loop3A_346 = tpu.vector_load %arg10[%parallel_loop3A_345] {strides = array<i32>} : memref<6144xf32, #tpu.memory_space<vmem>>, vector<16xf32>,
        %parallel_loop3A_347 = arith.constant 16 : i32
        %parallel_loop3A_348 = vector.broadcast %parallel_loop3A_347 : i32 to vector<16xi32>
        %parallel_loop3A_349 = arith.addi %iota3A, %parallel_loop3A_348 : vector<16xi32>
        %parallel_loop3A_350 = tpu.vector_load_idx %arg14[%parallel_loop3A_316, %parallel_loop3A_349] : memref<128x128xf32, #tpu.memory_space<vmem>>[vector<16xi32>, vector<16xi32>], vector<16xf32>,
        %parallel_loop3A_351 = arith.addf %parallel_loop3A_342, %parallel_loop3A_346 : vector<16xf32>
        %parallel_loop3A_352 = vector.broadcast %parallel_loop3A_315 : f32 to vector<16xf32>
        %parallel_loop3A_353 = arith.mulf %parallel_loop3A_350, %parallel_loop3A_352 : vector<16xf32>
        %parallel_loop3A_354 = arith.addf %parallel_loop3A_351, %parallel_loop3A_353 : vector<16xf32>
        %parallel_loop3A_355 = arith.constant 64 : i32
        %parallel_loop3A_356 = arith.muli %parallel_loop3A_309, %parallel_loop3A_355 : i32
        %parallel_loop3A_357 = arith.constant 16 : i32
        %parallel_loop3A_358 = arith.addi %parallel_loop3A_356, %parallel_loop3A_357 : i32
        %parallel_loop3A_359 = arith.index_cast %parallel_loop3A_358 : i32 to index
        %parallel_loop3A_360 = tpu.vector_load %arg16[%parallel_loop3A_359] {strides = array<i32>} : memref<8192xf32, #tpu.memory_space<vmem>>, vector<16xf32>,
        tpu.vector_store %arg16[%parallel_loop3A_359], %parallel_loop3A_354 {strides = array<i32>} : memref<8192xf32, #tpu.memory_space<vmem>>, vector<16xf32>,
        %parallel_loop3A_361 = arith.constant 32 : i32
        %parallel_loop3A_362 = arith.addi %parallel_loop3A_311, %parallel_loop3A_361 : i32
        %parallel_loop3A_363 = arith.index_cast %parallel_loop3A_362 : i32 to index
        %parallel_loop3A_364 = tpu.vector_load %arg9[%parallel_loop3A_363] {strides = array<i32>} : memref<43008xf32, #tpu.memory_space<vmem>>, vector<16xf32>,
        %parallel_loop3A_365 = arith.constant 32 : i32
        %parallel_loop3A_366 = arith.addi %parallel_loop3A_313, %parallel_loop3A_365 : i32
        %parallel_loop3A_367 = arith.index_cast %parallel_loop3A_366 : i32 to index
        %parallel_loop3A_368 = tpu.vector_load %arg10[%parallel_loop3A_367] {strides = array<i32>} : memref<6144xf32, #tpu.memory_space<vmem>>, vector<16xf32>,
        %parallel_loop3A_369 = arith.constant 32 : i32
        %parallel_loop3A_370 = vector.broadcast %parallel_loop3A_369 : i32 to vector<16xi32>
        %parallel_loop3A_371 = arith.addi %iota3A, %parallel_loop3A_370 : vector<16xi32>
        %parallel_loop3A_372 = tpu.vector_load_idx %arg14[%parallel_loop3A_316, %parallel_loop3A_371] : memref<128x128xf32, #tpu.memory_space<vmem>>[vector<16xi32>, vector<16xi32>], vector<16xf32>,
        %parallel_loop3A_373 = arith.addf %parallel_loop3A_364, %parallel_loop3A_368 : vector<16xf32>
        %parallel_loop3A_374 = vector.broadcast %parallel_loop3A_315 : f32 to vector<16xf32>
        %parallel_loop3A_375 = arith.mulf %parallel_loop3A_372, %parallel_loop3A_374 : vector<16xf32>
        %parallel_loop3A_376 = arith.addf %parallel_loop3A_373, %parallel_loop3A_375 : vector<16xf32>
        %parallel_loop3A_377 = arith.constant 64 : i32
        %parallel_loop3A_378 = arith.muli %parallel_loop3A_309, %parallel_loop3A_377 : i32
        %parallel_loop3A_379 = arith.constant 32 : i32
        %parallel_loop3A_380 = arith.addi %parallel_loop3A_378, %parallel_loop3A_379 : i32
        %parallel_loop3A_381 = arith.index_cast %parallel_loop3A_380 : i32 to index
        %parallel_loop3A_382 = tpu.vector_load %arg16[%parallel_loop3A_381] {strides = array<i32>} : memref<8192xf32, #tpu.memory_space<vmem>>, vector<16xf32>,
        tpu.vector_store %arg16[%parallel_loop3A_381], %parallel_loop3A_376 {strides = array<i32>} : memref<8192xf32, #tpu.memory_space<vmem>>, vector<16xf32>,
        %parallel_loop3A_383 = arith.constant 48 : i32
        %parallel_loop3A_384 = arith.addi %parallel_loop3A_311, %parallel_loop3A_383 : i32
        %parallel_loop3A_385 = arith.index_cast %parallel_loop3A_384 : i32 to index
        %parallel_loop3A_386 = tpu.vector_load %arg9[%parallel_loop3A_385] {strides = array<i32>} : memref<43008xf32, #tpu.memory_space<vmem>>, vector<16xf32>,
        %parallel_loop3A_387 = arith.constant 48 : i32
        %parallel_loop3A_388 = arith.addi %parallel_loop3A_313, %parallel_loop3A_387 : i32
        %parallel_loop3A_389 = arith.index_cast %parallel_loop3A_388 : i32 to index
        %parallel_loop3A_390 = tpu.vector_load %arg10[%parallel_loop3A_389] {strides = array<i32>} : memref<6144xf32, #tpu.memory_space<vmem>>, vector<16xf32>,
        %parallel_loop3A_391 = arith.constant 48 : i32
        %parallel_loop3A_392 = vector.broadcast %parallel_loop3A_391 : i32 to vector<16xi32>
        %parallel_loop3A_393 = arith.addi %iota3A, %parallel_loop3A_392 : vector<16xi32>
        %parallel_loop3A_394 = tpu.vector_load_idx %arg14[%parallel_loop3A_316, %parallel_loop3A_393] : memref<128x128xf32, #tpu.memory_space<vmem>>[vector<16xi32>, vector<16xi32>], vector<16xf32>,
        %parallel_loop3A_395 = arith.addf %parallel_loop3A_386, %parallel_loop3A_390 : vector<16xf32>
        %parallel_loop3A_396 = vector.broadcast %parallel_loop3A_315 : f32 to vector<16xf32>
        %parallel_loop3A_397 = arith.mulf %parallel_loop3A_394, %parallel_loop3A_396 : vector<16xf32>
        %parallel_loop3A_398 = arith.addf %parallel_loop3A_395, %parallel_loop3A_397 : vector<16xf32>
        %parallel_loop3A_399 = arith.constant 64 : i32
        %parallel_loop3A_400 = arith.muli %parallel_loop3A_309, %parallel_loop3A_399 : i32
        %parallel_loop3A_401 = arith.constant 48 : i32
        %parallel_loop3A_402 = arith.addi %parallel_loop3A_400, %parallel_loop3A_401 : i32
        %parallel_loop3A_403 = arith.index_cast %parallel_loop3A_402 : i32 to index
        %parallel_loop3A_404 = tpu.vector_load %arg16[%parallel_loop3A_403] {strides = array<i32>} : memref<8192xf32, #tpu.memory_space<vmem>>, vector<16xf32>,
        tpu.vector_store %arg16[%parallel_loop3A_403], %parallel_loop3A_398 {strides = array<i32>} : memref<8192xf32, #tpu.memory_space<vmem>>, vector<16xf32>,
        %parallel_loop3A_405 = arith.constant 16 : i32
        %parallel_loop3A_406 = arith.muli %parallel_loop3A_82, %parallel_loop3A_405 : i32
        %parallel_loop3A_407 = arith.constant 3 : i32
        %parallel_loop3A_408 = arith.addi %parallel_loop3A_406, %parallel_loop3A_407 : i32
        %parallel_loop3A_409 = vector.extract_strided_slice %parallel_loop3A_92 {offsets = [3], sizes = [1], strides = [1]} : vector<16xi32> to vector<1xi32>
        %parallel_loop3A_410 = vector.extract %parallel_loop3A_409[0] : i32 from vector<1xi32>
        %parallel_loop3A_411 = vector.extract_strided_slice %parallel_loop3A_97 {offsets = [3], sizes = [1], strides = [1]} : vector<16xi32> to vector<1xi32>
        %parallel_loop3A_412 = vector.extract %parallel_loop3A_411[0] : i32 from vector<1xi32>
        %parallel_loop3A_413 = vector.extract_strided_slice %parallel_loop3A_107 {offsets = [3], sizes = [1], strides = [1]} : vector<16xf32> to vector<1xf32>
        %parallel_loop3A_414 = vector.extract %parallel_loop3A_413[0] : f32 from vector<1xf32>
        %parallel_loop3A_415 = vector.broadcast %parallel_loop3A_408 : i32 to vector<16xi32>
        %parallel_loop3A_416 = arith.constant 0 : i32
        %parallel_loop3A_417 = arith.addi %parallel_loop3A_410, %parallel_loop3A_416 : i32
        %parallel_loop3A_418 = arith.index_cast %parallel_loop3A_417 : i32 to index
        %parallel_loop3A_419 = tpu.vector_load %arg9[%parallel_loop3A_418] {strides = array<i32>} : memref<43008xf32, #tpu.memory_space<vmem>>, vector<16xf32>,
        %parallel_loop3A_420 = arith.constant 0 : i32
        %parallel_loop3A_421 = arith.addi %parallel_loop3A_412, %parallel_loop3A_420 : i32
        %parallel_loop3A_422 = arith.index_cast %parallel_loop3A_421 : i32 to index
        %parallel_loop3A_423 = tpu.vector_load %arg10[%parallel_loop3A_422] {strides = array<i32>} : memref<6144xf32, #tpu.memory_space<vmem>>, vector<16xf32>,
        %parallel_loop3A_424 = arith.constant 0 : i32
        %parallel_loop3A_425 = vector.broadcast %parallel_loop3A_424 : i32 to vector<16xi32>
        %parallel_loop3A_426 = arith.addi %iota3A, %parallel_loop3A_425 : vector<16xi32>
        %parallel_loop3A_427 = tpu.vector_load_idx %arg14[%parallel_loop3A_415, %parallel_loop3A_426] : memref<128x128xf32, #tpu.memory_space<vmem>>[vector<16xi32>, vector<16xi32>], vector<16xf32>,
        %parallel_loop3A_428 = arith.addf %parallel_loop3A_419, %parallel_loop3A_423 : vector<16xf32>
        %parallel_loop3A_429 = vector.broadcast %parallel_loop3A_414 : f32 to vector<16xf32>
        %parallel_loop3A_430 = arith.mulf %parallel_loop3A_427, %parallel_loop3A_429 : vector<16xf32>
        %parallel_loop3A_431 = arith.addf %parallel_loop3A_428, %parallel_loop3A_430 : vector<16xf32>
        %parallel_loop3A_432 = arith.constant 64 : i32
        %parallel_loop3A_433 = arith.muli %parallel_loop3A_408, %parallel_loop3A_432 : i32
        %parallel_loop3A_434 = arith.constant 0 : i32
        %parallel_loop3A_435 = arith.addi %parallel_loop3A_433, %parallel_loop3A_434 : i32
        %parallel_loop3A_436 = arith.index_cast %parallel_loop3A_435 : i32 to index
        %parallel_loop3A_437 = tpu.vector_load %arg16[%parallel_loop3A_436] {strides = array<i32>} : memref<8192xf32, #tpu.memory_space<vmem>>, vector<16xf32>,
        tpu.vector_store %arg16[%parallel_loop3A_436], %parallel_loop3A_431 {strides = array<i32>} : memref<8192xf32, #tpu.memory_space<vmem>>, vector<16xf32>,
        %parallel_loop3A_438 = arith.constant 16 : i32
        %parallel_loop3A_439 = arith.addi %parallel_loop3A_410, %parallel_loop3A_438 : i32
        %parallel_loop3A_440 = arith.index_cast %parallel_loop3A_439 : i32 to index
        %parallel_loop3A_441 = tpu.vector_load %arg9[%parallel_loop3A_440] {strides = array<i32>} : memref<43008xf32, #tpu.memory_space<vmem>>, vector<16xf32>,
        %parallel_loop3A_442 = arith.constant 16 : i32
        %parallel_loop3A_443 = arith.addi %parallel_loop3A_412, %parallel_loop3A_442 : i32
        %parallel_loop3A_444 = arith.index_cast %parallel_loop3A_443 : i32 to index
        %parallel_loop3A_445 = tpu.vector_load %arg10[%parallel_loop3A_444] {strides = array<i32>} : memref<6144xf32, #tpu.memory_space<vmem>>, vector<16xf32>,
        %parallel_loop3A_446 = arith.constant 16 : i32
        %parallel_loop3A_447 = vector.broadcast %parallel_loop3A_446 : i32 to vector<16xi32>
        %parallel_loop3A_448 = arith.addi %iota3A, %parallel_loop3A_447 : vector<16xi32>
        %parallel_loop3A_449 = tpu.vector_load_idx %arg14[%parallel_loop3A_415, %parallel_loop3A_448] : memref<128x128xf32, #tpu.memory_space<vmem>>[vector<16xi32>, vector<16xi32>], vector<16xf32>,
        %parallel_loop3A_450 = arith.addf %parallel_loop3A_441, %parallel_loop3A_445 : vector<16xf32>
        %parallel_loop3A_451 = vector.broadcast %parallel_loop3A_414 : f32 to vector<16xf32>
        %parallel_loop3A_452 = arith.mulf %parallel_loop3A_449, %parallel_loop3A_451 : vector<16xf32>
        %parallel_loop3A_453 = arith.addf %parallel_loop3A_450, %parallel_loop3A_452 : vector<16xf32>
        %parallel_loop3A_454 = arith.constant 64 : i32
        %parallel_loop3A_455 = arith.muli %parallel_loop3A_408, %parallel_loop3A_454 : i32
        %parallel_loop3A_456 = arith.constant 16 : i32
        %parallel_loop3A_457 = arith.addi %parallel_loop3A_455, %parallel_loop3A_456 : i32
        %parallel_loop3A_458 = arith.index_cast %parallel_loop3A_457 : i32 to index
        %parallel_loop3A_459 = tpu.vector_load %arg16[%parallel_loop3A_458] {strides = array<i32>} : memref<8192xf32, #tpu.memory_space<vmem>>, vector<16xf32>,
        tpu.vector_store %arg16[%parallel_loop3A_458], %parallel_loop3A_453 {strides = array<i32>} : memref<8192xf32, #tpu.memory_space<vmem>>, vector<16xf32>,
        %parallel_loop3A_460 = arith.constant 32 : i32
        %parallel_loop3A_461 = arith.addi %parallel_loop3A_410, %parallel_loop3A_460 : i32
        %parallel_loop3A_462 = arith.index_cast %parallel_loop3A_461 : i32 to index
        %parallel_loop3A_463 = tpu.vector_load %arg9[%parallel_loop3A_462] {strides = array<i32>} : memref<43008xf32, #tpu.memory_space<vmem>>, vector<16xf32>,
        %parallel_loop3A_464 = arith.constant 32 : i32
        %parallel_loop3A_465 = arith.addi %parallel_loop3A_412, %parallel_loop3A_464 : i32
        %parallel_loop3A_466 = arith.index_cast %parallel_loop3A_465 : i32 to index
        %parallel_loop3A_467 = tpu.vector_load %arg10[%parallel_loop3A_466] {strides = array<i32>} : memref<6144xf32, #tpu.memory_space<vmem>>, vector<16xf32>,
        %parallel_loop3A_468 = arith.constant 32 : i32
        %parallel_loop3A_469 = vector.broadcast %parallel_loop3A_468 : i32 to vector<16xi32>
        %parallel_loop3A_470 = arith.addi %iota3A, %parallel_loop3A_469 : vector<16xi32>
        %parallel_loop3A_471 = tpu.vector_load_idx %arg14[%parallel_loop3A_415, %parallel_loop3A_470] : memref<128x128xf32, #tpu.memory_space<vmem>>[vector<16xi32>, vector<16xi32>], vector<16xf32>,
        %parallel_loop3A_472 = arith.addf %parallel_loop3A_463, %parallel_loop3A_467 : vector<16xf32>
        %parallel_loop3A_473 = vector.broadcast %parallel_loop3A_414 : f32 to vector<16xf32>
        %parallel_loop3A_474 = arith.mulf %parallel_loop3A_471, %parallel_loop3A_473 : vector<16xf32>
        %parallel_loop3A_475 = arith.addf %parallel_loop3A_472, %parallel_loop3A_474 : vector<16xf32>
        %parallel_loop3A_476 = arith.constant 64 : i32
        %parallel_loop3A_477 = arith.muli %parallel_loop3A_408, %parallel_loop3A_476 : i32
        %parallel_loop3A_478 = arith.constant 32 : i32
        %parallel_loop3A_479 = arith.addi %parallel_loop3A_477, %parallel_loop3A_478 : i32
        %parallel_loop3A_480 = arith.index_cast %parallel_loop3A_479 : i32 to index
        %parallel_loop3A_481 = tpu.vector_load %arg16[%parallel_loop3A_480] {strides = array<i32>} : memref<8192xf32, #tpu.memory_space<vmem>>, vector<16xf32>,
        tpu.vector_store %arg16[%parallel_loop3A_480], %parallel_loop3A_475 {strides = array<i32>} : memref<8192xf32, #tpu.memory_space<vmem>>, vector<16xf32>,
        %parallel_loop3A_482 = arith.constant 48 : i32
        %parallel_loop3A_483 = arith.addi %parallel_loop3A_410, %parallel_loop3A_482 : i32
        %parallel_loop3A_484 = arith.index_cast %parallel_loop3A_483 : i32 to index
        %parallel_loop3A_485 = tpu.vector_load %arg9[%parallel_loop3A_484] {strides = array<i32>} : memref<43008xf32, #tpu.memory_space<vmem>>, vector<16xf32>,
        %parallel_loop3A_486 = arith.constant 48 : i32
        %parallel_loop3A_487 = arith.addi %parallel_loop3A_412, %parallel_loop3A_486 : i32
        %parallel_loop3A_488 = arith.index_cast %parallel_loop3A_487 : i32 to index
        %parallel_loop3A_489 = tpu.vector_load %arg10[%parallel_loop3A_488] {strides = array<i32>} : memref<6144xf32, #tpu.memory_space<vmem>>, vector<16xf32>,
        %parallel_loop3A_490 = arith.constant 48 : i32
        %parallel_loop3A_491 = vector.broadcast %parallel_loop3A_490 : i32 to vector<16xi32>
        %parallel_loop3A_492 = arith.addi %iota3A, %parallel_loop3A_491 : vector<16xi32>
        %parallel_loop3A_493 = tpu.vector_load_idx %arg14[%parallel_loop3A_415, %parallel_loop3A_492] : memref<128x128xf32, #tpu.memory_space<vmem>>[vector<16xi32>, vector<16xi32>], vector<16xf32>,
        %parallel_loop3A_494 = arith.addf %parallel_loop3A_485, %parallel_loop3A_489 : vector<16xf32>
        %parallel_loop3A_495 = vector.broadcast %parallel_loop3A_414 : f32 to vector<16xf32>
        %parallel_loop3A_496 = arith.mulf %parallel_loop3A_493, %parallel_loop3A_495 : vector<16xf32>
        %parallel_loop3A_497 = arith.addf %parallel_loop3A_494, %parallel_loop3A_496 : vector<16xf32>
        %parallel_loop3A_498 = arith.constant 64 : i32
        %parallel_loop3A_499 = arith.muli %parallel_loop3A_408, %parallel_loop3A_498 : i32
        %parallel_loop3A_500 = arith.constant 48 : i32
        %parallel_loop3A_501 = arith.addi %parallel_loop3A_499, %parallel_loop3A_500 : i32
        %parallel_loop3A_502 = arith.index_cast %parallel_loop3A_501 : i32 to index
        %parallel_loop3A_503 = tpu.vector_load %arg16[%parallel_loop3A_502] {strides = array<i32>} : memref<8192xf32, #tpu.memory_space<vmem>>, vector<16xf32>,
        tpu.vector_store %arg16[%parallel_loop3A_502], %parallel_loop3A_497 {strides = array<i32>} : memref<8192xf32, #tpu.memory_space<vmem>>, vector<16xf32>,
        %parallel_loop3A_504 = arith.constant 16 : i32
        %parallel_loop3A_505 = arith.muli %parallel_loop3A_82, %parallel_loop3A_504 : i32
        %parallel_loop3A_506 = arith.constant 4 : i32
        %parallel_loop3A_507 = arith.addi %parallel_loop3A_505, %parallel_loop3A_506 : i32
        %parallel_loop3A_508 = vector.extract_strided_slice %parallel_loop3A_92 {offsets = [4], sizes = [1], strides = [1]} : vector<16xi32> to vector<1xi32>
        %parallel_loop3A_509 = vector.extract %parallel_loop3A_508[0] : i32 from vector<1xi32>
        %parallel_loop3A_510 = vector.extract_strided_slice %parallel_loop3A_97 {offsets = [4], sizes = [1], strides = [1]} : vector<16xi32> to vector<1xi32>
        %parallel_loop3A_511 = vector.extract %parallel_loop3A_510[0] : i32 from vector<1xi32>
        %parallel_loop3A_512 = vector.extract_strided_slice %parallel_loop3A_107 {offsets = [4], sizes = [1], strides = [1]} : vector<16xf32> to vector<1xf32>
        %parallel_loop3A_513 = vector.extract %parallel_loop3A_512[0] : f32 from vector<1xf32>
        %parallel_loop3A_514 = vector.broadcast %parallel_loop3A_507 : i32 to vector<16xi32>
        %parallel_loop3A_515 = arith.constant 0 : i32
        %parallel_loop3A_516 = arith.addi %parallel_loop3A_509, %parallel_loop3A_515 : i32
        %parallel_loop3A_517 = arith.index_cast %parallel_loop3A_516 : i32 to index
        %parallel_loop3A_518 = tpu.vector_load %arg9[%parallel_loop3A_517] {strides = array<i32>} : memref<43008xf32, #tpu.memory_space<vmem>>, vector<16xf32>,
        %parallel_loop3A_519 = arith.constant 0 : i32
        %parallel_loop3A_520 = arith.addi %parallel_loop3A_511, %parallel_loop3A_519 : i32
        %parallel_loop3A_521 = arith.index_cast %parallel_loop3A_520 : i32 to index
        %parallel_loop3A_522 = tpu.vector_load %arg10[%parallel_loop3A_521] {strides = array<i32>} : memref<6144xf32, #tpu.memory_space<vmem>>, vector<16xf32>,
        %parallel_loop3A_523 = arith.constant 0 : i32
        %parallel_loop3A_524 = vector.broadcast %parallel_loop3A_523 : i32 to vector<16xi32>
        %parallel_loop3A_525 = arith.addi %iota3A, %parallel_loop3A_524 : vector<16xi32>
        %parallel_loop3A_526 = tpu.vector_load_idx %arg14[%parallel_loop3A_514, %parallel_loop3A_525] : memref<128x128xf32, #tpu.memory_space<vmem>>[vector<16xi32>, vector<16xi32>], vector<16xf32>,
        %parallel_loop3A_527 = arith.addf %parallel_loop3A_518, %parallel_loop3A_522 : vector<16xf32>
        %parallel_loop3A_528 = vector.broadcast %parallel_loop3A_513 : f32 to vector<16xf32>
        %parallel_loop3A_529 = arith.mulf %parallel_loop3A_526, %parallel_loop3A_528 : vector<16xf32>
        %parallel_loop3A_530 = arith.addf %parallel_loop3A_527, %parallel_loop3A_529 : vector<16xf32>
        %parallel_loop3A_531 = arith.constant 64 : i32
        %parallel_loop3A_532 = arith.muli %parallel_loop3A_507, %parallel_loop3A_531 : i32
        %parallel_loop3A_533 = arith.constant 0 : i32
        %parallel_loop3A_534 = arith.addi %parallel_loop3A_532, %parallel_loop3A_533 : i32
        %parallel_loop3A_535 = arith.index_cast %parallel_loop3A_534 : i32 to index
        %parallel_loop3A_536 = tpu.vector_load %arg16[%parallel_loop3A_535] {strides = array<i32>} : memref<8192xf32, #tpu.memory_space<vmem>>, vector<16xf32>,
        tpu.vector_store %arg16[%parallel_loop3A_535], %parallel_loop3A_530 {strides = array<i32>} : memref<8192xf32, #tpu.memory_space<vmem>>, vector<16xf32>,
        %parallel_loop3A_537 = arith.constant 16 : i32
        %parallel_loop3A_538 = arith.addi %parallel_loop3A_509, %parallel_loop3A_537 : i32
        %parallel_loop3A_539 = arith.index_cast %parallel_loop3A_538 : i32 to index
        %parallel_loop3A_540 = tpu.vector_load %arg9[%parallel_loop3A_539] {strides = array<i32>} : memref<43008xf32, #tpu.memory_space<vmem>>, vector<16xf32>,
        %parallel_loop3A_541 = arith.constant 16 : i32
        %parallel_loop3A_542 = arith.addi %parallel_loop3A_511, %parallel_loop3A_541 : i32
        %parallel_loop3A_543 = arith.index_cast %parallel_loop3A_542 : i32 to index
        %parallel_loop3A_544 = tpu.vector_load %arg10[%parallel_loop3A_543] {strides = array<i32>} : memref<6144xf32, #tpu.memory_space<vmem>>, vector<16xf32>,
        %parallel_loop3A_545 = arith.constant 16 : i32
        %parallel_loop3A_546 = vector.broadcast %parallel_loop3A_545 : i32 to vector<16xi32>
        %parallel_loop3A_547 = arith.addi %iota3A, %parallel_loop3A_546 : vector<16xi32>
        %parallel_loop3A_548 = tpu.vector_load_idx %arg14[%parallel_loop3A_514, %parallel_loop3A_547] : memref<128x128xf32, #tpu.memory_space<vmem>>[vector<16xi32>, vector<16xi32>], vector<16xf32>,
        %parallel_loop3A_549 = arith.addf %parallel_loop3A_540, %parallel_loop3A_544 : vector<16xf32>
        %parallel_loop3A_550 = vector.broadcast %parallel_loop3A_513 : f32 to vector<16xf32>
        %parallel_loop3A_551 = arith.mulf %parallel_loop3A_548, %parallel_loop3A_550 : vector<16xf32>
        %parallel_loop3A_552 = arith.addf %parallel_loop3A_549, %parallel_loop3A_551 : vector<16xf32>
        %parallel_loop3A_553 = arith.constant 64 : i32
        %parallel_loop3A_554 = arith.muli %parallel_loop3A_507, %parallel_loop3A_553 : i32
        %parallel_loop3A_555 = arith.constant 16 : i32
        %parallel_loop3A_556 = arith.addi %parallel_loop3A_554, %parallel_loop3A_555 : i32
        %parallel_loop3A_557 = arith.index_cast %parallel_loop3A_556 : i32 to index
        %parallel_loop3A_558 = tpu.vector_load %arg16[%parallel_loop3A_557] {strides = array<i32>} : memref<8192xf32, #tpu.memory_space<vmem>>, vector<16xf32>,
        tpu.vector_store %arg16[%parallel_loop3A_557], %parallel_loop3A_552 {strides = array<i32>} : memref<8192xf32, #tpu.memory_space<vmem>>, vector<16xf32>,
        %parallel_loop3A_559 = arith.constant 32 : i32
        %parallel_loop3A_560 = arith.addi %parallel_loop3A_509, %parallel_loop3A_559 : i32
        %parallel_loop3A_561 = arith.index_cast %parallel_loop3A_560 : i32 to index
        %parallel_loop3A_562 = tpu.vector_load %arg9[%parallel_loop3A_561] {strides = array<i32>} : memref<43008xf32, #tpu.memory_space<vmem>>, vector<16xf32>,
        %parallel_loop3A_563 = arith.constant 32 : i32
        %parallel_loop3A_564 = arith.addi %parallel_loop3A_511, %parallel_loop3A_563 : i32
        %parallel_loop3A_565 = arith.index_cast %parallel_loop3A_564 : i32 to index
        %parallel_loop3A_566 = tpu.vector_load %arg10[%parallel_loop3A_565] {strides = array<i32>} : memref<6144xf32, #tpu.memory_space<vmem>>, vector<16xf32>,
        %parallel_loop3A_567 = arith.constant 32 : i32
        %parallel_loop3A_568 = vector.broadcast %parallel_loop3A_567 : i32 to vector<16xi32>
        %parallel_loop3A_569 = arith.addi %iota3A, %parallel_loop3A_568 : vector<16xi32>
        %parallel_loop3A_570 = tpu.vector_load_idx %arg14[%parallel_loop3A_514, %parallel_loop3A_569] : memref<128x128xf32, #tpu.memory_space<vmem>>[vector<16xi32>, vector<16xi32>], vector<16xf32>,
        %parallel_loop3A_571 = arith.addf %parallel_loop3A_562, %parallel_loop3A_566 : vector<16xf32>
        %parallel_loop3A_572 = vector.broadcast %parallel_loop3A_513 : f32 to vector<16xf32>
        %parallel_loop3A_573 = arith.mulf %parallel_loop3A_570, %parallel_loop3A_572 : vector<16xf32>
        %parallel_loop3A_574 = arith.addf %parallel_loop3A_571, %parallel_loop3A_573 : vector<16xf32>
        %parallel_loop3A_575 = arith.constant 64 : i32
        %parallel_loop3A_576 = arith.muli %parallel_loop3A_507, %parallel_loop3A_575 : i32
        %parallel_loop3A_577 = arith.constant 32 : i32
        %parallel_loop3A_578 = arith.addi %parallel_loop3A_576, %parallel_loop3A_577 : i32
        %parallel_loop3A_579 = arith.index_cast %parallel_loop3A_578 : i32 to index
        %parallel_loop3A_580 = tpu.vector_load %arg16[%parallel_loop3A_579] {strides = array<i32>} : memref<8192xf32, #tpu.memory_space<vmem>>, vector<16xf32>,
        tpu.vector_store %arg16[%parallel_loop3A_579], %parallel_loop3A_574 {strides = array<i32>} : memref<8192xf32, #tpu.memory_space<vmem>>, vector<16xf32>,
        %parallel_loop3A_581 = arith.constant 48 : i32
        %parallel_loop3A_582 = arith.addi %parallel_loop3A_509, %parallel_loop3A_581 : i32
        %parallel_loop3A_583 = arith.index_cast %parallel_loop3A_582 : i32 to index
        %parallel_loop3A_584 = tpu.vector_load %arg9[%parallel_loop3A_583] {strides = array<i32>} : memref<43008xf32, #tpu.memory_space<vmem>>, vector<16xf32>,
        %parallel_loop3A_585 = arith.constant 48 : i32
        %parallel_loop3A_586 = arith.addi %parallel_loop3A_511, %parallel_loop3A_585 : i32
        %parallel_loop3A_587 = arith.index_cast %parallel_loop3A_586 : i32 to index
        %parallel_loop3A_588 = tpu.vector_load %arg10[%parallel_loop3A_587] {strides = array<i32>} : memref<6144xf32, #tpu.memory_space<vmem>>, vector<16xf32>,
        %parallel_loop3A_589 = arith.constant 48 : i32
        %parallel_loop3A_590 = vector.broadcast %parallel_loop3A_589 : i32 to vector<16xi32>
        %parallel_loop3A_591 = arith.addi %iota3A, %parallel_loop3A_590 : vector<16xi32>
        %parallel_loop3A_592 = tpu.vector_load_idx %arg14[%parallel_loop3A_514, %parallel_loop3A_591] : memref<128x128xf32, #tpu.memory_space<vmem>>[vector<16xi32>, vector<16xi32>], vector<16xf32>,
        %parallel_loop3A_593 = arith.addf %parallel_loop3A_584, %parallel_loop3A_588 : vector<16xf32>
        %parallel_loop3A_594 = vector.broadcast %parallel_loop3A_513 : f32 to vector<16xf32>
        %parallel_loop3A_595 = arith.mulf %parallel_loop3A_592, %parallel_loop3A_594 : vector<16xf32>
        %parallel_loop3A_596 = arith.addf %parallel_loop3A_593, %parallel_loop3A_595 : vector<16xf32>
        %parallel_loop3A_597 = arith.constant 64 : i32
        %parallel_loop3A_598 = arith.muli %parallel_loop3A_507, %parallel_loop3A_597 : i32
        %parallel_loop3A_599 = arith.constant 48 : i32
        %parallel_loop3A_600 = arith.addi %parallel_loop3A_598, %parallel_loop3A_599 : i32
        %parallel_loop3A_601 = arith.index_cast %parallel_loop3A_600 : i32 to index
        %parallel_loop3A_602 = tpu.vector_load %arg16[%parallel_loop3A_601] {strides = array<i32>} : memref<8192xf32, #tpu.memory_space<vmem>>, vector<16xf32>,
        tpu.vector_store %arg16[%parallel_loop3A_601], %parallel_loop3A_596 {strides = array<i32>} : memref<8192xf32, #tpu.memory_space<vmem>>, vector<16xf32>,
        %parallel_loop3A_603 = arith.constant 16 : i32
        %parallel_loop3A_604 = arith.muli %parallel_loop3A_82, %parallel_loop3A_603 : i32
        %parallel_loop3A_605 = arith.constant 5 : i32
        %parallel_loop3A_606 = arith.addi %parallel_loop3A_604, %parallel_loop3A_605 : i32
        %parallel_loop3A_607 = vector.extract_strided_slice %parallel_loop3A_92 {offsets = [5], sizes = [1], strides = [1]} : vector<16xi32> to vector<1xi32>
        %parallel_loop3A_608 = vector.extract %parallel_loop3A_607[0] : i32 from vector<1xi32>
        %parallel_loop3A_609 = vector.extract_strided_slice %parallel_loop3A_97 {offsets = [5], sizes = [1], strides = [1]} : vector<16xi32> to vector<1xi32>
        %parallel_loop3A_610 = vector.extract %parallel_loop3A_609[0] : i32 from vector<1xi32>
        %parallel_loop3A_611 = vector.extract_strided_slice %parallel_loop3A_107 {offsets = [5], sizes = [1], strides = [1]} : vector<16xf32> to vector<1xf32>
        %parallel_loop3A_612 = vector.extract %parallel_loop3A_611[0] : f32 from vector<1xf32>
        %parallel_loop3A_613 = vector.broadcast %parallel_loop3A_606 : i32 to vector<16xi32>
        %parallel_loop3A_614 = arith.constant 0 : i32
        %parallel_loop3A_615 = arith.addi %parallel_loop3A_608, %parallel_loop3A_614 : i32
        %parallel_loop3A_616 = arith.index_cast %parallel_loop3A_615 : i32 to index
        %parallel_loop3A_617 = tpu.vector_load %arg9[%parallel_loop3A_616] {strides = array<i32>} : memref<43008xf32, #tpu.memory_space<vmem>>, vector<16xf32>,
        %parallel_loop3A_618 = arith.constant 0 : i32
        %parallel_loop3A_619 = arith.addi %parallel_loop3A_610, %parallel_loop3A_618 : i32
        %parallel_loop3A_620 = arith.index_cast %parallel_loop3A_619 : i32 to index
        %parallel_loop3A_621 = tpu.vector_load %arg10[%parallel_loop3A_620] {strides = array<i32>} : memref<6144xf32, #tpu.memory_space<vmem>>, vector<16xf32>,
        %parallel_loop3A_622 = arith.constant 0 : i32
        %parallel_loop3A_623 = vector.broadcast %parallel_loop3A_622 : i32 to vector<16xi32>
        %parallel_loop3A_624 = arith.addi %iota3A, %parallel_loop3A_623 : vector<16xi32>
        %parallel_loop3A_625 = tpu.vector_load_idx %arg14[%parallel_loop3A_613, %parallel_loop3A_624] : memref<128x128xf32, #tpu.memory_space<vmem>>[vector<16xi32>, vector<16xi32>], vector<16xf32>,
        %parallel_loop3A_626 = arith.addf %parallel_loop3A_617, %parallel_loop3A_621 : vector<16xf32>
        %parallel_loop3A_627 = vector.broadcast %parallel_loop3A_612 : f32 to vector<16xf32>
        %parallel_loop3A_628 = arith.mulf %parallel_loop3A_625, %parallel_loop3A_627 : vector<16xf32>
        %parallel_loop3A_629 = arith.addf %parallel_loop3A_626, %parallel_loop3A_628 : vector<16xf32>
        %parallel_loop3A_630 = arith.constant 64 : i32
        %parallel_loop3A_631 = arith.muli %parallel_loop3A_606, %parallel_loop3A_630 : i32
        %parallel_loop3A_632 = arith.constant 0 : i32
        %parallel_loop3A_633 = arith.addi %parallel_loop3A_631, %parallel_loop3A_632 : i32
        %parallel_loop3A_634 = arith.index_cast %parallel_loop3A_633 : i32 to index
        %parallel_loop3A_635 = tpu.vector_load %arg16[%parallel_loop3A_634] {strides = array<i32>} : memref<8192xf32, #tpu.memory_space<vmem>>, vector<16xf32>,
        tpu.vector_store %arg16[%parallel_loop3A_634], %parallel_loop3A_629 {strides = array<i32>} : memref<8192xf32, #tpu.memory_space<vmem>>, vector<16xf32>,
        %parallel_loop3A_636 = arith.constant 16 : i32
        %parallel_loop3A_637 = arith.addi %parallel_loop3A_608, %parallel_loop3A_636 : i32
        %parallel_loop3A_638 = arith.index_cast %parallel_loop3A_637 : i32 to index
        %parallel_loop3A_639 = tpu.vector_load %arg9[%parallel_loop3A_638] {strides = array<i32>} : memref<43008xf32, #tpu.memory_space<vmem>>, vector<16xf32>,
        %parallel_loop3A_640 = arith.constant 16 : i32
        %parallel_loop3A_641 = arith.addi %parallel_loop3A_610, %parallel_loop3A_640 : i32
        %parallel_loop3A_642 = arith.index_cast %parallel_loop3A_641 : i32 to index
        %parallel_loop3A_643 = tpu.vector_load %arg10[%parallel_loop3A_642] {strides = array<i32>} : memref<6144xf32, #tpu.memory_space<vmem>>, vector<16xf32>,
        %parallel_loop3A_644 = arith.constant 16 : i32
        %parallel_loop3A_645 = vector.broadcast %parallel_loop3A_644 : i32 to vector<16xi32>
        %parallel_loop3A_646 = arith.addi %iota3A, %parallel_loop3A_645 : vector<16xi32>
        %parallel_loop3A_647 = tpu.vector_load_idx %arg14[%parallel_loop3A_613, %parallel_loop3A_646] : memref<128x128xf32, #tpu.memory_space<vmem>>[vector<16xi32>, vector<16xi32>], vector<16xf32>,
        %parallel_loop3A_648 = arith.addf %parallel_loop3A_639, %parallel_loop3A_643 : vector<16xf32>
        %parallel_loop3A_649 = vector.broadcast %parallel_loop3A_612 : f32 to vector<16xf32>
        %parallel_loop3A_650 = arith.mulf %parallel_loop3A_647, %parallel_loop3A_649 : vector<16xf32>
        %parallel_loop3A_651 = arith.addf %parallel_loop3A_648, %parallel_loop3A_650 : vector<16xf32>
        %parallel_loop3A_652 = arith.constant 64 : i32
        %parallel_loop3A_653 = arith.muli %parallel_loop3A_606, %parallel_loop3A_652 : i32
        %parallel_loop3A_654 = arith.constant 16 : i32
        %parallel_loop3A_655 = arith.addi %parallel_loop3A_653, %parallel_loop3A_654 : i32
        %parallel_loop3A_656 = arith.index_cast %parallel_loop3A_655 : i32 to index
        %parallel_loop3A_657 = tpu.vector_load %arg16[%parallel_loop3A_656] {strides = array<i32>} : memref<8192xf32, #tpu.memory_space<vmem>>, vector<16xf32>,
        tpu.vector_store %arg16[%parallel_loop3A_656], %parallel_loop3A_651 {strides = array<i32>} : memref<8192xf32, #tpu.memory_space<vmem>>, vector<16xf32>,
        %parallel_loop3A_658 = arith.constant 32 : i32
        %parallel_loop3A_659 = arith.addi %parallel_loop3A_608, %parallel_loop3A_658 : i32
        %parallel_loop3A_660 = arith.index_cast %parallel_loop3A_659 : i32 to index
        %parallel_loop3A_661 = tpu.vector_load %arg9[%parallel_loop3A_660] {strides = array<i32>} : memref<43008xf32, #tpu.memory_space<vmem>>, vector<16xf32>,
        %parallel_loop3A_662 = arith.constant 32 : i32
        %parallel_loop3A_663 = arith.addi %parallel_loop3A_610, %parallel_loop3A_662 : i32
        %parallel_loop3A_664 = arith.index_cast %parallel_loop3A_663 : i32 to index
        %parallel_loop3A_665 = tpu.vector_load %arg10[%parallel_loop3A_664] {strides = array<i32>} : memref<6144xf32, #tpu.memory_space<vmem>>, vector<16xf32>,
        %parallel_loop3A_666 = arith.constant 32 : i32
        %parallel_loop3A_667 = vector.broadcast %parallel_loop3A_666 : i32 to vector<16xi32>
        %parallel_loop3A_668 = arith.addi %iota3A, %parallel_loop3A_667 : vector<16xi32>
        %parallel_loop3A_669 = tpu.vector_load_idx %arg14[%parallel_loop3A_613, %parallel_loop3A_668] : memref<128x128xf32, #tpu.memory_space<vmem>>[vector<16xi32>, vector<16xi32>], vector<16xf32>,
        %parallel_loop3A_670 = arith.addf %parallel_loop3A_661, %parallel_loop3A_665 : vector<16xf32>
        %parallel_loop3A_671 = vector.broadcast %parallel_loop3A_612 : f32 to vector<16xf32>
        %parallel_loop3A_672 = arith.mulf %parallel_loop3A_669, %parallel_loop3A_671 : vector<16xf32>
        %parallel_loop3A_673 = arith.addf %parallel_loop3A_670, %parallel_loop3A_672 : vector<16xf32>
        %parallel_loop3A_674 = arith.constant 64 : i32
        %parallel_loop3A_675 = arith.muli %parallel_loop3A_606, %parallel_loop3A_674 : i32
        %parallel_loop3A_676 = arith.constant 32 : i32
        %parallel_loop3A_677 = arith.addi %parallel_loop3A_675, %parallel_loop3A_676 : i32
        %parallel_loop3A_678 = arith.index_cast %parallel_loop3A_677 : i32 to index
        %parallel_loop3A_679 = tpu.vector_load %arg16[%parallel_loop3A_678] {strides = array<i32>} : memref<8192xf32, #tpu.memory_space<vmem>>, vector<16xf32>,
        tpu.vector_store %arg16[%parallel_loop3A_678], %parallel_loop3A_673 {strides = array<i32>} : memref<8192xf32, #tpu.memory_space<vmem>>, vector<16xf32>,
        %parallel_loop3A_680 = arith.constant 48 : i32
        %parallel_loop3A_681 = arith.addi %parallel_loop3A_608, %parallel_loop3A_680 : i32
        %parallel_loop3A_682 = arith.index_cast %parallel_loop3A_681 : i32 to index
        %parallel_loop3A_683 = tpu.vector_load %arg9[%parallel_loop3A_682] {strides = array<i32>} : memref<43008xf32, #tpu.memory_space<vmem>>, vector<16xf32>,
        %parallel_loop3A_684 = arith.constant 48 : i32
        %parallel_loop3A_685 = arith.addi %parallel_loop3A_610, %parallel_loop3A_684 : i32
        %parallel_loop3A_686 = arith.index_cast %parallel_loop3A_685 : i32 to index
        %parallel_loop3A_687 = tpu.vector_load %arg10[%parallel_loop3A_686] {strides = array<i32>} : memref<6144xf32, #tpu.memory_space<vmem>>, vector<16xf32>,
        %parallel_loop3A_688 = arith.constant 48 : i32
        %parallel_loop3A_689 = vector.broadcast %parallel_loop3A_688 : i32 to vector<16xi32>
        %parallel_loop3A_690 = arith.addi %iota3A, %parallel_loop3A_689 : vector<16xi32>
        %parallel_loop3A_691 = tpu.vector_load_idx %arg14[%parallel_loop3A_613, %parallel_loop3A_690] : memref<128x128xf32, #tpu.memory_space<vmem>>[vector<16xi32>, vector<16xi32>], vector<16xf32>,
        %parallel_loop3A_692 = arith.addf %parallel_loop3A_683, %parallel_loop3A_687 : vector<16xf32>
        %parallel_loop3A_693 = vector.broadcast %parallel_loop3A_612 : f32 to vector<16xf32>
        %parallel_loop3A_694 = arith.mulf %parallel_loop3A_691, %parallel_loop3A_693 : vector<16xf32>
        %parallel_loop3A_695 = arith.addf %parallel_loop3A_692, %parallel_loop3A_694 : vector<16xf32>
        %parallel_loop3A_696 = arith.constant 64 : i32
        %parallel_loop3A_697 = arith.muli %parallel_loop3A_606, %parallel_loop3A_696 : i32
        %parallel_loop3A_698 = arith.constant 48 : i32
        %parallel_loop3A_699 = arith.addi %parallel_loop3A_697, %parallel_loop3A_698 : i32
        %parallel_loop3A_700 = arith.index_cast %parallel_loop3A_699 : i32 to index
        %parallel_loop3A_701 = tpu.vector_load %arg16[%parallel_loop3A_700] {strides = array<i32>} : memref<8192xf32, #tpu.memory_space<vmem>>, vector<16xf32>,
        tpu.vector_store %arg16[%parallel_loop3A_700], %parallel_loop3A_695 {strides = array<i32>} : memref<8192xf32, #tpu.memory_space<vmem>>, vector<16xf32>,
        %parallel_loop3A_702 = arith.constant 16 : i32
        %parallel_loop3A_703 = arith.muli %parallel_loop3A_82, %parallel_loop3A_702 : i32
        %parallel_loop3A_704 = arith.constant 6 : i32
        %parallel_loop3A_705 = arith.addi %parallel_loop3A_703, %parallel_loop3A_704 : i32
        %parallel_loop3A_706 = vector.extract_strided_slice %parallel_loop3A_92 {offsets = [6], sizes = [1], strides = [1]} : vector<16xi32> to vector<1xi32>
        %parallel_loop3A_707 = vector.extract %parallel_loop3A_706[0] : i32 from vector<1xi32>
        %parallel_loop3A_708 = vector.extract_strided_slice %parallel_loop3A_97 {offsets = [6], sizes = [1], strides = [1]} : vector<16xi32> to vector<1xi32>
        %parallel_loop3A_709 = vector.extract %parallel_loop3A_708[0] : i32 from vector<1xi32>
        %parallel_loop3A_710 = vector.extract_strided_slice %parallel_loop3A_107 {offsets = [6], sizes = [1], strides = [1]} : vector<16xf32> to vector<1xf32>
        %parallel_loop3A_711 = vector.extract %parallel_loop3A_710[0] : f32 from vector<1xf32>
        %parallel_loop3A_712 = vector.broadcast %parallel_loop3A_705 : i32 to vector<16xi32>
        %parallel_loop3A_713 = arith.constant 0 : i32
        %parallel_loop3A_714 = arith.addi %parallel_loop3A_707, %parallel_loop3A_713 : i32
        %parallel_loop3A_715 = arith.index_cast %parallel_loop3A_714 : i32 to index
        %parallel_loop3A_716 = tpu.vector_load %arg9[%parallel_loop3A_715] {strides = array<i32>} : memref<43008xf32, #tpu.memory_space<vmem>>, vector<16xf32>,
        %parallel_loop3A_717 = arith.constant 0 : i32
        %parallel_loop3A_718 = arith.addi %parallel_loop3A_709, %parallel_loop3A_717 : i32
        %parallel_loop3A_719 = arith.index_cast %parallel_loop3A_718 : i32 to index
        %parallel_loop3A_720 = tpu.vector_load %arg10[%parallel_loop3A_719] {strides = array<i32>} : memref<6144xf32, #tpu.memory_space<vmem>>, vector<16xf32>,
        %parallel_loop3A_721 = arith.constant 0 : i32
        %parallel_loop3A_722 = vector.broadcast %parallel_loop3A_721 : i32 to vector<16xi32>
        %parallel_loop3A_723 = arith.addi %iota3A, %parallel_loop3A_722 : vector<16xi32>
        %parallel_loop3A_724 = tpu.vector_load_idx %arg14[%parallel_loop3A_712, %parallel_loop3A_723] : memref<128x128xf32, #tpu.memory_space<vmem>>[vector<16xi32>, vector<16xi32>], vector<16xf32>,
        %parallel_loop3A_725 = arith.addf %parallel_loop3A_716, %parallel_loop3A_720 : vector<16xf32>
        %parallel_loop3A_726 = vector.broadcast %parallel_loop3A_711 : f32 to vector<16xf32>
        %parallel_loop3A_727 = arith.mulf %parallel_loop3A_724, %parallel_loop3A_726 : vector<16xf32>
        %parallel_loop3A_728 = arith.addf %parallel_loop3A_725, %parallel_loop3A_727 : vector<16xf32>
        %parallel_loop3A_729 = arith.constant 64 : i32
        %parallel_loop3A_730 = arith.muli %parallel_loop3A_705, %parallel_loop3A_729 : i32
        %parallel_loop3A_731 = arith.constant 0 : i32
        %parallel_loop3A_732 = arith.addi %parallel_loop3A_730, %parallel_loop3A_731 : i32
        %parallel_loop3A_733 = arith.index_cast %parallel_loop3A_732 : i32 to index
        %parallel_loop3A_734 = tpu.vector_load %arg16[%parallel_loop3A_733] {strides = array<i32>} : memref<8192xf32, #tpu.memory_space<vmem>>, vector<16xf32>,
        tpu.vector_store %arg16[%parallel_loop3A_733], %parallel_loop3A_728 {strides = array<i32>} : memref<8192xf32, #tpu.memory_space<vmem>>, vector<16xf32>,
        %parallel_loop3A_735 = arith.constant 16 : i32
        %parallel_loop3A_736 = arith.addi %parallel_loop3A_707, %parallel_loop3A_735 : i32
        %parallel_loop3A_737 = arith.index_cast %parallel_loop3A_736 : i32 to index
        %parallel_loop3A_738 = tpu.vector_load %arg9[%parallel_loop3A_737] {strides = array<i32>} : memref<43008xf32, #tpu.memory_space<vmem>>, vector<16xf32>,
        %parallel_loop3A_739 = arith.constant 16 : i32
        %parallel_loop3A_740 = arith.addi %parallel_loop3A_709, %parallel_loop3A_739 : i32
        %parallel_loop3A_741 = arith.index_cast %parallel_loop3A_740 : i32 to index
        %parallel_loop3A_742 = tpu.vector_load %arg10[%parallel_loop3A_741] {strides = array<i32>} : memref<6144xf32, #tpu.memory_space<vmem>>, vector<16xf32>,
        %parallel_loop3A_743 = arith.constant 16 : i32
        %parallel_loop3A_744 = vector.broadcast %parallel_loop3A_743 : i32 to vector<16xi32>
        %parallel_loop3A_745 = arith.addi %iota3A, %parallel_loop3A_744 : vector<16xi32>
        %parallel_loop3A_746 = tpu.vector_load_idx %arg14[%parallel_loop3A_712, %parallel_loop3A_745] : memref<128x128xf32, #tpu.memory_space<vmem>>[vector<16xi32>, vector<16xi32>], vector<16xf32>,
        %parallel_loop3A_747 = arith.addf %parallel_loop3A_738, %parallel_loop3A_742 : vector<16xf32>
        %parallel_loop3A_748 = vector.broadcast %parallel_loop3A_711 : f32 to vector<16xf32>
        %parallel_loop3A_749 = arith.mulf %parallel_loop3A_746, %parallel_loop3A_748 : vector<16xf32>
        %parallel_loop3A_750 = arith.addf %parallel_loop3A_747, %parallel_loop3A_749 : vector<16xf32>
        %parallel_loop3A_751 = arith.constant 64 : i32
        %parallel_loop3A_752 = arith.muli %parallel_loop3A_705, %parallel_loop3A_751 : i32
        %parallel_loop3A_753 = arith.constant 16 : i32
        %parallel_loop3A_754 = arith.addi %parallel_loop3A_752, %parallel_loop3A_753 : i32
        %parallel_loop3A_755 = arith.index_cast %parallel_loop3A_754 : i32 to index
        %parallel_loop3A_756 = tpu.vector_load %arg16[%parallel_loop3A_755] {strides = array<i32>} : memref<8192xf32, #tpu.memory_space<vmem>>, vector<16xf32>,
        tpu.vector_store %arg16[%parallel_loop3A_755], %parallel_loop3A_750 {strides = array<i32>} : memref<8192xf32, #tpu.memory_space<vmem>>, vector<16xf32>,
        %parallel_loop3A_757 = arith.constant 32 : i32
        %parallel_loop3A_758 = arith.addi %parallel_loop3A_707, %parallel_loop3A_757 : i32
        %parallel_loop3A_759 = arith.index_cast %parallel_loop3A_758 : i32 to index
        %parallel_loop3A_760 = tpu.vector_load %arg9[%parallel_loop3A_759] {strides = array<i32>} : memref<43008xf32, #tpu.memory_space<vmem>>, vector<16xf32>,
        %parallel_loop3A_761 = arith.constant 32 : i32
        %parallel_loop3A_762 = arith.addi %parallel_loop3A_709, %parallel_loop3A_761 : i32
        %parallel_loop3A_763 = arith.index_cast %parallel_loop3A_762 : i32 to index
        %parallel_loop3A_764 = tpu.vector_load %arg10[%parallel_loop3A_763] {strides = array<i32>} : memref<6144xf32, #tpu.memory_space<vmem>>, vector<16xf32>,
        %parallel_loop3A_765 = arith.constant 32 : i32
        %parallel_loop3A_766 = vector.broadcast %parallel_loop3A_765 : i32 to vector<16xi32>
        %parallel_loop3A_767 = arith.addi %iota3A, %parallel_loop3A_766 : vector<16xi32>
        %parallel_loop3A_768 = tpu.vector_load_idx %arg14[%parallel_loop3A_712, %parallel_loop3A_767] : memref<128x128xf32, #tpu.memory_space<vmem>>[vector<16xi32>, vector<16xi32>], vector<16xf32>,
        %parallel_loop3A_769 = arith.addf %parallel_loop3A_760, %parallel_loop3A_764 : vector<16xf32>
        %parallel_loop3A_770 = vector.broadcast %parallel_loop3A_711 : f32 to vector<16xf32>
        %parallel_loop3A_771 = arith.mulf %parallel_loop3A_768, %parallel_loop3A_770 : vector<16xf32>
        %parallel_loop3A_772 = arith.addf %parallel_loop3A_769, %parallel_loop3A_771 : vector<16xf32>
        %parallel_loop3A_773 = arith.constant 64 : i32
        %parallel_loop3A_774 = arith.muli %parallel_loop3A_705, %parallel_loop3A_773 : i32
        %parallel_loop3A_775 = arith.constant 32 : i32
        %parallel_loop3A_776 = arith.addi %parallel_loop3A_774, %parallel_loop3A_775 : i32
        %parallel_loop3A_777 = arith.index_cast %parallel_loop3A_776 : i32 to index
        %parallel_loop3A_778 = tpu.vector_load %arg16[%parallel_loop3A_777] {strides = array<i32>} : memref<8192xf32, #tpu.memory_space<vmem>>, vector<16xf32>,
        tpu.vector_store %arg16[%parallel_loop3A_777], %parallel_loop3A_772 {strides = array<i32>} : memref<8192xf32, #tpu.memory_space<vmem>>, vector<16xf32>,
        %parallel_loop3A_779 = arith.constant 48 : i32
        %parallel_loop3A_780 = arith.addi %parallel_loop3A_707, %parallel_loop3A_779 : i32
        %parallel_loop3A_781 = arith.index_cast %parallel_loop3A_780 : i32 to index
        %parallel_loop3A_782 = tpu.vector_load %arg9[%parallel_loop3A_781] {strides = array<i32>} : memref<43008xf32, #tpu.memory_space<vmem>>, vector<16xf32>,
        %parallel_loop3A_783 = arith.constant 48 : i32
        %parallel_loop3A_784 = arith.addi %parallel_loop3A_709, %parallel_loop3A_783 : i32
        %parallel_loop3A_785 = arith.index_cast %parallel_loop3A_784 : i32 to index
        %parallel_loop3A_786 = tpu.vector_load %arg10[%parallel_loop3A_785] {strides = array<i32>} : memref<6144xf32, #tpu.memory_space<vmem>>, vector<16xf32>,
        %parallel_loop3A_787 = arith.constant 48 : i32
        %parallel_loop3A_788 = vector.broadcast %parallel_loop3A_787 : i32 to vector<16xi32>
        %parallel_loop3A_789 = arith.addi %iota3A, %parallel_loop3A_788 : vector<16xi32>
        %parallel_loop3A_790 = tpu.vector_load_idx %arg14[%parallel_loop3A_712, %parallel_loop3A_789] : memref<128x128xf32, #tpu.memory_space<vmem>>[vector<16xi32>, vector<16xi32>], vector<16xf32>,
        %parallel_loop3A_791 = arith.addf %parallel_loop3A_782, %parallel_loop3A_786 : vector<16xf32>
        %parallel_loop3A_792 = vector.broadcast %parallel_loop3A_711 : f32 to vector<16xf32>
        %parallel_loop3A_793 = arith.mulf %parallel_loop3A_790, %parallel_loop3A_792 : vector<16xf32>
        %parallel_loop3A_794 = arith.addf %parallel_loop3A_791, %parallel_loop3A_793 : vector<16xf32>
        %parallel_loop3A_795 = arith.constant 64 : i32
        %parallel_loop3A_796 = arith.muli %parallel_loop3A_705, %parallel_loop3A_795 : i32
        %parallel_loop3A_797 = arith.constant 48 : i32
        %parallel_loop3A_798 = arith.addi %parallel_loop3A_796, %parallel_loop3A_797 : i32
        %parallel_loop3A_799 = arith.index_cast %parallel_loop3A_798 : i32 to index
        %parallel_loop3A_800 = tpu.vector_load %arg16[%parallel_loop3A_799] {strides = array<i32>} : memref<8192xf32, #tpu.memory_space<vmem>>, vector<16xf32>,
        tpu.vector_store %arg16[%parallel_loop3A_799], %parallel_loop3A_794 {strides = array<i32>} : memref<8192xf32, #tpu.memory_space<vmem>>, vector<16xf32>,
        %parallel_loop3A_801 = arith.constant 16 : i32
        %parallel_loop3A_802 = arith.muli %parallel_loop3A_82, %parallel_loop3A_801 : i32
        %parallel_loop3A_803 = arith.constant 7 : i32
        %parallel_loop3A_804 = arith.addi %parallel_loop3A_802, %parallel_loop3A_803 : i32
        %parallel_loop3A_805 = vector.extract_strided_slice %parallel_loop3A_92 {offsets = [7], sizes = [1], strides = [1]} : vector<16xi32> to vector<1xi32>
        %parallel_loop3A_806 = vector.extract %parallel_loop3A_805[0] : i32 from vector<1xi32>
        %parallel_loop3A_807 = vector.extract_strided_slice %parallel_loop3A_97 {offsets = [7], sizes = [1], strides = [1]} : vector<16xi32> to vector<1xi32>
        %parallel_loop3A_808 = vector.extract %parallel_loop3A_807[0] : i32 from vector<1xi32>
        %parallel_loop3A_809 = vector.extract_strided_slice %parallel_loop3A_107 {offsets = [7], sizes = [1], strides = [1]} : vector<16xf32> to vector<1xf32>
        %parallel_loop3A_810 = vector.extract %parallel_loop3A_809[0] : f32 from vector<1xf32>
        %parallel_loop3A_811 = vector.broadcast %parallel_loop3A_804 : i32 to vector<16xi32>
        %parallel_loop3A_812 = arith.constant 0 : i32
        %parallel_loop3A_813 = arith.addi %parallel_loop3A_806, %parallel_loop3A_812 : i32
        %parallel_loop3A_814 = arith.index_cast %parallel_loop3A_813 : i32 to index
        %parallel_loop3A_815 = tpu.vector_load %arg9[%parallel_loop3A_814] {strides = array<i32>} : memref<43008xf32, #tpu.memory_space<vmem>>, vector<16xf32>,
        %parallel_loop3A_816 = arith.constant 0 : i32
        %parallel_loop3A_817 = arith.addi %parallel_loop3A_808, %parallel_loop3A_816 : i32
        %parallel_loop3A_818 = arith.index_cast %parallel_loop3A_817 : i32 to index
        %parallel_loop3A_819 = tpu.vector_load %arg10[%parallel_loop3A_818] {strides = array<i32>} : memref<6144xf32, #tpu.memory_space<vmem>>, vector<16xf32>,
        %parallel_loop3A_820 = arith.constant 0 : i32
        %parallel_loop3A_821 = vector.broadcast %parallel_loop3A_820 : i32 to vector<16xi32>
        %parallel_loop3A_822 = arith.addi %iota3A, %parallel_loop3A_821 : vector<16xi32>
        %parallel_loop3A_823 = tpu.vector_load_idx %arg14[%parallel_loop3A_811, %parallel_loop3A_822] : memref<128x128xf32, #tpu.memory_space<vmem>>[vector<16xi32>, vector<16xi32>], vector<16xf32>,
        %parallel_loop3A_824 = arith.addf %parallel_loop3A_815, %parallel_loop3A_819 : vector<16xf32>
        %parallel_loop3A_825 = vector.broadcast %parallel_loop3A_810 : f32 to vector<16xf32>
        %parallel_loop3A_826 = arith.mulf %parallel_loop3A_823, %parallel_loop3A_825 : vector<16xf32>
        %parallel_loop3A_827 = arith.addf %parallel_loop3A_824, %parallel_loop3A_826 : vector<16xf32>
        %parallel_loop3A_828 = arith.constant 64 : i32
        %parallel_loop3A_829 = arith.muli %parallel_loop3A_804, %parallel_loop3A_828 : i32
        %parallel_loop3A_830 = arith.constant 0 : i32
        %parallel_loop3A_831 = arith.addi %parallel_loop3A_829, %parallel_loop3A_830 : i32
        %parallel_loop3A_832 = arith.index_cast %parallel_loop3A_831 : i32 to index
        %parallel_loop3A_833 = tpu.vector_load %arg16[%parallel_loop3A_832] {strides = array<i32>} : memref<8192xf32, #tpu.memory_space<vmem>>, vector<16xf32>,
        tpu.vector_store %arg16[%parallel_loop3A_832], %parallel_loop3A_827 {strides = array<i32>} : memref<8192xf32, #tpu.memory_space<vmem>>, vector<16xf32>,
        %parallel_loop3A_834 = arith.constant 16 : i32
        %parallel_loop3A_835 = arith.addi %parallel_loop3A_806, %parallel_loop3A_834 : i32
        %parallel_loop3A_836 = arith.index_cast %parallel_loop3A_835 : i32 to index
        %parallel_loop3A_837 = tpu.vector_load %arg9[%parallel_loop3A_836] {strides = array<i32>} : memref<43008xf32, #tpu.memory_space<vmem>>, vector<16xf32>,
        %parallel_loop3A_838 = arith.constant 16 : i32
        %parallel_loop3A_839 = arith.addi %parallel_loop3A_808, %parallel_loop3A_838 : i32
        %parallel_loop3A_840 = arith.index_cast %parallel_loop3A_839 : i32 to index
        %parallel_loop3A_841 = tpu.vector_load %arg10[%parallel_loop3A_840] {strides = array<i32>} : memref<6144xf32, #tpu.memory_space<vmem>>, vector<16xf32>,
        %parallel_loop3A_842 = arith.constant 16 : i32
        %parallel_loop3A_843 = vector.broadcast %parallel_loop3A_842 : i32 to vector<16xi32>
        %parallel_loop3A_844 = arith.addi %iota3A, %parallel_loop3A_843 : vector<16xi32>
        %parallel_loop3A_845 = tpu.vector_load_idx %arg14[%parallel_loop3A_811, %parallel_loop3A_844] : memref<128x128xf32, #tpu.memory_space<vmem>>[vector<16xi32>, vector<16xi32>], vector<16xf32>,
        %parallel_loop3A_846 = arith.addf %parallel_loop3A_837, %parallel_loop3A_841 : vector<16xf32>
        %parallel_loop3A_847 = vector.broadcast %parallel_loop3A_810 : f32 to vector<16xf32>
        %parallel_loop3A_848 = arith.mulf %parallel_loop3A_845, %parallel_loop3A_847 : vector<16xf32>
        %parallel_loop3A_849 = arith.addf %parallel_loop3A_846, %parallel_loop3A_848 : vector<16xf32>
        %parallel_loop3A_850 = arith.constant 64 : i32
        %parallel_loop3A_851 = arith.muli %parallel_loop3A_804, %parallel_loop3A_850 : i32
        %parallel_loop3A_852 = arith.constant 16 : i32
        %parallel_loop3A_853 = arith.addi %parallel_loop3A_851, %parallel_loop3A_852 : i32
        %parallel_loop3A_854 = arith.index_cast %parallel_loop3A_853 : i32 to index
        %parallel_loop3A_855 = tpu.vector_load %arg16[%parallel_loop3A_854] {strides = array<i32>} : memref<8192xf32, #tpu.memory_space<vmem>>, vector<16xf32>,
        tpu.vector_store %arg16[%parallel_loop3A_854], %parallel_loop3A_849 {strides = array<i32>} : memref<8192xf32, #tpu.memory_space<vmem>>, vector<16xf32>,
        %parallel_loop3A_856 = arith.constant 32 : i32
        %parallel_loop3A_857 = arith.addi %parallel_loop3A_806, %parallel_loop3A_856 : i32
        %parallel_loop3A_858 = arith.index_cast %parallel_loop3A_857 : i32 to index
        %parallel_loop3A_859 = tpu.vector_load %arg9[%parallel_loop3A_858] {strides = array<i32>} : memref<43008xf32, #tpu.memory_space<vmem>>, vector<16xf32>,
        %parallel_loop3A_860 = arith.constant 32 : i32
        %parallel_loop3A_861 = arith.addi %parallel_loop3A_808, %parallel_loop3A_860 : i32
        %parallel_loop3A_862 = arith.index_cast %parallel_loop3A_861 : i32 to index
        %parallel_loop3A_863 = tpu.vector_load %arg10[%parallel_loop3A_862] {strides = array<i32>} : memref<6144xf32, #tpu.memory_space<vmem>>, vector<16xf32>,
        %parallel_loop3A_864 = arith.constant 32 : i32
        %parallel_loop3A_865 = vector.broadcast %parallel_loop3A_864 : i32 to vector<16xi32>
        %parallel_loop3A_866 = arith.addi %iota3A, %parallel_loop3A_865 : vector<16xi32>
        %parallel_loop3A_867 = tpu.vector_load_idx %arg14[%parallel_loop3A_811, %parallel_loop3A_866] : memref<128x128xf32, #tpu.memory_space<vmem>>[vector<16xi32>, vector<16xi32>], vector<16xf32>,
        %parallel_loop3A_868 = arith.addf %parallel_loop3A_859, %parallel_loop3A_863 : vector<16xf32>
        %parallel_loop3A_869 = vector.broadcast %parallel_loop3A_810 : f32 to vector<16xf32>
        %parallel_loop3A_870 = arith.mulf %parallel_loop3A_867, %parallel_loop3A_869 : vector<16xf32>
        %parallel_loop3A_871 = arith.addf %parallel_loop3A_868, %parallel_loop3A_870 : vector<16xf32>
        %parallel_loop3A_872 = arith.constant 64 : i32
        %parallel_loop3A_873 = arith.muli %parallel_loop3A_804, %parallel_loop3A_872 : i32
        %parallel_loop3A_874 = arith.constant 32 : i32
        %parallel_loop3A_875 = arith.addi %parallel_loop3A_873, %parallel_loop3A_874 : i32
        %parallel_loop3A_876 = arith.index_cast %parallel_loop3A_875 : i32 to index
        %parallel_loop3A_877 = tpu.vector_load %arg16[%parallel_loop3A_876] {strides = array<i32>} : memref<8192xf32, #tpu.memory_space<vmem>>, vector<16xf32>,
        tpu.vector_store %arg16[%parallel_loop3A_876], %parallel_loop3A_871 {strides = array<i32>} : memref<8192xf32, #tpu.memory_space<vmem>>, vector<16xf32>,
        %parallel_loop3A_878 = arith.constant 48 : i32
        %parallel_loop3A_879 = arith.addi %parallel_loop3A_806, %parallel_loop3A_878 : i32
        %parallel_loop3A_880 = arith.index_cast %parallel_loop3A_879 : i32 to index
        %parallel_loop3A_881 = tpu.vector_load %arg9[%parallel_loop3A_880] {strides = array<i32>} : memref<43008xf32, #tpu.memory_space<vmem>>, vector<16xf32>,
        %parallel_loop3A_882 = arith.constant 48 : i32
        %parallel_loop3A_883 = arith.addi %parallel_loop3A_808, %parallel_loop3A_882 : i32
        %parallel_loop3A_884 = arith.index_cast %parallel_loop3A_883 : i32 to index
        %parallel_loop3A_885 = tpu.vector_load %arg10[%parallel_loop3A_884] {strides = array<i32>} : memref<6144xf32, #tpu.memory_space<vmem>>, vector<16xf32>,
        %parallel_loop3A_886 = arith.constant 48 : i32
        %parallel_loop3A_887 = vector.broadcast %parallel_loop3A_886 : i32 to vector<16xi32>
        %parallel_loop3A_888 = arith.addi %iota3A, %parallel_loop3A_887 : vector<16xi32>
        %parallel_loop3A_889 = tpu.vector_load_idx %arg14[%parallel_loop3A_811, %parallel_loop3A_888] : memref<128x128xf32, #tpu.memory_space<vmem>>[vector<16xi32>, vector<16xi32>], vector<16xf32>,
        %parallel_loop3A_890 = arith.addf %parallel_loop3A_881, %parallel_loop3A_885 : vector<16xf32>
        %parallel_loop3A_891 = vector.broadcast %parallel_loop3A_810 : f32 to vector<16xf32>
        %parallel_loop3A_892 = arith.mulf %parallel_loop3A_889, %parallel_loop3A_891 : vector<16xf32>
        %parallel_loop3A_893 = arith.addf %parallel_loop3A_890, %parallel_loop3A_892 : vector<16xf32>
        %parallel_loop3A_894 = arith.constant 64 : i32
        %parallel_loop3A_895 = arith.muli %parallel_loop3A_804, %parallel_loop3A_894 : i32
        %parallel_loop3A_896 = arith.constant 48 : i32
        %parallel_loop3A_897 = arith.addi %parallel_loop3A_895, %parallel_loop3A_896 : i32
        %parallel_loop3A_898 = arith.index_cast %parallel_loop3A_897 : i32 to index
        %parallel_loop3A_899 = tpu.vector_load %arg16[%parallel_loop3A_898] {strides = array<i32>} : memref<8192xf32, #tpu.memory_space<vmem>>, vector<16xf32>,
        tpu.vector_store %arg16[%parallel_loop3A_898], %parallel_loop3A_893 {strides = array<i32>} : memref<8192xf32, #tpu.memory_space<vmem>>, vector<16xf32>,
        %parallel_loop3A_900 = arith.constant 16 : i32
        %parallel_loop3A_901 = arith.muli %parallel_loop3A_82, %parallel_loop3A_900 : i32
        %parallel_loop3A_902 = arith.constant 8 : i32
        %parallel_loop3A_903 = arith.addi %parallel_loop3A_901, %parallel_loop3A_902 : i32
        %parallel_loop3A_904 = vector.extract_strided_slice %parallel_loop3A_92 {offsets = [8], sizes = [1], strides = [1]} : vector<16xi32> to vector<1xi32>
        %parallel_loop3A_905 = vector.extract %parallel_loop3A_904[0] : i32 from vector<1xi32>
        %parallel_loop3A_906 = vector.extract_strided_slice %parallel_loop3A_97 {offsets = [8], sizes = [1], strides = [1]} : vector<16xi32> to vector<1xi32>
        %parallel_loop3A_907 = vector.extract %parallel_loop3A_906[0] : i32 from vector<1xi32>
        %parallel_loop3A_908 = vector.extract_strided_slice %parallel_loop3A_107 {offsets = [8], sizes = [1], strides = [1]} : vector<16xf32> to vector<1xf32>
        %parallel_loop3A_909 = vector.extract %parallel_loop3A_908[0] : f32 from vector<1xf32>
        %parallel_loop3A_910 = vector.broadcast %parallel_loop3A_903 : i32 to vector<16xi32>
        %parallel_loop3A_911 = arith.constant 0 : i32
        %parallel_loop3A_912 = arith.addi %parallel_loop3A_905, %parallel_loop3A_911 : i32
        %parallel_loop3A_913 = arith.index_cast %parallel_loop3A_912 : i32 to index
        %parallel_loop3A_914 = tpu.vector_load %arg9[%parallel_loop3A_913] {strides = array<i32>} : memref<43008xf32, #tpu.memory_space<vmem>>, vector<16xf32>,
        %parallel_loop3A_915 = arith.constant 0 : i32
        %parallel_loop3A_916 = arith.addi %parallel_loop3A_907, %parallel_loop3A_915 : i32
        %parallel_loop3A_917 = arith.index_cast %parallel_loop3A_916 : i32 to index
        %parallel_loop3A_918 = tpu.vector_load %arg10[%parallel_loop3A_917] {strides = array<i32>} : memref<6144xf32, #tpu.memory_space<vmem>>, vector<16xf32>,
        %parallel_loop3A_919 = arith.constant 0 : i32
        %parallel_loop3A_920 = vector.broadcast %parallel_loop3A_919 : i32 to vector<16xi32>
        %parallel_loop3A_921 = arith.addi %iota3A, %parallel_loop3A_920 : vector<16xi32>
        %parallel_loop3A_922 = tpu.vector_load_idx %arg14[%parallel_loop3A_910, %parallel_loop3A_921] : memref<128x128xf32, #tpu.memory_space<vmem>>[vector<16xi32>, vector<16xi32>], vector<16xf32>,
        %parallel_loop3A_923 = arith.addf %parallel_loop3A_914, %parallel_loop3A_918 : vector<16xf32>
        %parallel_loop3A_924 = vector.broadcast %parallel_loop3A_909 : f32 to vector<16xf32>
        %parallel_loop3A_925 = arith.mulf %parallel_loop3A_922, %parallel_loop3A_924 : vector<16xf32>
        %parallel_loop3A_926 = arith.addf %parallel_loop3A_923, %parallel_loop3A_925 : vector<16xf32>
        %parallel_loop3A_927 = arith.constant 64 : i32
        %parallel_loop3A_928 = arith.muli %parallel_loop3A_903, %parallel_loop3A_927 : i32
        %parallel_loop3A_929 = arith.constant 0 : i32
        %parallel_loop3A_930 = arith.addi %parallel_loop3A_928, %parallel_loop3A_929 : i32
        %parallel_loop3A_931 = arith.index_cast %parallel_loop3A_930 : i32 to index
        %parallel_loop3A_932 = tpu.vector_load %arg16[%parallel_loop3A_931] {strides = array<i32>} : memref<8192xf32, #tpu.memory_space<vmem>>, vector<16xf32>,
        tpu.vector_store %arg16[%parallel_loop3A_931], %parallel_loop3A_926 {strides = array<i32>} : memref<8192xf32, #tpu.memory_space<vmem>>, vector<16xf32>,
        %parallel_loop3A_933 = arith.constant 16 : i32
        %parallel_loop3A_934 = arith.addi %parallel_loop3A_905, %parallel_loop3A_933 : i32
        %parallel_loop3A_935 = arith.index_cast %parallel_loop3A_934 : i32 to index
        %parallel_loop3A_936 = tpu.vector_load %arg9[%parallel_loop3A_935] {strides = array<i32>} : memref<43008xf32, #tpu.memory_space<vmem>>, vector<16xf32>,
        %parallel_loop3A_937 = arith.constant 16 : i32
        %parallel_loop3A_938 = arith.addi %parallel_loop3A_907, %parallel_loop3A_937 : i32
        %parallel_loop3A_939 = arith.index_cast %parallel_loop3A_938 : i32 to index
        %parallel_loop3A_940 = tpu.vector_load %arg10[%parallel_loop3A_939] {strides = array<i32>} : memref<6144xf32, #tpu.memory_space<vmem>>, vector<16xf32>,
        %parallel_loop3A_941 = arith.constant 16 : i32
        %parallel_loop3A_942 = vector.broadcast %parallel_loop3A_941 : i32 to vector<16xi32>
        %parallel_loop3A_943 = arith.addi %iota3A, %parallel_loop3A_942 : vector<16xi32>
        %parallel_loop3A_944 = tpu.vector_load_idx %arg14[%parallel_loop3A_910, %parallel_loop3A_943] : memref<128x128xf32, #tpu.memory_space<vmem>>[vector<16xi32>, vector<16xi32>], vector<16xf32>,
        %parallel_loop3A_945 = arith.addf %parallel_loop3A_936, %parallel_loop3A_940 : vector<16xf32>
        %parallel_loop3A_946 = vector.broadcast %parallel_loop3A_909 : f32 to vector<16xf32>
        %parallel_loop3A_947 = arith.mulf %parallel_loop3A_944, %parallel_loop3A_946 : vector<16xf32>
        %parallel_loop3A_948 = arith.addf %parallel_loop3A_945, %parallel_loop3A_947 : vector<16xf32>
        %parallel_loop3A_949 = arith.constant 64 : i32
        %parallel_loop3A_950 = arith.muli %parallel_loop3A_903, %parallel_loop3A_949 : i32
        %parallel_loop3A_951 = arith.constant 16 : i32
        %parallel_loop3A_952 = arith.addi %parallel_loop3A_950, %parallel_loop3A_951 : i32
        %parallel_loop3A_953 = arith.index_cast %parallel_loop3A_952 : i32 to index
        %parallel_loop3A_954 = tpu.vector_load %arg16[%parallel_loop3A_953] {strides = array<i32>} : memref<8192xf32, #tpu.memory_space<vmem>>, vector<16xf32>,
        tpu.vector_store %arg16[%parallel_loop3A_953], %parallel_loop3A_948 {strides = array<i32>} : memref<8192xf32, #tpu.memory_space<vmem>>, vector<16xf32>,
        %parallel_loop3A_955 = arith.constant 32 : i32
        %parallel_loop3A_956 = arith.addi %parallel_loop3A_905, %parallel_loop3A_955 : i32
        %parallel_loop3A_957 = arith.index_cast %parallel_loop3A_956 : i32 to index
        %parallel_loop3A_958 = tpu.vector_load %arg9[%parallel_loop3A_957] {strides = array<i32>} : memref<43008xf32, #tpu.memory_space<vmem>>, vector<16xf32>,
        %parallel_loop3A_959 = arith.constant 32 : i32
        %parallel_loop3A_960 = arith.addi %parallel_loop3A_907, %parallel_loop3A_959 : i32
        %parallel_loop3A_961 = arith.index_cast %parallel_loop3A_960 : i32 to index
        %parallel_loop3A_962 = tpu.vector_load %arg10[%parallel_loop3A_961] {strides = array<i32>} : memref<6144xf32, #tpu.memory_space<vmem>>, vector<16xf32>,
        %parallel_loop3A_963 = arith.constant 32 : i32
        %parallel_loop3A_964 = vector.broadcast %parallel_loop3A_963 : i32 to vector<16xi32>
        %parallel_loop3A_965 = arith.addi %iota3A, %parallel_loop3A_964 : vector<16xi32>
        %parallel_loop3A_966 = tpu.vector_load_idx %arg14[%parallel_loop3A_910, %parallel_loop3A_965] : memref<128x128xf32, #tpu.memory_space<vmem>>[vector<16xi32>, vector<16xi32>], vector<16xf32>,
        %parallel_loop3A_967 = arith.addf %parallel_loop3A_958, %parallel_loop3A_962 : vector<16xf32>
        %parallel_loop3A_968 = vector.broadcast %parallel_loop3A_909 : f32 to vector<16xf32>
        %parallel_loop3A_969 = arith.mulf %parallel_loop3A_966, %parallel_loop3A_968 : vector<16xf32>
        %parallel_loop3A_970 = arith.addf %parallel_loop3A_967, %parallel_loop3A_969 : vector<16xf32>
        %parallel_loop3A_971 = arith.constant 64 : i32
        %parallel_loop3A_972 = arith.muli %parallel_loop3A_903, %parallel_loop3A_971 : i32
        %parallel_loop3A_973 = arith.constant 32 : i32
        %parallel_loop3A_974 = arith.addi %parallel_loop3A_972, %parallel_loop3A_973 : i32
        %parallel_loop3A_975 = arith.index_cast %parallel_loop3A_974 : i32 to index
        %parallel_loop3A_976 = tpu.vector_load %arg16[%parallel_loop3A_975] {strides = array<i32>} : memref<8192xf32, #tpu.memory_space<vmem>>, vector<16xf32>,
        tpu.vector_store %arg16[%parallel_loop3A_975], %parallel_loop3A_970 {strides = array<i32>} : memref<8192xf32, #tpu.memory_space<vmem>>, vector<16xf32>,
        %parallel_loop3A_977 = arith.constant 48 : i32
        %parallel_loop3A_978 = arith.addi %parallel_loop3A_905, %parallel_loop3A_977 : i32
        %parallel_loop3A_979 = arith.index_cast %parallel_loop3A_978 : i32 to index
        %parallel_loop3A_980 = tpu.vector_load %arg9[%parallel_loop3A_979] {strides = array<i32>} : memref<43008xf32, #tpu.memory_space<vmem>>, vector<16xf32>,
        %parallel_loop3A_981 = arith.constant 48 : i32
        %parallel_loop3A_982 = arith.addi %parallel_loop3A_907, %parallel_loop3A_981 : i32
        %parallel_loop3A_983 = arith.index_cast %parallel_loop3A_982 : i32 to index
        %parallel_loop3A_984 = tpu.vector_load %arg10[%parallel_loop3A_983] {strides = array<i32>} : memref<6144xf32, #tpu.memory_space<vmem>>, vector<16xf32>,
        %parallel_loop3A_985 = arith.constant 48 : i32
        %parallel_loop3A_986 = vector.broadcast %parallel_loop3A_985 : i32 to vector<16xi32>
        %parallel_loop3A_987 = arith.addi %iota3A, %parallel_loop3A_986 : vector<16xi32>
        %parallel_loop3A_988 = tpu.vector_load_idx %arg14[%parallel_loop3A_910, %parallel_loop3A_987] : memref<128x128xf32, #tpu.memory_space<vmem>>[vector<16xi32>, vector<16xi32>], vector<16xf32>,
        %parallel_loop3A_989 = arith.addf %parallel_loop3A_980, %parallel_loop3A_984 : vector<16xf32>
        %parallel_loop3A_990 = vector.broadcast %parallel_loop3A_909 : f32 to vector<16xf32>
        %parallel_loop3A_991 = arith.mulf %parallel_loop3A_988, %parallel_loop3A_990 : vector<16xf32>
        %parallel_loop3A_992 = arith.addf %parallel_loop3A_989, %parallel_loop3A_991 : vector<16xf32>
        %parallel_loop3A_993 = arith.constant 64 : i32
        %parallel_loop3A_994 = arith.muli %parallel_loop3A_903, %parallel_loop3A_993 : i32
        %parallel_loop3A_995 = arith.constant 48 : i32
        %parallel_loop3A_996 = arith.addi %parallel_loop3A_994, %parallel_loop3A_995 : i32
        %parallel_loop3A_997 = arith.index_cast %parallel_loop3A_996 : i32 to index
        %parallel_loop3A_998 = tpu.vector_load %arg16[%parallel_loop3A_997] {strides = array<i32>} : memref<8192xf32, #tpu.memory_space<vmem>>, vector<16xf32>,
        tpu.vector_store %arg16[%parallel_loop3A_997], %parallel_loop3A_992 {strides = array<i32>} : memref<8192xf32, #tpu.memory_space<vmem>>, vector<16xf32>,
        %parallel_loop3A_999 = arith.constant 16 : i32
        %parallel_loop3A_1000 = arith.muli %parallel_loop3A_82, %parallel_loop3A_999 : i32
        %parallel_loop3A_1001 = arith.constant 9 : i32
        %parallel_loop3A_1002 = arith.addi %parallel_loop3A_1000, %parallel_loop3A_1001 : i32
        %parallel_loop3A_1003 = vector.extract_strided_slice %parallel_loop3A_92 {offsets = [9], sizes = [1], strides = [1]} : vector<16xi32> to vector<1xi32>
        %parallel_loop3A_1004 = vector.extract %parallel_loop3A_1003[0] : i32 from vector<1xi32>
        %parallel_loop3A_1005 = vector.extract_strided_slice %parallel_loop3A_97 {offsets = [9], sizes = [1], strides = [1]} : vector<16xi32> to vector<1xi32>
        %parallel_loop3A_1006 = vector.extract %parallel_loop3A_1005[0] : i32 from vector<1xi32>
        %parallel_loop3A_1007 = vector.extract_strided_slice %parallel_loop3A_107 {offsets = [9], sizes = [1], strides = [1]} : vector<16xf32> to vector<1xf32>
        %parallel_loop3A_1008 = vector.extract %parallel_loop3A_1007[0] : f32 from vector<1xf32>
        %parallel_loop3A_1009 = vector.broadcast %parallel_loop3A_1002 : i32 to vector<16xi32>
        %parallel_loop3A_1010 = arith.constant 0 : i32
        %parallel_loop3A_1011 = arith.addi %parallel_loop3A_1004, %parallel_loop3A_1010 : i32
        %parallel_loop3A_1012 = arith.index_cast %parallel_loop3A_1011 : i32 to index
        %parallel_loop3A_1013 = tpu.vector_load %arg9[%parallel_loop3A_1012] {strides = array<i32>} : memref<43008xf32, #tpu.memory_space<vmem>>, vector<16xf32>,
        %parallel_loop3A_1014 = arith.constant 0 : i32
        %parallel_loop3A_1015 = arith.addi %parallel_loop3A_1006, %parallel_loop3A_1014 : i32
        %parallel_loop3A_1016 = arith.index_cast %parallel_loop3A_1015 : i32 to index
        %parallel_loop3A_1017 = tpu.vector_load %arg10[%parallel_loop3A_1016] {strides = array<i32>} : memref<6144xf32, #tpu.memory_space<vmem>>, vector<16xf32>,
        %parallel_loop3A_1018 = arith.constant 0 : i32
        %parallel_loop3A_1019 = vector.broadcast %parallel_loop3A_1018 : i32 to vector<16xi32>
        %parallel_loop3A_1020 = arith.addi %iota3A, %parallel_loop3A_1019 : vector<16xi32>
        %parallel_loop3A_1021 = tpu.vector_load_idx %arg14[%parallel_loop3A_1009, %parallel_loop3A_1020] : memref<128x128xf32, #tpu.memory_space<vmem>>[vector<16xi32>, vector<16xi32>], vector<16xf32>,
        %parallel_loop3A_1022 = arith.addf %parallel_loop3A_1013, %parallel_loop3A_1017 : vector<16xf32>
        %parallel_loop3A_1023 = vector.broadcast %parallel_loop3A_1008 : f32 to vector<16xf32>
        %parallel_loop3A_1024 = arith.mulf %parallel_loop3A_1021, %parallel_loop3A_1023 : vector<16xf32>
        %parallel_loop3A_1025 = arith.addf %parallel_loop3A_1022, %parallel_loop3A_1024 : vector<16xf32>
        %parallel_loop3A_1026 = arith.constant 64 : i32
        %parallel_loop3A_1027 = arith.muli %parallel_loop3A_1002, %parallel_loop3A_1026 : i32
        %parallel_loop3A_1028 = arith.constant 0 : i32
        %parallel_loop3A_1029 = arith.addi %parallel_loop3A_1027, %parallel_loop3A_1028 : i32
        %parallel_loop3A_1030 = arith.index_cast %parallel_loop3A_1029 : i32 to index
        %parallel_loop3A_1031 = tpu.vector_load %arg16[%parallel_loop3A_1030] {strides = array<i32>} : memref<8192xf32, #tpu.memory_space<vmem>>, vector<16xf32>,
        tpu.vector_store %arg16[%parallel_loop3A_1030], %parallel_loop3A_1025 {strides = array<i32>} : memref<8192xf32, #tpu.memory_space<vmem>>, vector<16xf32>,
        %parallel_loop3A_1032 = arith.constant 16 : i32
        %parallel_loop3A_1033 = arith.addi %parallel_loop3A_1004, %parallel_loop3A_1032 : i32
        %parallel_loop3A_1034 = arith.index_cast %parallel_loop3A_1033 : i32 to index
        %parallel_loop3A_1035 = tpu.vector_load %arg9[%parallel_loop3A_1034] {strides = array<i32>} : memref<43008xf32, #tpu.memory_space<vmem>>, vector<16xf32>,
        %parallel_loop3A_1036 = arith.constant 16 : i32
        %parallel_loop3A_1037 = arith.addi %parallel_loop3A_1006, %parallel_loop3A_1036 : i32
        %parallel_loop3A_1038 = arith.index_cast %parallel_loop3A_1037 : i32 to index
        %parallel_loop3A_1039 = tpu.vector_load %arg10[%parallel_loop3A_1038] {strides = array<i32>} : memref<6144xf32, #tpu.memory_space<vmem>>, vector<16xf32>,
        %parallel_loop3A_1040 = arith.constant 16 : i32
        %parallel_loop3A_1041 = vector.broadcast %parallel_loop3A_1040 : i32 to vector<16xi32>
        %parallel_loop3A_1042 = arith.addi %iota3A, %parallel_loop3A_1041 : vector<16xi32>
        %parallel_loop3A_1043 = tpu.vector_load_idx %arg14[%parallel_loop3A_1009, %parallel_loop3A_1042] : memref<128x128xf32, #tpu.memory_space<vmem>>[vector<16xi32>, vector<16xi32>], vector<16xf32>,
        %parallel_loop3A_1044 = arith.addf %parallel_loop3A_1035, %parallel_loop3A_1039 : vector<16xf32>
        %parallel_loop3A_1045 = vector.broadcast %parallel_loop3A_1008 : f32 to vector<16xf32>
        %parallel_loop3A_1046 = arith.mulf %parallel_loop3A_1043, %parallel_loop3A_1045 : vector<16xf32>
        %parallel_loop3A_1047 = arith.addf %parallel_loop3A_1044, %parallel_loop3A_1046 : vector<16xf32>
        %parallel_loop3A_1048 = arith.constant 64 : i32
        %parallel_loop3A_1049 = arith.muli %parallel_loop3A_1002, %parallel_loop3A_1048 : i32
        %parallel_loop3A_1050 = arith.constant 16 : i32
        %parallel_loop3A_1051 = arith.addi %parallel_loop3A_1049, %parallel_loop3A_1050 : i32
        %parallel_loop3A_1052 = arith.index_cast %parallel_loop3A_1051 : i32 to index
        %parallel_loop3A_1053 = tpu.vector_load %arg16[%parallel_loop3A_1052] {strides = array<i32>} : memref<8192xf32, #tpu.memory_space<vmem>>, vector<16xf32>,
        tpu.vector_store %arg16[%parallel_loop3A_1052], %parallel_loop3A_1047 {strides = array<i32>} : memref<8192xf32, #tpu.memory_space<vmem>>, vector<16xf32>,
        %parallel_loop3A_1054 = arith.constant 32 : i32
        %parallel_loop3A_1055 = arith.addi %parallel_loop3A_1004, %parallel_loop3A_1054 : i32
        %parallel_loop3A_1056 = arith.index_cast %parallel_loop3A_1055 : i32 to index
        %parallel_loop3A_1057 = tpu.vector_load %arg9[%parallel_loop3A_1056] {strides = array<i32>} : memref<43008xf32, #tpu.memory_space<vmem>>, vector<16xf32>,
        %parallel_loop3A_1058 = arith.constant 32 : i32
        %parallel_loop3A_1059 = arith.addi %parallel_loop3A_1006, %parallel_loop3A_1058 : i32
        %parallel_loop3A_1060 = arith.index_cast %parallel_loop3A_1059 : i32 to index
        %parallel_loop3A_1061 = tpu.vector_load %arg10[%parallel_loop3A_1060] {strides = array<i32>} : memref<6144xf32, #tpu.memory_space<vmem>>, vector<16xf32>,
        %parallel_loop3A_1062 = arith.constant 32 : i32
        %parallel_loop3A_1063 = vector.broadcast %parallel_loop3A_1062 : i32 to vector<16xi32>
        %parallel_loop3A_1064 = arith.addi %iota3A, %parallel_loop3A_1063 : vector<16xi32>
        %parallel_loop3A_1065 = tpu.vector_load_idx %arg14[%parallel_loop3A_1009, %parallel_loop3A_1064] : memref<128x128xf32, #tpu.memory_space<vmem>>[vector<16xi32>, vector<16xi32>], vector<16xf32>,
        %parallel_loop3A_1066 = arith.addf %parallel_loop3A_1057, %parallel_loop3A_1061 : vector<16xf32>
        %parallel_loop3A_1067 = vector.broadcast %parallel_loop3A_1008 : f32 to vector<16xf32>
        %parallel_loop3A_1068 = arith.mulf %parallel_loop3A_1065, %parallel_loop3A_1067 : vector<16xf32>
        %parallel_loop3A_1069 = arith.addf %parallel_loop3A_1066, %parallel_loop3A_1068 : vector<16xf32>
        %parallel_loop3A_1070 = arith.constant 64 : i32
        %parallel_loop3A_1071 = arith.muli %parallel_loop3A_1002, %parallel_loop3A_1070 : i32
        %parallel_loop3A_1072 = arith.constant 32 : i32
        %parallel_loop3A_1073 = arith.addi %parallel_loop3A_1071, %parallel_loop3A_1072 : i32
        %parallel_loop3A_1074 = arith.index_cast %parallel_loop3A_1073 : i32 to index
        %parallel_loop3A_1075 = tpu.vector_load %arg16[%parallel_loop3A_1074] {strides = array<i32>} : memref<8192xf32, #tpu.memory_space<vmem>>, vector<16xf32>,
        tpu.vector_store %arg16[%parallel_loop3A_1074], %parallel_loop3A_1069 {strides = array<i32>} : memref<8192xf32, #tpu.memory_space<vmem>>, vector<16xf32>,
        %parallel_loop3A_1076 = arith.constant 48 : i32
        %parallel_loop3A_1077 = arith.addi %parallel_loop3A_1004, %parallel_loop3A_1076 : i32
        %parallel_loop3A_1078 = arith.index_cast %parallel_loop3A_1077 : i32 to index
        %parallel_loop3A_1079 = tpu.vector_load %arg9[%parallel_loop3A_1078] {strides = array<i32>} : memref<43008xf32, #tpu.memory_space<vmem>>, vector<16xf32>,
        %parallel_loop3A_1080 = arith.constant 48 : i32
        %parallel_loop3A_1081 = arith.addi %parallel_loop3A_1006, %parallel_loop3A_1080 : i32
        %parallel_loop3A_1082 = arith.index_cast %parallel_loop3A_1081 : i32 to index
        %parallel_loop3A_1083 = tpu.vector_load %arg10[%parallel_loop3A_1082] {strides = array<i32>} : memref<6144xf32, #tpu.memory_space<vmem>>, vector<16xf32>,
        %parallel_loop3A_1084 = arith.constant 48 : i32
        %parallel_loop3A_1085 = vector.broadcast %parallel_loop3A_1084 : i32 to vector<16xi32>
        %parallel_loop3A_1086 = arith.addi %iota3A, %parallel_loop3A_1085 : vector<16xi32>
        %parallel_loop3A_1087 = tpu.vector_load_idx %arg14[%parallel_loop3A_1009, %parallel_loop3A_1086] : memref<128x128xf32, #tpu.memory_space<vmem>>[vector<16xi32>, vector<16xi32>], vector<16xf32>,
        %parallel_loop3A_1088 = arith.addf %parallel_loop3A_1079, %parallel_loop3A_1083 : vector<16xf32>
        %parallel_loop3A_1089 = vector.broadcast %parallel_loop3A_1008 : f32 to vector<16xf32>
        %parallel_loop3A_1090 = arith.mulf %parallel_loop3A_1087, %parallel_loop3A_1089 : vector<16xf32>
        %parallel_loop3A_1091 = arith.addf %parallel_loop3A_1088, %parallel_loop3A_1090 : vector<16xf32>
        %parallel_loop3A_1092 = arith.constant 64 : i32
        %parallel_loop3A_1093 = arith.muli %parallel_loop3A_1002, %parallel_loop3A_1092 : i32
        %parallel_loop3A_1094 = arith.constant 48 : i32
        %parallel_loop3A_1095 = arith.addi %parallel_loop3A_1093, %parallel_loop3A_1094 : i32
        %parallel_loop3A_1096 = arith.index_cast %parallel_loop3A_1095 : i32 to index
        %parallel_loop3A_1097 = tpu.vector_load %arg16[%parallel_loop3A_1096] {strides = array<i32>} : memref<8192xf32, #tpu.memory_space<vmem>>, vector<16xf32>,
        tpu.vector_store %arg16[%parallel_loop3A_1096], %parallel_loop3A_1091 {strides = array<i32>} : memref<8192xf32, #tpu.memory_space<vmem>>, vector<16xf32>,
        %parallel_loop3A_1098 = arith.constant 16 : i32
        %parallel_loop3A_1099 = arith.muli %parallel_loop3A_82, %parallel_loop3A_1098 : i32
        %parallel_loop3A_1100 = arith.constant 10 : i32
        %parallel_loop3A_1101 = arith.addi %parallel_loop3A_1099, %parallel_loop3A_1100 : i32
        %parallel_loop3A_1102 = vector.extract_strided_slice %parallel_loop3A_92 {offsets = [10], sizes = [1], strides = [1]} : vector<16xi32> to vector<1xi32>
        %parallel_loop3A_1103 = vector.extract %parallel_loop3A_1102[0] : i32 from vector<1xi32>
        %parallel_loop3A_1104 = vector.extract_strided_slice %parallel_loop3A_97 {offsets = [10], sizes = [1], strides = [1]} : vector<16xi32> to vector<1xi32>
        %parallel_loop3A_1105 = vector.extract %parallel_loop3A_1104[0] : i32 from vector<1xi32>
        %parallel_loop3A_1106 = vector.extract_strided_slice %parallel_loop3A_107 {offsets = [10], sizes = [1], strides = [1]} : vector<16xf32> to vector<1xf32>
        %parallel_loop3A_1107 = vector.extract %parallel_loop3A_1106[0] : f32 from vector<1xf32>
        %parallel_loop3A_1108 = vector.broadcast %parallel_loop3A_1101 : i32 to vector<16xi32>
        %parallel_loop3A_1109 = arith.constant 0 : i32
        %parallel_loop3A_1110 = arith.addi %parallel_loop3A_1103, %parallel_loop3A_1109 : i32
        %parallel_loop3A_1111 = arith.index_cast %parallel_loop3A_1110 : i32 to index
        %parallel_loop3A_1112 = tpu.vector_load %arg9[%parallel_loop3A_1111] {strides = array<i32>} : memref<43008xf32, #tpu.memory_space<vmem>>, vector<16xf32>,
        %parallel_loop3A_1113 = arith.constant 0 : i32
        %parallel_loop3A_1114 = arith.addi %parallel_loop3A_1105, %parallel_loop3A_1113 : i32
        %parallel_loop3A_1115 = arith.index_cast %parallel_loop3A_1114 : i32 to index
        %parallel_loop3A_1116 = tpu.vector_load %arg10[%parallel_loop3A_1115] {strides = array<i32>} : memref<6144xf32, #tpu.memory_space<vmem>>, vector<16xf32>,
        %parallel_loop3A_1117 = arith.constant 0 : i32
        %parallel_loop3A_1118 = vector.broadcast %parallel_loop3A_1117 : i32 to vector<16xi32>
        %parallel_loop3A_1119 = arith.addi %iota3A, %parallel_loop3A_1118 : vector<16xi32>
        %parallel_loop3A_1120 = tpu.vector_load_idx %arg14[%parallel_loop3A_1108, %parallel_loop3A_1119] : memref<128x128xf32, #tpu.memory_space<vmem>>[vector<16xi32>, vector<16xi32>], vector<16xf32>,
        %parallel_loop3A_1121 = arith.addf %parallel_loop3A_1112, %parallel_loop3A_1116 : vector<16xf32>
        %parallel_loop3A_1122 = vector.broadcast %parallel_loop3A_1107 : f32 to vector<16xf32>
        %parallel_loop3A_1123 = arith.mulf %parallel_loop3A_1120, %parallel_loop3A_1122 : vector<16xf32>
        %parallel_loop3A_1124 = arith.addf %parallel_loop3A_1121, %parallel_loop3A_1123 : vector<16xf32>
        %parallel_loop3A_1125 = arith.constant 64 : i32
        %parallel_loop3A_1126 = arith.muli %parallel_loop3A_1101, %parallel_loop3A_1125 : i32
        %parallel_loop3A_1127 = arith.constant 0 : i32
        %parallel_loop3A_1128 = arith.addi %parallel_loop3A_1126, %parallel_loop3A_1127 : i32
        %parallel_loop3A_1129 = arith.index_cast %parallel_loop3A_1128 : i32 to index
        %parallel_loop3A_1130 = tpu.vector_load %arg16[%parallel_loop3A_1129] {strides = array<i32>} : memref<8192xf32, #tpu.memory_space<vmem>>, vector<16xf32>,
        tpu.vector_store %arg16[%parallel_loop3A_1129], %parallel_loop3A_1124 {strides = array<i32>} : memref<8192xf32, #tpu.memory_space<vmem>>, vector<16xf32>,
        %parallel_loop3A_1131 = arith.constant 16 : i32
        %parallel_loop3A_1132 = arith.addi %parallel_loop3A_1103, %parallel_loop3A_1131 : i32
        %parallel_loop3A_1133 = arith.index_cast %parallel_loop3A_1132 : i32 to index
        %parallel_loop3A_1134 = tpu.vector_load %arg9[%parallel_loop3A_1133] {strides = array<i32>} : memref<43008xf32, #tpu.memory_space<vmem>>, vector<16xf32>,
        %parallel_loop3A_1135 = arith.constant 16 : i32
        %parallel_loop3A_1136 = arith.addi %parallel_loop3A_1105, %parallel_loop3A_1135 : i32
        %parallel_loop3A_1137 = arith.index_cast %parallel_loop3A_1136 : i32 to index
        %parallel_loop3A_1138 = tpu.vector_load %arg10[%parallel_loop3A_1137] {strides = array<i32>} : memref<6144xf32, #tpu.memory_space<vmem>>, vector<16xf32>,
        %parallel_loop3A_1139 = arith.constant 16 : i32
        %parallel_loop3A_1140 = vector.broadcast %parallel_loop3A_1139 : i32 to vector<16xi32>
        %parallel_loop3A_1141 = arith.addi %iota3A, %parallel_loop3A_1140 : vector<16xi32>
        %parallel_loop3A_1142 = tpu.vector_load_idx %arg14[%parallel_loop3A_1108, %parallel_loop3A_1141] : memref<128x128xf32, #tpu.memory_space<vmem>>[vector<16xi32>, vector<16xi32>], vector<16xf32>,
        %parallel_loop3A_1143 = arith.addf %parallel_loop3A_1134, %parallel_loop3A_1138 : vector<16xf32>
        %parallel_loop3A_1144 = vector.broadcast %parallel_loop3A_1107 : f32 to vector<16xf32>
        %parallel_loop3A_1145 = arith.mulf %parallel_loop3A_1142, %parallel_loop3A_1144 : vector<16xf32>
        %parallel_loop3A_1146 = arith.addf %parallel_loop3A_1143, %parallel_loop3A_1145 : vector<16xf32>
        %parallel_loop3A_1147 = arith.constant 64 : i32
        %parallel_loop3A_1148 = arith.muli %parallel_loop3A_1101, %parallel_loop3A_1147 : i32
        %parallel_loop3A_1149 = arith.constant 16 : i32
        %parallel_loop3A_1150 = arith.addi %parallel_loop3A_1148, %parallel_loop3A_1149 : i32
        %parallel_loop3A_1151 = arith.index_cast %parallel_loop3A_1150 : i32 to index
        %parallel_loop3A_1152 = tpu.vector_load %arg16[%parallel_loop3A_1151] {strides = array<i32>} : memref<8192xf32, #tpu.memory_space<vmem>>, vector<16xf32>,
        tpu.vector_store %arg16[%parallel_loop3A_1151], %parallel_loop3A_1146 {strides = array<i32>} : memref<8192xf32, #tpu.memory_space<vmem>>, vector<16xf32>,
        %parallel_loop3A_1153 = arith.constant 32 : i32
        %parallel_loop3A_1154 = arith.addi %parallel_loop3A_1103, %parallel_loop3A_1153 : i32
        %parallel_loop3A_1155 = arith.index_cast %parallel_loop3A_1154 : i32 to index
        %parallel_loop3A_1156 = tpu.vector_load %arg9[%parallel_loop3A_1155] {strides = array<i32>} : memref<43008xf32, #tpu.memory_space<vmem>>, vector<16xf32>,
        %parallel_loop3A_1157 = arith.constant 32 : i32
        %parallel_loop3A_1158 = arith.addi %parallel_loop3A_1105, %parallel_loop3A_1157 : i32
        %parallel_loop3A_1159 = arith.index_cast %parallel_loop3A_1158 : i32 to index
        %parallel_loop3A_1160 = tpu.vector_load %arg10[%parallel_loop3A_1159] {strides = array<i32>} : memref<6144xf32, #tpu.memory_space<vmem>>, vector<16xf32>,
        %parallel_loop3A_1161 = arith.constant 32 : i32
        %parallel_loop3A_1162 = vector.broadcast %parallel_loop3A_1161 : i32 to vector<16xi32>
        %parallel_loop3A_1163 = arith.addi %iota3A, %parallel_loop3A_1162 : vector<16xi32>
        %parallel_loop3A_1164 = tpu.vector_load_idx %arg14[%parallel_loop3A_1108, %parallel_loop3A_1163] : memref<128x128xf32, #tpu.memory_space<vmem>>[vector<16xi32>, vector<16xi32>], vector<16xf32>,
        %parallel_loop3A_1165 = arith.addf %parallel_loop3A_1156, %parallel_loop3A_1160 : vector<16xf32>
        %parallel_loop3A_1166 = vector.broadcast %parallel_loop3A_1107 : f32 to vector<16xf32>
        %parallel_loop3A_1167 = arith.mulf %parallel_loop3A_1164, %parallel_loop3A_1166 : vector<16xf32>
        %parallel_loop3A_1168 = arith.addf %parallel_loop3A_1165, %parallel_loop3A_1167 : vector<16xf32>
        %parallel_loop3A_1169 = arith.constant 64 : i32
        %parallel_loop3A_1170 = arith.muli %parallel_loop3A_1101, %parallel_loop3A_1169 : i32
        %parallel_loop3A_1171 = arith.constant 32 : i32
        %parallel_loop3A_1172 = arith.addi %parallel_loop3A_1170, %parallel_loop3A_1171 : i32
        %parallel_loop3A_1173 = arith.index_cast %parallel_loop3A_1172 : i32 to index
        %parallel_loop3A_1174 = tpu.vector_load %arg16[%parallel_loop3A_1173] {strides = array<i32>} : memref<8192xf32, #tpu.memory_space<vmem>>, vector<16xf32>,
        tpu.vector_store %arg16[%parallel_loop3A_1173], %parallel_loop3A_1168 {strides = array<i32>} : memref<8192xf32, #tpu.memory_space<vmem>>, vector<16xf32>,
        %parallel_loop3A_1175 = arith.constant 48 : i32
        %parallel_loop3A_1176 = arith.addi %parallel_loop3A_1103, %parallel_loop3A_1175 : i32
        %parallel_loop3A_1177 = arith.index_cast %parallel_loop3A_1176 : i32 to index
        %parallel_loop3A_1178 = tpu.vector_load %arg9[%parallel_loop3A_1177] {strides = array<i32>} : memref<43008xf32, #tpu.memory_space<vmem>>, vector<16xf32>,
        %parallel_loop3A_1179 = arith.constant 48 : i32
        %parallel_loop3A_1180 = arith.addi %parallel_loop3A_1105, %parallel_loop3A_1179 : i32
        %parallel_loop3A_1181 = arith.index_cast %parallel_loop3A_1180 : i32 to index
        %parallel_loop3A_1182 = tpu.vector_load %arg10[%parallel_loop3A_1181] {strides = array<i32>} : memref<6144xf32, #tpu.memory_space<vmem>>, vector<16xf32>,
        %parallel_loop3A_1183 = arith.constant 48 : i32
        %parallel_loop3A_1184 = vector.broadcast %parallel_loop3A_1183 : i32 to vector<16xi32>
        %parallel_loop3A_1185 = arith.addi %iota3A, %parallel_loop3A_1184 : vector<16xi32>
        %parallel_loop3A_1186 = tpu.vector_load_idx %arg14[%parallel_loop3A_1108, %parallel_loop3A_1185] : memref<128x128xf32, #tpu.memory_space<vmem>>[vector<16xi32>, vector<16xi32>], vector<16xf32>,
        %parallel_loop3A_1187 = arith.addf %parallel_loop3A_1178, %parallel_loop3A_1182 : vector<16xf32>
        %parallel_loop3A_1188 = vector.broadcast %parallel_loop3A_1107 : f32 to vector<16xf32>
        %parallel_loop3A_1189 = arith.mulf %parallel_loop3A_1186, %parallel_loop3A_1188 : vector<16xf32>
        %parallel_loop3A_1190 = arith.addf %parallel_loop3A_1187, %parallel_loop3A_1189 : vector<16xf32>
        %parallel_loop3A_1191 = arith.constant 64 : i32
        %parallel_loop3A_1192 = arith.muli %parallel_loop3A_1101, %parallel_loop3A_1191 : i32
        %parallel_loop3A_1193 = arith.constant 48 : i32
        %parallel_loop3A_1194 = arith.addi %parallel_loop3A_1192, %parallel_loop3A_1193 : i32
        %parallel_loop3A_1195 = arith.index_cast %parallel_loop3A_1194 : i32 to index
        %parallel_loop3A_1196 = tpu.vector_load %arg16[%parallel_loop3A_1195] {strides = array<i32>} : memref<8192xf32, #tpu.memory_space<vmem>>, vector<16xf32>,
        tpu.vector_store %arg16[%parallel_loop3A_1195], %parallel_loop3A_1190 {strides = array<i32>} : memref<8192xf32, #tpu.memory_space<vmem>>, vector<16xf32>,
        %parallel_loop3A_1197 = arith.constant 16 : i32
        %parallel_loop3A_1198 = arith.muli %parallel_loop3A_82, %parallel_loop3A_1197 : i32
        %parallel_loop3A_1199 = arith.constant 11 : i32
        %parallel_loop3A_1200 = arith.addi %parallel_loop3A_1198, %parallel_loop3A_1199 : i32
        %parallel_loop3A_1201 = vector.extract_strided_slice %parallel_loop3A_92 {offsets = [11], sizes = [1], strides = [1]} : vector<16xi32> to vector<1xi32>
        %parallel_loop3A_1202 = vector.extract %parallel_loop3A_1201[0] : i32 from vector<1xi32>
        %parallel_loop3A_1203 = vector.extract_strided_slice %parallel_loop3A_97 {offsets = [11], sizes = [1], strides = [1]} : vector<16xi32> to vector<1xi32>
        %parallel_loop3A_1204 = vector.extract %parallel_loop3A_1203[0] : i32 from vector<1xi32>
        %parallel_loop3A_1205 = vector.extract_strided_slice %parallel_loop3A_107 {offsets = [11], sizes = [1], strides = [1]} : vector<16xf32> to vector<1xf32>
        %parallel_loop3A_1206 = vector.extract %parallel_loop3A_1205[0] : f32 from vector<1xf32>
        %parallel_loop3A_1207 = vector.broadcast %parallel_loop3A_1200 : i32 to vector<16xi32>
        %parallel_loop3A_1208 = arith.constant 0 : i32
        %parallel_loop3A_1209 = arith.addi %parallel_loop3A_1202, %parallel_loop3A_1208 : i32
        %parallel_loop3A_1210 = arith.index_cast %parallel_loop3A_1209 : i32 to index
        %parallel_loop3A_1211 = tpu.vector_load %arg9[%parallel_loop3A_1210] {strides = array<i32>} : memref<43008xf32, #tpu.memory_space<vmem>>, vector<16xf32>,
        %parallel_loop3A_1212 = arith.constant 0 : i32
        %parallel_loop3A_1213 = arith.addi %parallel_loop3A_1204, %parallel_loop3A_1212 : i32
        %parallel_loop3A_1214 = arith.index_cast %parallel_loop3A_1213 : i32 to index
        %parallel_loop3A_1215 = tpu.vector_load %arg10[%parallel_loop3A_1214] {strides = array<i32>} : memref<6144xf32, #tpu.memory_space<vmem>>, vector<16xf32>,
        %parallel_loop3A_1216 = arith.constant 0 : i32
        %parallel_loop3A_1217 = vector.broadcast %parallel_loop3A_1216 : i32 to vector<16xi32>
        %parallel_loop3A_1218 = arith.addi %iota3A, %parallel_loop3A_1217 : vector<16xi32>
        %parallel_loop3A_1219 = tpu.vector_load_idx %arg14[%parallel_loop3A_1207, %parallel_loop3A_1218] : memref<128x128xf32, #tpu.memory_space<vmem>>[vector<16xi32>, vector<16xi32>], vector<16xf32>,
        %parallel_loop3A_1220 = arith.addf %parallel_loop3A_1211, %parallel_loop3A_1215 : vector<16xf32>
        %parallel_loop3A_1221 = vector.broadcast %parallel_loop3A_1206 : f32 to vector<16xf32>
        %parallel_loop3A_1222 = arith.mulf %parallel_loop3A_1219, %parallel_loop3A_1221 : vector<16xf32>
        %parallel_loop3A_1223 = arith.addf %parallel_loop3A_1220, %parallel_loop3A_1222 : vector<16xf32>
        %parallel_loop3A_1224 = arith.constant 64 : i32
        %parallel_loop3A_1225 = arith.muli %parallel_loop3A_1200, %parallel_loop3A_1224 : i32
        %parallel_loop3A_1226 = arith.constant 0 : i32
        %parallel_loop3A_1227 = arith.addi %parallel_loop3A_1225, %parallel_loop3A_1226 : i32
        %parallel_loop3A_1228 = arith.index_cast %parallel_loop3A_1227 : i32 to index
        %parallel_loop3A_1229 = tpu.vector_load %arg16[%parallel_loop3A_1228] {strides = array<i32>} : memref<8192xf32, #tpu.memory_space<vmem>>, vector<16xf32>,
        tpu.vector_store %arg16[%parallel_loop3A_1228], %parallel_loop3A_1223 {strides = array<i32>} : memref<8192xf32, #tpu.memory_space<vmem>>, vector<16xf32>,
        %parallel_loop3A_1230 = arith.constant 16 : i32
        %parallel_loop3A_1231 = arith.addi %parallel_loop3A_1202, %parallel_loop3A_1230 : i32
        %parallel_loop3A_1232 = arith.index_cast %parallel_loop3A_1231 : i32 to index
        %parallel_loop3A_1233 = tpu.vector_load %arg9[%parallel_loop3A_1232] {strides = array<i32>} : memref<43008xf32, #tpu.memory_space<vmem>>, vector<16xf32>,
        %parallel_loop3A_1234 = arith.constant 16 : i32
        %parallel_loop3A_1235 = arith.addi %parallel_loop3A_1204, %parallel_loop3A_1234 : i32
        %parallel_loop3A_1236 = arith.index_cast %parallel_loop3A_1235 : i32 to index
        %parallel_loop3A_1237 = tpu.vector_load %arg10[%parallel_loop3A_1236] {strides = array<i32>} : memref<6144xf32, #tpu.memory_space<vmem>>, vector<16xf32>,
        %parallel_loop3A_1238 = arith.constant 16 : i32
        %parallel_loop3A_1239 = vector.broadcast %parallel_loop3A_1238 : i32 to vector<16xi32>
        %parallel_loop3A_1240 = arith.addi %iota3A, %parallel_loop3A_1239 : vector<16xi32>
        %parallel_loop3A_1241 = tpu.vector_load_idx %arg14[%parallel_loop3A_1207, %parallel_loop3A_1240] : memref<128x128xf32, #tpu.memory_space<vmem>>[vector<16xi32>, vector<16xi32>], vector<16xf32>,
        %parallel_loop3A_1242 = arith.addf %parallel_loop3A_1233, %parallel_loop3A_1237 : vector<16xf32>
        %parallel_loop3A_1243 = vector.broadcast %parallel_loop3A_1206 : f32 to vector<16xf32>
        %parallel_loop3A_1244 = arith.mulf %parallel_loop3A_1241, %parallel_loop3A_1243 : vector<16xf32>
        %parallel_loop3A_1245 = arith.addf %parallel_loop3A_1242, %parallel_loop3A_1244 : vector<16xf32>
        %parallel_loop3A_1246 = arith.constant 64 : i32
        %parallel_loop3A_1247 = arith.muli %parallel_loop3A_1200, %parallel_loop3A_1246 : i32
        %parallel_loop3A_1248 = arith.constant 16 : i32
        %parallel_loop3A_1249 = arith.addi %parallel_loop3A_1247, %parallel_loop3A_1248 : i32
        %parallel_loop3A_1250 = arith.index_cast %parallel_loop3A_1249 : i32 to index
        %parallel_loop3A_1251 = tpu.vector_load %arg16[%parallel_loop3A_1250] {strides = array<i32>} : memref<8192xf32, #tpu.memory_space<vmem>>, vector<16xf32>,
        tpu.vector_store %arg16[%parallel_loop3A_1250], %parallel_loop3A_1245 {strides = array<i32>} : memref<8192xf32, #tpu.memory_space<vmem>>, vector<16xf32>,
        %parallel_loop3A_1252 = arith.constant 32 : i32
        %parallel_loop3A_1253 = arith.addi %parallel_loop3A_1202, %parallel_loop3A_1252 : i32
        %parallel_loop3A_1254 = arith.index_cast %parallel_loop3A_1253 : i32 to index
        %parallel_loop3A_1255 = tpu.vector_load %arg9[%parallel_loop3A_1254] {strides = array<i32>} : memref<43008xf32, #tpu.memory_space<vmem>>, vector<16xf32>,
        %parallel_loop3A_1256 = arith.constant 32 : i32
        %parallel_loop3A_1257 = arith.addi %parallel_loop3A_1204, %parallel_loop3A_1256 : i32
        %parallel_loop3A_1258 = arith.index_cast %parallel_loop3A_1257 : i32 to index
        %parallel_loop3A_1259 = tpu.vector_load %arg10[%parallel_loop3A_1258] {strides = array<i32>} : memref<6144xf32, #tpu.memory_space<vmem>>, vector<16xf32>,
        %parallel_loop3A_1260 = arith.constant 32 : i32
        %parallel_loop3A_1261 = vector.broadcast %parallel_loop3A_1260 : i32 to vector<16xi32>
        %parallel_loop3A_1262 = arith.addi %iota3A, %parallel_loop3A_1261 : vector<16xi32>
        %parallel_loop3A_1263 = tpu.vector_load_idx %arg14[%parallel_loop3A_1207, %parallel_loop3A_1262] : memref<128x128xf32, #tpu.memory_space<vmem>>[vector<16xi32>, vector<16xi32>], vector<16xf32>,
        %parallel_loop3A_1264 = arith.addf %parallel_loop3A_1255, %parallel_loop3A_1259 : vector<16xf32>
        %parallel_loop3A_1265 = vector.broadcast %parallel_loop3A_1206 : f32 to vector<16xf32>
        %parallel_loop3A_1266 = arith.mulf %parallel_loop3A_1263, %parallel_loop3A_1265 : vector<16xf32>
        %parallel_loop3A_1267 = arith.addf %parallel_loop3A_1264, %parallel_loop3A_1266 : vector<16xf32>
        %parallel_loop3A_1268 = arith.constant 64 : i32
        %parallel_loop3A_1269 = arith.muli %parallel_loop3A_1200, %parallel_loop3A_1268 : i32
        %parallel_loop3A_1270 = arith.constant 32 : i32
        %parallel_loop3A_1271 = arith.addi %parallel_loop3A_1269, %parallel_loop3A_1270 : i32
        %parallel_loop3A_1272 = arith.index_cast %parallel_loop3A_1271 : i32 to index
        %parallel_loop3A_1273 = tpu.vector_load %arg16[%parallel_loop3A_1272] {strides = array<i32>} : memref<8192xf32, #tpu.memory_space<vmem>>, vector<16xf32>,
        tpu.vector_store %arg16[%parallel_loop3A_1272], %parallel_loop3A_1267 {strides = array<i32>} : memref<8192xf32, #tpu.memory_space<vmem>>, vector<16xf32>,
        %parallel_loop3A_1274 = arith.constant 48 : i32
        %parallel_loop3A_1275 = arith.addi %parallel_loop3A_1202, %parallel_loop3A_1274 : i32
        %parallel_loop3A_1276 = arith.index_cast %parallel_loop3A_1275 : i32 to index
        %parallel_loop3A_1277 = tpu.vector_load %arg9[%parallel_loop3A_1276] {strides = array<i32>} : memref<43008xf32, #tpu.memory_space<vmem>>, vector<16xf32>,
        %parallel_loop3A_1278 = arith.constant 48 : i32
        %parallel_loop3A_1279 = arith.addi %parallel_loop3A_1204, %parallel_loop3A_1278 : i32
        %parallel_loop3A_1280 = arith.index_cast %parallel_loop3A_1279 : i32 to index
        %parallel_loop3A_1281 = tpu.vector_load %arg10[%parallel_loop3A_1280] {strides = array<i32>} : memref<6144xf32, #tpu.memory_space<vmem>>, vector<16xf32>,
        %parallel_loop3A_1282 = arith.constant 48 : i32
        %parallel_loop3A_1283 = vector.broadcast %parallel_loop3A_1282 : i32 to vector<16xi32>
        %parallel_loop3A_1284 = arith.addi %iota3A, %parallel_loop3A_1283 : vector<16xi32>
        %parallel_loop3A_1285 = tpu.vector_load_idx %arg14[%parallel_loop3A_1207, %parallel_loop3A_1284] : memref<128x128xf32, #tpu.memory_space<vmem>>[vector<16xi32>, vector<16xi32>], vector<16xf32>,
        %parallel_loop3A_1286 = arith.addf %parallel_loop3A_1277, %parallel_loop3A_1281 : vector<16xf32>
        %parallel_loop3A_1287 = vector.broadcast %parallel_loop3A_1206 : f32 to vector<16xf32>
        %parallel_loop3A_1288 = arith.mulf %parallel_loop3A_1285, %parallel_loop3A_1287 : vector<16xf32>
        %parallel_loop3A_1289 = arith.addf %parallel_loop3A_1286, %parallel_loop3A_1288 : vector<16xf32>
        %parallel_loop3A_1290 = arith.constant 64 : i32
        %parallel_loop3A_1291 = arith.muli %parallel_loop3A_1200, %parallel_loop3A_1290 : i32
        %parallel_loop3A_1292 = arith.constant 48 : i32
        %parallel_loop3A_1293 = arith.addi %parallel_loop3A_1291, %parallel_loop3A_1292 : i32
        %parallel_loop3A_1294 = arith.index_cast %parallel_loop3A_1293 : i32 to index
        %parallel_loop3A_1295 = tpu.vector_load %arg16[%parallel_loop3A_1294] {strides = array<i32>} : memref<8192xf32, #tpu.memory_space<vmem>>, vector<16xf32>,
        tpu.vector_store %arg16[%parallel_loop3A_1294], %parallel_loop3A_1289 {strides = array<i32>} : memref<8192xf32, #tpu.memory_space<vmem>>, vector<16xf32>,
        %parallel_loop3A_1296 = arith.constant 16 : i32
        %parallel_loop3A_1297 = arith.muli %parallel_loop3A_82, %parallel_loop3A_1296 : i32
        %parallel_loop3A_1298 = arith.constant 12 : i32
        %parallel_loop3A_1299 = arith.addi %parallel_loop3A_1297, %parallel_loop3A_1298 : i32
        %parallel_loop3A_1300 = vector.extract_strided_slice %parallel_loop3A_92 {offsets = [12], sizes = [1], strides = [1]} : vector<16xi32> to vector<1xi32>
        %parallel_loop3A_1301 = vector.extract %parallel_loop3A_1300[0] : i32 from vector<1xi32>
        %parallel_loop3A_1302 = vector.extract_strided_slice %parallel_loop3A_97 {offsets = [12], sizes = [1], strides = [1]} : vector<16xi32> to vector<1xi32>
        %parallel_loop3A_1303 = vector.extract %parallel_loop3A_1302[0] : i32 from vector<1xi32>
        %parallel_loop3A_1304 = vector.extract_strided_slice %parallel_loop3A_107 {offsets = [12], sizes = [1], strides = [1]} : vector<16xf32> to vector<1xf32>
        %parallel_loop3A_1305 = vector.extract %parallel_loop3A_1304[0] : f32 from vector<1xf32>
        %parallel_loop3A_1306 = vector.broadcast %parallel_loop3A_1299 : i32 to vector<16xi32>
        %parallel_loop3A_1307 = arith.constant 0 : i32
        %parallel_loop3A_1308 = arith.addi %parallel_loop3A_1301, %parallel_loop3A_1307 : i32
        %parallel_loop3A_1309 = arith.index_cast %parallel_loop3A_1308 : i32 to index
        %parallel_loop3A_1310 = tpu.vector_load %arg9[%parallel_loop3A_1309] {strides = array<i32>} : memref<43008xf32, #tpu.memory_space<vmem>>, vector<16xf32>,
        %parallel_loop3A_1311 = arith.constant 0 : i32
        %parallel_loop3A_1312 = arith.addi %parallel_loop3A_1303, %parallel_loop3A_1311 : i32
        %parallel_loop3A_1313 = arith.index_cast %parallel_loop3A_1312 : i32 to index
        %parallel_loop3A_1314 = tpu.vector_load %arg10[%parallel_loop3A_1313] {strides = array<i32>} : memref<6144xf32, #tpu.memory_space<vmem>>, vector<16xf32>,
        %parallel_loop3A_1315 = arith.constant 0 : i32
        %parallel_loop3A_1316 = vector.broadcast %parallel_loop3A_1315 : i32 to vector<16xi32>
        %parallel_loop3A_1317 = arith.addi %iota3A, %parallel_loop3A_1316 : vector<16xi32>
        %parallel_loop3A_1318 = tpu.vector_load_idx %arg14[%parallel_loop3A_1306, %parallel_loop3A_1317] : memref<128x128xf32, #tpu.memory_space<vmem>>[vector<16xi32>, vector<16xi32>], vector<16xf32>,
        %parallel_loop3A_1319 = arith.addf %parallel_loop3A_1310, %parallel_loop3A_1314 : vector<16xf32>
        %parallel_loop3A_1320 = vector.broadcast %parallel_loop3A_1305 : f32 to vector<16xf32>
        %parallel_loop3A_1321 = arith.mulf %parallel_loop3A_1318, %parallel_loop3A_1320 : vector<16xf32>
        %parallel_loop3A_1322 = arith.addf %parallel_loop3A_1319, %parallel_loop3A_1321 : vector<16xf32>
        %parallel_loop3A_1323 = arith.constant 64 : i32
        %parallel_loop3A_1324 = arith.muli %parallel_loop3A_1299, %parallel_loop3A_1323 : i32
        %parallel_loop3A_1325 = arith.constant 0 : i32
        %parallel_loop3A_1326 = arith.addi %parallel_loop3A_1324, %parallel_loop3A_1325 : i32
        %parallel_loop3A_1327 = arith.index_cast %parallel_loop3A_1326 : i32 to index
        %parallel_loop3A_1328 = tpu.vector_load %arg16[%parallel_loop3A_1327] {strides = array<i32>} : memref<8192xf32, #tpu.memory_space<vmem>>, vector<16xf32>,
        tpu.vector_store %arg16[%parallel_loop3A_1327], %parallel_loop3A_1322 {strides = array<i32>} : memref<8192xf32, #tpu.memory_space<vmem>>, vector<16xf32>,
        %parallel_loop3A_1329 = arith.constant 16 : i32
        %parallel_loop3A_1330 = arith.addi %parallel_loop3A_1301, %parallel_loop3A_1329 : i32
        %parallel_loop3A_1331 = arith.index_cast %parallel_loop3A_1330 : i32 to index
        %parallel_loop3A_1332 = tpu.vector_load %arg9[%parallel_loop3A_1331] {strides = array<i32>} : memref<43008xf32, #tpu.memory_space<vmem>>, vector<16xf32>,
        %parallel_loop3A_1333 = arith.constant 16 : i32
        %parallel_loop3A_1334 = arith.addi %parallel_loop3A_1303, %parallel_loop3A_1333 : i32
        %parallel_loop3A_1335 = arith.index_cast %parallel_loop3A_1334 : i32 to index
        %parallel_loop3A_1336 = tpu.vector_load %arg10[%parallel_loop3A_1335] {strides = array<i32>} : memref<6144xf32, #tpu.memory_space<vmem>>, vector<16xf32>,
        %parallel_loop3A_1337 = arith.constant 16 : i32
        %parallel_loop3A_1338 = vector.broadcast %parallel_loop3A_1337 : i32 to vector<16xi32>
        %parallel_loop3A_1339 = arith.addi %iota3A, %parallel_loop3A_1338 : vector<16xi32>
        %parallel_loop3A_1340 = tpu.vector_load_idx %arg14[%parallel_loop3A_1306, %parallel_loop3A_1339] : memref<128x128xf32, #tpu.memory_space<vmem>>[vector<16xi32>, vector<16xi32>], vector<16xf32>,
        %parallel_loop3A_1341 = arith.addf %parallel_loop3A_1332, %parallel_loop3A_1336 : vector<16xf32>
        %parallel_loop3A_1342 = vector.broadcast %parallel_loop3A_1305 : f32 to vector<16xf32>
        %parallel_loop3A_1343 = arith.mulf %parallel_loop3A_1340, %parallel_loop3A_1342 : vector<16xf32>
        %parallel_loop3A_1344 = arith.addf %parallel_loop3A_1341, %parallel_loop3A_1343 : vector<16xf32>
        %parallel_loop3A_1345 = arith.constant 64 : i32
        %parallel_loop3A_1346 = arith.muli %parallel_loop3A_1299, %parallel_loop3A_1345 : i32
        %parallel_loop3A_1347 = arith.constant 16 : i32
        %parallel_loop3A_1348 = arith.addi %parallel_loop3A_1346, %parallel_loop3A_1347 : i32
        %parallel_loop3A_1349 = arith.index_cast %parallel_loop3A_1348 : i32 to index
        %parallel_loop3A_1350 = tpu.vector_load %arg16[%parallel_loop3A_1349] {strides = array<i32>} : memref<8192xf32, #tpu.memory_space<vmem>>, vector<16xf32>,
        tpu.vector_store %arg16[%parallel_loop3A_1349], %parallel_loop3A_1344 {strides = array<i32>} : memref<8192xf32, #tpu.memory_space<vmem>>, vector<16xf32>,
        %parallel_loop3A_1351 = arith.constant 32 : i32
        %parallel_loop3A_1352 = arith.addi %parallel_loop3A_1301, %parallel_loop3A_1351 : i32
        %parallel_loop3A_1353 = arith.index_cast %parallel_loop3A_1352 : i32 to index
        %parallel_loop3A_1354 = tpu.vector_load %arg9[%parallel_loop3A_1353] {strides = array<i32>} : memref<43008xf32, #tpu.memory_space<vmem>>, vector<16xf32>,
        %parallel_loop3A_1355 = arith.constant 32 : i32
        %parallel_loop3A_1356 = arith.addi %parallel_loop3A_1303, %parallel_loop3A_1355 : i32
        %parallel_loop3A_1357 = arith.index_cast %parallel_loop3A_1356 : i32 to index
        %parallel_loop3A_1358 = tpu.vector_load %arg10[%parallel_loop3A_1357] {strides = array<i32>} : memref<6144xf32, #tpu.memory_space<vmem>>, vector<16xf32>,
        %parallel_loop3A_1359 = arith.constant 32 : i32
        %parallel_loop3A_1360 = vector.broadcast %parallel_loop3A_1359 : i32 to vector<16xi32>
        %parallel_loop3A_1361 = arith.addi %iota3A, %parallel_loop3A_1360 : vector<16xi32>
        %parallel_loop3A_1362 = tpu.vector_load_idx %arg14[%parallel_loop3A_1306, %parallel_loop3A_1361] : memref<128x128xf32, #tpu.memory_space<vmem>>[vector<16xi32>, vector<16xi32>], vector<16xf32>,
        %parallel_loop3A_1363 = arith.addf %parallel_loop3A_1354, %parallel_loop3A_1358 : vector<16xf32>
        %parallel_loop3A_1364 = vector.broadcast %parallel_loop3A_1305 : f32 to vector<16xf32>
        %parallel_loop3A_1365 = arith.mulf %parallel_loop3A_1362, %parallel_loop3A_1364 : vector<16xf32>
        %parallel_loop3A_1366 = arith.addf %parallel_loop3A_1363, %parallel_loop3A_1365 : vector<16xf32>
        %parallel_loop3A_1367 = arith.constant 64 : i32
        %parallel_loop3A_1368 = arith.muli %parallel_loop3A_1299, %parallel_loop3A_1367 : i32
        %parallel_loop3A_1369 = arith.constant 32 : i32
        %parallel_loop3A_1370 = arith.addi %parallel_loop3A_1368, %parallel_loop3A_1369 : i32
        %parallel_loop3A_1371 = arith.index_cast %parallel_loop3A_1370 : i32 to index
        %parallel_loop3A_1372 = tpu.vector_load %arg16[%parallel_loop3A_1371] {strides = array<i32>} : memref<8192xf32, #tpu.memory_space<vmem>>, vector<16xf32>,
        tpu.vector_store %arg16[%parallel_loop3A_1371], %parallel_loop3A_1366 {strides = array<i32>} : memref<8192xf32, #tpu.memory_space<vmem>>, vector<16xf32>,
        %parallel_loop3A_1373 = arith.constant 48 : i32
        %parallel_loop3A_1374 = arith.addi %parallel_loop3A_1301, %parallel_loop3A_1373 : i32
        %parallel_loop3A_1375 = arith.index_cast %parallel_loop3A_1374 : i32 to index
        %parallel_loop3A_1376 = tpu.vector_load %arg9[%parallel_loop3A_1375] {strides = array<i32>} : memref<43008xf32, #tpu.memory_space<vmem>>, vector<16xf32>,
        %parallel_loop3A_1377 = arith.constant 48 : i32
        %parallel_loop3A_1378 = arith.addi %parallel_loop3A_1303, %parallel_loop3A_1377 : i32
        %parallel_loop3A_1379 = arith.index_cast %parallel_loop3A_1378 : i32 to index
        %parallel_loop3A_1380 = tpu.vector_load %arg10[%parallel_loop3A_1379] {strides = array<i32>} : memref<6144xf32, #tpu.memory_space<vmem>>, vector<16xf32>,
        %parallel_loop3A_1381 = arith.constant 48 : i32
        %parallel_loop3A_1382 = vector.broadcast %parallel_loop3A_1381 : i32 to vector<16xi32>
        %parallel_loop3A_1383 = arith.addi %iota3A, %parallel_loop3A_1382 : vector<16xi32>
        %parallel_loop3A_1384 = tpu.vector_load_idx %arg14[%parallel_loop3A_1306, %parallel_loop3A_1383] : memref<128x128xf32, #tpu.memory_space<vmem>>[vector<16xi32>, vector<16xi32>], vector<16xf32>,
        %parallel_loop3A_1385 = arith.addf %parallel_loop3A_1376, %parallel_loop3A_1380 : vector<16xf32>
        %parallel_loop3A_1386 = vector.broadcast %parallel_loop3A_1305 : f32 to vector<16xf32>
        %parallel_loop3A_1387 = arith.mulf %parallel_loop3A_1384, %parallel_loop3A_1386 : vector<16xf32>
        %parallel_loop3A_1388 = arith.addf %parallel_loop3A_1385, %parallel_loop3A_1387 : vector<16xf32>
        %parallel_loop3A_1389 = arith.constant 64 : i32
        %parallel_loop3A_1390 = arith.muli %parallel_loop3A_1299, %parallel_loop3A_1389 : i32
        %parallel_loop3A_1391 = arith.constant 48 : i32
        %parallel_loop3A_1392 = arith.addi %parallel_loop3A_1390, %parallel_loop3A_1391 : i32
        %parallel_loop3A_1393 = arith.index_cast %parallel_loop3A_1392 : i32 to index
        %parallel_loop3A_1394 = tpu.vector_load %arg16[%parallel_loop3A_1393] {strides = array<i32>} : memref<8192xf32, #tpu.memory_space<vmem>>, vector<16xf32>,
        tpu.vector_store %arg16[%parallel_loop3A_1393], %parallel_loop3A_1388 {strides = array<i32>} : memref<8192xf32, #tpu.memory_space<vmem>>, vector<16xf32>,
        %parallel_loop3A_1395 = arith.constant 16 : i32
        %parallel_loop3A_1396 = arith.muli %parallel_loop3A_82, %parallel_loop3A_1395 : i32
        %parallel_loop3A_1397 = arith.constant 13 : i32
        %parallel_loop3A_1398 = arith.addi %parallel_loop3A_1396, %parallel_loop3A_1397 : i32
        %parallel_loop3A_1399 = vector.extract_strided_slice %parallel_loop3A_92 {offsets = [13], sizes = [1], strides = [1]} : vector<16xi32> to vector<1xi32>
        %parallel_loop3A_1400 = vector.extract %parallel_loop3A_1399[0] : i32 from vector<1xi32>
        %parallel_loop3A_1401 = vector.extract_strided_slice %parallel_loop3A_97 {offsets = [13], sizes = [1], strides = [1]} : vector<16xi32> to vector<1xi32>
        %parallel_loop3A_1402 = vector.extract %parallel_loop3A_1401[0] : i32 from vector<1xi32>
        %parallel_loop3A_1403 = vector.extract_strided_slice %parallel_loop3A_107 {offsets = [13], sizes = [1], strides = [1]} : vector<16xf32> to vector<1xf32>
        %parallel_loop3A_1404 = vector.extract %parallel_loop3A_1403[0] : f32 from vector<1xf32>
        %parallel_loop3A_1405 = vector.broadcast %parallel_loop3A_1398 : i32 to vector<16xi32>
        %parallel_loop3A_1406 = arith.constant 0 : i32
        %parallel_loop3A_1407 = arith.addi %parallel_loop3A_1400, %parallel_loop3A_1406 : i32
        %parallel_loop3A_1408 = arith.index_cast %parallel_loop3A_1407 : i32 to index
        %parallel_loop3A_1409 = tpu.vector_load %arg9[%parallel_loop3A_1408] {strides = array<i32>} : memref<43008xf32, #tpu.memory_space<vmem>>, vector<16xf32>,
        %parallel_loop3A_1410 = arith.constant 0 : i32
        %parallel_loop3A_1411 = arith.addi %parallel_loop3A_1402, %parallel_loop3A_1410 : i32
        %parallel_loop3A_1412 = arith.index_cast %parallel_loop3A_1411 : i32 to index
        %parallel_loop3A_1413 = tpu.vector_load %arg10[%parallel_loop3A_1412] {strides = array<i32>} : memref<6144xf32, #tpu.memory_space<vmem>>, vector<16xf32>,
        %parallel_loop3A_1414 = arith.constant 0 : i32
        %parallel_loop3A_1415 = vector.broadcast %parallel_loop3A_1414 : i32 to vector<16xi32>
        %parallel_loop3A_1416 = arith.addi %iota3A, %parallel_loop3A_1415 : vector<16xi32>
        %parallel_loop3A_1417 = tpu.vector_load_idx %arg14[%parallel_loop3A_1405, %parallel_loop3A_1416] : memref<128x128xf32, #tpu.memory_space<vmem>>[vector<16xi32>, vector<16xi32>], vector<16xf32>,
        %parallel_loop3A_1418 = arith.addf %parallel_loop3A_1409, %parallel_loop3A_1413 : vector<16xf32>
        %parallel_loop3A_1419 = vector.broadcast %parallel_loop3A_1404 : f32 to vector<16xf32>
        %parallel_loop3A_1420 = arith.mulf %parallel_loop3A_1417, %parallel_loop3A_1419 : vector<16xf32>
        %parallel_loop3A_1421 = arith.addf %parallel_loop3A_1418, %parallel_loop3A_1420 : vector<16xf32>
        %parallel_loop3A_1422 = arith.constant 64 : i32
        %parallel_loop3A_1423 = arith.muli %parallel_loop3A_1398, %parallel_loop3A_1422 : i32
        %parallel_loop3A_1424 = arith.constant 0 : i32
        %parallel_loop3A_1425 = arith.addi %parallel_loop3A_1423, %parallel_loop3A_1424 : i32
        %parallel_loop3A_1426 = arith.index_cast %parallel_loop3A_1425 : i32 to index
        %parallel_loop3A_1427 = tpu.vector_load %arg16[%parallel_loop3A_1426] {strides = array<i32>} : memref<8192xf32, #tpu.memory_space<vmem>>, vector<16xf32>,
        tpu.vector_store %arg16[%parallel_loop3A_1426], %parallel_loop3A_1421 {strides = array<i32>} : memref<8192xf32, #tpu.memory_space<vmem>>, vector<16xf32>,
        %parallel_loop3A_1428 = arith.constant 16 : i32
        %parallel_loop3A_1429 = arith.addi %parallel_loop3A_1400, %parallel_loop3A_1428 : i32
        %parallel_loop3A_1430 = arith.index_cast %parallel_loop3A_1429 : i32 to index
        %parallel_loop3A_1431 = tpu.vector_load %arg9[%parallel_loop3A_1430] {strides = array<i32>} : memref<43008xf32, #tpu.memory_space<vmem>>, vector<16xf32>,
        %parallel_loop3A_1432 = arith.constant 16 : i32
        %parallel_loop3A_1433 = arith.addi %parallel_loop3A_1402, %parallel_loop3A_1432 : i32
        %parallel_loop3A_1434 = arith.index_cast %parallel_loop3A_1433 : i32 to index
        %parallel_loop3A_1435 = tpu.vector_load %arg10[%parallel_loop3A_1434] {strides = array<i32>} : memref<6144xf32, #tpu.memory_space<vmem>>, vector<16xf32>,
        %parallel_loop3A_1436 = arith.constant 16 : i32
        %parallel_loop3A_1437 = vector.broadcast %parallel_loop3A_1436 : i32 to vector<16xi32>
        %parallel_loop3A_1438 = arith.addi %iota3A, %parallel_loop3A_1437 : vector<16xi32>
        %parallel_loop3A_1439 = tpu.vector_load_idx %arg14[%parallel_loop3A_1405, %parallel_loop3A_1438] : memref<128x128xf32, #tpu.memory_space<vmem>>[vector<16xi32>, vector<16xi32>], vector<16xf32>,
        %parallel_loop3A_1440 = arith.addf %parallel_loop3A_1431, %parallel_loop3A_1435 : vector<16xf32>
        %parallel_loop3A_1441 = vector.broadcast %parallel_loop3A_1404 : f32 to vector<16xf32>
        %parallel_loop3A_1442 = arith.mulf %parallel_loop3A_1439, %parallel_loop3A_1441 : vector<16xf32>
        %parallel_loop3A_1443 = arith.addf %parallel_loop3A_1440, %parallel_loop3A_1442 : vector<16xf32>
        %parallel_loop3A_1444 = arith.constant 64 : i32
        %parallel_loop3A_1445 = arith.muli %parallel_loop3A_1398, %parallel_loop3A_1444 : i32
        %parallel_loop3A_1446 = arith.constant 16 : i32
        %parallel_loop3A_1447 = arith.addi %parallel_loop3A_1445, %parallel_loop3A_1446 : i32
        %parallel_loop3A_1448 = arith.index_cast %parallel_loop3A_1447 : i32 to index
        %parallel_loop3A_1449 = tpu.vector_load %arg16[%parallel_loop3A_1448] {strides = array<i32>} : memref<8192xf32, #tpu.memory_space<vmem>>, vector<16xf32>,
        tpu.vector_store %arg16[%parallel_loop3A_1448], %parallel_loop3A_1443 {strides = array<i32>} : memref<8192xf32, #tpu.memory_space<vmem>>, vector<16xf32>,
        %parallel_loop3A_1450 = arith.constant 32 : i32
        %parallel_loop3A_1451 = arith.addi %parallel_loop3A_1400, %parallel_loop3A_1450 : i32
        %parallel_loop3A_1452 = arith.index_cast %parallel_loop3A_1451 : i32 to index
        %parallel_loop3A_1453 = tpu.vector_load %arg9[%parallel_loop3A_1452] {strides = array<i32>} : memref<43008xf32, #tpu.memory_space<vmem>>, vector<16xf32>,
        %parallel_loop3A_1454 = arith.constant 32 : i32
        %parallel_loop3A_1455 = arith.addi %parallel_loop3A_1402, %parallel_loop3A_1454 : i32
        %parallel_loop3A_1456 = arith.index_cast %parallel_loop3A_1455 : i32 to index
        %parallel_loop3A_1457 = tpu.vector_load %arg10[%parallel_loop3A_1456] {strides = array<i32>} : memref<6144xf32, #tpu.memory_space<vmem>>, vector<16xf32>,
        %parallel_loop3A_1458 = arith.constant 32 : i32
        %parallel_loop3A_1459 = vector.broadcast %parallel_loop3A_1458 : i32 to vector<16xi32>
        %parallel_loop3A_1460 = arith.addi %iota3A, %parallel_loop3A_1459 : vector<16xi32>
        %parallel_loop3A_1461 = tpu.vector_load_idx %arg14[%parallel_loop3A_1405, %parallel_loop3A_1460] : memref<128x128xf32, #tpu.memory_space<vmem>>[vector<16xi32>, vector<16xi32>], vector<16xf32>,
        %parallel_loop3A_1462 = arith.addf %parallel_loop3A_1453, %parallel_loop3A_1457 : vector<16xf32>
        %parallel_loop3A_1463 = vector.broadcast %parallel_loop3A_1404 : f32 to vector<16xf32>
        %parallel_loop3A_1464 = arith.mulf %parallel_loop3A_1461, %parallel_loop3A_1463 : vector<16xf32>
        %parallel_loop3A_1465 = arith.addf %parallel_loop3A_1462, %parallel_loop3A_1464 : vector<16xf32>
        %parallel_loop3A_1466 = arith.constant 64 : i32
        %parallel_loop3A_1467 = arith.muli %parallel_loop3A_1398, %parallel_loop3A_1466 : i32
        %parallel_loop3A_1468 = arith.constant 32 : i32
        %parallel_loop3A_1469 = arith.addi %parallel_loop3A_1467, %parallel_loop3A_1468 : i32
        %parallel_loop3A_1470 = arith.index_cast %parallel_loop3A_1469 : i32 to index
        %parallel_loop3A_1471 = tpu.vector_load %arg16[%parallel_loop3A_1470] {strides = array<i32>} : memref<8192xf32, #tpu.memory_space<vmem>>, vector<16xf32>,
        tpu.vector_store %arg16[%parallel_loop3A_1470], %parallel_loop3A_1465 {strides = array<i32>} : memref<8192xf32, #tpu.memory_space<vmem>>, vector<16xf32>,
        %parallel_loop3A_1472 = arith.constant 48 : i32
        %parallel_loop3A_1473 = arith.addi %parallel_loop3A_1400, %parallel_loop3A_1472 : i32
        %parallel_loop3A_1474 = arith.index_cast %parallel_loop3A_1473 : i32 to index
        %parallel_loop3A_1475 = tpu.vector_load %arg9[%parallel_loop3A_1474] {strides = array<i32>} : memref<43008xf32, #tpu.memory_space<vmem>>, vector<16xf32>,
        %parallel_loop3A_1476 = arith.constant 48 : i32
        %parallel_loop3A_1477 = arith.addi %parallel_loop3A_1402, %parallel_loop3A_1476 : i32
        %parallel_loop3A_1478 = arith.index_cast %parallel_loop3A_1477 : i32 to index
        %parallel_loop3A_1479 = tpu.vector_load %arg10[%parallel_loop3A_1478] {strides = array<i32>} : memref<6144xf32, #tpu.memory_space<vmem>>, vector<16xf32>,
        %parallel_loop3A_1480 = arith.constant 48 : i32
        %parallel_loop3A_1481 = vector.broadcast %parallel_loop3A_1480 : i32 to vector<16xi32>
        %parallel_loop3A_1482 = arith.addi %iota3A, %parallel_loop3A_1481 : vector<16xi32>
        %parallel_loop3A_1483 = tpu.vector_load_idx %arg14[%parallel_loop3A_1405, %parallel_loop3A_1482] : memref<128x128xf32, #tpu.memory_space<vmem>>[vector<16xi32>, vector<16xi32>], vector<16xf32>,
        %parallel_loop3A_1484 = arith.addf %parallel_loop3A_1475, %parallel_loop3A_1479 : vector<16xf32>
        %parallel_loop3A_1485 = vector.broadcast %parallel_loop3A_1404 : f32 to vector<16xf32>
        %parallel_loop3A_1486 = arith.mulf %parallel_loop3A_1483, %parallel_loop3A_1485 : vector<16xf32>
        %parallel_loop3A_1487 = arith.addf %parallel_loop3A_1484, %parallel_loop3A_1486 : vector<16xf32>
        %parallel_loop3A_1488 = arith.constant 64 : i32
        %parallel_loop3A_1489 = arith.muli %parallel_loop3A_1398, %parallel_loop3A_1488 : i32
        %parallel_loop3A_1490 = arith.constant 48 : i32
        %parallel_loop3A_1491 = arith.addi %parallel_loop3A_1489, %parallel_loop3A_1490 : i32
        %parallel_loop3A_1492 = arith.index_cast %parallel_loop3A_1491 : i32 to index
        %parallel_loop3A_1493 = tpu.vector_load %arg16[%parallel_loop3A_1492] {strides = array<i32>} : memref<8192xf32, #tpu.memory_space<vmem>>, vector<16xf32>,
        tpu.vector_store %arg16[%parallel_loop3A_1492], %parallel_loop3A_1487 {strides = array<i32>} : memref<8192xf32, #tpu.memory_space<vmem>>, vector<16xf32>,
        %parallel_loop3A_1494 = arith.constant 16 : i32
        %parallel_loop3A_1495 = arith.muli %parallel_loop3A_82, %parallel_loop3A_1494 : i32
        %parallel_loop3A_1496 = arith.constant 14 : i32
        %parallel_loop3A_1497 = arith.addi %parallel_loop3A_1495, %parallel_loop3A_1496 : i32
        %parallel_loop3A_1498 = vector.extract_strided_slice %parallel_loop3A_92 {offsets = [14], sizes = [1], strides = [1]} : vector<16xi32> to vector<1xi32>
        %parallel_loop3A_1499 = vector.extract %parallel_loop3A_1498[0] : i32 from vector<1xi32>
        %parallel_loop3A_1500 = vector.extract_strided_slice %parallel_loop3A_97 {offsets = [14], sizes = [1], strides = [1]} : vector<16xi32> to vector<1xi32>
        %parallel_loop3A_1501 = vector.extract %parallel_loop3A_1500[0] : i32 from vector<1xi32>
        %parallel_loop3A_1502 = vector.extract_strided_slice %parallel_loop3A_107 {offsets = [14], sizes = [1], strides = [1]} : vector<16xf32> to vector<1xf32>
        %parallel_loop3A_1503 = vector.extract %parallel_loop3A_1502[0] : f32 from vector<1xf32>
        %parallel_loop3A_1504 = vector.broadcast %parallel_loop3A_1497 : i32 to vector<16xi32>
        %parallel_loop3A_1505 = arith.constant 0 : i32
        %parallel_loop3A_1506 = arith.addi %parallel_loop3A_1499, %parallel_loop3A_1505 : i32
        %parallel_loop3A_1507 = arith.index_cast %parallel_loop3A_1506 : i32 to index
        %parallel_loop3A_1508 = tpu.vector_load %arg9[%parallel_loop3A_1507] {strides = array<i32>} : memref<43008xf32, #tpu.memory_space<vmem>>, vector<16xf32>,
        %parallel_loop3A_1509 = arith.constant 0 : i32
        %parallel_loop3A_1510 = arith.addi %parallel_loop3A_1501, %parallel_loop3A_1509 : i32
        %parallel_loop3A_1511 = arith.index_cast %parallel_loop3A_1510 : i32 to index
        %parallel_loop3A_1512 = tpu.vector_load %arg10[%parallel_loop3A_1511] {strides = array<i32>} : memref<6144xf32, #tpu.memory_space<vmem>>, vector<16xf32>,
        %parallel_loop3A_1513 = arith.constant 0 : i32
        %parallel_loop3A_1514 = vector.broadcast %parallel_loop3A_1513 : i32 to vector<16xi32>
        %parallel_loop3A_1515 = arith.addi %iota3A, %parallel_loop3A_1514 : vector<16xi32>
        %parallel_loop3A_1516 = tpu.vector_load_idx %arg14[%parallel_loop3A_1504, %parallel_loop3A_1515] : memref<128x128xf32, #tpu.memory_space<vmem>>[vector<16xi32>, vector<16xi32>], vector<16xf32>,
        %parallel_loop3A_1517 = arith.addf %parallel_loop3A_1508, %parallel_loop3A_1512 : vector<16xf32>
        %parallel_loop3A_1518 = vector.broadcast %parallel_loop3A_1503 : f32 to vector<16xf32>
        %parallel_loop3A_1519 = arith.mulf %parallel_loop3A_1516, %parallel_loop3A_1518 : vector<16xf32>
        %parallel_loop3A_1520 = arith.addf %parallel_loop3A_1517, %parallel_loop3A_1519 : vector<16xf32>
        %parallel_loop3A_1521 = arith.constant 64 : i32
        %parallel_loop3A_1522 = arith.muli %parallel_loop3A_1497, %parallel_loop3A_1521 : i32
        %parallel_loop3A_1523 = arith.constant 0 : i32
        %parallel_loop3A_1524 = arith.addi %parallel_loop3A_1522, %parallel_loop3A_1523 : i32
        %parallel_loop3A_1525 = arith.index_cast %parallel_loop3A_1524 : i32 to index
        %parallel_loop3A_1526 = tpu.vector_load %arg16[%parallel_loop3A_1525] {strides = array<i32>} : memref<8192xf32, #tpu.memory_space<vmem>>, vector<16xf32>,
        tpu.vector_store %arg16[%parallel_loop3A_1525], %parallel_loop3A_1520 {strides = array<i32>} : memref<8192xf32, #tpu.memory_space<vmem>>, vector<16xf32>,
        %parallel_loop3A_1527 = arith.constant 16 : i32
        %parallel_loop3A_1528 = arith.addi %parallel_loop3A_1499, %parallel_loop3A_1527 : i32
        %parallel_loop3A_1529 = arith.index_cast %parallel_loop3A_1528 : i32 to index
        %parallel_loop3A_1530 = tpu.vector_load %arg9[%parallel_loop3A_1529] {strides = array<i32>} : memref<43008xf32, #tpu.memory_space<vmem>>, vector<16xf32>,
        %parallel_loop3A_1531 = arith.constant 16 : i32
        %parallel_loop3A_1532 = arith.addi %parallel_loop3A_1501, %parallel_loop3A_1531 : i32
        %parallel_loop3A_1533 = arith.index_cast %parallel_loop3A_1532 : i32 to index
        %parallel_loop3A_1534 = tpu.vector_load %arg10[%parallel_loop3A_1533] {strides = array<i32>} : memref<6144xf32, #tpu.memory_space<vmem>>, vector<16xf32>,
        %parallel_loop3A_1535 = arith.constant 16 : i32
        %parallel_loop3A_1536 = vector.broadcast %parallel_loop3A_1535 : i32 to vector<16xi32>
        %parallel_loop3A_1537 = arith.addi %iota3A, %parallel_loop3A_1536 : vector<16xi32>
        %parallel_loop3A_1538 = tpu.vector_load_idx %arg14[%parallel_loop3A_1504, %parallel_loop3A_1537] : memref<128x128xf32, #tpu.memory_space<vmem>>[vector<16xi32>, vector<16xi32>], vector<16xf32>,
        %parallel_loop3A_1539 = arith.addf %parallel_loop3A_1530, %parallel_loop3A_1534 : vector<16xf32>
        %parallel_loop3A_1540 = vector.broadcast %parallel_loop3A_1503 : f32 to vector<16xf32>
        %parallel_loop3A_1541 = arith.mulf %parallel_loop3A_1538, %parallel_loop3A_1540 : vector<16xf32>
        %parallel_loop3A_1542 = arith.addf %parallel_loop3A_1539, %parallel_loop3A_1541 : vector<16xf32>
        %parallel_loop3A_1543 = arith.constant 64 : i32
        %parallel_loop3A_1544 = arith.muli %parallel_loop3A_1497, %parallel_loop3A_1543 : i32
        %parallel_loop3A_1545 = arith.constant 16 : i32
        %parallel_loop3A_1546 = arith.addi %parallel_loop3A_1544, %parallel_loop3A_1545 : i32
        %parallel_loop3A_1547 = arith.index_cast %parallel_loop3A_1546 : i32 to index
        %parallel_loop3A_1548 = tpu.vector_load %arg16[%parallel_loop3A_1547] {strides = array<i32>} : memref<8192xf32, #tpu.memory_space<vmem>>, vector<16xf32>,
        tpu.vector_store %arg16[%parallel_loop3A_1547], %parallel_loop3A_1542 {strides = array<i32>} : memref<8192xf32, #tpu.memory_space<vmem>>, vector<16xf32>,
        %parallel_loop3A_1549 = arith.constant 32 : i32
        %parallel_loop3A_1550 = arith.addi %parallel_loop3A_1499, %parallel_loop3A_1549 : i32
        %parallel_loop3A_1551 = arith.index_cast %parallel_loop3A_1550 : i32 to index
        %parallel_loop3A_1552 = tpu.vector_load %arg9[%parallel_loop3A_1551] {strides = array<i32>} : memref<43008xf32, #tpu.memory_space<vmem>>, vector<16xf32>,
        %parallel_loop3A_1553 = arith.constant 32 : i32
        %parallel_loop3A_1554 = arith.addi %parallel_loop3A_1501, %parallel_loop3A_1553 : i32
        %parallel_loop3A_1555 = arith.index_cast %parallel_loop3A_1554 : i32 to index
        %parallel_loop3A_1556 = tpu.vector_load %arg10[%parallel_loop3A_1555] {strides = array<i32>} : memref<6144xf32, #tpu.memory_space<vmem>>, vector<16xf32>,
        %parallel_loop3A_1557 = arith.constant 32 : i32
        %parallel_loop3A_1558 = vector.broadcast %parallel_loop3A_1557 : i32 to vector<16xi32>
        %parallel_loop3A_1559 = arith.addi %iota3A, %parallel_loop3A_1558 : vector<16xi32>
        %parallel_loop3A_1560 = tpu.vector_load_idx %arg14[%parallel_loop3A_1504, %parallel_loop3A_1559] : memref<128x128xf32, #tpu.memory_space<vmem>>[vector<16xi32>, vector<16xi32>], vector<16xf32>,
        %parallel_loop3A_1561 = arith.addf %parallel_loop3A_1552, %parallel_loop3A_1556 : vector<16xf32>
        %parallel_loop3A_1562 = vector.broadcast %parallel_loop3A_1503 : f32 to vector<16xf32>
        %parallel_loop3A_1563 = arith.mulf %parallel_loop3A_1560, %parallel_loop3A_1562 : vector<16xf32>
        %parallel_loop3A_1564 = arith.addf %parallel_loop3A_1561, %parallel_loop3A_1563 : vector<16xf32>
        %parallel_loop3A_1565 = arith.constant 64 : i32
        %parallel_loop3A_1566 = arith.muli %parallel_loop3A_1497, %parallel_loop3A_1565 : i32
        %parallel_loop3A_1567 = arith.constant 32 : i32
        %parallel_loop3A_1568 = arith.addi %parallel_loop3A_1566, %parallel_loop3A_1567 : i32
        %parallel_loop3A_1569 = arith.index_cast %parallel_loop3A_1568 : i32 to index
        %parallel_loop3A_1570 = tpu.vector_load %arg16[%parallel_loop3A_1569] {strides = array<i32>} : memref<8192xf32, #tpu.memory_space<vmem>>, vector<16xf32>,
        tpu.vector_store %arg16[%parallel_loop3A_1569], %parallel_loop3A_1564 {strides = array<i32>} : memref<8192xf32, #tpu.memory_space<vmem>>, vector<16xf32>,
        %parallel_loop3A_1571 = arith.constant 48 : i32
        %parallel_loop3A_1572 = arith.addi %parallel_loop3A_1499, %parallel_loop3A_1571 : i32
        %parallel_loop3A_1573 = arith.index_cast %parallel_loop3A_1572 : i32 to index
        %parallel_loop3A_1574 = tpu.vector_load %arg9[%parallel_loop3A_1573] {strides = array<i32>} : memref<43008xf32, #tpu.memory_space<vmem>>, vector<16xf32>,
        %parallel_loop3A_1575 = arith.constant 48 : i32
        %parallel_loop3A_1576 = arith.addi %parallel_loop3A_1501, %parallel_loop3A_1575 : i32
        %parallel_loop3A_1577 = arith.index_cast %parallel_loop3A_1576 : i32 to index
        %parallel_loop3A_1578 = tpu.vector_load %arg10[%parallel_loop3A_1577] {strides = array<i32>} : memref<6144xf32, #tpu.memory_space<vmem>>, vector<16xf32>,
        %parallel_loop3A_1579 = arith.constant 48 : i32
        %parallel_loop3A_1580 = vector.broadcast %parallel_loop3A_1579 : i32 to vector<16xi32>
        %parallel_loop3A_1581 = arith.addi %iota3A, %parallel_loop3A_1580 : vector<16xi32>
        %parallel_loop3A_1582 = tpu.vector_load_idx %arg14[%parallel_loop3A_1504, %parallel_loop3A_1581] : memref<128x128xf32, #tpu.memory_space<vmem>>[vector<16xi32>, vector<16xi32>], vector<16xf32>,
        %parallel_loop3A_1583 = arith.addf %parallel_loop3A_1574, %parallel_loop3A_1578 : vector<16xf32>
        %parallel_loop3A_1584 = vector.broadcast %parallel_loop3A_1503 : f32 to vector<16xf32>
        %parallel_loop3A_1585 = arith.mulf %parallel_loop3A_1582, %parallel_loop3A_1584 : vector<16xf32>
        %parallel_loop3A_1586 = arith.addf %parallel_loop3A_1583, %parallel_loop3A_1585 : vector<16xf32>
        %parallel_loop3A_1587 = arith.constant 64 : i32
        %parallel_loop3A_1588 = arith.muli %parallel_loop3A_1497, %parallel_loop3A_1587 : i32
        %parallel_loop3A_1589 = arith.constant 48 : i32
        %parallel_loop3A_1590 = arith.addi %parallel_loop3A_1588, %parallel_loop3A_1589 : i32
        %parallel_loop3A_1591 = arith.index_cast %parallel_loop3A_1590 : i32 to index
        %parallel_loop3A_1592 = tpu.vector_load %arg16[%parallel_loop3A_1591] {strides = array<i32>} : memref<8192xf32, #tpu.memory_space<vmem>>, vector<16xf32>,
        tpu.vector_store %arg16[%parallel_loop3A_1591], %parallel_loop3A_1586 {strides = array<i32>} : memref<8192xf32, #tpu.memory_space<vmem>>, vector<16xf32>,
        %parallel_loop3A_1593 = arith.constant 16 : i32
        %parallel_loop3A_1594 = arith.muli %parallel_loop3A_82, %parallel_loop3A_1593 : i32
        %parallel_loop3A_1595 = arith.constant 15 : i32
        %parallel_loop3A_1596 = arith.addi %parallel_loop3A_1594, %parallel_loop3A_1595 : i32
        %parallel_loop3A_1597 = vector.extract_strided_slice %parallel_loop3A_92 {offsets = [15], sizes = [1], strides = [1]} : vector<16xi32> to vector<1xi32>
        %parallel_loop3A_1598 = vector.extract %parallel_loop3A_1597[0] : i32 from vector<1xi32>
        %parallel_loop3A_1599 = vector.extract_strided_slice %parallel_loop3A_97 {offsets = [15], sizes = [1], strides = [1]} : vector<16xi32> to vector<1xi32>
        %parallel_loop3A_1600 = vector.extract %parallel_loop3A_1599[0] : i32 from vector<1xi32>
        %parallel_loop3A_1601 = vector.extract_strided_slice %parallel_loop3A_107 {offsets = [15], sizes = [1], strides = [1]} : vector<16xf32> to vector<1xf32>
        %parallel_loop3A_1602 = vector.extract %parallel_loop3A_1601[0] : f32 from vector<1xf32>
        %parallel_loop3A_1603 = vector.broadcast %parallel_loop3A_1596 : i32 to vector<16xi32>
        %parallel_loop3A_1604 = arith.constant 0 : i32
        %parallel_loop3A_1605 = arith.addi %parallel_loop3A_1598, %parallel_loop3A_1604 : i32
        %parallel_loop3A_1606 = arith.index_cast %parallel_loop3A_1605 : i32 to index
        %parallel_loop3A_1607 = tpu.vector_load %arg9[%parallel_loop3A_1606] {strides = array<i32>} : memref<43008xf32, #tpu.memory_space<vmem>>, vector<16xf32>,
        %parallel_loop3A_1608 = arith.constant 0 : i32
        %parallel_loop3A_1609 = arith.addi %parallel_loop3A_1600, %parallel_loop3A_1608 : i32
        %parallel_loop3A_1610 = arith.index_cast %parallel_loop3A_1609 : i32 to index
        %parallel_loop3A_1611 = tpu.vector_load %arg10[%parallel_loop3A_1610] {strides = array<i32>} : memref<6144xf32, #tpu.memory_space<vmem>>, vector<16xf32>,
        %parallel_loop3A_1612 = arith.constant 0 : i32
        %parallel_loop3A_1613 = vector.broadcast %parallel_loop3A_1612 : i32 to vector<16xi32>
        %parallel_loop3A_1614 = arith.addi %iota3A, %parallel_loop3A_1613 : vector<16xi32>
        %parallel_loop3A_1615 = tpu.vector_load_idx %arg14[%parallel_loop3A_1603, %parallel_loop3A_1614] : memref<128x128xf32, #tpu.memory_space<vmem>>[vector<16xi32>, vector<16xi32>], vector<16xf32>,
        %parallel_loop3A_1616 = arith.addf %parallel_loop3A_1607, %parallel_loop3A_1611 : vector<16xf32>
        %parallel_loop3A_1617 = vector.broadcast %parallel_loop3A_1602 : f32 to vector<16xf32>
        %parallel_loop3A_1618 = arith.mulf %parallel_loop3A_1615, %parallel_loop3A_1617 : vector<16xf32>
        %parallel_loop3A_1619 = arith.addf %parallel_loop3A_1616, %parallel_loop3A_1618 : vector<16xf32>
        %parallel_loop3A_1620 = arith.constant 64 : i32
        %parallel_loop3A_1621 = arith.muli %parallel_loop3A_1596, %parallel_loop3A_1620 : i32
        %parallel_loop3A_1622 = arith.constant 0 : i32
        %parallel_loop3A_1623 = arith.addi %parallel_loop3A_1621, %parallel_loop3A_1622 : i32
        %parallel_loop3A_1624 = arith.index_cast %parallel_loop3A_1623 : i32 to index
        %parallel_loop3A_1625 = tpu.vector_load %arg16[%parallel_loop3A_1624] {strides = array<i32>} : memref<8192xf32, #tpu.memory_space<vmem>>, vector<16xf32>,
        tpu.vector_store %arg16[%parallel_loop3A_1624], %parallel_loop3A_1619 {strides = array<i32>} : memref<8192xf32, #tpu.memory_space<vmem>>, vector<16xf32>,
        %parallel_loop3A_1626 = arith.constant 16 : i32
        %parallel_loop3A_1627 = arith.addi %parallel_loop3A_1598, %parallel_loop3A_1626 : i32
        %parallel_loop3A_1628 = arith.index_cast %parallel_loop3A_1627 : i32 to index
        %parallel_loop3A_1629 = tpu.vector_load %arg9[%parallel_loop3A_1628] {strides = array<i32>} : memref<43008xf32, #tpu.memory_space<vmem>>, vector<16xf32>,
        %parallel_loop3A_1630 = arith.constant 16 : i32
        %parallel_loop3A_1631 = arith.addi %parallel_loop3A_1600, %parallel_loop3A_1630 : i32
        %parallel_loop3A_1632 = arith.index_cast %parallel_loop3A_1631 : i32 to index
        %parallel_loop3A_1633 = tpu.vector_load %arg10[%parallel_loop3A_1632] {strides = array<i32>} : memref<6144xf32, #tpu.memory_space<vmem>>, vector<16xf32>,
        %parallel_loop3A_1634 = arith.constant 16 : i32
        %parallel_loop3A_1635 = vector.broadcast %parallel_loop3A_1634 : i32 to vector<16xi32>
        %parallel_loop3A_1636 = arith.addi %iota3A, %parallel_loop3A_1635 : vector<16xi32>
        %parallel_loop3A_1637 = tpu.vector_load_idx %arg14[%parallel_loop3A_1603, %parallel_loop3A_1636] : memref<128x128xf32, #tpu.memory_space<vmem>>[vector<16xi32>, vector<16xi32>], vector<16xf32>,
        %parallel_loop3A_1638 = arith.addf %parallel_loop3A_1629, %parallel_loop3A_1633 : vector<16xf32>
        %parallel_loop3A_1639 = vector.broadcast %parallel_loop3A_1602 : f32 to vector<16xf32>
        %parallel_loop3A_1640 = arith.mulf %parallel_loop3A_1637, %parallel_loop3A_1639 : vector<16xf32>
        %parallel_loop3A_1641 = arith.addf %parallel_loop3A_1638, %parallel_loop3A_1640 : vector<16xf32>
        %parallel_loop3A_1642 = arith.constant 64 : i32
        %parallel_loop3A_1643 = arith.muli %parallel_loop3A_1596, %parallel_loop3A_1642 : i32
        %parallel_loop3A_1644 = arith.constant 16 : i32
        %parallel_loop3A_1645 = arith.addi %parallel_loop3A_1643, %parallel_loop3A_1644 : i32
        %parallel_loop3A_1646 = arith.index_cast %parallel_loop3A_1645 : i32 to index
        %parallel_loop3A_1647 = tpu.vector_load %arg16[%parallel_loop3A_1646] {strides = array<i32>} : memref<8192xf32, #tpu.memory_space<vmem>>, vector<16xf32>,
        tpu.vector_store %arg16[%parallel_loop3A_1646], %parallel_loop3A_1641 {strides = array<i32>} : memref<8192xf32, #tpu.memory_space<vmem>>, vector<16xf32>,
        %parallel_loop3A_1648 = arith.constant 32 : i32
        %parallel_loop3A_1649 = arith.addi %parallel_loop3A_1598, %parallel_loop3A_1648 : i32
        %parallel_loop3A_1650 = arith.index_cast %parallel_loop3A_1649 : i32 to index
        %parallel_loop3A_1651 = tpu.vector_load %arg9[%parallel_loop3A_1650] {strides = array<i32>} : memref<43008xf32, #tpu.memory_space<vmem>>, vector<16xf32>,
        %parallel_loop3A_1652 = arith.constant 32 : i32
        %parallel_loop3A_1653 = arith.addi %parallel_loop3A_1600, %parallel_loop3A_1652 : i32
        %parallel_loop3A_1654 = arith.index_cast %parallel_loop3A_1653 : i32 to index
        %parallel_loop3A_1655 = tpu.vector_load %arg10[%parallel_loop3A_1654] {strides = array<i32>} : memref<6144xf32, #tpu.memory_space<vmem>>, vector<16xf32>,
        %parallel_loop3A_1656 = arith.constant 32 : i32
        %parallel_loop3A_1657 = vector.broadcast %parallel_loop3A_1656 : i32 to vector<16xi32>
        %parallel_loop3A_1658 = arith.addi %iota3A, %parallel_loop3A_1657 : vector<16xi32>
        %parallel_loop3A_1659 = tpu.vector_load_idx %arg14[%parallel_loop3A_1603, %parallel_loop3A_1658] : memref<128x128xf32, #tpu.memory_space<vmem>>[vector<16xi32>, vector<16xi32>], vector<16xf32>,
        %parallel_loop3A_1660 = arith.addf %parallel_loop3A_1651, %parallel_loop3A_1655 : vector<16xf32>
        %parallel_loop3A_1661 = vector.broadcast %parallel_loop3A_1602 : f32 to vector<16xf32>
        %parallel_loop3A_1662 = arith.mulf %parallel_loop3A_1659, %parallel_loop3A_1661 : vector<16xf32>
        %parallel_loop3A_1663 = arith.addf %parallel_loop3A_1660, %parallel_loop3A_1662 : vector<16xf32>
        %parallel_loop3A_1664 = arith.constant 64 : i32
        %parallel_loop3A_1665 = arith.muli %parallel_loop3A_1596, %parallel_loop3A_1664 : i32
        %parallel_loop3A_1666 = arith.constant 32 : i32
        %parallel_loop3A_1667 = arith.addi %parallel_loop3A_1665, %parallel_loop3A_1666 : i32
        %parallel_loop3A_1668 = arith.index_cast %parallel_loop3A_1667 : i32 to index
        %parallel_loop3A_1669 = tpu.vector_load %arg16[%parallel_loop3A_1668] {strides = array<i32>} : memref<8192xf32, #tpu.memory_space<vmem>>, vector<16xf32>,
        tpu.vector_store %arg16[%parallel_loop3A_1668], %parallel_loop3A_1663 {strides = array<i32>} : memref<8192xf32, #tpu.memory_space<vmem>>, vector<16xf32>,
        %parallel_loop3A_1670 = arith.constant 48 : i32
        %parallel_loop3A_1671 = arith.addi %parallel_loop3A_1598, %parallel_loop3A_1670 : i32
        %parallel_loop3A_1672 = arith.index_cast %parallel_loop3A_1671 : i32 to index
        %parallel_loop3A_1673 = tpu.vector_load %arg9[%parallel_loop3A_1672] {strides = array<i32>} : memref<43008xf32, #tpu.memory_space<vmem>>, vector<16xf32>,
        %parallel_loop3A_1674 = arith.constant 48 : i32
        %parallel_loop3A_1675 = arith.addi %parallel_loop3A_1600, %parallel_loop3A_1674 : i32
        %parallel_loop3A_1676 = arith.index_cast %parallel_loop3A_1675 : i32 to index
        %parallel_loop3A_1677 = tpu.vector_load %arg10[%parallel_loop3A_1676] {strides = array<i32>} : memref<6144xf32, #tpu.memory_space<vmem>>, vector<16xf32>,
        %parallel_loop3A_1678 = arith.constant 48 : i32
        %parallel_loop3A_1679 = vector.broadcast %parallel_loop3A_1678 : i32 to vector<16xi32>
        %parallel_loop3A_1680 = arith.addi %iota3A, %parallel_loop3A_1679 : vector<16xi32>
        %parallel_loop3A_1681 = tpu.vector_load_idx %arg14[%parallel_loop3A_1603, %parallel_loop3A_1680] : memref<128x128xf32, #tpu.memory_space<vmem>>[vector<16xi32>, vector<16xi32>], vector<16xf32>,
        %parallel_loop3A_1682 = arith.addf %parallel_loop3A_1673, %parallel_loop3A_1677 : vector<16xf32>
        %parallel_loop3A_1683 = vector.broadcast %parallel_loop3A_1602 : f32 to vector<16xf32>
        %parallel_loop3A_1684 = arith.mulf %parallel_loop3A_1681, %parallel_loop3A_1683 : vector<16xf32>
        %parallel_loop3A_1685 = arith.addf %parallel_loop3A_1682, %parallel_loop3A_1684 : vector<16xf32>
        %parallel_loop3A_1686 = arith.constant 64 : i32
        %parallel_loop3A_1687 = arith.muli %parallel_loop3A_1596, %parallel_loop3A_1686 : i32
        %parallel_loop3A_1688 = arith.constant 48 : i32
        %parallel_loop3A_1689 = arith.addi %parallel_loop3A_1687, %parallel_loop3A_1688 : i32
        %parallel_loop3A_1690 = arith.index_cast %parallel_loop3A_1689 : i32 to index
        %parallel_loop3A_1691 = tpu.vector_load %arg16[%parallel_loop3A_1690] {strides = array<i32>} : memref<8192xf32, #tpu.memory_space<vmem>>, vector<16xf32>,
        tpu.vector_store %arg16[%parallel_loop3A_1690], %parallel_loop3A_1685 {strides = array<i32>} : memref<8192xf32, #tpu.memory_space<vmem>>, vector<16xf32>,
      } {sc.loop_unroll_factor = 2 : i64, sc.parallel_access}
      %mul3A_39 = arith.constant 128 : i32
      %mul3A_40 = arith.muli %add3A_28, %mul3A_39 : i32
      %add3A_41 = arith.addi %mul3A_2, %mul3A_40 : i32
      %mul3A_42 = arith.constant 64 : i32
      %mul3A_43 = arith.muli %add3A_41, %mul3A_42 : i32
      %dma_start3A_44 = tpu.memref_slice %arg8[%mul3A_43] : memref<13107200xf32, #tpu.memory_space<hbm>> -> memref<8192xf32, #tpu.memory_space<hbm>>
      %dma_start3A_45 = tpu.memref_slice %arg8[%mul3A_43] : memref<13107200xf32, #tpu.memory_space<hbm>> -> memref<8192xf32, #tpu.memory_space<hbm>>
      tpu.enqueue_dma source(%arg16 : memref<8192xf32, #tpu.memory_space<vmem>>) target(%dma_start3A_45 : memref<8192xf32, #tpu.memory_space<hbm>>) target_semaphore(%arg20 : memref<!tpu.dma_semaphore, #tpu.memory_space<semaphore_mem>>)
      %add3A_46 = arith.constant 2 : i32
      %add3A_47 = arith.addi %add3A_28, %add3A_46 : i32
      %lt3A = arith.constant 50 : i32
      %lt3A_48 = arith.cmpi slt, %add3A_47, %lt3A : i32
      %convert_element_type3A_49 = arith.extui %lt3A_48 : i1 to i32
      %cond3A_50 = arith.constant 0 : i32
      %cond3A_51 = arith.cmpi ne, %convert_element_type3A_49, %cond3A_50 : i32
      scf.if %cond3A_51 {
        %add3A_82 = arith.constant 2 : i32
        %add3A_83 = arith.addi %add3A_28, %add3A_82 : i32
        %mul3A_84 = arith.constant 128 : i32
        %mul3A_85 = arith.muli %add3A_83, %mul3A_84 : i32
        %dma_start3A_86 = tpu.memref_slice %arg11[%mul3A_85] : memref<6400xi32, #tpu.memory_space<vmem>> -> memref<128xi32, #tpu.memory_space<vmem>>
        %dma_start3A_87 = arith.constant 0 : i32
        %dma_start3A_88 = arith.constant 0 : i32
        %dma_start3A_89 = tpu.memref_slice %arg2[%dma_start3A_87, %dma_start3A_88] : memref<1000000x128xf32, #tpu.memory_space<hbm>> -> memref<1000000x128xf32, #tpu.memory_space<hbm>>
        tpu.enqueue_indirect_dma source(%dma_start3A_89 : memref<1000000x128xf32, #tpu.memory_space<hbm>>) target(%arg14 : memref<128x128xf32, #tpu.memory_space<vmem>>) offsets(%dma_start3A_86 : memref<128xi32, #tpu.memory_space<vmem>>) semaphore(%arg18 : memref<!tpu.dma_semaphore, #tpu.memory_space<semaphore_mem>>)
      } else {
      }
      %add3A_52 = arith.constant 1 : i32
      %add3A_53 = arith.addi %mul3A_26, %add3A_52 : i32
      %mul3A_54 = arith.constant 128 : i32
      %mul3A_55 = arith.muli %add3A_53, %mul3A_54 : i32
      %dma_wait3A_56 = tpu.memref_slice %arg11[%mul3A_55] : memref<6400xi32, #tpu.memory_space<vmem>> -> memref<128xi32, #tpu.memory_space<vmem>>
      %dma_wait3A_57 = arith.constant 0 : i32
      %dma_wait3A_58 = arith.constant 0 : i32
      %dma_wait3A_59 = tpu.memref_slice %arg2[%dma_wait3A_57, %dma_wait3A_58] : memref<1000000x128xf32, #tpu.memory_space<hbm>> -> memref<1000000x128xf32, #tpu.memory_space<hbm>>
      tpu.wait_indirect_dma semaphore(%arg19 : memref<!tpu.dma_semaphore, #tpu.memory_space<semaphore_mem>>) src(%dma_wait3A_59 : memref<1000000x128xf32, #tpu.memory_space<hbm>>) dst(%arg15 : memref<128x128xf32, #tpu.memory_space<vmem>>)
      %ge3A_60 = arith.constant 2 : i32
      %ge3A_61 = arith.cmpi sge, %add3A_53, %ge3A_60 : i32
      %convert_element_type3A_62 = arith.extui %ge3A_61 : i1 to i32
      %cond3A_63 = arith.constant 0 : i32
      %cond3A_64 = arith.cmpi ne, %convert_element_type3A_62, %cond3A_63 : i32
      scf.if %cond3A_64 {
        %dma_wait3A_82 = arith.constant 0 : i32
        %dma_wait3A_83 = tpu.memref_slice %arg8[%dma_wait3A_82] : memref<13107200xf32, #tpu.memory_space<hbm>> -> memref<8192xf32, #tpu.memory_space<hbm>>
        %dma_wait3A_84 = arith.constant 0 : i32
        %dma_wait3A_85 = tpu.memref_slice %arg8[%dma_wait3A_84] : memref<13107200xf32, #tpu.memory_space<hbm>> -> memref<8192xf32, #tpu.memory_space<hbm>>
        tpu.wait_dma2 semaphore(%arg21 : memref<!tpu.dma_semaphore, #tpu.memory_space<semaphore_mem>>) src(%arg17 : memref<8192xf32, #tpu.memory_space<vmem>>) dst(%dma_wait3A_85 : memref<8192xf32, #tpu.memory_space<hbm>>)
      } else {
      }
      %parallel_loop3A_65 = arith.constant 0 : i32
      %parallel_loop3A_66 = arith.constant 8 : i32
      %parallel_loop3A_67 = arith.constant 1 : i32
      scf.for %parallel_loop3A_82 = %parallel_loop3A_65 to %parallel_loop3A_66 step %parallel_loop3A_67  : i32 {
        %parallel_loop3A_83 = arith.constant 128 : i32
        %parallel_loop3A_84 = arith.muli %add3A_53, %parallel_loop3A_83 : i32
        %parallel_loop3A_85 = arith.constant 16 : i32
        %parallel_loop3A_86 = arith.muli %parallel_loop3A_82, %parallel_loop3A_85 : i32
        %parallel_loop3A_87 = arith.addi %parallel_loop3A_84, %parallel_loop3A_86 : i32
        %parallel_loop3A_88 = arith.index_cast %parallel_loop3A_87 : i32 to index
        %parallel_loop3A_89 = tpu.vector_load %arg12[%parallel_loop3A_88] {strides = array<i32>} : memref<6400xi32, #tpu.memory_space<vmem>>, vector<16xi32>,
        %parallel_loop3A_90 = arith.constant 64 : i32
        %parallel_loop3A_91 = vector.broadcast %parallel_loop3A_90 : i32 to vector<16xi32>
        %parallel_loop3A_92 = arith.muli %parallel_loop3A_89, %parallel_loop3A_91 : vector<16xi32>
        %parallel_loop3A_93 = arith.index_cast %parallel_loop3A_87 : i32 to index
        %parallel_loop3A_94 = tpu.vector_load %arg13[%parallel_loop3A_93] {strides = array<i32>} : memref<6400xi32, #tpu.memory_space<vmem>>, vector<16xi32>,
        %parallel_loop3A_95 = arith.constant 64 : i32
        %parallel_loop3A_96 = vector.broadcast %parallel_loop3A_95 : i32 to vector<16xi32>
        %parallel_loop3A_97 = arith.muli %parallel_loop3A_94, %parallel_loop3A_96 : vector<16xi32>
        %parallel_loop3A_98 = arith.index_cast %parallel_loop3A_87 : i32 to index
        %parallel_loop3A_99 = tpu.vector_load %arg11[%parallel_loop3A_98] {strides = array<i32>} : memref<6400xi32, #tpu.memory_space<vmem>>, vector<16xi32>,
        %parallel_loop3A_100 = arith.constant 0 : i32
        %parallel_loop3A_101 = vector.broadcast %parallel_loop3A_100 : i32 to vector<16xi32>
        %parallel_loop3A_102 = arith.cmpi eq, %parallel_loop3A_99, %parallel_loop3A_101 : vector<16xi32>
        %parallel_loop3A_103 = arith.constant 0.000000e+00 : f32
        %parallel_loop3A_104 = arith.constant 1.000000e+00 : f32
        %parallel_loop3A_105 = vector.broadcast %parallel_loop3A_103 : f32 to vector<16xf32>
        %parallel_loop3A_106 = vector.broadcast %parallel_loop3A_104 : f32 to vector<16xf32>
        %parallel_loop3A_107 = arith.select %parallel_loop3A_102, %parallel_loop3A_105, %parallel_loop3A_106 : vector<16xi1>, vector<16xf32>
        %parallel_loop3A_108 = arith.constant 16 : i32
        %parallel_loop3A_109 = arith.muli %parallel_loop3A_82, %parallel_loop3A_108 : i32
        %parallel_loop3A_110 = arith.constant 0 : i32
        %parallel_loop3A_111 = arith.addi %parallel_loop3A_109, %parallel_loop3A_110 : i32
        %parallel_loop3A_112 = vector.extract_strided_slice %parallel_loop3A_92 {offsets = [0], sizes = [1], strides = [1]} : vector<16xi32> to vector<1xi32>
        %parallel_loop3A_113 = vector.extract %parallel_loop3A_112[0] : i32 from vector<1xi32>
        %parallel_loop3A_114 = vector.extract_strided_slice %parallel_loop3A_97 {offsets = [0], sizes = [1], strides = [1]} : vector<16xi32> to vector<1xi32>
        %parallel_loop3A_115 = vector.extract %parallel_loop3A_114[0] : i32 from vector<1xi32>
        %parallel_loop3A_116 = vector.extract_strided_slice %parallel_loop3A_107 {offsets = [0], sizes = [1], strides = [1]} : vector<16xf32> to vector<1xf32>
        %parallel_loop3A_117 = vector.extract %parallel_loop3A_116[0] : f32 from vector<1xf32>
        %parallel_loop3A_118 = vector.broadcast %parallel_loop3A_111 : i32 to vector<16xi32>
        %parallel_loop3A_119 = arith.constant 0 : i32
        %parallel_loop3A_120 = arith.addi %parallel_loop3A_113, %parallel_loop3A_119 : i32
        %parallel_loop3A_121 = arith.index_cast %parallel_loop3A_120 : i32 to index
        %parallel_loop3A_122 = tpu.vector_load %arg9[%parallel_loop3A_121] {strides = array<i32>} : memref<43008xf32, #tpu.memory_space<vmem>>, vector<16xf32>,
        %parallel_loop3A_123 = arith.constant 0 : i32
        %parallel_loop3A_124 = arith.addi %parallel_loop3A_115, %parallel_loop3A_123 : i32
        %parallel_loop3A_125 = arith.index_cast %parallel_loop3A_124 : i32 to index
        %parallel_loop3A_126 = tpu.vector_load %arg10[%parallel_loop3A_125] {strides = array<i32>} : memref<6144xf32, #tpu.memory_space<vmem>>, vector<16xf32>,
        %parallel_loop3A_127 = arith.constant 0 : i32
        %parallel_loop3A_128 = vector.broadcast %parallel_loop3A_127 : i32 to vector<16xi32>
        %parallel_loop3A_129 = arith.addi %iota3A, %parallel_loop3A_128 : vector<16xi32>
        %parallel_loop3A_130 = tpu.vector_load_idx %arg15[%parallel_loop3A_118, %parallel_loop3A_129] : memref<128x128xf32, #tpu.memory_space<vmem>>[vector<16xi32>, vector<16xi32>], vector<16xf32>,
        %parallel_loop3A_131 = arith.addf %parallel_loop3A_122, %parallel_loop3A_126 : vector<16xf32>
        %parallel_loop3A_132 = vector.broadcast %parallel_loop3A_117 : f32 to vector<16xf32>
        %parallel_loop3A_133 = arith.mulf %parallel_loop3A_130, %parallel_loop3A_132 : vector<16xf32>
        %parallel_loop3A_134 = arith.addf %parallel_loop3A_131, %parallel_loop3A_133 : vector<16xf32>
        %parallel_loop3A_135 = arith.constant 64 : i32
        %parallel_loop3A_136 = arith.muli %parallel_loop3A_111, %parallel_loop3A_135 : i32
        %parallel_loop3A_137 = arith.constant 0 : i32
        %parallel_loop3A_138 = arith.addi %parallel_loop3A_136, %parallel_loop3A_137 : i32
        %parallel_loop3A_139 = arith.index_cast %parallel_loop3A_138 : i32 to index
        %parallel_loop3A_140 = tpu.vector_load %arg17[%parallel_loop3A_139] {strides = array<i32>} : memref<8192xf32, #tpu.memory_space<vmem>>, vector<16xf32>,
        tpu.vector_store %arg17[%parallel_loop3A_139], %parallel_loop3A_134 {strides = array<i32>} : memref<8192xf32, #tpu.memory_space<vmem>>, vector<16xf32>,
        %parallel_loop3A_141 = arith.constant 16 : i32
        %parallel_loop3A_142 = arith.addi %parallel_loop3A_113, %parallel_loop3A_141 : i32
        %parallel_loop3A_143 = arith.index_cast %parallel_loop3A_142 : i32 to index
        %parallel_loop3A_144 = tpu.vector_load %arg9[%parallel_loop3A_143] {strides = array<i32>} : memref<43008xf32, #tpu.memory_space<vmem>>, vector<16xf32>,
        %parallel_loop3A_145 = arith.constant 16 : i32
        %parallel_loop3A_146 = arith.addi %parallel_loop3A_115, %parallel_loop3A_145 : i32
        %parallel_loop3A_147 = arith.index_cast %parallel_loop3A_146 : i32 to index
        %parallel_loop3A_148 = tpu.vector_load %arg10[%parallel_loop3A_147] {strides = array<i32>} : memref<6144xf32, #tpu.memory_space<vmem>>, vector<16xf32>,
        %parallel_loop3A_149 = arith.constant 16 : i32
        %parallel_loop3A_150 = vector.broadcast %parallel_loop3A_149 : i32 to vector<16xi32>
        %parallel_loop3A_151 = arith.addi %iota3A, %parallel_loop3A_150 : vector<16xi32>
        %parallel_loop3A_152 = tpu.vector_load_idx %arg15[%parallel_loop3A_118, %parallel_loop3A_151] : memref<128x128xf32, #tpu.memory_space<vmem>>[vector<16xi32>, vector<16xi32>], vector<16xf32>,
        %parallel_loop3A_153 = arith.addf %parallel_loop3A_144, %parallel_loop3A_148 : vector<16xf32>
        %parallel_loop3A_154 = vector.broadcast %parallel_loop3A_117 : f32 to vector<16xf32>
        %parallel_loop3A_155 = arith.mulf %parallel_loop3A_152, %parallel_loop3A_154 : vector<16xf32>
        %parallel_loop3A_156 = arith.addf %parallel_loop3A_153, %parallel_loop3A_155 : vector<16xf32>
        %parallel_loop3A_157 = arith.constant 64 : i32
        %parallel_loop3A_158 = arith.muli %parallel_loop3A_111, %parallel_loop3A_157 : i32
        %parallel_loop3A_159 = arith.constant 16 : i32
        %parallel_loop3A_160 = arith.addi %parallel_loop3A_158, %parallel_loop3A_159 : i32
        %parallel_loop3A_161 = arith.index_cast %parallel_loop3A_160 : i32 to index
        %parallel_loop3A_162 = tpu.vector_load %arg17[%parallel_loop3A_161] {strides = array<i32>} : memref<8192xf32, #tpu.memory_space<vmem>>, vector<16xf32>,
        tpu.vector_store %arg17[%parallel_loop3A_161], %parallel_loop3A_156 {strides = array<i32>} : memref<8192xf32, #tpu.memory_space<vmem>>, vector<16xf32>,
        %parallel_loop3A_163 = arith.constant 32 : i32
        %parallel_loop3A_164 = arith.addi %parallel_loop3A_113, %parallel_loop3A_163 : i32
        %parallel_loop3A_165 = arith.index_cast %parallel_loop3A_164 : i32 to index
        %parallel_loop3A_166 = tpu.vector_load %arg9[%parallel_loop3A_165] {strides = array<i32>} : memref<43008xf32, #tpu.memory_space<vmem>>, vector<16xf32>,
        %parallel_loop3A_167 = arith.constant 32 : i32
        %parallel_loop3A_168 = arith.addi %parallel_loop3A_115, %parallel_loop3A_167 : i32
        %parallel_loop3A_169 = arith.index_cast %parallel_loop3A_168 : i32 to index
        %parallel_loop3A_170 = tpu.vector_load %arg10[%parallel_loop3A_169] {strides = array<i32>} : memref<6144xf32, #tpu.memory_space<vmem>>, vector<16xf32>,
        %parallel_loop3A_171 = arith.constant 32 : i32
        %parallel_loop3A_172 = vector.broadcast %parallel_loop3A_171 : i32 to vector<16xi32>
        %parallel_loop3A_173 = arith.addi %iota3A, %parallel_loop3A_172 : vector<16xi32>
        %parallel_loop3A_174 = tpu.vector_load_idx %arg15[%parallel_loop3A_118, %parallel_loop3A_173] : memref<128x128xf32, #tpu.memory_space<vmem>>[vector<16xi32>, vector<16xi32>], vector<16xf32>,
        %parallel_loop3A_175 = arith.addf %parallel_loop3A_166, %parallel_loop3A_170 : vector<16xf32>
        %parallel_loop3A_176 = vector.broadcast %parallel_loop3A_117 : f32 to vector<16xf32>
        %parallel_loop3A_177 = arith.mulf %parallel_loop3A_174, %parallel_loop3A_176 : vector<16xf32>
        %parallel_loop3A_178 = arith.addf %parallel_loop3A_175, %parallel_loop3A_177 : vector<16xf32>
        %parallel_loop3A_179 = arith.constant 64 : i32
        %parallel_loop3A_180 = arith.muli %parallel_loop3A_111, %parallel_loop3A_179 : i32
        %parallel_loop3A_181 = arith.constant 32 : i32
        %parallel_loop3A_182 = arith.addi %parallel_loop3A_180, %parallel_loop3A_181 : i32
        %parallel_loop3A_183 = arith.index_cast %parallel_loop3A_182 : i32 to index
        %parallel_loop3A_184 = tpu.vector_load %arg17[%parallel_loop3A_183] {strides = array<i32>} : memref<8192xf32, #tpu.memory_space<vmem>>, vector<16xf32>,
        tpu.vector_store %arg17[%parallel_loop3A_183], %parallel_loop3A_178 {strides = array<i32>} : memref<8192xf32, #tpu.memory_space<vmem>>, vector<16xf32>,
        %parallel_loop3A_185 = arith.constant 48 : i32
        %parallel_loop3A_186 = arith.addi %parallel_loop3A_113, %parallel_loop3A_185 : i32
        %parallel_loop3A_187 = arith.index_cast %parallel_loop3A_186 : i32 to index
        %parallel_loop3A_188 = tpu.vector_load %arg9[%parallel_loop3A_187] {strides = array<i32>} : memref<43008xf32, #tpu.memory_space<vmem>>, vector<16xf32>,
        %parallel_loop3A_189 = arith.constant 48 : i32
        %parallel_loop3A_190 = arith.addi %parallel_loop3A_115, %parallel_loop3A_189 : i32
        %parallel_loop3A_191 = arith.index_cast %parallel_loop3A_190 : i32 to index
        %parallel_loop3A_192 = tpu.vector_load %arg10[%parallel_loop3A_191] {strides = array<i32>} : memref<6144xf32, #tpu.memory_space<vmem>>, vector<16xf32>,
        %parallel_loop3A_193 = arith.constant 48 : i32
        %parallel_loop3A_194 = vector.broadcast %parallel_loop3A_193 : i32 to vector<16xi32>
        %parallel_loop3A_195 = arith.addi %iota3A, %parallel_loop3A_194 : vector<16xi32>
        %parallel_loop3A_196 = tpu.vector_load_idx %arg15[%parallel_loop3A_118, %parallel_loop3A_195] : memref<128x128xf32, #tpu.memory_space<vmem>>[vector<16xi32>, vector<16xi32>], vector<16xf32>,
        %parallel_loop3A_197 = arith.addf %parallel_loop3A_188, %parallel_loop3A_192 : vector<16xf32>
        %parallel_loop3A_198 = vector.broadcast %parallel_loop3A_117 : f32 to vector<16xf32>
        %parallel_loop3A_199 = arith.mulf %parallel_loop3A_196, %parallel_loop3A_198 : vector<16xf32>
        %parallel_loop3A_200 = arith.addf %parallel_loop3A_197, %parallel_loop3A_199 : vector<16xf32>
        %parallel_loop3A_201 = arith.constant 64 : i32
        %parallel_loop3A_202 = arith.muli %parallel_loop3A_111, %parallel_loop3A_201 : i32
        %parallel_loop3A_203 = arith.constant 48 : i32
        %parallel_loop3A_204 = arith.addi %parallel_loop3A_202, %parallel_loop3A_203 : i32
        %parallel_loop3A_205 = arith.index_cast %parallel_loop3A_204 : i32 to index
        %parallel_loop3A_206 = tpu.vector_load %arg17[%parallel_loop3A_205] {strides = array<i32>} : memref<8192xf32, #tpu.memory_space<vmem>>, vector<16xf32>,
        tpu.vector_store %arg17[%parallel_loop3A_205], %parallel_loop3A_200 {strides = array<i32>} : memref<8192xf32, #tpu.memory_space<vmem>>, vector<16xf32>,
        %parallel_loop3A_207 = arith.constant 16 : i32
        %parallel_loop3A_208 = arith.muli %parallel_loop3A_82, %parallel_loop3A_207 : i32
        %parallel_loop3A_209 = arith.constant 1 : i32
        %parallel_loop3A_210 = arith.addi %parallel_loop3A_208, %parallel_loop3A_209 : i32
        %parallel_loop3A_211 = vector.extract_strided_slice %parallel_loop3A_92 {offsets = [1], sizes = [1], strides = [1]} : vector<16xi32> to vector<1xi32>
        %parallel_loop3A_212 = vector.extract %parallel_loop3A_211[0] : i32 from vector<1xi32>
        %parallel_loop3A_213 = vector.extract_strided_slice %parallel_loop3A_97 {offsets = [1], sizes = [1], strides = [1]} : vector<16xi32> to vector<1xi32>
        %parallel_loop3A_214 = vector.extract %parallel_loop3A_213[0] : i32 from vector<1xi32>
        %parallel_loop3A_215 = vector.extract_strided_slice %parallel_loop3A_107 {offsets = [1], sizes = [1], strides = [1]} : vector<16xf32> to vector<1xf32>
        %parallel_loop3A_216 = vector.extract %parallel_loop3A_215[0] : f32 from vector<1xf32>
        %parallel_loop3A_217 = vector.broadcast %parallel_loop3A_210 : i32 to vector<16xi32>
        %parallel_loop3A_218 = arith.constant 0 : i32
        %parallel_loop3A_219 = arith.addi %parallel_loop3A_212, %parallel_loop3A_218 : i32
        %parallel_loop3A_220 = arith.index_cast %parallel_loop3A_219 : i32 to index
        %parallel_loop3A_221 = tpu.vector_load %arg9[%parallel_loop3A_220] {strides = array<i32>} : memref<43008xf32, #tpu.memory_space<vmem>>, vector<16xf32>,
        %parallel_loop3A_222 = arith.constant 0 : i32
        %parallel_loop3A_223 = arith.addi %parallel_loop3A_214, %parallel_loop3A_222 : i32
        %parallel_loop3A_224 = arith.index_cast %parallel_loop3A_223 : i32 to index
        %parallel_loop3A_225 = tpu.vector_load %arg10[%parallel_loop3A_224] {strides = array<i32>} : memref<6144xf32, #tpu.memory_space<vmem>>, vector<16xf32>,
        %parallel_loop3A_226 = arith.constant 0 : i32
        %parallel_loop3A_227 = vector.broadcast %parallel_loop3A_226 : i32 to vector<16xi32>
        %parallel_loop3A_228 = arith.addi %iota3A, %parallel_loop3A_227 : vector<16xi32>
        %parallel_loop3A_229 = tpu.vector_load_idx %arg15[%parallel_loop3A_217, %parallel_loop3A_228] : memref<128x128xf32, #tpu.memory_space<vmem>>[vector<16xi32>, vector<16xi32>], vector<16xf32>,
        %parallel_loop3A_230 = arith.addf %parallel_loop3A_221, %parallel_loop3A_225 : vector<16xf32>
        %parallel_loop3A_231 = vector.broadcast %parallel_loop3A_216 : f32 to vector<16xf32>
        %parallel_loop3A_232 = arith.mulf %parallel_loop3A_229, %parallel_loop3A_231 : vector<16xf32>
        %parallel_loop3A_233 = arith.addf %parallel_loop3A_230, %parallel_loop3A_232 : vector<16xf32>
        %parallel_loop3A_234 = arith.constant 64 : i32
        %parallel_loop3A_235 = arith.muli %parallel_loop3A_210, %parallel_loop3A_234 : i32
        %parallel_loop3A_236 = arith.constant 0 : i32
        %parallel_loop3A_237 = arith.addi %parallel_loop3A_235, %parallel_loop3A_236 : i32
        %parallel_loop3A_238 = arith.index_cast %parallel_loop3A_237 : i32 to index
        %parallel_loop3A_239 = tpu.vector_load %arg17[%parallel_loop3A_238] {strides = array<i32>} : memref<8192xf32, #tpu.memory_space<vmem>>, vector<16xf32>,
        tpu.vector_store %arg17[%parallel_loop3A_238], %parallel_loop3A_233 {strides = array<i32>} : memref<8192xf32, #tpu.memory_space<vmem>>, vector<16xf32>,
        %parallel_loop3A_240 = arith.constant 16 : i32
        %parallel_loop3A_241 = arith.addi %parallel_loop3A_212, %parallel_loop3A_240 : i32
        %parallel_loop3A_242 = arith.index_cast %parallel_loop3A_241 : i32 to index
        %parallel_loop3A_243 = tpu.vector_load %arg9[%parallel_loop3A_242] {strides = array<i32>} : memref<43008xf32, #tpu.memory_space<vmem>>, vector<16xf32>,
        %parallel_loop3A_244 = arith.constant 16 : i32
        %parallel_loop3A_245 = arith.addi %parallel_loop3A_214, %parallel_loop3A_244 : i32
        %parallel_loop3A_246 = arith.index_cast %parallel_loop3A_245 : i32 to index
        %parallel_loop3A_247 = tpu.vector_load %arg10[%parallel_loop3A_246] {strides = array<i32>} : memref<6144xf32, #tpu.memory_space<vmem>>, vector<16xf32>,
        %parallel_loop3A_248 = arith.constant 16 : i32
        %parallel_loop3A_249 = vector.broadcast %parallel_loop3A_248 : i32 to vector<16xi32>
        %parallel_loop3A_250 = arith.addi %iota3A, %parallel_loop3A_249 : vector<16xi32>
        %parallel_loop3A_251 = tpu.vector_load_idx %arg15[%parallel_loop3A_217, %parallel_loop3A_250] : memref<128x128xf32, #tpu.memory_space<vmem>>[vector<16xi32>, vector<16xi32>], vector<16xf32>,
        %parallel_loop3A_252 = arith.addf %parallel_loop3A_243, %parallel_loop3A_247 : vector<16xf32>
        %parallel_loop3A_253 = vector.broadcast %parallel_loop3A_216 : f32 to vector<16xf32>
        %parallel_loop3A_254 = arith.mulf %parallel_loop3A_251, %parallel_loop3A_253 : vector<16xf32>
        %parallel_loop3A_255 = arith.addf %parallel_loop3A_252, %parallel_loop3A_254 : vector<16xf32>
        %parallel_loop3A_256 = arith.constant 64 : i32
        %parallel_loop3A_257 = arith.muli %parallel_loop3A_210, %parallel_loop3A_256 : i32
        %parallel_loop3A_258 = arith.constant 16 : i32
        %parallel_loop3A_259 = arith.addi %parallel_loop3A_257, %parallel_loop3A_258 : i32
        %parallel_loop3A_260 = arith.index_cast %parallel_loop3A_259 : i32 to index
        %parallel_loop3A_261 = tpu.vector_load %arg17[%parallel_loop3A_260] {strides = array<i32>} : memref<8192xf32, #tpu.memory_space<vmem>>, vector<16xf32>,
        tpu.vector_store %arg17[%parallel_loop3A_260], %parallel_loop3A_255 {strides = array<i32>} : memref<8192xf32, #tpu.memory_space<vmem>>, vector<16xf32>,
        %parallel_loop3A_262 = arith.constant 32 : i32
        %parallel_loop3A_263 = arith.addi %parallel_loop3A_212, %parallel_loop3A_262 : i32
        %parallel_loop3A_264 = arith.index_cast %parallel_loop3A_263 : i32 to index
        %parallel_loop3A_265 = tpu.vector_load %arg9[%parallel_loop3A_264] {strides = array<i32>} : memref<43008xf32, #tpu.memory_space<vmem>>, vector<16xf32>,
        %parallel_loop3A_266 = arith.constant 32 : i32
        %parallel_loop3A_267 = arith.addi %parallel_loop3A_214, %parallel_loop3A_266 : i32
        %parallel_loop3A_268 = arith.index_cast %parallel_loop3A_267 : i32 to index
        %parallel_loop3A_269 = tpu.vector_load %arg10[%parallel_loop3A_268] {strides = array<i32>} : memref<6144xf32, #tpu.memory_space<vmem>>, vector<16xf32>,
        %parallel_loop3A_270 = arith.constant 32 : i32
        %parallel_loop3A_271 = vector.broadcast %parallel_loop3A_270 : i32 to vector<16xi32>
        %parallel_loop3A_272 = arith.addi %iota3A, %parallel_loop3A_271 : vector<16xi32>
        %parallel_loop3A_273 = tpu.vector_load_idx %arg15[%parallel_loop3A_217, %parallel_loop3A_272] : memref<128x128xf32, #tpu.memory_space<vmem>>[vector<16xi32>, vector<16xi32>], vector<16xf32>,
        %parallel_loop3A_274 = arith.addf %parallel_loop3A_265, %parallel_loop3A_269 : vector<16xf32>
        %parallel_loop3A_275 = vector.broadcast %parallel_loop3A_216 : f32 to vector<16xf32>
        %parallel_loop3A_276 = arith.mulf %parallel_loop3A_273, %parallel_loop3A_275 : vector<16xf32>
        %parallel_loop3A_277 = arith.addf %parallel_loop3A_274, %parallel_loop3A_276 : vector<16xf32>
        %parallel_loop3A_278 = arith.constant 64 : i32
        %parallel_loop3A_279 = arith.muli %parallel_loop3A_210, %parallel_loop3A_278 : i32
        %parallel_loop3A_280 = arith.constant 32 : i32
        %parallel_loop3A_281 = arith.addi %parallel_loop3A_279, %parallel_loop3A_280 : i32
        %parallel_loop3A_282 = arith.index_cast %parallel_loop3A_281 : i32 to index
        %parallel_loop3A_283 = tpu.vector_load %arg17[%parallel_loop3A_282] {strides = array<i32>} : memref<8192xf32, #tpu.memory_space<vmem>>, vector<16xf32>,
        tpu.vector_store %arg17[%parallel_loop3A_282], %parallel_loop3A_277 {strides = array<i32>} : memref<8192xf32, #tpu.memory_space<vmem>>, vector<16xf32>,
        %parallel_loop3A_284 = arith.constant 48 : i32
        %parallel_loop3A_285 = arith.addi %parallel_loop3A_212, %parallel_loop3A_284 : i32
        %parallel_loop3A_286 = arith.index_cast %parallel_loop3A_285 : i32 to index
        %parallel_loop3A_287 = tpu.vector_load %arg9[%parallel_loop3A_286] {strides = array<i32>} : memref<43008xf32, #tpu.memory_space<vmem>>, vector<16xf32>,
        %parallel_loop3A_288 = arith.constant 48 : i32
        %parallel_loop3A_289 = arith.addi %parallel_loop3A_214, %parallel_loop3A_288 : i32
        %parallel_loop3A_290 = arith.index_cast %parallel_loop3A_289 : i32 to index
        %parallel_loop3A_291 = tpu.vector_load %arg10[%parallel_loop3A_290] {strides = array<i32>} : memref<6144xf32, #tpu.memory_space<vmem>>, vector<16xf32>,
        %parallel_loop3A_292 = arith.constant 48 : i32
        %parallel_loop3A_293 = vector.broadcast %parallel_loop3A_292 : i32 to vector<16xi32>
        %parallel_loop3A_294 = arith.addi %iota3A, %parallel_loop3A_293 : vector<16xi32>
        %parallel_loop3A_295 = tpu.vector_load_idx %arg15[%parallel_loop3A_217, %parallel_loop3A_294] : memref<128x128xf32, #tpu.memory_space<vmem>>[vector<16xi32>, vector<16xi32>], vector<16xf32>,
        %parallel_loop3A_296 = arith.addf %parallel_loop3A_287, %parallel_loop3A_291 : vector<16xf32>
        %parallel_loop3A_297 = vector.broadcast %parallel_loop3A_216 : f32 to vector<16xf32>
        %parallel_loop3A_298 = arith.mulf %parallel_loop3A_295, %parallel_loop3A_297 : vector<16xf32>
        %parallel_loop3A_299 = arith.addf %parallel_loop3A_296, %parallel_loop3A_298 : vector<16xf32>
        %parallel_loop3A_300 = arith.constant 64 : i32
        %parallel_loop3A_301 = arith.muli %parallel_loop3A_210, %parallel_loop3A_300 : i32
        %parallel_loop3A_302 = arith.constant 48 : i32
        %parallel_loop3A_303 = arith.addi %parallel_loop3A_301, %parallel_loop3A_302 : i32
        %parallel_loop3A_304 = arith.index_cast %parallel_loop3A_303 : i32 to index
        %parallel_loop3A_305 = tpu.vector_load %arg17[%parallel_loop3A_304] {strides = array<i32>} : memref<8192xf32, #tpu.memory_space<vmem>>, vector<16xf32>,
        tpu.vector_store %arg17[%parallel_loop3A_304], %parallel_loop3A_299 {strides = array<i32>} : memref<8192xf32, #tpu.memory_space<vmem>>, vector<16xf32>,
        %parallel_loop3A_306 = arith.constant 16 : i32
        %parallel_loop3A_307 = arith.muli %parallel_loop3A_82, %parallel_loop3A_306 : i32
        %parallel_loop3A_308 = arith.constant 2 : i32
        %parallel_loop3A_309 = arith.addi %parallel_loop3A_307, %parallel_loop3A_308 : i32
        %parallel_loop3A_310 = vector.extract_strided_slice %parallel_loop3A_92 {offsets = [2], sizes = [1], strides = [1]} : vector<16xi32> to vector<1xi32>
        %parallel_loop3A_311 = vector.extract %parallel_loop3A_310[0] : i32 from vector<1xi32>
        %parallel_loop3A_312 = vector.extract_strided_slice %parallel_loop3A_97 {offsets = [2], sizes = [1], strides = [1]} : vector<16xi32> to vector<1xi32>
        %parallel_loop3A_313 = vector.extract %parallel_loop3A_312[0] : i32 from vector<1xi32>
        %parallel_loop3A_314 = vector.extract_strided_slice %parallel_loop3A_107 {offsets = [2], sizes = [1], strides = [1]} : vector<16xf32> to vector<1xf32>
        %parallel_loop3A_315 = vector.extract %parallel_loop3A_314[0] : f32 from vector<1xf32>
        %parallel_loop3A_316 = vector.broadcast %parallel_loop3A_309 : i32 to vector<16xi32>
        %parallel_loop3A_317 = arith.constant 0 : i32
        %parallel_loop3A_318 = arith.addi %parallel_loop3A_311, %parallel_loop3A_317 : i32
        %parallel_loop3A_319 = arith.index_cast %parallel_loop3A_318 : i32 to index
        %parallel_loop3A_320 = tpu.vector_load %arg9[%parallel_loop3A_319] {strides = array<i32>} : memref<43008xf32, #tpu.memory_space<vmem>>, vector<16xf32>,
        %parallel_loop3A_321 = arith.constant 0 : i32
        %parallel_loop3A_322 = arith.addi %parallel_loop3A_313, %parallel_loop3A_321 : i32
        %parallel_loop3A_323 = arith.index_cast %parallel_loop3A_322 : i32 to index
        %parallel_loop3A_324 = tpu.vector_load %arg10[%parallel_loop3A_323] {strides = array<i32>} : memref<6144xf32, #tpu.memory_space<vmem>>, vector<16xf32>,
        %parallel_loop3A_325 = arith.constant 0 : i32
        %parallel_loop3A_326 = vector.broadcast %parallel_loop3A_325 : i32 to vector<16xi32>
        %parallel_loop3A_327 = arith.addi %iota3A, %parallel_loop3A_326 : vector<16xi32>
        %parallel_loop3A_328 = tpu.vector_load_idx %arg15[%parallel_loop3A_316, %parallel_loop3A_327] : memref<128x128xf32, #tpu.memory_space<vmem>>[vector<16xi32>, vector<16xi32>], vector<16xf32>,
        %parallel_loop3A_329 = arith.addf %parallel_loop3A_320, %parallel_loop3A_324 : vector<16xf32>
        %parallel_loop3A_330 = vector.broadcast %parallel_loop3A_315 : f32 to vector<16xf32>
        %parallel_loop3A_331 = arith.mulf %parallel_loop3A_328, %parallel_loop3A_330 : vector<16xf32>
        %parallel_loop3A_332 = arith.addf %parallel_loop3A_329, %parallel_loop3A_331 : vector<16xf32>
        %parallel_loop3A_333 = arith.constant 64 : i32
        %parallel_loop3A_334 = arith.muli %parallel_loop3A_309, %parallel_loop3A_333 : i32
        %parallel_loop3A_335 = arith.constant 0 : i32
        %parallel_loop3A_336 = arith.addi %parallel_loop3A_334, %parallel_loop3A_335 : i32
        %parallel_loop3A_337 = arith.index_cast %parallel_loop3A_336 : i32 to index
        %parallel_loop3A_338 = tpu.vector_load %arg17[%parallel_loop3A_337] {strides = array<i32>} : memref<8192xf32, #tpu.memory_space<vmem>>, vector<16xf32>,
        tpu.vector_store %arg17[%parallel_loop3A_337], %parallel_loop3A_332 {strides = array<i32>} : memref<8192xf32, #tpu.memory_space<vmem>>, vector<16xf32>,
        %parallel_loop3A_339 = arith.constant 16 : i32
        %parallel_loop3A_340 = arith.addi %parallel_loop3A_311, %parallel_loop3A_339 : i32
        %parallel_loop3A_341 = arith.index_cast %parallel_loop3A_340 : i32 to index
        %parallel_loop3A_342 = tpu.vector_load %arg9[%parallel_loop3A_341] {strides = array<i32>} : memref<43008xf32, #tpu.memory_space<vmem>>, vector<16xf32>,
        %parallel_loop3A_343 = arith.constant 16 : i32
        %parallel_loop3A_344 = arith.addi %parallel_loop3A_313, %parallel_loop3A_343 : i32
        %parallel_loop3A_345 = arith.index_cast %parallel_loop3A_344 : i32 to index
        %parallel_loop3A_346 = tpu.vector_load %arg10[%parallel_loop3A_345] {strides = array<i32>} : memref<6144xf32, #tpu.memory_space<vmem>>, vector<16xf32>,
        %parallel_loop3A_347 = arith.constant 16 : i32
        %parallel_loop3A_348 = vector.broadcast %parallel_loop3A_347 : i32 to vector<16xi32>
        %parallel_loop3A_349 = arith.addi %iota3A, %parallel_loop3A_348 : vector<16xi32>
        %parallel_loop3A_350 = tpu.vector_load_idx %arg15[%parallel_loop3A_316, %parallel_loop3A_349] : memref<128x128xf32, #tpu.memory_space<vmem>>[vector<16xi32>, vector<16xi32>], vector<16xf32>,
        %parallel_loop3A_351 = arith.addf %parallel_loop3A_342, %parallel_loop3A_346 : vector<16xf32>
        %parallel_loop3A_352 = vector.broadcast %parallel_loop3A_315 : f32 to vector<16xf32>
        %parallel_loop3A_353 = arith.mulf %parallel_loop3A_350, %parallel_loop3A_352 : vector<16xf32>
        %parallel_loop3A_354 = arith.addf %parallel_loop3A_351, %parallel_loop3A_353 : vector<16xf32>
        %parallel_loop3A_355 = arith.constant 64 : i32
        %parallel_loop3A_356 = arith.muli %parallel_loop3A_309, %parallel_loop3A_355 : i32
        %parallel_loop3A_357 = arith.constant 16 : i32
        %parallel_loop3A_358 = arith.addi %parallel_loop3A_356, %parallel_loop3A_357 : i32
        %parallel_loop3A_359 = arith.index_cast %parallel_loop3A_358 : i32 to index
        %parallel_loop3A_360 = tpu.vector_load %arg17[%parallel_loop3A_359] {strides = array<i32>} : memref<8192xf32, #tpu.memory_space<vmem>>, vector<16xf32>,
        tpu.vector_store %arg17[%parallel_loop3A_359], %parallel_loop3A_354 {strides = array<i32>} : memref<8192xf32, #tpu.memory_space<vmem>>, vector<16xf32>,
        %parallel_loop3A_361 = arith.constant 32 : i32
        %parallel_loop3A_362 = arith.addi %parallel_loop3A_311, %parallel_loop3A_361 : i32
        %parallel_loop3A_363 = arith.index_cast %parallel_loop3A_362 : i32 to index
        %parallel_loop3A_364 = tpu.vector_load %arg9[%parallel_loop3A_363] {strides = array<i32>} : memref<43008xf32, #tpu.memory_space<vmem>>, vector<16xf32>,
        %parallel_loop3A_365 = arith.constant 32 : i32
        %parallel_loop3A_366 = arith.addi %parallel_loop3A_313, %parallel_loop3A_365 : i32
        %parallel_loop3A_367 = arith.index_cast %parallel_loop3A_366 : i32 to index
        %parallel_loop3A_368 = tpu.vector_load %arg10[%parallel_loop3A_367] {strides = array<i32>} : memref<6144xf32, #tpu.memory_space<vmem>>, vector<16xf32>,
        %parallel_loop3A_369 = arith.constant 32 : i32
        %parallel_loop3A_370 = vector.broadcast %parallel_loop3A_369 : i32 to vector<16xi32>
        %parallel_loop3A_371 = arith.addi %iota3A, %parallel_loop3A_370 : vector<16xi32>
        %parallel_loop3A_372 = tpu.vector_load_idx %arg15[%parallel_loop3A_316, %parallel_loop3A_371] : memref<128x128xf32, #tpu.memory_space<vmem>>[vector<16xi32>, vector<16xi32>], vector<16xf32>,
        %parallel_loop3A_373 = arith.addf %parallel_loop3A_364, %parallel_loop3A_368 : vector<16xf32>
        %parallel_loop3A_374 = vector.broadcast %parallel_loop3A_315 : f32 to vector<16xf32>
        %parallel_loop3A_375 = arith.mulf %parallel_loop3A_372, %parallel_loop3A_374 : vector<16xf32>
        %parallel_loop3A_376 = arith.addf %parallel_loop3A_373, %parallel_loop3A_375 : vector<16xf32>
        %parallel_loop3A_377 = arith.constant 64 : i32
        %parallel_loop3A_378 = arith.muli %parallel_loop3A_309, %parallel_loop3A_377 : i32
        %parallel_loop3A_379 = arith.constant 32 : i32
        %parallel_loop3A_380 = arith.addi %parallel_loop3A_378, %parallel_loop3A_379 : i32
        %parallel_loop3A_381 = arith.index_cast %parallel_loop3A_380 : i32 to index
        %parallel_loop3A_382 = tpu.vector_load %arg17[%parallel_loop3A_381] {strides = array<i32>} : memref<8192xf32, #tpu.memory_space<vmem>>, vector<16xf32>,
        tpu.vector_store %arg17[%parallel_loop3A_381], %parallel_loop3A_376 {strides = array<i32>} : memref<8192xf32, #tpu.memory_space<vmem>>, vector<16xf32>,
        %parallel_loop3A_383 = arith.constant 48 : i32
        %parallel_loop3A_384 = arith.addi %parallel_loop3A_311, %parallel_loop3A_383 : i32
        %parallel_loop3A_385 = arith.index_cast %parallel_loop3A_384 : i32 to index
        %parallel_loop3A_386 = tpu.vector_load %arg9[%parallel_loop3A_385] {strides = array<i32>} : memref<43008xf32, #tpu.memory_space<vmem>>, vector<16xf32>,
        %parallel_loop3A_387 = arith.constant 48 : i32
        %parallel_loop3A_388 = arith.addi %parallel_loop3A_313, %parallel_loop3A_387 : i32
        %parallel_loop3A_389 = arith.index_cast %parallel_loop3A_388 : i32 to index
        %parallel_loop3A_390 = tpu.vector_load %arg10[%parallel_loop3A_389] {strides = array<i32>} : memref<6144xf32, #tpu.memory_space<vmem>>, vector<16xf32>,
        %parallel_loop3A_391 = arith.constant 48 : i32
        %parallel_loop3A_392 = vector.broadcast %parallel_loop3A_391 : i32 to vector<16xi32>
        %parallel_loop3A_393 = arith.addi %iota3A, %parallel_loop3A_392 : vector<16xi32>
        %parallel_loop3A_394 = tpu.vector_load_idx %arg15[%parallel_loop3A_316, %parallel_loop3A_393] : memref<128x128xf32, #tpu.memory_space<vmem>>[vector<16xi32>, vector<16xi32>], vector<16xf32>,
        %parallel_loop3A_395 = arith.addf %parallel_loop3A_386, %parallel_loop3A_390 : vector<16xf32>
        %parallel_loop3A_396 = vector.broadcast %parallel_loop3A_315 : f32 to vector<16xf32>
        %parallel_loop3A_397 = arith.mulf %parallel_loop3A_394, %parallel_loop3A_396 : vector<16xf32>
        %parallel_loop3A_398 = arith.addf %parallel_loop3A_395, %parallel_loop3A_397 : vector<16xf32>
        %parallel_loop3A_399 = arith.constant 64 : i32
        %parallel_loop3A_400 = arith.muli %parallel_loop3A_309, %parallel_loop3A_399 : i32
        %parallel_loop3A_401 = arith.constant 48 : i32
        %parallel_loop3A_402 = arith.addi %parallel_loop3A_400, %parallel_loop3A_401 : i32
        %parallel_loop3A_403 = arith.index_cast %parallel_loop3A_402 : i32 to index
        %parallel_loop3A_404 = tpu.vector_load %arg17[%parallel_loop3A_403] {strides = array<i32>} : memref<8192xf32, #tpu.memory_space<vmem>>, vector<16xf32>,
        tpu.vector_store %arg17[%parallel_loop3A_403], %parallel_loop3A_398 {strides = array<i32>} : memref<8192xf32, #tpu.memory_space<vmem>>, vector<16xf32>,
        %parallel_loop3A_405 = arith.constant 16 : i32
        %parallel_loop3A_406 = arith.muli %parallel_loop3A_82, %parallel_loop3A_405 : i32
        %parallel_loop3A_407 = arith.constant 3 : i32
        %parallel_loop3A_408 = arith.addi %parallel_loop3A_406, %parallel_loop3A_407 : i32
        %parallel_loop3A_409 = vector.extract_strided_slice %parallel_loop3A_92 {offsets = [3], sizes = [1], strides = [1]} : vector<16xi32> to vector<1xi32>
        %parallel_loop3A_410 = vector.extract %parallel_loop3A_409[0] : i32 from vector<1xi32>
        %parallel_loop3A_411 = vector.extract_strided_slice %parallel_loop3A_97 {offsets = [3], sizes = [1], strides = [1]} : vector<16xi32> to vector<1xi32>
        %parallel_loop3A_412 = vector.extract %parallel_loop3A_411[0] : i32 from vector<1xi32>
        %parallel_loop3A_413 = vector.extract_strided_slice %parallel_loop3A_107 {offsets = [3], sizes = [1], strides = [1]} : vector<16xf32> to vector<1xf32>
        %parallel_loop3A_414 = vector.extract %parallel_loop3A_413[0] : f32 from vector<1xf32>
        %parallel_loop3A_415 = vector.broadcast %parallel_loop3A_408 : i32 to vector<16xi32>
        %parallel_loop3A_416 = arith.constant 0 : i32
        %parallel_loop3A_417 = arith.addi %parallel_loop3A_410, %parallel_loop3A_416 : i32
        %parallel_loop3A_418 = arith.index_cast %parallel_loop3A_417 : i32 to index
        %parallel_loop3A_419 = tpu.vector_load %arg9[%parallel_loop3A_418] {strides = array<i32>} : memref<43008xf32, #tpu.memory_space<vmem>>, vector<16xf32>,
        %parallel_loop3A_420 = arith.constant 0 : i32
        %parallel_loop3A_421 = arith.addi %parallel_loop3A_412, %parallel_loop3A_420 : i32
        %parallel_loop3A_422 = arith.index_cast %parallel_loop3A_421 : i32 to index
        %parallel_loop3A_423 = tpu.vector_load %arg10[%parallel_loop3A_422] {strides = array<i32>} : memref<6144xf32, #tpu.memory_space<vmem>>, vector<16xf32>,
        %parallel_loop3A_424 = arith.constant 0 : i32
        %parallel_loop3A_425 = vector.broadcast %parallel_loop3A_424 : i32 to vector<16xi32>
        %parallel_loop3A_426 = arith.addi %iota3A, %parallel_loop3A_425 : vector<16xi32>
        %parallel_loop3A_427 = tpu.vector_load_idx %arg15[%parallel_loop3A_415, %parallel_loop3A_426] : memref<128x128xf32, #tpu.memory_space<vmem>>[vector<16xi32>, vector<16xi32>], vector<16xf32>,
        %parallel_loop3A_428 = arith.addf %parallel_loop3A_419, %parallel_loop3A_423 : vector<16xf32>
        %parallel_loop3A_429 = vector.broadcast %parallel_loop3A_414 : f32 to vector<16xf32>
        %parallel_loop3A_430 = arith.mulf %parallel_loop3A_427, %parallel_loop3A_429 : vector<16xf32>
        %parallel_loop3A_431 = arith.addf %parallel_loop3A_428, %parallel_loop3A_430 : vector<16xf32>
        %parallel_loop3A_432 = arith.constant 64 : i32
        %parallel_loop3A_433 = arith.muli %parallel_loop3A_408, %parallel_loop3A_432 : i32
        %parallel_loop3A_434 = arith.constant 0 : i32
        %parallel_loop3A_435 = arith.addi %parallel_loop3A_433, %parallel_loop3A_434 : i32
        %parallel_loop3A_436 = arith.index_cast %parallel_loop3A_435 : i32 to index
        %parallel_loop3A_437 = tpu.vector_load %arg17[%parallel_loop3A_436] {strides = array<i32>} : memref<8192xf32, #tpu.memory_space<vmem>>, vector<16xf32>,
        tpu.vector_store %arg17[%parallel_loop3A_436], %parallel_loop3A_431 {strides = array<i32>} : memref<8192xf32, #tpu.memory_space<vmem>>, vector<16xf32>,
        %parallel_loop3A_438 = arith.constant 16 : i32
        %parallel_loop3A_439 = arith.addi %parallel_loop3A_410, %parallel_loop3A_438 : i32
        %parallel_loop3A_440 = arith.index_cast %parallel_loop3A_439 : i32 to index
        %parallel_loop3A_441 = tpu.vector_load %arg9[%parallel_loop3A_440] {strides = array<i32>} : memref<43008xf32, #tpu.memory_space<vmem>>, vector<16xf32>,
        %parallel_loop3A_442 = arith.constant 16 : i32
        %parallel_loop3A_443 = arith.addi %parallel_loop3A_412, %parallel_loop3A_442 : i32
        %parallel_loop3A_444 = arith.index_cast %parallel_loop3A_443 : i32 to index
        %parallel_loop3A_445 = tpu.vector_load %arg10[%parallel_loop3A_444] {strides = array<i32>} : memref<6144xf32, #tpu.memory_space<vmem>>, vector<16xf32>,
        %parallel_loop3A_446 = arith.constant 16 : i32
        %parallel_loop3A_447 = vector.broadcast %parallel_loop3A_446 : i32 to vector<16xi32>
        %parallel_loop3A_448 = arith.addi %iota3A, %parallel_loop3A_447 : vector<16xi32>
        %parallel_loop3A_449 = tpu.vector_load_idx %arg15[%parallel_loop3A_415, %parallel_loop3A_448] : memref<128x128xf32, #tpu.memory_space<vmem>>[vector<16xi32>, vector<16xi32>], vector<16xf32>,
        %parallel_loop3A_450 = arith.addf %parallel_loop3A_441, %parallel_loop3A_445 : vector<16xf32>
        %parallel_loop3A_451 = vector.broadcast %parallel_loop3A_414 : f32 to vector<16xf32>
        %parallel_loop3A_452 = arith.mulf %parallel_loop3A_449, %parallel_loop3A_451 : vector<16xf32>
        %parallel_loop3A_453 = arith.addf %parallel_loop3A_450, %parallel_loop3A_452 : vector<16xf32>
        %parallel_loop3A_454 = arith.constant 64 : i32
        %parallel_loop3A_455 = arith.muli %parallel_loop3A_408, %parallel_loop3A_454 : i32
        %parallel_loop3A_456 = arith.constant 16 : i32
        %parallel_loop3A_457 = arith.addi %parallel_loop3A_455, %parallel_loop3A_456 : i32
        %parallel_loop3A_458 = arith.index_cast %parallel_loop3A_457 : i32 to index
        %parallel_loop3A_459 = tpu.vector_load %arg17[%parallel_loop3A_458] {strides = array<i32>} : memref<8192xf32, #tpu.memory_space<vmem>>, vector<16xf32>,
        tpu.vector_store %arg17[%parallel_loop3A_458], %parallel_loop3A_453 {strides = array<i32>} : memref<8192xf32, #tpu.memory_space<vmem>>, vector<16xf32>,
        %parallel_loop3A_460 = arith.constant 32 : i32
        %parallel_loop3A_461 = arith.addi %parallel_loop3A_410, %parallel_loop3A_460 : i32
        %parallel_loop3A_462 = arith.index_cast %parallel_loop3A_461 : i32 to index
        %parallel_loop3A_463 = tpu.vector_load %arg9[%parallel_loop3A_462] {strides = array<i32>} : memref<43008xf32, #tpu.memory_space<vmem>>, vector<16xf32>,
        %parallel_loop3A_464 = arith.constant 32 : i32
        %parallel_loop3A_465 = arith.addi %parallel_loop3A_412, %parallel_loop3A_464 : i32
        %parallel_loop3A_466 = arith.index_cast %parallel_loop3A_465 : i32 to index
        %parallel_loop3A_467 = tpu.vector_load %arg10[%parallel_loop3A_466] {strides = array<i32>} : memref<6144xf32, #tpu.memory_space<vmem>>, vector<16xf32>,
        %parallel_loop3A_468 = arith.constant 32 : i32
        %parallel_loop3A_469 = vector.broadcast %parallel_loop3A_468 : i32 to vector<16xi32>
        %parallel_loop3A_470 = arith.addi %iota3A, %parallel_loop3A_469 : vector<16xi32>
        %parallel_loop3A_471 = tpu.vector_load_idx %arg15[%parallel_loop3A_415, %parallel_loop3A_470] : memref<128x128xf32, #tpu.memory_space<vmem>>[vector<16xi32>, vector<16xi32>], vector<16xf32>,
        %parallel_loop3A_472 = arith.addf %parallel_loop3A_463, %parallel_loop3A_467 : vector<16xf32>
        %parallel_loop3A_473 = vector.broadcast %parallel_loop3A_414 : f32 to vector<16xf32>
        %parallel_loop3A_474 = arith.mulf %parallel_loop3A_471, %parallel_loop3A_473 : vector<16xf32>
        %parallel_loop3A_475 = arith.addf %parallel_loop3A_472, %parallel_loop3A_474 : vector<16xf32>
        %parallel_loop3A_476 = arith.constant 64 : i32
        %parallel_loop3A_477 = arith.muli %parallel_loop3A_408, %parallel_loop3A_476 : i32
        %parallel_loop3A_478 = arith.constant 32 : i32
        %parallel_loop3A_479 = arith.addi %parallel_loop3A_477, %parallel_loop3A_478 : i32
        %parallel_loop3A_480 = arith.index_cast %parallel_loop3A_479 : i32 to index
        %parallel_loop3A_481 = tpu.vector_load %arg17[%parallel_loop3A_480] {strides = array<i32>} : memref<8192xf32, #tpu.memory_space<vmem>>, vector<16xf32>,
        tpu.vector_store %arg17[%parallel_loop3A_480], %parallel_loop3A_475 {strides = array<i32>} : memref<8192xf32, #tpu.memory_space<vmem>>, vector<16xf32>,
        %parallel_loop3A_482 = arith.constant 48 : i32
        %parallel_loop3A_483 = arith.addi %parallel_loop3A_410, %parallel_loop3A_482 : i32
        %parallel_loop3A_484 = arith.index_cast %parallel_loop3A_483 : i32 to index
        %parallel_loop3A_485 = tpu.vector_load %arg9[%parallel_loop3A_484] {strides = array<i32>} : memref<43008xf32, #tpu.memory_space<vmem>>, vector<16xf32>,
        %parallel_loop3A_486 = arith.constant 48 : i32
        %parallel_loop3A_487 = arith.addi %parallel_loop3A_412, %parallel_loop3A_486 : i32
        %parallel_loop3A_488 = arith.index_cast %parallel_loop3A_487 : i32 to index
        %parallel_loop3A_489 = tpu.vector_load %arg10[%parallel_loop3A_488] {strides = array<i32>} : memref<6144xf32, #tpu.memory_space<vmem>>, vector<16xf32>,
        %parallel_loop3A_490 = arith.constant 48 : i32
        %parallel_loop3A_491 = vector.broadcast %parallel_loop3A_490 : i32 to vector<16xi32>
        %parallel_loop3A_492 = arith.addi %iota3A, %parallel_loop3A_491 : vector<16xi32>
        %parallel_loop3A_493 = tpu.vector_load_idx %arg15[%parallel_loop3A_415, %parallel_loop3A_492] : memref<128x128xf32, #tpu.memory_space<vmem>>[vector<16xi32>, vector<16xi32>], vector<16xf32>,
        %parallel_loop3A_494 = arith.addf %parallel_loop3A_485, %parallel_loop3A_489 : vector<16xf32>
        %parallel_loop3A_495 = vector.broadcast %parallel_loop3A_414 : f32 to vector<16xf32>
        %parallel_loop3A_496 = arith.mulf %parallel_loop3A_493, %parallel_loop3A_495 : vector<16xf32>
        %parallel_loop3A_497 = arith.addf %parallel_loop3A_494, %parallel_loop3A_496 : vector<16xf32>
        %parallel_loop3A_498 = arith.constant 64 : i32
        %parallel_loop3A_499 = arith.muli %parallel_loop3A_408, %parallel_loop3A_498 : i32
        %parallel_loop3A_500 = arith.constant 48 : i32
        %parallel_loop3A_501 = arith.addi %parallel_loop3A_499, %parallel_loop3A_500 : i32
        %parallel_loop3A_502 = arith.index_cast %parallel_loop3A_501 : i32 to index
        %parallel_loop3A_503 = tpu.vector_load %arg17[%parallel_loop3A_502] {strides = array<i32>} : memref<8192xf32, #tpu.memory_space<vmem>>, vector<16xf32>,
        tpu.vector_store %arg17[%parallel_loop3A_502], %parallel_loop3A_497 {strides = array<i32>} : memref<8192xf32, #tpu.memory_space<vmem>>, vector<16xf32>,
        %parallel_loop3A_504 = arith.constant 16 : i32
        %parallel_loop3A_505 = arith.muli %parallel_loop3A_82, %parallel_loop3A_504 : i32
        %parallel_loop3A_506 = arith.constant 4 : i32
        %parallel_loop3A_507 = arith.addi %parallel_loop3A_505, %parallel_loop3A_506 : i32
        %parallel_loop3A_508 = vector.extract_strided_slice %parallel_loop3A_92 {offsets = [4], sizes = [1], strides = [1]} : vector<16xi32> to vector<1xi32>
        %parallel_loop3A_509 = vector.extract %parallel_loop3A_508[0] : i32 from vector<1xi32>
        %parallel_loop3A_510 = vector.extract_strided_slice %parallel_loop3A_97 {offsets = [4], sizes = [1], strides = [1]} : vector<16xi32> to vector<1xi32>
        %parallel_loop3A_511 = vector.extract %parallel_loop3A_510[0] : i32 from vector<1xi32>
        %parallel_loop3A_512 = vector.extract_strided_slice %parallel_loop3A_107 {offsets = [4], sizes = [1], strides = [1]} : vector<16xf32> to vector<1xf32>
        %parallel_loop3A_513 = vector.extract %parallel_loop3A_512[0] : f32 from vector<1xf32>
        %parallel_loop3A_514 = vector.broadcast %parallel_loop3A_507 : i32 to vector<16xi32>
        %parallel_loop3A_515 = arith.constant 0 : i32
        %parallel_loop3A_516 = arith.addi %parallel_loop3A_509, %parallel_loop3A_515 : i32
        %parallel_loop3A_517 = arith.index_cast %parallel_loop3A_516 : i32 to index
        %parallel_loop3A_518 = tpu.vector_load %arg9[%parallel_loop3A_517] {strides = array<i32>} : memref<43008xf32, #tpu.memory_space<vmem>>, vector<16xf32>,
        %parallel_loop3A_519 = arith.constant 0 : i32
        %parallel_loop3A_520 = arith.addi %parallel_loop3A_511, %parallel_loop3A_519 : i32
        %parallel_loop3A_521 = arith.index_cast %parallel_loop3A_520 : i32 to index
        %parallel_loop3A_522 = tpu.vector_load %arg10[%parallel_loop3A_521] {strides = array<i32>} : memref<6144xf32, #tpu.memory_space<vmem>>, vector<16xf32>,
        %parallel_loop3A_523 = arith.constant 0 : i32
        %parallel_loop3A_524 = vector.broadcast %parallel_loop3A_523 : i32 to vector<16xi32>
        %parallel_loop3A_525 = arith.addi %iota3A, %parallel_loop3A_524 : vector<16xi32>
        %parallel_loop3A_526 = tpu.vector_load_idx %arg15[%parallel_loop3A_514, %parallel_loop3A_525] : memref<128x128xf32, #tpu.memory_space<vmem>>[vector<16xi32>, vector<16xi32>], vector<16xf32>,
        %parallel_loop3A_527 = arith.addf %parallel_loop3A_518, %parallel_loop3A_522 : vector<16xf32>
        %parallel_loop3A_528 = vector.broadcast %parallel_loop3A_513 : f32 to vector<16xf32>
        %parallel_loop3A_529 = arith.mulf %parallel_loop3A_526, %parallel_loop3A_528 : vector<16xf32>
        %parallel_loop3A_530 = arith.addf %parallel_loop3A_527, %parallel_loop3A_529 : vector<16xf32>
        %parallel_loop3A_531 = arith.constant 64 : i32
        %parallel_loop3A_532 = arith.muli %parallel_loop3A_507, %parallel_loop3A_531 : i32
        %parallel_loop3A_533 = arith.constant 0 : i32
        %parallel_loop3A_534 = arith.addi %parallel_loop3A_532, %parallel_loop3A_533 : i32
        %parallel_loop3A_535 = arith.index_cast %parallel_loop3A_534 : i32 to index
        %parallel_loop3A_536 = tpu.vector_load %arg17[%parallel_loop3A_535] {strides = array<i32>} : memref<8192xf32, #tpu.memory_space<vmem>>, vector<16xf32>,
        tpu.vector_store %arg17[%parallel_loop3A_535], %parallel_loop3A_530 {strides = array<i32>} : memref<8192xf32, #tpu.memory_space<vmem>>, vector<16xf32>,
        %parallel_loop3A_537 = arith.constant 16 : i32
        %parallel_loop3A_538 = arith.addi %parallel_loop3A_509, %parallel_loop3A_537 : i32
        %parallel_loop3A_539 = arith.index_cast %parallel_loop3A_538 : i32 to index
        %parallel_loop3A_540 = tpu.vector_load %arg9[%parallel_loop3A_539] {strides = array<i32>} : memref<43008xf32, #tpu.memory_space<vmem>>, vector<16xf32>,
        %parallel_loop3A_541 = arith.constant 16 : i32
        %parallel_loop3A_542 = arith.addi %parallel_loop3A_511, %parallel_loop3A_541 : i32
        %parallel_loop3A_543 = arith.index_cast %parallel_loop3A_542 : i32 to index
        %parallel_loop3A_544 = tpu.vector_load %arg10[%parallel_loop3A_543] {strides = array<i32>} : memref<6144xf32, #tpu.memory_space<vmem>>, vector<16xf32>,
        %parallel_loop3A_545 = arith.constant 16 : i32
        %parallel_loop3A_546 = vector.broadcast %parallel_loop3A_545 : i32 to vector<16xi32>
        %parallel_loop3A_547 = arith.addi %iota3A, %parallel_loop3A_546 : vector<16xi32>
        %parallel_loop3A_548 = tpu.vector_load_idx %arg15[%parallel_loop3A_514, %parallel_loop3A_547] : memref<128x128xf32, #tpu.memory_space<vmem>>[vector<16xi32>, vector<16xi32>], vector<16xf32>,
        %parallel_loop3A_549 = arith.addf %parallel_loop3A_540, %parallel_loop3A_544 : vector<16xf32>
        %parallel_loop3A_550 = vector.broadcast %parallel_loop3A_513 : f32 to vector<16xf32>
        %parallel_loop3A_551 = arith.mulf %parallel_loop3A_548, %parallel_loop3A_550 : vector<16xf32>
        %parallel_loop3A_552 = arith.addf %parallel_loop3A_549, %parallel_loop3A_551 : vector<16xf32>
        %parallel_loop3A_553 = arith.constant 64 : i32
        %parallel_loop3A_554 = arith.muli %parallel_loop3A_507, %parallel_loop3A_553 : i32
        %parallel_loop3A_555 = arith.constant 16 : i32
        %parallel_loop3A_556 = arith.addi %parallel_loop3A_554, %parallel_loop3A_555 : i32
        %parallel_loop3A_557 = arith.index_cast %parallel_loop3A_556 : i32 to index
        %parallel_loop3A_558 = tpu.vector_load %arg17[%parallel_loop3A_557] {strides = array<i32>} : memref<8192xf32, #tpu.memory_space<vmem>>, vector<16xf32>,
        tpu.vector_store %arg17[%parallel_loop3A_557], %parallel_loop3A_552 {strides = array<i32>} : memref<8192xf32, #tpu.memory_space<vmem>>, vector<16xf32>,
        %parallel_loop3A_559 = arith.constant 32 : i32
        %parallel_loop3A_560 = arith.addi %parallel_loop3A_509, %parallel_loop3A_559 : i32
        %parallel_loop3A_561 = arith.index_cast %parallel_loop3A_560 : i32 to index
        %parallel_loop3A_562 = tpu.vector_load %arg9[%parallel_loop3A_561] {strides = array<i32>} : memref<43008xf32, #tpu.memory_space<vmem>>, vector<16xf32>,
        %parallel_loop3A_563 = arith.constant 32 : i32
        %parallel_loop3A_564 = arith.addi %parallel_loop3A_511, %parallel_loop3A_563 : i32
        %parallel_loop3A_565 = arith.index_cast %parallel_loop3A_564 : i32 to index
        %parallel_loop3A_566 = tpu.vector_load %arg10[%parallel_loop3A_565] {strides = array<i32>} : memref<6144xf32, #tpu.memory_space<vmem>>, vector<16xf32>,
        %parallel_loop3A_567 = arith.constant 32 : i32
        %parallel_loop3A_568 = vector.broadcast %parallel_loop3A_567 : i32 to vector<16xi32>
        %parallel_loop3A_569 = arith.addi %iota3A, %parallel_loop3A_568 : vector<16xi32>
        %parallel_loop3A_570 = tpu.vector_load_idx %arg15[%parallel_loop3A_514, %parallel_loop3A_569] : memref<128x128xf32, #tpu.memory_space<vmem>>[vector<16xi32>, vector<16xi32>], vector<16xf32>,
        %parallel_loop3A_571 = arith.addf %parallel_loop3A_562, %parallel_loop3A_566 : vector<16xf32>
        %parallel_loop3A_572 = vector.broadcast %parallel_loop3A_513 : f32 to vector<16xf32>
        %parallel_loop3A_573 = arith.mulf %parallel_loop3A_570, %parallel_loop3A_572 : vector<16xf32>
        %parallel_loop3A_574 = arith.addf %parallel_loop3A_571, %parallel_loop3A_573 : vector<16xf32>
        %parallel_loop3A_575 = arith.constant 64 : i32
        %parallel_loop3A_576 = arith.muli %parallel_loop3A_507, %parallel_loop3A_575 : i32
        %parallel_loop3A_577 = arith.constant 32 : i32
        %parallel_loop3A_578 = arith.addi %parallel_loop3A_576, %parallel_loop3A_577 : i32
        %parallel_loop3A_579 = arith.index_cast %parallel_loop3A_578 : i32 to index
        %parallel_loop3A_580 = tpu.vector_load %arg17[%parallel_loop3A_579] {strides = array<i32>} : memref<8192xf32, #tpu.memory_space<vmem>>, vector<16xf32>,
        tpu.vector_store %arg17[%parallel_loop3A_579], %parallel_loop3A_574 {strides = array<i32>} : memref<8192xf32, #tpu.memory_space<vmem>>, vector<16xf32>,
        %parallel_loop3A_581 = arith.constant 48 : i32
        %parallel_loop3A_582 = arith.addi %parallel_loop3A_509, %parallel_loop3A_581 : i32
        %parallel_loop3A_583 = arith.index_cast %parallel_loop3A_582 : i32 to index
        %parallel_loop3A_584 = tpu.vector_load %arg9[%parallel_loop3A_583] {strides = array<i32>} : memref<43008xf32, #tpu.memory_space<vmem>>, vector<16xf32>,
        %parallel_loop3A_585 = arith.constant 48 : i32
        %parallel_loop3A_586 = arith.addi %parallel_loop3A_511, %parallel_loop3A_585 : i32
        %parallel_loop3A_587 = arith.index_cast %parallel_loop3A_586 : i32 to index
        %parallel_loop3A_588 = tpu.vector_load %arg10[%parallel_loop3A_587] {strides = array<i32>} : memref<6144xf32, #tpu.memory_space<vmem>>, vector<16xf32>,
        %parallel_loop3A_589 = arith.constant 48 : i32
        %parallel_loop3A_590 = vector.broadcast %parallel_loop3A_589 : i32 to vector<16xi32>
        %parallel_loop3A_591 = arith.addi %iota3A, %parallel_loop3A_590 : vector<16xi32>
        %parallel_loop3A_592 = tpu.vector_load_idx %arg15[%parallel_loop3A_514, %parallel_loop3A_591] : memref<128x128xf32, #tpu.memory_space<vmem>>[vector<16xi32>, vector<16xi32>], vector<16xf32>,
        %parallel_loop3A_593 = arith.addf %parallel_loop3A_584, %parallel_loop3A_588 : vector<16xf32>
        %parallel_loop3A_594 = vector.broadcast %parallel_loop3A_513 : f32 to vector<16xf32>
        %parallel_loop3A_595 = arith.mulf %parallel_loop3A_592, %parallel_loop3A_594 : vector<16xf32>
        %parallel_loop3A_596 = arith.addf %parallel_loop3A_593, %parallel_loop3A_595 : vector<16xf32>
        %parallel_loop3A_597 = arith.constant 64 : i32
        %parallel_loop3A_598 = arith.muli %parallel_loop3A_507, %parallel_loop3A_597 : i32
        %parallel_loop3A_599 = arith.constant 48 : i32
        %parallel_loop3A_600 = arith.addi %parallel_loop3A_598, %parallel_loop3A_599 : i32
        %parallel_loop3A_601 = arith.index_cast %parallel_loop3A_600 : i32 to index
        %parallel_loop3A_602 = tpu.vector_load %arg17[%parallel_loop3A_601] {strides = array<i32>} : memref<8192xf32, #tpu.memory_space<vmem>>, vector<16xf32>,
        tpu.vector_store %arg17[%parallel_loop3A_601], %parallel_loop3A_596 {strides = array<i32>} : memref<8192xf32, #tpu.memory_space<vmem>>, vector<16xf32>,
        %parallel_loop3A_603 = arith.constant 16 : i32
        %parallel_loop3A_604 = arith.muli %parallel_loop3A_82, %parallel_loop3A_603 : i32
        %parallel_loop3A_605 = arith.constant 5 : i32
        %parallel_loop3A_606 = arith.addi %parallel_loop3A_604, %parallel_loop3A_605 : i32
        %parallel_loop3A_607 = vector.extract_strided_slice %parallel_loop3A_92 {offsets = [5], sizes = [1], strides = [1]} : vector<16xi32> to vector<1xi32>
        %parallel_loop3A_608 = vector.extract %parallel_loop3A_607[0] : i32 from vector<1xi32>
        %parallel_loop3A_609 = vector.extract_strided_slice %parallel_loop3A_97 {offsets = [5], sizes = [1], strides = [1]} : vector<16xi32> to vector<1xi32>
        %parallel_loop3A_610 = vector.extract %parallel_loop3A_609[0] : i32 from vector<1xi32>
        %parallel_loop3A_611 = vector.extract_strided_slice %parallel_loop3A_107 {offsets = [5], sizes = [1], strides = [1]} : vector<16xf32> to vector<1xf32>
        %parallel_loop3A_612 = vector.extract %parallel_loop3A_611[0] : f32 from vector<1xf32>
        %parallel_loop3A_613 = vector.broadcast %parallel_loop3A_606 : i32 to vector<16xi32>
        %parallel_loop3A_614 = arith.constant 0 : i32
        %parallel_loop3A_615 = arith.addi %parallel_loop3A_608, %parallel_loop3A_614 : i32
        %parallel_loop3A_616 = arith.index_cast %parallel_loop3A_615 : i32 to index
        %parallel_loop3A_617 = tpu.vector_load %arg9[%parallel_loop3A_616] {strides = array<i32>} : memref<43008xf32, #tpu.memory_space<vmem>>, vector<16xf32>,
        %parallel_loop3A_618 = arith.constant 0 : i32
        %parallel_loop3A_619 = arith.addi %parallel_loop3A_610, %parallel_loop3A_618 : i32
        %parallel_loop3A_620 = arith.index_cast %parallel_loop3A_619 : i32 to index
        %parallel_loop3A_621 = tpu.vector_load %arg10[%parallel_loop3A_620] {strides = array<i32>} : memref<6144xf32, #tpu.memory_space<vmem>>, vector<16xf32>,
        %parallel_loop3A_622 = arith.constant 0 : i32
        %parallel_loop3A_623 = vector.broadcast %parallel_loop3A_622 : i32 to vector<16xi32>
        %parallel_loop3A_624 = arith.addi %iota3A, %parallel_loop3A_623 : vector<16xi32>
        %parallel_loop3A_625 = tpu.vector_load_idx %arg15[%parallel_loop3A_613, %parallel_loop3A_624] : memref<128x128xf32, #tpu.memory_space<vmem>>[vector<16xi32>, vector<16xi32>], vector<16xf32>,
        %parallel_loop3A_626 = arith.addf %parallel_loop3A_617, %parallel_loop3A_621 : vector<16xf32>
        %parallel_loop3A_627 = vector.broadcast %parallel_loop3A_612 : f32 to vector<16xf32>
        %parallel_loop3A_628 = arith.mulf %parallel_loop3A_625, %parallel_loop3A_627 : vector<16xf32>
        %parallel_loop3A_629 = arith.addf %parallel_loop3A_626, %parallel_loop3A_628 : vector<16xf32>
        %parallel_loop3A_630 = arith.constant 64 : i32
        %parallel_loop3A_631 = arith.muli %parallel_loop3A_606, %parallel_loop3A_630 : i32
        %parallel_loop3A_632 = arith.constant 0 : i32
        %parallel_loop3A_633 = arith.addi %parallel_loop3A_631, %parallel_loop3A_632 : i32
        %parallel_loop3A_634 = arith.index_cast %parallel_loop3A_633 : i32 to index
        %parallel_loop3A_635 = tpu.vector_load %arg17[%parallel_loop3A_634] {strides = array<i32>} : memref<8192xf32, #tpu.memory_space<vmem>>, vector<16xf32>,
        tpu.vector_store %arg17[%parallel_loop3A_634], %parallel_loop3A_629 {strides = array<i32>} : memref<8192xf32, #tpu.memory_space<vmem>>, vector<16xf32>,
        %parallel_loop3A_636 = arith.constant 16 : i32
        %parallel_loop3A_637 = arith.addi %parallel_loop3A_608, %parallel_loop3A_636 : i32
        %parallel_loop3A_638 = arith.index_cast %parallel_loop3A_637 : i32 to index
        %parallel_loop3A_639 = tpu.vector_load %arg9[%parallel_loop3A_638] {strides = array<i32>} : memref<43008xf32, #tpu.memory_space<vmem>>, vector<16xf32>,
        %parallel_loop3A_640 = arith.constant 16 : i32
        %parallel_loop3A_641 = arith.addi %parallel_loop3A_610, %parallel_loop3A_640 : i32
        %parallel_loop3A_642 = arith.index_cast %parallel_loop3A_641 : i32 to index
        %parallel_loop3A_643 = tpu.vector_load %arg10[%parallel_loop3A_642] {strides = array<i32>} : memref<6144xf32, #tpu.memory_space<vmem>>, vector<16xf32>,
        %parallel_loop3A_644 = arith.constant 16 : i32
        %parallel_loop3A_645 = vector.broadcast %parallel_loop3A_644 : i32 to vector<16xi32>
        %parallel_loop3A_646 = arith.addi %iota3A, %parallel_loop3A_645 : vector<16xi32>
        %parallel_loop3A_647 = tpu.vector_load_idx %arg15[%parallel_loop3A_613, %parallel_loop3A_646] : memref<128x128xf32, #tpu.memory_space<vmem>>[vector<16xi32>, vector<16xi32>], vector<16xf32>,
        %parallel_loop3A_648 = arith.addf %parallel_loop3A_639, %parallel_loop3A_643 : vector<16xf32>
        %parallel_loop3A_649 = vector.broadcast %parallel_loop3A_612 : f32 to vector<16xf32>
        %parallel_loop3A_650 = arith.mulf %parallel_loop3A_647, %parallel_loop3A_649 : vector<16xf32>
        %parallel_loop3A_651 = arith.addf %parallel_loop3A_648, %parallel_loop3A_650 : vector<16xf32>
        %parallel_loop3A_652 = arith.constant 64 : i32
        %parallel_loop3A_653 = arith.muli %parallel_loop3A_606, %parallel_loop3A_652 : i32
        %parallel_loop3A_654 = arith.constant 16 : i32
        %parallel_loop3A_655 = arith.addi %parallel_loop3A_653, %parallel_loop3A_654 : i32
        %parallel_loop3A_656 = arith.index_cast %parallel_loop3A_655 : i32 to index
        %parallel_loop3A_657 = tpu.vector_load %arg17[%parallel_loop3A_656] {strides = array<i32>} : memref<8192xf32, #tpu.memory_space<vmem>>, vector<16xf32>,
        tpu.vector_store %arg17[%parallel_loop3A_656], %parallel_loop3A_651 {strides = array<i32>} : memref<8192xf32, #tpu.memory_space<vmem>>, vector<16xf32>,
        %parallel_loop3A_658 = arith.constant 32 : i32
        %parallel_loop3A_659 = arith.addi %parallel_loop3A_608, %parallel_loop3A_658 : i32
        %parallel_loop3A_660 = arith.index_cast %parallel_loop3A_659 : i32 to index
        %parallel_loop3A_661 = tpu.vector_load %arg9[%parallel_loop3A_660] {strides = array<i32>} : memref<43008xf32, #tpu.memory_space<vmem>>, vector<16xf32>,
        %parallel_loop3A_662 = arith.constant 32 : i32
        %parallel_loop3A_663 = arith.addi %parallel_loop3A_610, %parallel_loop3A_662 : i32
        %parallel_loop3A_664 = arith.index_cast %parallel_loop3A_663 : i32 to index
        %parallel_loop3A_665 = tpu.vector_load %arg10[%parallel_loop3A_664] {strides = array<i32>} : memref<6144xf32, #tpu.memory_space<vmem>>, vector<16xf32>,
        %parallel_loop3A_666 = arith.constant 32 : i32
        %parallel_loop3A_667 = vector.broadcast %parallel_loop3A_666 : i32 to vector<16xi32>
        %parallel_loop3A_668 = arith.addi %iota3A, %parallel_loop3A_667 : vector<16xi32>
        %parallel_loop3A_669 = tpu.vector_load_idx %arg15[%parallel_loop3A_613, %parallel_loop3A_668] : memref<128x128xf32, #tpu.memory_space<vmem>>[vector<16xi32>, vector<16xi32>], vector<16xf32>,
        %parallel_loop3A_670 = arith.addf %parallel_loop3A_661, %parallel_loop3A_665 : vector<16xf32>
        %parallel_loop3A_671 = vector.broadcast %parallel_loop3A_612 : f32 to vector<16xf32>
        %parallel_loop3A_672 = arith.mulf %parallel_loop3A_669, %parallel_loop3A_671 : vector<16xf32>
        %parallel_loop3A_673 = arith.addf %parallel_loop3A_670, %parallel_loop3A_672 : vector<16xf32>
        %parallel_loop3A_674 = arith.constant 64 : i32
        %parallel_loop3A_675 = arith.muli %parallel_loop3A_606, %parallel_loop3A_674 : i32
        %parallel_loop3A_676 = arith.constant 32 : i32
        %parallel_loop3A_677 = arith.addi %parallel_loop3A_675, %parallel_loop3A_676 : i32
        %parallel_loop3A_678 = arith.index_cast %parallel_loop3A_677 : i32 to index
        %parallel_loop3A_679 = tpu.vector_load %arg17[%parallel_loop3A_678] {strides = array<i32>} : memref<8192xf32, #tpu.memory_space<vmem>>, vector<16xf32>,
        tpu.vector_store %arg17[%parallel_loop3A_678], %parallel_loop3A_673 {strides = array<i32>} : memref<8192xf32, #tpu.memory_space<vmem>>, vector<16xf32>,
        %parallel_loop3A_680 = arith.constant 48 : i32
        %parallel_loop3A_681 = arith.addi %parallel_loop3A_608, %parallel_loop3A_680 : i32
        %parallel_loop3A_682 = arith.index_cast %parallel_loop3A_681 : i32 to index
        %parallel_loop3A_683 = tpu.vector_load %arg9[%parallel_loop3A_682] {strides = array<i32>} : memref<43008xf32, #tpu.memory_space<vmem>>, vector<16xf32>,
        %parallel_loop3A_684 = arith.constant 48 : i32
        %parallel_loop3A_685 = arith.addi %parallel_loop3A_610, %parallel_loop3A_684 : i32
        %parallel_loop3A_686 = arith.index_cast %parallel_loop3A_685 : i32 to index
        %parallel_loop3A_687 = tpu.vector_load %arg10[%parallel_loop3A_686] {strides = array<i32>} : memref<6144xf32, #tpu.memory_space<vmem>>, vector<16xf32>,
        %parallel_loop3A_688 = arith.constant 48 : i32
        %parallel_loop3A_689 = vector.broadcast %parallel_loop3A_688 : i32 to vector<16xi32>
        %parallel_loop3A_690 = arith.addi %iota3A, %parallel_loop3A_689 : vector<16xi32>
        %parallel_loop3A_691 = tpu.vector_load_idx %arg15[%parallel_loop3A_613, %parallel_loop3A_690] : memref<128x128xf32, #tpu.memory_space<vmem>>[vector<16xi32>, vector<16xi32>], vector<16xf32>,
        %parallel_loop3A_692 = arith.addf %parallel_loop3A_683, %parallel_loop3A_687 : vector<16xf32>
        %parallel_loop3A_693 = vector.broadcast %parallel_loop3A_612 : f32 to vector<16xf32>
        %parallel_loop3A_694 = arith.mulf %parallel_loop3A_691, %parallel_loop3A_693 : vector<16xf32>
        %parallel_loop3A_695 = arith.addf %parallel_loop3A_692, %parallel_loop3A_694 : vector<16xf32>
        %parallel_loop3A_696 = arith.constant 64 : i32
        %parallel_loop3A_697 = arith.muli %parallel_loop3A_606, %parallel_loop3A_696 : i32
        %parallel_loop3A_698 = arith.constant 48 : i32
        %parallel_loop3A_699 = arith.addi %parallel_loop3A_697, %parallel_loop3A_698 : i32
        %parallel_loop3A_700 = arith.index_cast %parallel_loop3A_699 : i32 to index
        %parallel_loop3A_701 = tpu.vector_load %arg17[%parallel_loop3A_700] {strides = array<i32>} : memref<8192xf32, #tpu.memory_space<vmem>>, vector<16xf32>,
        tpu.vector_store %arg17[%parallel_loop3A_700], %parallel_loop3A_695 {strides = array<i32>} : memref<8192xf32, #tpu.memory_space<vmem>>, vector<16xf32>,
        %parallel_loop3A_702 = arith.constant 16 : i32
        %parallel_loop3A_703 = arith.muli %parallel_loop3A_82, %parallel_loop3A_702 : i32
        %parallel_loop3A_704 = arith.constant 6 : i32
        %parallel_loop3A_705 = arith.addi %parallel_loop3A_703, %parallel_loop3A_704 : i32
        %parallel_loop3A_706 = vector.extract_strided_slice %parallel_loop3A_92 {offsets = [6], sizes = [1], strides = [1]} : vector<16xi32> to vector<1xi32>
        %parallel_loop3A_707 = vector.extract %parallel_loop3A_706[0] : i32 from vector<1xi32>
        %parallel_loop3A_708 = vector.extract_strided_slice %parallel_loop3A_97 {offsets = [6], sizes = [1], strides = [1]} : vector<16xi32> to vector<1xi32>
        %parallel_loop3A_709 = vector.extract %parallel_loop3A_708[0] : i32 from vector<1xi32>
        %parallel_loop3A_710 = vector.extract_strided_slice %parallel_loop3A_107 {offsets = [6], sizes = [1], strides = [1]} : vector<16xf32> to vector<1xf32>
        %parallel_loop3A_711 = vector.extract %parallel_loop3A_710[0] : f32 from vector<1xf32>
        %parallel_loop3A_712 = vector.broadcast %parallel_loop3A_705 : i32 to vector<16xi32>
        %parallel_loop3A_713 = arith.constant 0 : i32
        %parallel_loop3A_714 = arith.addi %parallel_loop3A_707, %parallel_loop3A_713 : i32
        %parallel_loop3A_715 = arith.index_cast %parallel_loop3A_714 : i32 to index
        %parallel_loop3A_716 = tpu.vector_load %arg9[%parallel_loop3A_715] {strides = array<i32>} : memref<43008xf32, #tpu.memory_space<vmem>>, vector<16xf32>,
        %parallel_loop3A_717 = arith.constant 0 : i32
        %parallel_loop3A_718 = arith.addi %parallel_loop3A_709, %parallel_loop3A_717 : i32
        %parallel_loop3A_719 = arith.index_cast %parallel_loop3A_718 : i32 to index
        %parallel_loop3A_720 = tpu.vector_load %arg10[%parallel_loop3A_719] {strides = array<i32>} : memref<6144xf32, #tpu.memory_space<vmem>>, vector<16xf32>,
        %parallel_loop3A_721 = arith.constant 0 : i32
        %parallel_loop3A_722 = vector.broadcast %parallel_loop3A_721 : i32 to vector<16xi32>
        %parallel_loop3A_723 = arith.addi %iota3A, %parallel_loop3A_722 : vector<16xi32>
        %parallel_loop3A_724 = tpu.vector_load_idx %arg15[%parallel_loop3A_712, %parallel_loop3A_723] : memref<128x128xf32, #tpu.memory_space<vmem>>[vector<16xi32>, vector<16xi32>], vector<16xf32>,
        %parallel_loop3A_725 = arith.addf %parallel_loop3A_716, %parallel_loop3A_720 : vector<16xf32>
        %parallel_loop3A_726 = vector.broadcast %parallel_loop3A_711 : f32 to vector<16xf32>
        %parallel_loop3A_727 = arith.mulf %parallel_loop3A_724, %parallel_loop3A_726 : vector<16xf32>
        %parallel_loop3A_728 = arith.addf %parallel_loop3A_725, %parallel_loop3A_727 : vector<16xf32>
        %parallel_loop3A_729 = arith.constant 64 : i32
        %parallel_loop3A_730 = arith.muli %parallel_loop3A_705, %parallel_loop3A_729 : i32
        %parallel_loop3A_731 = arith.constant 0 : i32
        %parallel_loop3A_732 = arith.addi %parallel_loop3A_730, %parallel_loop3A_731 : i32
        %parallel_loop3A_733 = arith.index_cast %parallel_loop3A_732 : i32 to index
        %parallel_loop3A_734 = tpu.vector_load %arg17[%parallel_loop3A_733] {strides = array<i32>} : memref<8192xf32, #tpu.memory_space<vmem>>, vector<16xf32>,
        tpu.vector_store %arg17[%parallel_loop3A_733], %parallel_loop3A_728 {strides = array<i32>} : memref<8192xf32, #tpu.memory_space<vmem>>, vector<16xf32>,
        %parallel_loop3A_735 = arith.constant 16 : i32
        %parallel_loop3A_736 = arith.addi %parallel_loop3A_707, %parallel_loop3A_735 : i32
        %parallel_loop3A_737 = arith.index_cast %parallel_loop3A_736 : i32 to index
        %parallel_loop3A_738 = tpu.vector_load %arg9[%parallel_loop3A_737] {strides = array<i32>} : memref<43008xf32, #tpu.memory_space<vmem>>, vector<16xf32>,
        %parallel_loop3A_739 = arith.constant 16 : i32
        %parallel_loop3A_740 = arith.addi %parallel_loop3A_709, %parallel_loop3A_739 : i32
        %parallel_loop3A_741 = arith.index_cast %parallel_loop3A_740 : i32 to index
        %parallel_loop3A_742 = tpu.vector_load %arg10[%parallel_loop3A_741] {strides = array<i32>} : memref<6144xf32, #tpu.memory_space<vmem>>, vector<16xf32>,
        %parallel_loop3A_743 = arith.constant 16 : i32
        %parallel_loop3A_744 = vector.broadcast %parallel_loop3A_743 : i32 to vector<16xi32>
        %parallel_loop3A_745 = arith.addi %iota3A, %parallel_loop3A_744 : vector<16xi32>
        %parallel_loop3A_746 = tpu.vector_load_idx %arg15[%parallel_loop3A_712, %parallel_loop3A_745] : memref<128x128xf32, #tpu.memory_space<vmem>>[vector<16xi32>, vector<16xi32>], vector<16xf32>,
        %parallel_loop3A_747 = arith.addf %parallel_loop3A_738, %parallel_loop3A_742 : vector<16xf32>
        %parallel_loop3A_748 = vector.broadcast %parallel_loop3A_711 : f32 to vector<16xf32>
        %parallel_loop3A_749 = arith.mulf %parallel_loop3A_746, %parallel_loop3A_748 : vector<16xf32>
        %parallel_loop3A_750 = arith.addf %parallel_loop3A_747, %parallel_loop3A_749 : vector<16xf32>
        %parallel_loop3A_751 = arith.constant 64 : i32
        %parallel_loop3A_752 = arith.muli %parallel_loop3A_705, %parallel_loop3A_751 : i32
        %parallel_loop3A_753 = arith.constant 16 : i32
        %parallel_loop3A_754 = arith.addi %parallel_loop3A_752, %parallel_loop3A_753 : i32
        %parallel_loop3A_755 = arith.index_cast %parallel_loop3A_754 : i32 to index
        %parallel_loop3A_756 = tpu.vector_load %arg17[%parallel_loop3A_755] {strides = array<i32>} : memref<8192xf32, #tpu.memory_space<vmem>>, vector<16xf32>,
        tpu.vector_store %arg17[%parallel_loop3A_755], %parallel_loop3A_750 {strides = array<i32>} : memref<8192xf32, #tpu.memory_space<vmem>>, vector<16xf32>,
        %parallel_loop3A_757 = arith.constant 32 : i32
        %parallel_loop3A_758 = arith.addi %parallel_loop3A_707, %parallel_loop3A_757 : i32
        %parallel_loop3A_759 = arith.index_cast %parallel_loop3A_758 : i32 to index
        %parallel_loop3A_760 = tpu.vector_load %arg9[%parallel_loop3A_759] {strides = array<i32>} : memref<43008xf32, #tpu.memory_space<vmem>>, vector<16xf32>,
        %parallel_loop3A_761 = arith.constant 32 : i32
        %parallel_loop3A_762 = arith.addi %parallel_loop3A_709, %parallel_loop3A_761 : i32
        %parallel_loop3A_763 = arith.index_cast %parallel_loop3A_762 : i32 to index
        %parallel_loop3A_764 = tpu.vector_load %arg10[%parallel_loop3A_763] {strides = array<i32>} : memref<6144xf32, #tpu.memory_space<vmem>>, vector<16xf32>,
        %parallel_loop3A_765 = arith.constant 32 : i32
        %parallel_loop3A_766 = vector.broadcast %parallel_loop3A_765 : i32 to vector<16xi32>
        %parallel_loop3A_767 = arith.addi %iota3A, %parallel_loop3A_766 : vector<16xi32>
        %parallel_loop3A_768 = tpu.vector_load_idx %arg15[%parallel_loop3A_712, %parallel_loop3A_767] : memref<128x128xf32, #tpu.memory_space<vmem>>[vector<16xi32>, vector<16xi32>], vector<16xf32>,
        %parallel_loop3A_769 = arith.addf %parallel_loop3A_760, %parallel_loop3A_764 : vector<16xf32>
        %parallel_loop3A_770 = vector.broadcast %parallel_loop3A_711 : f32 to vector<16xf32>
        %parallel_loop3A_771 = arith.mulf %parallel_loop3A_768, %parallel_loop3A_770 : vector<16xf32>
        %parallel_loop3A_772 = arith.addf %parallel_loop3A_769, %parallel_loop3A_771 : vector<16xf32>
        %parallel_loop3A_773 = arith.constant 64 : i32
        %parallel_loop3A_774 = arith.muli %parallel_loop3A_705, %parallel_loop3A_773 : i32
        %parallel_loop3A_775 = arith.constant 32 : i32
        %parallel_loop3A_776 = arith.addi %parallel_loop3A_774, %parallel_loop3A_775 : i32
        %parallel_loop3A_777 = arith.index_cast %parallel_loop3A_776 : i32 to index
        %parallel_loop3A_778 = tpu.vector_load %arg17[%parallel_loop3A_777] {strides = array<i32>} : memref<8192xf32, #tpu.memory_space<vmem>>, vector<16xf32>,
        tpu.vector_store %arg17[%parallel_loop3A_777], %parallel_loop3A_772 {strides = array<i32>} : memref<8192xf32, #tpu.memory_space<vmem>>, vector<16xf32>,
        %parallel_loop3A_779 = arith.constant 48 : i32
        %parallel_loop3A_780 = arith.addi %parallel_loop3A_707, %parallel_loop3A_779 : i32
        %parallel_loop3A_781 = arith.index_cast %parallel_loop3A_780 : i32 to index
        %parallel_loop3A_782 = tpu.vector_load %arg9[%parallel_loop3A_781] {strides = array<i32>} : memref<43008xf32, #tpu.memory_space<vmem>>, vector<16xf32>,
        %parallel_loop3A_783 = arith.constant 48 : i32
        %parallel_loop3A_784 = arith.addi %parallel_loop3A_709, %parallel_loop3A_783 : i32
        %parallel_loop3A_785 = arith.index_cast %parallel_loop3A_784 : i32 to index
        %parallel_loop3A_786 = tpu.vector_load %arg10[%parallel_loop3A_785] {strides = array<i32>} : memref<6144xf32, #tpu.memory_space<vmem>>, vector<16xf32>,
        %parallel_loop3A_787 = arith.constant 48 : i32
        %parallel_loop3A_788 = vector.broadcast %parallel_loop3A_787 : i32 to vector<16xi32>
        %parallel_loop3A_789 = arith.addi %iota3A, %parallel_loop3A_788 : vector<16xi32>
        %parallel_loop3A_790 = tpu.vector_load_idx %arg15[%parallel_loop3A_712, %parallel_loop3A_789] : memref<128x128xf32, #tpu.memory_space<vmem>>[vector<16xi32>, vector<16xi32>], vector<16xf32>,
        %parallel_loop3A_791 = arith.addf %parallel_loop3A_782, %parallel_loop3A_786 : vector<16xf32>
        %parallel_loop3A_792 = vector.broadcast %parallel_loop3A_711 : f32 to vector<16xf32>
        %parallel_loop3A_793 = arith.mulf %parallel_loop3A_790, %parallel_loop3A_792 : vector<16xf32>
        %parallel_loop3A_794 = arith.addf %parallel_loop3A_791, %parallel_loop3A_793 : vector<16xf32>
        %parallel_loop3A_795 = arith.constant 64 : i32
        %parallel_loop3A_796 = arith.muli %parallel_loop3A_705, %parallel_loop3A_795 : i32
        %parallel_loop3A_797 = arith.constant 48 : i32
        %parallel_loop3A_798 = arith.addi %parallel_loop3A_796, %parallel_loop3A_797 : i32
        %parallel_loop3A_799 = arith.index_cast %parallel_loop3A_798 : i32 to index
        %parallel_loop3A_800 = tpu.vector_load %arg17[%parallel_loop3A_799] {strides = array<i32>} : memref<8192xf32, #tpu.memory_space<vmem>>, vector<16xf32>,
        tpu.vector_store %arg17[%parallel_loop3A_799], %parallel_loop3A_794 {strides = array<i32>} : memref<8192xf32, #tpu.memory_space<vmem>>, vector<16xf32>,
        %parallel_loop3A_801 = arith.constant 16 : i32
        %parallel_loop3A_802 = arith.muli %parallel_loop3A_82, %parallel_loop3A_801 : i32
        %parallel_loop3A_803 = arith.constant 7 : i32
        %parallel_loop3A_804 = arith.addi %parallel_loop3A_802, %parallel_loop3A_803 : i32
        %parallel_loop3A_805 = vector.extract_strided_slice %parallel_loop3A_92 {offsets = [7], sizes = [1], strides = [1]} : vector<16xi32> to vector<1xi32>
        %parallel_loop3A_806 = vector.extract %parallel_loop3A_805[0] : i32 from vector<1xi32>
        %parallel_loop3A_807 = vector.extract_strided_slice %parallel_loop3A_97 {offsets = [7], sizes = [1], strides = [1]} : vector<16xi32> to vector<1xi32>
        %parallel_loop3A_808 = vector.extract %parallel_loop3A_807[0] : i32 from vector<1xi32>
        %parallel_loop3A_809 = vector.extract_strided_slice %parallel_loop3A_107 {offsets = [7], sizes = [1], strides = [1]} : vector<16xf32> to vector<1xf32>
        %parallel_loop3A_810 = vector.extract %parallel_loop3A_809[0] : f32 from vector<1xf32>
        %parallel_loop3A_811 = vector.broadcast %parallel_loop3A_804 : i32 to vector<16xi32>
        %parallel_loop3A_812 = arith.constant 0 : i32
        %parallel_loop3A_813 = arith.addi %parallel_loop3A_806, %parallel_loop3A_812 : i32
        %parallel_loop3A_814 = arith.index_cast %parallel_loop3A_813 : i32 to index
        %parallel_loop3A_815 = tpu.vector_load %arg9[%parallel_loop3A_814] {strides = array<i32>} : memref<43008xf32, #tpu.memory_space<vmem>>, vector<16xf32>,
        %parallel_loop3A_816 = arith.constant 0 : i32
        %parallel_loop3A_817 = arith.addi %parallel_loop3A_808, %parallel_loop3A_816 : i32
        %parallel_loop3A_818 = arith.index_cast %parallel_loop3A_817 : i32 to index
        %parallel_loop3A_819 = tpu.vector_load %arg10[%parallel_loop3A_818] {strides = array<i32>} : memref<6144xf32, #tpu.memory_space<vmem>>, vector<16xf32>,
        %parallel_loop3A_820 = arith.constant 0 : i32
        %parallel_loop3A_821 = vector.broadcast %parallel_loop3A_820 : i32 to vector<16xi32>
        %parallel_loop3A_822 = arith.addi %iota3A, %parallel_loop3A_821 : vector<16xi32>
        %parallel_loop3A_823 = tpu.vector_load_idx %arg15[%parallel_loop3A_811, %parallel_loop3A_822] : memref<128x128xf32, #tpu.memory_space<vmem>>[vector<16xi32>, vector<16xi32>], vector<16xf32>,
        %parallel_loop3A_824 = arith.addf %parallel_loop3A_815, %parallel_loop3A_819 : vector<16xf32>
        %parallel_loop3A_825 = vector.broadcast %parallel_loop3A_810 : f32 to vector<16xf32>
        %parallel_loop3A_826 = arith.mulf %parallel_loop3A_823, %parallel_loop3A_825 : vector<16xf32>
        %parallel_loop3A_827 = arith.addf %parallel_loop3A_824, %parallel_loop3A_826 : vector<16xf32>
        %parallel_loop3A_828 = arith.constant 64 : i32
        %parallel_loop3A_829 = arith.muli %parallel_loop3A_804, %parallel_loop3A_828 : i32
        %parallel_loop3A_830 = arith.constant 0 : i32
        %parallel_loop3A_831 = arith.addi %parallel_loop3A_829, %parallel_loop3A_830 : i32
        %parallel_loop3A_832 = arith.index_cast %parallel_loop3A_831 : i32 to index
        %parallel_loop3A_833 = tpu.vector_load %arg17[%parallel_loop3A_832] {strides = array<i32>} : memref<8192xf32, #tpu.memory_space<vmem>>, vector<16xf32>,
        tpu.vector_store %arg17[%parallel_loop3A_832], %parallel_loop3A_827 {strides = array<i32>} : memref<8192xf32, #tpu.memory_space<vmem>>, vector<16xf32>,
        %parallel_loop3A_834 = arith.constant 16 : i32
        %parallel_loop3A_835 = arith.addi %parallel_loop3A_806, %parallel_loop3A_834 : i32
        %parallel_loop3A_836 = arith.index_cast %parallel_loop3A_835 : i32 to index
        %parallel_loop3A_837 = tpu.vector_load %arg9[%parallel_loop3A_836] {strides = array<i32>} : memref<43008xf32, #tpu.memory_space<vmem>>, vector<16xf32>,
        %parallel_loop3A_838 = arith.constant 16 : i32
        %parallel_loop3A_839 = arith.addi %parallel_loop3A_808, %parallel_loop3A_838 : i32
        %parallel_loop3A_840 = arith.index_cast %parallel_loop3A_839 : i32 to index
        %parallel_loop3A_841 = tpu.vector_load %arg10[%parallel_loop3A_840] {strides = array<i32>} : memref<6144xf32, #tpu.memory_space<vmem>>, vector<16xf32>,
        %parallel_loop3A_842 = arith.constant 16 : i32
        %parallel_loop3A_843 = vector.broadcast %parallel_loop3A_842 : i32 to vector<16xi32>
        %parallel_loop3A_844 = arith.addi %iota3A, %parallel_loop3A_843 : vector<16xi32>
        %parallel_loop3A_845 = tpu.vector_load_idx %arg15[%parallel_loop3A_811, %parallel_loop3A_844] : memref<128x128xf32, #tpu.memory_space<vmem>>[vector<16xi32>, vector<16xi32>], vector<16xf32>,
        %parallel_loop3A_846 = arith.addf %parallel_loop3A_837, %parallel_loop3A_841 : vector<16xf32>
        %parallel_loop3A_847 = vector.broadcast %parallel_loop3A_810 : f32 to vector<16xf32>
        %parallel_loop3A_848 = arith.mulf %parallel_loop3A_845, %parallel_loop3A_847 : vector<16xf32>
        %parallel_loop3A_849 = arith.addf %parallel_loop3A_846, %parallel_loop3A_848 : vector<16xf32>
        %parallel_loop3A_850 = arith.constant 64 : i32
        %parallel_loop3A_851 = arith.muli %parallel_loop3A_804, %parallel_loop3A_850 : i32
        %parallel_loop3A_852 = arith.constant 16 : i32
        %parallel_loop3A_853 = arith.addi %parallel_loop3A_851, %parallel_loop3A_852 : i32
        %parallel_loop3A_854 = arith.index_cast %parallel_loop3A_853 : i32 to index
        %parallel_loop3A_855 = tpu.vector_load %arg17[%parallel_loop3A_854] {strides = array<i32>} : memref<8192xf32, #tpu.memory_space<vmem>>, vector<16xf32>,
        tpu.vector_store %arg17[%parallel_loop3A_854], %parallel_loop3A_849 {strides = array<i32>} : memref<8192xf32, #tpu.memory_space<vmem>>, vector<16xf32>,
        %parallel_loop3A_856 = arith.constant 32 : i32
        %parallel_loop3A_857 = arith.addi %parallel_loop3A_806, %parallel_loop3A_856 : i32
        %parallel_loop3A_858 = arith.index_cast %parallel_loop3A_857 : i32 to index
        %parallel_loop3A_859 = tpu.vector_load %arg9[%parallel_loop3A_858] {strides = array<i32>} : memref<43008xf32, #tpu.memory_space<vmem>>, vector<16xf32>,
        %parallel_loop3A_860 = arith.constant 32 : i32
        %parallel_loop3A_861 = arith.addi %parallel_loop3A_808, %parallel_loop3A_860 : i32
        %parallel_loop3A_862 = arith.index_cast %parallel_loop3A_861 : i32 to index
        %parallel_loop3A_863 = tpu.vector_load %arg10[%parallel_loop3A_862] {strides = array<i32>} : memref<6144xf32, #tpu.memory_space<vmem>>, vector<16xf32>,
        %parallel_loop3A_864 = arith.constant 32 : i32
        %parallel_loop3A_865 = vector.broadcast %parallel_loop3A_864 : i32 to vector<16xi32>
        %parallel_loop3A_866 = arith.addi %iota3A, %parallel_loop3A_865 : vector<16xi32>
        %parallel_loop3A_867 = tpu.vector_load_idx %arg15[%parallel_loop3A_811, %parallel_loop3A_866] : memref<128x128xf32, #tpu.memory_space<vmem>>[vector<16xi32>, vector<16xi32>], vector<16xf32>,
        %parallel_loop3A_868 = arith.addf %parallel_loop3A_859, %parallel_loop3A_863 : vector<16xf32>
        %parallel_loop3A_869 = vector.broadcast %parallel_loop3A_810 : f32 to vector<16xf32>
        %parallel_loop3A_870 = arith.mulf %parallel_loop3A_867, %parallel_loop3A_869 : vector<16xf32>
        %parallel_loop3A_871 = arith.addf %parallel_loop3A_868, %parallel_loop3A_870 : vector<16xf32>
        %parallel_loop3A_872 = arith.constant 64 : i32
        %parallel_loop3A_873 = arith.muli %parallel_loop3A_804, %parallel_loop3A_872 : i32
        %parallel_loop3A_874 = arith.constant 32 : i32
        %parallel_loop3A_875 = arith.addi %parallel_loop3A_873, %parallel_loop3A_874 : i32
        %parallel_loop3A_876 = arith.index_cast %parallel_loop3A_875 : i32 to index
        %parallel_loop3A_877 = tpu.vector_load %arg17[%parallel_loop3A_876] {strides = array<i32>} : memref<8192xf32, #tpu.memory_space<vmem>>, vector<16xf32>,
        tpu.vector_store %arg17[%parallel_loop3A_876], %parallel_loop3A_871 {strides = array<i32>} : memref<8192xf32, #tpu.memory_space<vmem>>, vector<16xf32>,
        %parallel_loop3A_878 = arith.constant 48 : i32
        %parallel_loop3A_879 = arith.addi %parallel_loop3A_806, %parallel_loop3A_878 : i32
        %parallel_loop3A_880 = arith.index_cast %parallel_loop3A_879 : i32 to index
        %parallel_loop3A_881 = tpu.vector_load %arg9[%parallel_loop3A_880] {strides = array<i32>} : memref<43008xf32, #tpu.memory_space<vmem>>, vector<16xf32>,
        %parallel_loop3A_882 = arith.constant 48 : i32
        %parallel_loop3A_883 = arith.addi %parallel_loop3A_808, %parallel_loop3A_882 : i32
        %parallel_loop3A_884 = arith.index_cast %parallel_loop3A_883 : i32 to index
        %parallel_loop3A_885 = tpu.vector_load %arg10[%parallel_loop3A_884] {strides = array<i32>} : memref<6144xf32, #tpu.memory_space<vmem>>, vector<16xf32>,
        %parallel_loop3A_886 = arith.constant 48 : i32
        %parallel_loop3A_887 = vector.broadcast %parallel_loop3A_886 : i32 to vector<16xi32>
        %parallel_loop3A_888 = arith.addi %iota3A, %parallel_loop3A_887 : vector<16xi32>
        %parallel_loop3A_889 = tpu.vector_load_idx %arg15[%parallel_loop3A_811, %parallel_loop3A_888] : memref<128x128xf32, #tpu.memory_space<vmem>>[vector<16xi32>, vector<16xi32>], vector<16xf32>,
        %parallel_loop3A_890 = arith.addf %parallel_loop3A_881, %parallel_loop3A_885 : vector<16xf32>
        %parallel_loop3A_891 = vector.broadcast %parallel_loop3A_810 : f32 to vector<16xf32>
        %parallel_loop3A_892 = arith.mulf %parallel_loop3A_889, %parallel_loop3A_891 : vector<16xf32>
        %parallel_loop3A_893 = arith.addf %parallel_loop3A_890, %parallel_loop3A_892 : vector<16xf32>
        %parallel_loop3A_894 = arith.constant 64 : i32
        %parallel_loop3A_895 = arith.muli %parallel_loop3A_804, %parallel_loop3A_894 : i32
        %parallel_loop3A_896 = arith.constant 48 : i32
        %parallel_loop3A_897 = arith.addi %parallel_loop3A_895, %parallel_loop3A_896 : i32
        %parallel_loop3A_898 = arith.index_cast %parallel_loop3A_897 : i32 to index
        %parallel_loop3A_899 = tpu.vector_load %arg17[%parallel_loop3A_898] {strides = array<i32>} : memref<8192xf32, #tpu.memory_space<vmem>>, vector<16xf32>,
        tpu.vector_store %arg17[%parallel_loop3A_898], %parallel_loop3A_893 {strides = array<i32>} : memref<8192xf32, #tpu.memory_space<vmem>>, vector<16xf32>,
        %parallel_loop3A_900 = arith.constant 16 : i32
        %parallel_loop3A_901 = arith.muli %parallel_loop3A_82, %parallel_loop3A_900 : i32
        %parallel_loop3A_902 = arith.constant 8 : i32
        %parallel_loop3A_903 = arith.addi %parallel_loop3A_901, %parallel_loop3A_902 : i32
        %parallel_loop3A_904 = vector.extract_strided_slice %parallel_loop3A_92 {offsets = [8], sizes = [1], strides = [1]} : vector<16xi32> to vector<1xi32>
        %parallel_loop3A_905 = vector.extract %parallel_loop3A_904[0] : i32 from vector<1xi32>
        %parallel_loop3A_906 = vector.extract_strided_slice %parallel_loop3A_97 {offsets = [8], sizes = [1], strides = [1]} : vector<16xi32> to vector<1xi32>
        %parallel_loop3A_907 = vector.extract %parallel_loop3A_906[0] : i32 from vector<1xi32>
        %parallel_loop3A_908 = vector.extract_strided_slice %parallel_loop3A_107 {offsets = [8], sizes = [1], strides = [1]} : vector<16xf32> to vector<1xf32>
        %parallel_loop3A_909 = vector.extract %parallel_loop3A_908[0] : f32 from vector<1xf32>
        %parallel_loop3A_910 = vector.broadcast %parallel_loop3A_903 : i32 to vector<16xi32>
        %parallel_loop3A_911 = arith.constant 0 : i32
        %parallel_loop3A_912 = arith.addi %parallel_loop3A_905, %parallel_loop3A_911 : i32
        %parallel_loop3A_913 = arith.index_cast %parallel_loop3A_912 : i32 to index
        %parallel_loop3A_914 = tpu.vector_load %arg9[%parallel_loop3A_913] {strides = array<i32>} : memref<43008xf32, #tpu.memory_space<vmem>>, vector<16xf32>,
        %parallel_loop3A_915 = arith.constant 0 : i32
        %parallel_loop3A_916 = arith.addi %parallel_loop3A_907, %parallel_loop3A_915 : i32
        %parallel_loop3A_917 = arith.index_cast %parallel_loop3A_916 : i32 to index
        %parallel_loop3A_918 = tpu.vector_load %arg10[%parallel_loop3A_917] {strides = array<i32>} : memref<6144xf32, #tpu.memory_space<vmem>>, vector<16xf32>,
        %parallel_loop3A_919 = arith.constant 0 : i32
        %parallel_loop3A_920 = vector.broadcast %parallel_loop3A_919 : i32 to vector<16xi32>
        %parallel_loop3A_921 = arith.addi %iota3A, %parallel_loop3A_920 : vector<16xi32>
        %parallel_loop3A_922 = tpu.vector_load_idx %arg15[%parallel_loop3A_910, %parallel_loop3A_921] : memref<128x128xf32, #tpu.memory_space<vmem>>[vector<16xi32>, vector<16xi32>], vector<16xf32>,
        %parallel_loop3A_923 = arith.addf %parallel_loop3A_914, %parallel_loop3A_918 : vector<16xf32>
        %parallel_loop3A_924 = vector.broadcast %parallel_loop3A_909 : f32 to vector<16xf32>
        %parallel_loop3A_925 = arith.mulf %parallel_loop3A_922, %parallel_loop3A_924 : vector<16xf32>
        %parallel_loop3A_926 = arith.addf %parallel_loop3A_923, %parallel_loop3A_925 : vector<16xf32>
        %parallel_loop3A_927 = arith.constant 64 : i32
        %parallel_loop3A_928 = arith.muli %parallel_loop3A_903, %parallel_loop3A_927 : i32
        %parallel_loop3A_929 = arith.constant 0 : i32
        %parallel_loop3A_930 = arith.addi %parallel_loop3A_928, %parallel_loop3A_929 : i32
        %parallel_loop3A_931 = arith.index_cast %parallel_loop3A_930 : i32 to index
        %parallel_loop3A_932 = tpu.vector_load %arg17[%parallel_loop3A_931] {strides = array<i32>} : memref<8192xf32, #tpu.memory_space<vmem>>, vector<16xf32>,
        tpu.vector_store %arg17[%parallel_loop3A_931], %parallel_loop3A_926 {strides = array<i32>} : memref<8192xf32, #tpu.memory_space<vmem>>, vector<16xf32>,
        %parallel_loop3A_933 = arith.constant 16 : i32
        %parallel_loop3A_934 = arith.addi %parallel_loop3A_905, %parallel_loop3A_933 : i32
        %parallel_loop3A_935 = arith.index_cast %parallel_loop3A_934 : i32 to index
        %parallel_loop3A_936 = tpu.vector_load %arg9[%parallel_loop3A_935] {strides = array<i32>} : memref<43008xf32, #tpu.memory_space<vmem>>, vector<16xf32>,
        %parallel_loop3A_937 = arith.constant 16 : i32
        %parallel_loop3A_938 = arith.addi %parallel_loop3A_907, %parallel_loop3A_937 : i32
        %parallel_loop3A_939 = arith.index_cast %parallel_loop3A_938 : i32 to index
        %parallel_loop3A_940 = tpu.vector_load %arg10[%parallel_loop3A_939] {strides = array<i32>} : memref<6144xf32, #tpu.memory_space<vmem>>, vector<16xf32>,
        %parallel_loop3A_941 = arith.constant 16 : i32
        %parallel_loop3A_942 = vector.broadcast %parallel_loop3A_941 : i32 to vector<16xi32>
        %parallel_loop3A_943 = arith.addi %iota3A, %parallel_loop3A_942 : vector<16xi32>
        %parallel_loop3A_944 = tpu.vector_load_idx %arg15[%parallel_loop3A_910, %parallel_loop3A_943] : memref<128x128xf32, #tpu.memory_space<vmem>>[vector<16xi32>, vector<16xi32>], vector<16xf32>,
        %parallel_loop3A_945 = arith.addf %parallel_loop3A_936, %parallel_loop3A_940 : vector<16xf32>
        %parallel_loop3A_946 = vector.broadcast %parallel_loop3A_909 : f32 to vector<16xf32>
        %parallel_loop3A_947 = arith.mulf %parallel_loop3A_944, %parallel_loop3A_946 : vector<16xf32>
        %parallel_loop3A_948 = arith.addf %parallel_loop3A_945, %parallel_loop3A_947 : vector<16xf32>
        %parallel_loop3A_949 = arith.constant 64 : i32
        %parallel_loop3A_950 = arith.muli %parallel_loop3A_903, %parallel_loop3A_949 : i32
        %parallel_loop3A_951 = arith.constant 16 : i32
        %parallel_loop3A_952 = arith.addi %parallel_loop3A_950, %parallel_loop3A_951 : i32
        %parallel_loop3A_953 = arith.index_cast %parallel_loop3A_952 : i32 to index
        %parallel_loop3A_954 = tpu.vector_load %arg17[%parallel_loop3A_953] {strides = array<i32>} : memref<8192xf32, #tpu.memory_space<vmem>>, vector<16xf32>,
        tpu.vector_store %arg17[%parallel_loop3A_953], %parallel_loop3A_948 {strides = array<i32>} : memref<8192xf32, #tpu.memory_space<vmem>>, vector<16xf32>,
        %parallel_loop3A_955 = arith.constant 32 : i32
        %parallel_loop3A_956 = arith.addi %parallel_loop3A_905, %parallel_loop3A_955 : i32
        %parallel_loop3A_957 = arith.index_cast %parallel_loop3A_956 : i32 to index
        %parallel_loop3A_958 = tpu.vector_load %arg9[%parallel_loop3A_957] {strides = array<i32>} : memref<43008xf32, #tpu.memory_space<vmem>>, vector<16xf32>,
        %parallel_loop3A_959 = arith.constant 32 : i32
        %parallel_loop3A_960 = arith.addi %parallel_loop3A_907, %parallel_loop3A_959 : i32
        %parallel_loop3A_961 = arith.index_cast %parallel_loop3A_960 : i32 to index
        %parallel_loop3A_962 = tpu.vector_load %arg10[%parallel_loop3A_961] {strides = array<i32>} : memref<6144xf32, #tpu.memory_space<vmem>>, vector<16xf32>,
        %parallel_loop3A_963 = arith.constant 32 : i32
        %parallel_loop3A_964 = vector.broadcast %parallel_loop3A_963 : i32 to vector<16xi32>
        %parallel_loop3A_965 = arith.addi %iota3A, %parallel_loop3A_964 : vector<16xi32>
        %parallel_loop3A_966 = tpu.vector_load_idx %arg15[%parallel_loop3A_910, %parallel_loop3A_965] : memref<128x128xf32, #tpu.memory_space<vmem>>[vector<16xi32>, vector<16xi32>], vector<16xf32>,
        %parallel_loop3A_967 = arith.addf %parallel_loop3A_958, %parallel_loop3A_962 : vector<16xf32>
        %parallel_loop3A_968 = vector.broadcast %parallel_loop3A_909 : f32 to vector<16xf32>
        %parallel_loop3A_969 = arith.mulf %parallel_loop3A_966, %parallel_loop3A_968 : vector<16xf32>
        %parallel_loop3A_970 = arith.addf %parallel_loop3A_967, %parallel_loop3A_969 : vector<16xf32>
        %parallel_loop3A_971 = arith.constant 64 : i32
        %parallel_loop3A_972 = arith.muli %parallel_loop3A_903, %parallel_loop3A_971 : i32
        %parallel_loop3A_973 = arith.constant 32 : i32
        %parallel_loop3A_974 = arith.addi %parallel_loop3A_972, %parallel_loop3A_973 : i32
        %parallel_loop3A_975 = arith.index_cast %parallel_loop3A_974 : i32 to index
        %parallel_loop3A_976 = tpu.vector_load %arg17[%parallel_loop3A_975] {strides = array<i32>} : memref<8192xf32, #tpu.memory_space<vmem>>, vector<16xf32>,
        tpu.vector_store %arg17[%parallel_loop3A_975], %parallel_loop3A_970 {strides = array<i32>} : memref<8192xf32, #tpu.memory_space<vmem>>, vector<16xf32>,
        %parallel_loop3A_977 = arith.constant 48 : i32
        %parallel_loop3A_978 = arith.addi %parallel_loop3A_905, %parallel_loop3A_977 : i32
        %parallel_loop3A_979 = arith.index_cast %parallel_loop3A_978 : i32 to index
        %parallel_loop3A_980 = tpu.vector_load %arg9[%parallel_loop3A_979] {strides = array<i32>} : memref<43008xf32, #tpu.memory_space<vmem>>, vector<16xf32>,
        %parallel_loop3A_981 = arith.constant 48 : i32
        %parallel_loop3A_982 = arith.addi %parallel_loop3A_907, %parallel_loop3A_981 : i32
        %parallel_loop3A_983 = arith.index_cast %parallel_loop3A_982 : i32 to index
        %parallel_loop3A_984 = tpu.vector_load %arg10[%parallel_loop3A_983] {strides = array<i32>} : memref<6144xf32, #tpu.memory_space<vmem>>, vector<16xf32>,
        %parallel_loop3A_985 = arith.constant 48 : i32
        %parallel_loop3A_986 = vector.broadcast %parallel_loop3A_985 : i32 to vector<16xi32>
        %parallel_loop3A_987 = arith.addi %iota3A, %parallel_loop3A_986 : vector<16xi32>
        %parallel_loop3A_988 = tpu.vector_load_idx %arg15[%parallel_loop3A_910, %parallel_loop3A_987] : memref<128x128xf32, #tpu.memory_space<vmem>>[vector<16xi32>, vector<16xi32>], vector<16xf32>,
        %parallel_loop3A_989 = arith.addf %parallel_loop3A_980, %parallel_loop3A_984 : vector<16xf32>
        %parallel_loop3A_990 = vector.broadcast %parallel_loop3A_909 : f32 to vector<16xf32>
        %parallel_loop3A_991 = arith.mulf %parallel_loop3A_988, %parallel_loop3A_990 : vector<16xf32>
        %parallel_loop3A_992 = arith.addf %parallel_loop3A_989, %parallel_loop3A_991 : vector<16xf32>
        %parallel_loop3A_993 = arith.constant 64 : i32
        %parallel_loop3A_994 = arith.muli %parallel_loop3A_903, %parallel_loop3A_993 : i32
        %parallel_loop3A_995 = arith.constant 48 : i32
        %parallel_loop3A_996 = arith.addi %parallel_loop3A_994, %parallel_loop3A_995 : i32
        %parallel_loop3A_997 = arith.index_cast %parallel_loop3A_996 : i32 to index
        %parallel_loop3A_998 = tpu.vector_load %arg17[%parallel_loop3A_997] {strides = array<i32>} : memref<8192xf32, #tpu.memory_space<vmem>>, vector<16xf32>,
        tpu.vector_store %arg17[%parallel_loop3A_997], %parallel_loop3A_992 {strides = array<i32>} : memref<8192xf32, #tpu.memory_space<vmem>>, vector<16xf32>,
        %parallel_loop3A_999 = arith.constant 16 : i32
        %parallel_loop3A_1000 = arith.muli %parallel_loop3A_82, %parallel_loop3A_999 : i32
        %parallel_loop3A_1001 = arith.constant 9 : i32
        %parallel_loop3A_1002 = arith.addi %parallel_loop3A_1000, %parallel_loop3A_1001 : i32
        %parallel_loop3A_1003 = vector.extract_strided_slice %parallel_loop3A_92 {offsets = [9], sizes = [1], strides = [1]} : vector<16xi32> to vector<1xi32>
        %parallel_loop3A_1004 = vector.extract %parallel_loop3A_1003[0] : i32 from vector<1xi32>
        %parallel_loop3A_1005 = vector.extract_strided_slice %parallel_loop3A_97 {offsets = [9], sizes = [1], strides = [1]} : vector<16xi32> to vector<1xi32>
        %parallel_loop3A_1006 = vector.extract %parallel_loop3A_1005[0] : i32 from vector<1xi32>
        %parallel_loop3A_1007 = vector.extract_strided_slice %parallel_loop3A_107 {offsets = [9], sizes = [1], strides = [1]} : vector<16xf32> to vector<1xf32>
        %parallel_loop3A_1008 = vector.extract %parallel_loop3A_1007[0] : f32 from vector<1xf32>
        %parallel_loop3A_1009 = vector.broadcast %parallel_loop3A_1002 : i32 to vector<16xi32>
        %parallel_loop3A_1010 = arith.constant 0 : i32
        %parallel_loop3A_1011 = arith.addi %parallel_loop3A_1004, %parallel_loop3A_1010 : i32
        %parallel_loop3A_1012 = arith.index_cast %parallel_loop3A_1011 : i32 to index
        %parallel_loop3A_1013 = tpu.vector_load %arg9[%parallel_loop3A_1012] {strides = array<i32>} : memref<43008xf32, #tpu.memory_space<vmem>>, vector<16xf32>,
        %parallel_loop3A_1014 = arith.constant 0 : i32
        %parallel_loop3A_1015 = arith.addi %parallel_loop3A_1006, %parallel_loop3A_1014 : i32
        %parallel_loop3A_1016 = arith.index_cast %parallel_loop3A_1015 : i32 to index
        %parallel_loop3A_1017 = tpu.vector_load %arg10[%parallel_loop3A_1016] {strides = array<i32>} : memref<6144xf32, #tpu.memory_space<vmem>>, vector<16xf32>,
        %parallel_loop3A_1018 = arith.constant 0 : i32
        %parallel_loop3A_1019 = vector.broadcast %parallel_loop3A_1018 : i32 to vector<16xi32>
        %parallel_loop3A_1020 = arith.addi %iota3A, %parallel_loop3A_1019 : vector<16xi32>
        %parallel_loop3A_1021 = tpu.vector_load_idx %arg15[%parallel_loop3A_1009, %parallel_loop3A_1020] : memref<128x128xf32, #tpu.memory_space<vmem>>[vector<16xi32>, vector<16xi32>], vector<16xf32>,
        %parallel_loop3A_1022 = arith.addf %parallel_loop3A_1013, %parallel_loop3A_1017 : vector<16xf32>
        %parallel_loop3A_1023 = vector.broadcast %parallel_loop3A_1008 : f32 to vector<16xf32>
        %parallel_loop3A_1024 = arith.mulf %parallel_loop3A_1021, %parallel_loop3A_1023 : vector<16xf32>
        %parallel_loop3A_1025 = arith.addf %parallel_loop3A_1022, %parallel_loop3A_1024 : vector<16xf32>
        %parallel_loop3A_1026 = arith.constant 64 : i32
        %parallel_loop3A_1027 = arith.muli %parallel_loop3A_1002, %parallel_loop3A_1026 : i32
        %parallel_loop3A_1028 = arith.constant 0 : i32
        %parallel_loop3A_1029 = arith.addi %parallel_loop3A_1027, %parallel_loop3A_1028 : i32
        %parallel_loop3A_1030 = arith.index_cast %parallel_loop3A_1029 : i32 to index
        %parallel_loop3A_1031 = tpu.vector_load %arg17[%parallel_loop3A_1030] {strides = array<i32>} : memref<8192xf32, #tpu.memory_space<vmem>>, vector<16xf32>,
        tpu.vector_store %arg17[%parallel_loop3A_1030], %parallel_loop3A_1025 {strides = array<i32>} : memref<8192xf32, #tpu.memory_space<vmem>>, vector<16xf32>,
        %parallel_loop3A_1032 = arith.constant 16 : i32
        %parallel_loop3A_1033 = arith.addi %parallel_loop3A_1004, %parallel_loop3A_1032 : i32
        %parallel_loop3A_1034 = arith.index_cast %parallel_loop3A_1033 : i32 to index
        %parallel_loop3A_1035 = tpu.vector_load %arg9[%parallel_loop3A_1034] {strides = array<i32>} : memref<43008xf32, #tpu.memory_space<vmem>>, vector<16xf32>,
        %parallel_loop3A_1036 = arith.constant 16 : i32
        %parallel_loop3A_1037 = arith.addi %parallel_loop3A_1006, %parallel_loop3A_1036 : i32
        %parallel_loop3A_1038 = arith.index_cast %parallel_loop3A_1037 : i32 to index
        %parallel_loop3A_1039 = tpu.vector_load %arg10[%parallel_loop3A_1038] {strides = array<i32>} : memref<6144xf32, #tpu.memory_space<vmem>>, vector<16xf32>,
        %parallel_loop3A_1040 = arith.constant 16 : i32
        %parallel_loop3A_1041 = vector.broadcast %parallel_loop3A_1040 : i32 to vector<16xi32>
        %parallel_loop3A_1042 = arith.addi %iota3A, %parallel_loop3A_1041 : vector<16xi32>
        %parallel_loop3A_1043 = tpu.vector_load_idx %arg15[%parallel_loop3A_1009, %parallel_loop3A_1042] : memref<128x128xf32, #tpu.memory_space<vmem>>[vector<16xi32>, vector<16xi32>], vector<16xf32>,
        %parallel_loop3A_1044 = arith.addf %parallel_loop3A_1035, %parallel_loop3A_1039 : vector<16xf32>
        %parallel_loop3A_1045 = vector.broadcast %parallel_loop3A_1008 : f32 to vector<16xf32>
        %parallel_loop3A_1046 = arith.mulf %parallel_loop3A_1043, %parallel_loop3A_1045 : vector<16xf32>
        %parallel_loop3A_1047 = arith.addf %parallel_loop3A_1044, %parallel_loop3A_1046 : vector<16xf32>
        %parallel_loop3A_1048 = arith.constant 64 : i32
        %parallel_loop3A_1049 = arith.muli %parallel_loop3A_1002, %parallel_loop3A_1048 : i32
        %parallel_loop3A_1050 = arith.constant 16 : i32
        %parallel_loop3A_1051 = arith.addi %parallel_loop3A_1049, %parallel_loop3A_1050 : i32
        %parallel_loop3A_1052 = arith.index_cast %parallel_loop3A_1051 : i32 to index
        %parallel_loop3A_1053 = tpu.vector_load %arg17[%parallel_loop3A_1052] {strides = array<i32>} : memref<8192xf32, #tpu.memory_space<vmem>>, vector<16xf32>,
        tpu.vector_store %arg17[%parallel_loop3A_1052], %parallel_loop3A_1047 {strides = array<i32>} : memref<8192xf32, #tpu.memory_space<vmem>>, vector<16xf32>,
        %parallel_loop3A_1054 = arith.constant 32 : i32
        %parallel_loop3A_1055 = arith.addi %parallel_loop3A_1004, %parallel_loop3A_1054 : i32
        %parallel_loop3A_1056 = arith.index_cast %parallel_loop3A_1055 : i32 to index
        %parallel_loop3A_1057 = tpu.vector_load %arg9[%parallel_loop3A_1056] {strides = array<i32>} : memref<43008xf32, #tpu.memory_space<vmem>>, vector<16xf32>,
        %parallel_loop3A_1058 = arith.constant 32 : i32
        %parallel_loop3A_1059 = arith.addi %parallel_loop3A_1006, %parallel_loop3A_1058 : i32
        %parallel_loop3A_1060 = arith.index_cast %parallel_loop3A_1059 : i32 to index
        %parallel_loop3A_1061 = tpu.vector_load %arg10[%parallel_loop3A_1060] {strides = array<i32>} : memref<6144xf32, #tpu.memory_space<vmem>>, vector<16xf32>,
        %parallel_loop3A_1062 = arith.constant 32 : i32
        %parallel_loop3A_1063 = vector.broadcast %parallel_loop3A_1062 : i32 to vector<16xi32>
        %parallel_loop3A_1064 = arith.addi %iota3A, %parallel_loop3A_1063 : vector<16xi32>
        %parallel_loop3A_1065 = tpu.vector_load_idx %arg15[%parallel_loop3A_1009, %parallel_loop3A_1064] : memref<128x128xf32, #tpu.memory_space<vmem>>[vector<16xi32>, vector<16xi32>], vector<16xf32>,
        %parallel_loop3A_1066 = arith.addf %parallel_loop3A_1057, %parallel_loop3A_1061 : vector<16xf32>
        %parallel_loop3A_1067 = vector.broadcast %parallel_loop3A_1008 : f32 to vector<16xf32>
        %parallel_loop3A_1068 = arith.mulf %parallel_loop3A_1065, %parallel_loop3A_1067 : vector<16xf32>
        %parallel_loop3A_1069 = arith.addf %parallel_loop3A_1066, %parallel_loop3A_1068 : vector<16xf32>
        %parallel_loop3A_1070 = arith.constant 64 : i32
        %parallel_loop3A_1071 = arith.muli %parallel_loop3A_1002, %parallel_loop3A_1070 : i32
        %parallel_loop3A_1072 = arith.constant 32 : i32
        %parallel_loop3A_1073 = arith.addi %parallel_loop3A_1071, %parallel_loop3A_1072 : i32
        %parallel_loop3A_1074 = arith.index_cast %parallel_loop3A_1073 : i32 to index
        %parallel_loop3A_1075 = tpu.vector_load %arg17[%parallel_loop3A_1074] {strides = array<i32>} : memref<8192xf32, #tpu.memory_space<vmem>>, vector<16xf32>,
        tpu.vector_store %arg17[%parallel_loop3A_1074], %parallel_loop3A_1069 {strides = array<i32>} : memref<8192xf32, #tpu.memory_space<vmem>>, vector<16xf32>,
        %parallel_loop3A_1076 = arith.constant 48 : i32
        %parallel_loop3A_1077 = arith.addi %parallel_loop3A_1004, %parallel_loop3A_1076 : i32
        %parallel_loop3A_1078 = arith.index_cast %parallel_loop3A_1077 : i32 to index
        %parallel_loop3A_1079 = tpu.vector_load %arg9[%parallel_loop3A_1078] {strides = array<i32>} : memref<43008xf32, #tpu.memory_space<vmem>>, vector<16xf32>,
        %parallel_loop3A_1080 = arith.constant 48 : i32
        %parallel_loop3A_1081 = arith.addi %parallel_loop3A_1006, %parallel_loop3A_1080 : i32
        %parallel_loop3A_1082 = arith.index_cast %parallel_loop3A_1081 : i32 to index
        %parallel_loop3A_1083 = tpu.vector_load %arg10[%parallel_loop3A_1082] {strides = array<i32>} : memref<6144xf32, #tpu.memory_space<vmem>>, vector<16xf32>,
        %parallel_loop3A_1084 = arith.constant 48 : i32
        %parallel_loop3A_1085 = vector.broadcast %parallel_loop3A_1084 : i32 to vector<16xi32>
        %parallel_loop3A_1086 = arith.addi %iota3A, %parallel_loop3A_1085 : vector<16xi32>
        %parallel_loop3A_1087 = tpu.vector_load_idx %arg15[%parallel_loop3A_1009, %parallel_loop3A_1086] : memref<128x128xf32, #tpu.memory_space<vmem>>[vector<16xi32>, vector<16xi32>], vector<16xf32>,
        %parallel_loop3A_1088 = arith.addf %parallel_loop3A_1079, %parallel_loop3A_1083 : vector<16xf32>
        %parallel_loop3A_1089 = vector.broadcast %parallel_loop3A_1008 : f32 to vector<16xf32>
        %parallel_loop3A_1090 = arith.mulf %parallel_loop3A_1087, %parallel_loop3A_1089 : vector<16xf32>
        %parallel_loop3A_1091 = arith.addf %parallel_loop3A_1088, %parallel_loop3A_1090 : vector<16xf32>
        %parallel_loop3A_1092 = arith.constant 64 : i32
        %parallel_loop3A_1093 = arith.muli %parallel_loop3A_1002, %parallel_loop3A_1092 : i32
        %parallel_loop3A_1094 = arith.constant 48 : i32
        %parallel_loop3A_1095 = arith.addi %parallel_loop3A_1093, %parallel_loop3A_1094 : i32
        %parallel_loop3A_1096 = arith.index_cast %parallel_loop3A_1095 : i32 to index
        %parallel_loop3A_1097 = tpu.vector_load %arg17[%parallel_loop3A_1096] {strides = array<i32>} : memref<8192xf32, #tpu.memory_space<vmem>>, vector<16xf32>,
        tpu.vector_store %arg17[%parallel_loop3A_1096], %parallel_loop3A_1091 {strides = array<i32>} : memref<8192xf32, #tpu.memory_space<vmem>>, vector<16xf32>,
        %parallel_loop3A_1098 = arith.constant 16 : i32
        %parallel_loop3A_1099 = arith.muli %parallel_loop3A_82, %parallel_loop3A_1098 : i32
        %parallel_loop3A_1100 = arith.constant 10 : i32
        %parallel_loop3A_1101 = arith.addi %parallel_loop3A_1099, %parallel_loop3A_1100 : i32
        %parallel_loop3A_1102 = vector.extract_strided_slice %parallel_loop3A_92 {offsets = [10], sizes = [1], strides = [1]} : vector<16xi32> to vector<1xi32>
        %parallel_loop3A_1103 = vector.extract %parallel_loop3A_1102[0] : i32 from vector<1xi32>
        %parallel_loop3A_1104 = vector.extract_strided_slice %parallel_loop3A_97 {offsets = [10], sizes = [1], strides = [1]} : vector<16xi32> to vector<1xi32>
        %parallel_loop3A_1105 = vector.extract %parallel_loop3A_1104[0] : i32 from vector<1xi32>
        %parallel_loop3A_1106 = vector.extract_strided_slice %parallel_loop3A_107 {offsets = [10], sizes = [1], strides = [1]} : vector<16xf32> to vector<1xf32>
        %parallel_loop3A_1107 = vector.extract %parallel_loop3A_1106[0] : f32 from vector<1xf32>
        %parallel_loop3A_1108 = vector.broadcast %parallel_loop3A_1101 : i32 to vector<16xi32>
        %parallel_loop3A_1109 = arith.constant 0 : i32
        %parallel_loop3A_1110 = arith.addi %parallel_loop3A_1103, %parallel_loop3A_1109 : i32
        %parallel_loop3A_1111 = arith.index_cast %parallel_loop3A_1110 : i32 to index
        %parallel_loop3A_1112 = tpu.vector_load %arg9[%parallel_loop3A_1111] {strides = array<i32>} : memref<43008xf32, #tpu.memory_space<vmem>>, vector<16xf32>,
        %parallel_loop3A_1113 = arith.constant 0 : i32
        %parallel_loop3A_1114 = arith.addi %parallel_loop3A_1105, %parallel_loop3A_1113 : i32
        %parallel_loop3A_1115 = arith.index_cast %parallel_loop3A_1114 : i32 to index
        %parallel_loop3A_1116 = tpu.vector_load %arg10[%parallel_loop3A_1115] {strides = array<i32>} : memref<6144xf32, #tpu.memory_space<vmem>>, vector<16xf32>,
        %parallel_loop3A_1117 = arith.constant 0 : i32
        %parallel_loop3A_1118 = vector.broadcast %parallel_loop3A_1117 : i32 to vector<16xi32>
        %parallel_loop3A_1119 = arith.addi %iota3A, %parallel_loop3A_1118 : vector<16xi32>
        %parallel_loop3A_1120 = tpu.vector_load_idx %arg15[%parallel_loop3A_1108, %parallel_loop3A_1119] : memref<128x128xf32, #tpu.memory_space<vmem>>[vector<16xi32>, vector<16xi32>], vector<16xf32>,
        %parallel_loop3A_1121 = arith.addf %parallel_loop3A_1112, %parallel_loop3A_1116 : vector<16xf32>
        %parallel_loop3A_1122 = vector.broadcast %parallel_loop3A_1107 : f32 to vector<16xf32>
        %parallel_loop3A_1123 = arith.mulf %parallel_loop3A_1120, %parallel_loop3A_1122 : vector<16xf32>
        %parallel_loop3A_1124 = arith.addf %parallel_loop3A_1121, %parallel_loop3A_1123 : vector<16xf32>
        %parallel_loop3A_1125 = arith.constant 64 : i32
        %parallel_loop3A_1126 = arith.muli %parallel_loop3A_1101, %parallel_loop3A_1125 : i32
        %parallel_loop3A_1127 = arith.constant 0 : i32
        %parallel_loop3A_1128 = arith.addi %parallel_loop3A_1126, %parallel_loop3A_1127 : i32
        %parallel_loop3A_1129 = arith.index_cast %parallel_loop3A_1128 : i32 to index
        %parallel_loop3A_1130 = tpu.vector_load %arg17[%parallel_loop3A_1129] {strides = array<i32>} : memref<8192xf32, #tpu.memory_space<vmem>>, vector<16xf32>,
        tpu.vector_store %arg17[%parallel_loop3A_1129], %parallel_loop3A_1124 {strides = array<i32>} : memref<8192xf32, #tpu.memory_space<vmem>>, vector<16xf32>,
        %parallel_loop3A_1131 = arith.constant 16 : i32
        %parallel_loop3A_1132 = arith.addi %parallel_loop3A_1103, %parallel_loop3A_1131 : i32
        %parallel_loop3A_1133 = arith.index_cast %parallel_loop3A_1132 : i32 to index
        %parallel_loop3A_1134 = tpu.vector_load %arg9[%parallel_loop3A_1133] {strides = array<i32>} : memref<43008xf32, #tpu.memory_space<vmem>>, vector<16xf32>,
        %parallel_loop3A_1135 = arith.constant 16 : i32
        %parallel_loop3A_1136 = arith.addi %parallel_loop3A_1105, %parallel_loop3A_1135 : i32
        %parallel_loop3A_1137 = arith.index_cast %parallel_loop3A_1136 : i32 to index
        %parallel_loop3A_1138 = tpu.vector_load %arg10[%parallel_loop3A_1137] {strides = array<i32>} : memref<6144xf32, #tpu.memory_space<vmem>>, vector<16xf32>,
        %parallel_loop3A_1139 = arith.constant 16 : i32
        %parallel_loop3A_1140 = vector.broadcast %parallel_loop3A_1139 : i32 to vector<16xi32>
        %parallel_loop3A_1141 = arith.addi %iota3A, %parallel_loop3A_1140 : vector<16xi32>
        %parallel_loop3A_1142 = tpu.vector_load_idx %arg15[%parallel_loop3A_1108, %parallel_loop3A_1141] : memref<128x128xf32, #tpu.memory_space<vmem>>[vector<16xi32>, vector<16xi32>], vector<16xf32>,
        %parallel_loop3A_1143 = arith.addf %parallel_loop3A_1134, %parallel_loop3A_1138 : vector<16xf32>
        %parallel_loop3A_1144 = vector.broadcast %parallel_loop3A_1107 : f32 to vector<16xf32>
        %parallel_loop3A_1145 = arith.mulf %parallel_loop3A_1142, %parallel_loop3A_1144 : vector<16xf32>
        %parallel_loop3A_1146 = arith.addf %parallel_loop3A_1143, %parallel_loop3A_1145 : vector<16xf32>
        %parallel_loop3A_1147 = arith.constant 64 : i32
        %parallel_loop3A_1148 = arith.muli %parallel_loop3A_1101, %parallel_loop3A_1147 : i32
        %parallel_loop3A_1149 = arith.constant 16 : i32
        %parallel_loop3A_1150 = arith.addi %parallel_loop3A_1148, %parallel_loop3A_1149 : i32
        %parallel_loop3A_1151 = arith.index_cast %parallel_loop3A_1150 : i32 to index
        %parallel_loop3A_1152 = tpu.vector_load %arg17[%parallel_loop3A_1151] {strides = array<i32>} : memref<8192xf32, #tpu.memory_space<vmem>>, vector<16xf32>,
        tpu.vector_store %arg17[%parallel_loop3A_1151], %parallel_loop3A_1146 {strides = array<i32>} : memref<8192xf32, #tpu.memory_space<vmem>>, vector<16xf32>,
        %parallel_loop3A_1153 = arith.constant 32 : i32
        %parallel_loop3A_1154 = arith.addi %parallel_loop3A_1103, %parallel_loop3A_1153 : i32
        %parallel_loop3A_1155 = arith.index_cast %parallel_loop3A_1154 : i32 to index
        %parallel_loop3A_1156 = tpu.vector_load %arg9[%parallel_loop3A_1155] {strides = array<i32>} : memref<43008xf32, #tpu.memory_space<vmem>>, vector<16xf32>,
        %parallel_loop3A_1157 = arith.constant 32 : i32
        %parallel_loop3A_1158 = arith.addi %parallel_loop3A_1105, %parallel_loop3A_1157 : i32
        %parallel_loop3A_1159 = arith.index_cast %parallel_loop3A_1158 : i32 to index
        %parallel_loop3A_1160 = tpu.vector_load %arg10[%parallel_loop3A_1159] {strides = array<i32>} : memref<6144xf32, #tpu.memory_space<vmem>>, vector<16xf32>,
        %parallel_loop3A_1161 = arith.constant 32 : i32
        %parallel_loop3A_1162 = vector.broadcast %parallel_loop3A_1161 : i32 to vector<16xi32>
        %parallel_loop3A_1163 = arith.addi %iota3A, %parallel_loop3A_1162 : vector<16xi32>
        %parallel_loop3A_1164 = tpu.vector_load_idx %arg15[%parallel_loop3A_1108, %parallel_loop3A_1163] : memref<128x128xf32, #tpu.memory_space<vmem>>[vector<16xi32>, vector<16xi32>], vector<16xf32>,
        %parallel_loop3A_1165 = arith.addf %parallel_loop3A_1156, %parallel_loop3A_1160 : vector<16xf32>
        %parallel_loop3A_1166 = vector.broadcast %parallel_loop3A_1107 : f32 to vector<16xf32>
        %parallel_loop3A_1167 = arith.mulf %parallel_loop3A_1164, %parallel_loop3A_1166 : vector<16xf32>
        %parallel_loop3A_1168 = arith.addf %parallel_loop3A_1165, %parallel_loop3A_1167 : vector<16xf32>
        %parallel_loop3A_1169 = arith.constant 64 : i32
        %parallel_loop3A_1170 = arith.muli %parallel_loop3A_1101, %parallel_loop3A_1169 : i32
        %parallel_loop3A_1171 = arith.constant 32 : i32
        %parallel_loop3A_1172 = arith.addi %parallel_loop3A_1170, %parallel_loop3A_1171 : i32
        %parallel_loop3A_1173 = arith.index_cast %parallel_loop3A_1172 : i32 to index
        %parallel_loop3A_1174 = tpu.vector_load %arg17[%parallel_loop3A_1173] {strides = array<i32>} : memref<8192xf32, #tpu.memory_space<vmem>>, vector<16xf32>,
        tpu.vector_store %arg17[%parallel_loop3A_1173], %parallel_loop3A_1168 {strides = array<i32>} : memref<8192xf32, #tpu.memory_space<vmem>>, vector<16xf32>,
        %parallel_loop3A_1175 = arith.constant 48 : i32
        %parallel_loop3A_1176 = arith.addi %parallel_loop3A_1103, %parallel_loop3A_1175 : i32
        %parallel_loop3A_1177 = arith.index_cast %parallel_loop3A_1176 : i32 to index
        %parallel_loop3A_1178 = tpu.vector_load %arg9[%parallel_loop3A_1177] {strides = array<i32>} : memref<43008xf32, #tpu.memory_space<vmem>>, vector<16xf32>,
        %parallel_loop3A_1179 = arith.constant 48 : i32
        %parallel_loop3A_1180 = arith.addi %parallel_loop3A_1105, %parallel_loop3A_1179 : i32
        %parallel_loop3A_1181 = arith.index_cast %parallel_loop3A_1180 : i32 to index
        %parallel_loop3A_1182 = tpu.vector_load %arg10[%parallel_loop3A_1181] {strides = array<i32>} : memref<6144xf32, #tpu.memory_space<vmem>>, vector<16xf32>,
        %parallel_loop3A_1183 = arith.constant 48 : i32
        %parallel_loop3A_1184 = vector.broadcast %parallel_loop3A_1183 : i32 to vector<16xi32>
        %parallel_loop3A_1185 = arith.addi %iota3A, %parallel_loop3A_1184 : vector<16xi32>
        %parallel_loop3A_1186 = tpu.vector_load_idx %arg15[%parallel_loop3A_1108, %parallel_loop3A_1185] : memref<128x128xf32, #tpu.memory_space<vmem>>[vector<16xi32>, vector<16xi32>], vector<16xf32>,
        %parallel_loop3A_1187 = arith.addf %parallel_loop3A_1178, %parallel_loop3A_1182 : vector<16xf32>
        %parallel_loop3A_1188 = vector.broadcast %parallel_loop3A_1107 : f32 to vector<16xf32>
        %parallel_loop3A_1189 = arith.mulf %parallel_loop3A_1186, %parallel_loop3A_1188 : vector<16xf32>
        %parallel_loop3A_1190 = arith.addf %parallel_loop3A_1187, %parallel_loop3A_1189 : vector<16xf32>
        %parallel_loop3A_1191 = arith.constant 64 : i32
        %parallel_loop3A_1192 = arith.muli %parallel_loop3A_1101, %parallel_loop3A_1191 : i32
        %parallel_loop3A_1193 = arith.constant 48 : i32
        %parallel_loop3A_1194 = arith.addi %parallel_loop3A_1192, %parallel_loop3A_1193 : i32
        %parallel_loop3A_1195 = arith.index_cast %parallel_loop3A_1194 : i32 to index
        %parallel_loop3A_1196 = tpu.vector_load %arg17[%parallel_loop3A_1195] {strides = array<i32>} : memref<8192xf32, #tpu.memory_space<vmem>>, vector<16xf32>,
        tpu.vector_store %arg17[%parallel_loop3A_1195], %parallel_loop3A_1190 {strides = array<i32>} : memref<8192xf32, #tpu.memory_space<vmem>>, vector<16xf32>,
        %parallel_loop3A_1197 = arith.constant 16 : i32
        %parallel_loop3A_1198 = arith.muli %parallel_loop3A_82, %parallel_loop3A_1197 : i32
        %parallel_loop3A_1199 = arith.constant 11 : i32
        %parallel_loop3A_1200 = arith.addi %parallel_loop3A_1198, %parallel_loop3A_1199 : i32
        %parallel_loop3A_1201 = vector.extract_strided_slice %parallel_loop3A_92 {offsets = [11], sizes = [1], strides = [1]} : vector<16xi32> to vector<1xi32>
        %parallel_loop3A_1202 = vector.extract %parallel_loop3A_1201[0] : i32 from vector<1xi32>
        %parallel_loop3A_1203 = vector.extract_strided_slice %parallel_loop3A_97 {offsets = [11], sizes = [1], strides = [1]} : vector<16xi32> to vector<1xi32>
        %parallel_loop3A_1204 = vector.extract %parallel_loop3A_1203[0] : i32 from vector<1xi32>
        %parallel_loop3A_1205 = vector.extract_strided_slice %parallel_loop3A_107 {offsets = [11], sizes = [1], strides = [1]} : vector<16xf32> to vector<1xf32>
        %parallel_loop3A_1206 = vector.extract %parallel_loop3A_1205[0] : f32 from vector<1xf32>
        %parallel_loop3A_1207 = vector.broadcast %parallel_loop3A_1200 : i32 to vector<16xi32>
        %parallel_loop3A_1208 = arith.constant 0 : i32
        %parallel_loop3A_1209 = arith.addi %parallel_loop3A_1202, %parallel_loop3A_1208 : i32
        %parallel_loop3A_1210 = arith.index_cast %parallel_loop3A_1209 : i32 to index
        %parallel_loop3A_1211 = tpu.vector_load %arg9[%parallel_loop3A_1210] {strides = array<i32>} : memref<43008xf32, #tpu.memory_space<vmem>>, vector<16xf32>,
        %parallel_loop3A_1212 = arith.constant 0 : i32
        %parallel_loop3A_1213 = arith.addi %parallel_loop3A_1204, %parallel_loop3A_1212 : i32
        %parallel_loop3A_1214 = arith.index_cast %parallel_loop3A_1213 : i32 to index
        %parallel_loop3A_1215 = tpu.vector_load %arg10[%parallel_loop3A_1214] {strides = array<i32>} : memref<6144xf32, #tpu.memory_space<vmem>>, vector<16xf32>,
        %parallel_loop3A_1216 = arith.constant 0 : i32
        %parallel_loop3A_1217 = vector.broadcast %parallel_loop3A_1216 : i32 to vector<16xi32>
        %parallel_loop3A_1218 = arith.addi %iota3A, %parallel_loop3A_1217 : vector<16xi32>
        %parallel_loop3A_1219 = tpu.vector_load_idx %arg15[%parallel_loop3A_1207, %parallel_loop3A_1218] : memref<128x128xf32, #tpu.memory_space<vmem>>[vector<16xi32>, vector<16xi32>], vector<16xf32>,
        %parallel_loop3A_1220 = arith.addf %parallel_loop3A_1211, %parallel_loop3A_1215 : vector<16xf32>
        %parallel_loop3A_1221 = vector.broadcast %parallel_loop3A_1206 : f32 to vector<16xf32>
        %parallel_loop3A_1222 = arith.mulf %parallel_loop3A_1219, %parallel_loop3A_1221 : vector<16xf32>
        %parallel_loop3A_1223 = arith.addf %parallel_loop3A_1220, %parallel_loop3A_1222 : vector<16xf32>
        %parallel_loop3A_1224 = arith.constant 64 : i32
        %parallel_loop3A_1225 = arith.muli %parallel_loop3A_1200, %parallel_loop3A_1224 : i32
        %parallel_loop3A_1226 = arith.constant 0 : i32
        %parallel_loop3A_1227 = arith.addi %parallel_loop3A_1225, %parallel_loop3A_1226 : i32
        %parallel_loop3A_1228 = arith.index_cast %parallel_loop3A_1227 : i32 to index
        %parallel_loop3A_1229 = tpu.vector_load %arg17[%parallel_loop3A_1228] {strides = array<i32>} : memref<8192xf32, #tpu.memory_space<vmem>>, vector<16xf32>,
        tpu.vector_store %arg17[%parallel_loop3A_1228], %parallel_loop3A_1223 {strides = array<i32>} : memref<8192xf32, #tpu.memory_space<vmem>>, vector<16xf32>,
        %parallel_loop3A_1230 = arith.constant 16 : i32
        %parallel_loop3A_1231 = arith.addi %parallel_loop3A_1202, %parallel_loop3A_1230 : i32
        %parallel_loop3A_1232 = arith.index_cast %parallel_loop3A_1231 : i32 to index
        %parallel_loop3A_1233 = tpu.vector_load %arg9[%parallel_loop3A_1232] {strides = array<i32>} : memref<43008xf32, #tpu.memory_space<vmem>>, vector<16xf32>,
        %parallel_loop3A_1234 = arith.constant 16 : i32
        %parallel_loop3A_1235 = arith.addi %parallel_loop3A_1204, %parallel_loop3A_1234 : i32
        %parallel_loop3A_1236 = arith.index_cast %parallel_loop3A_1235 : i32 to index
        %parallel_loop3A_1237 = tpu.vector_load %arg10[%parallel_loop3A_1236] {strides = array<i32>} : memref<6144xf32, #tpu.memory_space<vmem>>, vector<16xf32>,
        %parallel_loop3A_1238 = arith.constant 16 : i32
        %parallel_loop3A_1239 = vector.broadcast %parallel_loop3A_1238 : i32 to vector<16xi32>
        %parallel_loop3A_1240 = arith.addi %iota3A, %parallel_loop3A_1239 : vector<16xi32>
        %parallel_loop3A_1241 = tpu.vector_load_idx %arg15[%parallel_loop3A_1207, %parallel_loop3A_1240] : memref<128x128xf32, #tpu.memory_space<vmem>>[vector<16xi32>, vector<16xi32>], vector<16xf32>,
        %parallel_loop3A_1242 = arith.addf %parallel_loop3A_1233, %parallel_loop3A_1237 : vector<16xf32>
        %parallel_loop3A_1243 = vector.broadcast %parallel_loop3A_1206 : f32 to vector<16xf32>
        %parallel_loop3A_1244 = arith.mulf %parallel_loop3A_1241, %parallel_loop3A_1243 : vector<16xf32>
        %parallel_loop3A_1245 = arith.addf %parallel_loop3A_1242, %parallel_loop3A_1244 : vector<16xf32>
        %parallel_loop3A_1246 = arith.constant 64 : i32
        %parallel_loop3A_1247 = arith.muli %parallel_loop3A_1200, %parallel_loop3A_1246 : i32
        %parallel_loop3A_1248 = arith.constant 16 : i32
        %parallel_loop3A_1249 = arith.addi %parallel_loop3A_1247, %parallel_loop3A_1248 : i32
        %parallel_loop3A_1250 = arith.index_cast %parallel_loop3A_1249 : i32 to index
        %parallel_loop3A_1251 = tpu.vector_load %arg17[%parallel_loop3A_1250] {strides = array<i32>} : memref<8192xf32, #tpu.memory_space<vmem>>, vector<16xf32>,
        tpu.vector_store %arg17[%parallel_loop3A_1250], %parallel_loop3A_1245 {strides = array<i32>} : memref<8192xf32, #tpu.memory_space<vmem>>, vector<16xf32>,
        %parallel_loop3A_1252 = arith.constant 32 : i32
        %parallel_loop3A_1253 = arith.addi %parallel_loop3A_1202, %parallel_loop3A_1252 : i32
        %parallel_loop3A_1254 = arith.index_cast %parallel_loop3A_1253 : i32 to index
        %parallel_loop3A_1255 = tpu.vector_load %arg9[%parallel_loop3A_1254] {strides = array<i32>} : memref<43008xf32, #tpu.memory_space<vmem>>, vector<16xf32>,
        %parallel_loop3A_1256 = arith.constant 32 : i32
        %parallel_loop3A_1257 = arith.addi %parallel_loop3A_1204, %parallel_loop3A_1256 : i32
        %parallel_loop3A_1258 = arith.index_cast %parallel_loop3A_1257 : i32 to index
        %parallel_loop3A_1259 = tpu.vector_load %arg10[%parallel_loop3A_1258] {strides = array<i32>} : memref<6144xf32, #tpu.memory_space<vmem>>, vector<16xf32>,
        %parallel_loop3A_1260 = arith.constant 32 : i32
        %parallel_loop3A_1261 = vector.broadcast %parallel_loop3A_1260 : i32 to vector<16xi32>
        %parallel_loop3A_1262 = arith.addi %iota3A, %parallel_loop3A_1261 : vector<16xi32>
        %parallel_loop3A_1263 = tpu.vector_load_idx %arg15[%parallel_loop3A_1207, %parallel_loop3A_1262] : memref<128x128xf32, #tpu.memory_space<vmem>>[vector<16xi32>, vector<16xi32>], vector<16xf32>,
        %parallel_loop3A_1264 = arith.addf %parallel_loop3A_1255, %parallel_loop3A_1259 : vector<16xf32>
        %parallel_loop3A_1265 = vector.broadcast %parallel_loop3A_1206 : f32 to vector<16xf32>
        %parallel_loop3A_1266 = arith.mulf %parallel_loop3A_1263, %parallel_loop3A_1265 : vector<16xf32>
        %parallel_loop3A_1267 = arith.addf %parallel_loop3A_1264, %parallel_loop3A_1266 : vector<16xf32>
        %parallel_loop3A_1268 = arith.constant 64 : i32
        %parallel_loop3A_1269 = arith.muli %parallel_loop3A_1200, %parallel_loop3A_1268 : i32
        %parallel_loop3A_1270 = arith.constant 32 : i32
        %parallel_loop3A_1271 = arith.addi %parallel_loop3A_1269, %parallel_loop3A_1270 : i32
        %parallel_loop3A_1272 = arith.index_cast %parallel_loop3A_1271 : i32 to index
        %parallel_loop3A_1273 = tpu.vector_load %arg17[%parallel_loop3A_1272] {strides = array<i32>} : memref<8192xf32, #tpu.memory_space<vmem>>, vector<16xf32>,
        tpu.vector_store %arg17[%parallel_loop3A_1272], %parallel_loop3A_1267 {strides = array<i32>} : memref<8192xf32, #tpu.memory_space<vmem>>, vector<16xf32>,
        %parallel_loop3A_1274 = arith.constant 48 : i32
        %parallel_loop3A_1275 = arith.addi %parallel_loop3A_1202, %parallel_loop3A_1274 : i32
        %parallel_loop3A_1276 = arith.index_cast %parallel_loop3A_1275 : i32 to index
        %parallel_loop3A_1277 = tpu.vector_load %arg9[%parallel_loop3A_1276] {strides = array<i32>} : memref<43008xf32, #tpu.memory_space<vmem>>, vector<16xf32>,
        %parallel_loop3A_1278 = arith.constant 48 : i32
        %parallel_loop3A_1279 = arith.addi %parallel_loop3A_1204, %parallel_loop3A_1278 : i32
        %parallel_loop3A_1280 = arith.index_cast %parallel_loop3A_1279 : i32 to index
        %parallel_loop3A_1281 = tpu.vector_load %arg10[%parallel_loop3A_1280] {strides = array<i32>} : memref<6144xf32, #tpu.memory_space<vmem>>, vector<16xf32>,
        %parallel_loop3A_1282 = arith.constant 48 : i32
        %parallel_loop3A_1283 = vector.broadcast %parallel_loop3A_1282 : i32 to vector<16xi32>
        %parallel_loop3A_1284 = arith.addi %iota3A, %parallel_loop3A_1283 : vector<16xi32>
        %parallel_loop3A_1285 = tpu.vector_load_idx %arg15[%parallel_loop3A_1207, %parallel_loop3A_1284] : memref<128x128xf32, #tpu.memory_space<vmem>>[vector<16xi32>, vector<16xi32>], vector<16xf32>,
        %parallel_loop3A_1286 = arith.addf %parallel_loop3A_1277, %parallel_loop3A_1281 : vector<16xf32>
        %parallel_loop3A_1287 = vector.broadcast %parallel_loop3A_1206 : f32 to vector<16xf32>
        %parallel_loop3A_1288 = arith.mulf %parallel_loop3A_1285, %parallel_loop3A_1287 : vector<16xf32>
        %parallel_loop3A_1289 = arith.addf %parallel_loop3A_1286, %parallel_loop3A_1288 : vector<16xf32>
        %parallel_loop3A_1290 = arith.constant 64 : i32
        %parallel_loop3A_1291 = arith.muli %parallel_loop3A_1200, %parallel_loop3A_1290 : i32
        %parallel_loop3A_1292 = arith.constant 48 : i32
        %parallel_loop3A_1293 = arith.addi %parallel_loop3A_1291, %parallel_loop3A_1292 : i32
        %parallel_loop3A_1294 = arith.index_cast %parallel_loop3A_1293 : i32 to index
        %parallel_loop3A_1295 = tpu.vector_load %arg17[%parallel_loop3A_1294] {strides = array<i32>} : memref<8192xf32, #tpu.memory_space<vmem>>, vector<16xf32>,
        tpu.vector_store %arg17[%parallel_loop3A_1294], %parallel_loop3A_1289 {strides = array<i32>} : memref<8192xf32, #tpu.memory_space<vmem>>, vector<16xf32>,
        %parallel_loop3A_1296 = arith.constant 16 : i32
        %parallel_loop3A_1297 = arith.muli %parallel_loop3A_82, %parallel_loop3A_1296 : i32
        %parallel_loop3A_1298 = arith.constant 12 : i32
        %parallel_loop3A_1299 = arith.addi %parallel_loop3A_1297, %parallel_loop3A_1298 : i32
        %parallel_loop3A_1300 = vector.extract_strided_slice %parallel_loop3A_92 {offsets = [12], sizes = [1], strides = [1]} : vector<16xi32> to vector<1xi32>
        %parallel_loop3A_1301 = vector.extract %parallel_loop3A_1300[0] : i32 from vector<1xi32>
        %parallel_loop3A_1302 = vector.extract_strided_slice %parallel_loop3A_97 {offsets = [12], sizes = [1], strides = [1]} : vector<16xi32> to vector<1xi32>
        %parallel_loop3A_1303 = vector.extract %parallel_loop3A_1302[0] : i32 from vector<1xi32>
        %parallel_loop3A_1304 = vector.extract_strided_slice %parallel_loop3A_107 {offsets = [12], sizes = [1], strides = [1]} : vector<16xf32> to vector<1xf32>
        %parallel_loop3A_1305 = vector.extract %parallel_loop3A_1304[0] : f32 from vector<1xf32>
        %parallel_loop3A_1306 = vector.broadcast %parallel_loop3A_1299 : i32 to vector<16xi32>
        %parallel_loop3A_1307 = arith.constant 0 : i32
        %parallel_loop3A_1308 = arith.addi %parallel_loop3A_1301, %parallel_loop3A_1307 : i32
        %parallel_loop3A_1309 = arith.index_cast %parallel_loop3A_1308 : i32 to index
        %parallel_loop3A_1310 = tpu.vector_load %arg9[%parallel_loop3A_1309] {strides = array<i32>} : memref<43008xf32, #tpu.memory_space<vmem>>, vector<16xf32>,
        %parallel_loop3A_1311 = arith.constant 0 : i32
        %parallel_loop3A_1312 = arith.addi %parallel_loop3A_1303, %parallel_loop3A_1311 : i32
        %parallel_loop3A_1313 = arith.index_cast %parallel_loop3A_1312 : i32 to index
        %parallel_loop3A_1314 = tpu.vector_load %arg10[%parallel_loop3A_1313] {strides = array<i32>} : memref<6144xf32, #tpu.memory_space<vmem>>, vector<16xf32>,
        %parallel_loop3A_1315 = arith.constant 0 : i32
        %parallel_loop3A_1316 = vector.broadcast %parallel_loop3A_1315 : i32 to vector<16xi32>
        %parallel_loop3A_1317 = arith.addi %iota3A, %parallel_loop3A_1316 : vector<16xi32>
        %parallel_loop3A_1318 = tpu.vector_load_idx %arg15[%parallel_loop3A_1306, %parallel_loop3A_1317] : memref<128x128xf32, #tpu.memory_space<vmem>>[vector<16xi32>, vector<16xi32>], vector<16xf32>,
        %parallel_loop3A_1319 = arith.addf %parallel_loop3A_1310, %parallel_loop3A_1314 : vector<16xf32>
        %parallel_loop3A_1320 = vector.broadcast %parallel_loop3A_1305 : f32 to vector<16xf32>
        %parallel_loop3A_1321 = arith.mulf %parallel_loop3A_1318, %parallel_loop3A_1320 : vector<16xf32>
        %parallel_loop3A_1322 = arith.addf %parallel_loop3A_1319, %parallel_loop3A_1321 : vector<16xf32>
        %parallel_loop3A_1323 = arith.constant 64 : i32
        %parallel_loop3A_1324 = arith.muli %parallel_loop3A_1299, %parallel_loop3A_1323 : i32
        %parallel_loop3A_1325 = arith.constant 0 : i32
        %parallel_loop3A_1326 = arith.addi %parallel_loop3A_1324, %parallel_loop3A_1325 : i32
        %parallel_loop3A_1327 = arith.index_cast %parallel_loop3A_1326 : i32 to index
        %parallel_loop3A_1328 = tpu.vector_load %arg17[%parallel_loop3A_1327] {strides = array<i32>} : memref<8192xf32, #tpu.memory_space<vmem>>, vector<16xf32>,
        tpu.vector_store %arg17[%parallel_loop3A_1327], %parallel_loop3A_1322 {strides = array<i32>} : memref<8192xf32, #tpu.memory_space<vmem>>, vector<16xf32>,
        %parallel_loop3A_1329 = arith.constant 16 : i32
        %parallel_loop3A_1330 = arith.addi %parallel_loop3A_1301, %parallel_loop3A_1329 : i32
        %parallel_loop3A_1331 = arith.index_cast %parallel_loop3A_1330 : i32 to index
        %parallel_loop3A_1332 = tpu.vector_load %arg9[%parallel_loop3A_1331] {strides = array<i32>} : memref<43008xf32, #tpu.memory_space<vmem>>, vector<16xf32>,
        %parallel_loop3A_1333 = arith.constant 16 : i32
        %parallel_loop3A_1334 = arith.addi %parallel_loop3A_1303, %parallel_loop3A_1333 : i32
        %parallel_loop3A_1335 = arith.index_cast %parallel_loop3A_1334 : i32 to index
        %parallel_loop3A_1336 = tpu.vector_load %arg10[%parallel_loop3A_1335] {strides = array<i32>} : memref<6144xf32, #tpu.memory_space<vmem>>, vector<16xf32>,
        %parallel_loop3A_1337 = arith.constant 16 : i32
        %parallel_loop3A_1338 = vector.broadcast %parallel_loop3A_1337 : i32 to vector<16xi32>
        %parallel_loop3A_1339 = arith.addi %iota3A, %parallel_loop3A_1338 : vector<16xi32>
        %parallel_loop3A_1340 = tpu.vector_load_idx %arg15[%parallel_loop3A_1306, %parallel_loop3A_1339] : memref<128x128xf32, #tpu.memory_space<vmem>>[vector<16xi32>, vector<16xi32>], vector<16xf32>,
        %parallel_loop3A_1341 = arith.addf %parallel_loop3A_1332, %parallel_loop3A_1336 : vector<16xf32>
        %parallel_loop3A_1342 = vector.broadcast %parallel_loop3A_1305 : f32 to vector<16xf32>
        %parallel_loop3A_1343 = arith.mulf %parallel_loop3A_1340, %parallel_loop3A_1342 : vector<16xf32>
        %parallel_loop3A_1344 = arith.addf %parallel_loop3A_1341, %parallel_loop3A_1343 : vector<16xf32>
        %parallel_loop3A_1345 = arith.constant 64 : i32
        %parallel_loop3A_1346 = arith.muli %parallel_loop3A_1299, %parallel_loop3A_1345 : i32
        %parallel_loop3A_1347 = arith.constant 16 : i32
        %parallel_loop3A_1348 = arith.addi %parallel_loop3A_1346, %parallel_loop3A_1347 : i32
        %parallel_loop3A_1349 = arith.index_cast %parallel_loop3A_1348 : i32 to index
        %parallel_loop3A_1350 = tpu.vector_load %arg17[%parallel_loop3A_1349] {strides = array<i32>} : memref<8192xf32, #tpu.memory_space<vmem>>, vector<16xf32>,
        tpu.vector_store %arg17[%parallel_loop3A_1349], %parallel_loop3A_1344 {strides = array<i32>} : memref<8192xf32, #tpu.memory_space<vmem>>, vector<16xf32>,
        %parallel_loop3A_1351 = arith.constant 32 : i32
        %parallel_loop3A_1352 = arith.addi %parallel_loop3A_1301, %parallel_loop3A_1351 : i32
        %parallel_loop3A_1353 = arith.index_cast %parallel_loop3A_1352 : i32 to index
        %parallel_loop3A_1354 = tpu.vector_load %arg9[%parallel_loop3A_1353] {strides = array<i32>} : memref<43008xf32, #tpu.memory_space<vmem>>, vector<16xf32>,
        %parallel_loop3A_1355 = arith.constant 32 : i32
        %parallel_loop3A_1356 = arith.addi %parallel_loop3A_1303, %parallel_loop3A_1355 : i32
        %parallel_loop3A_1357 = arith.index_cast %parallel_loop3A_1356 : i32 to index
        %parallel_loop3A_1358 = tpu.vector_load %arg10[%parallel_loop3A_1357] {strides = array<i32>} : memref<6144xf32, #tpu.memory_space<vmem>>, vector<16xf32>,
        %parallel_loop3A_1359 = arith.constant 32 : i32
        %parallel_loop3A_1360 = vector.broadcast %parallel_loop3A_1359 : i32 to vector<16xi32>
        %parallel_loop3A_1361 = arith.addi %iota3A, %parallel_loop3A_1360 : vector<16xi32>
        %parallel_loop3A_1362 = tpu.vector_load_idx %arg15[%parallel_loop3A_1306, %parallel_loop3A_1361] : memref<128x128xf32, #tpu.memory_space<vmem>>[vector<16xi32>, vector<16xi32>], vector<16xf32>,
        %parallel_loop3A_1363 = arith.addf %parallel_loop3A_1354, %parallel_loop3A_1358 : vector<16xf32>
        %parallel_loop3A_1364 = vector.broadcast %parallel_loop3A_1305 : f32 to vector<16xf32>
        %parallel_loop3A_1365 = arith.mulf %parallel_loop3A_1362, %parallel_loop3A_1364 : vector<16xf32>
        %parallel_loop3A_1366 = arith.addf %parallel_loop3A_1363, %parallel_loop3A_1365 : vector<16xf32>
        %parallel_loop3A_1367 = arith.constant 64 : i32
        %parallel_loop3A_1368 = arith.muli %parallel_loop3A_1299, %parallel_loop3A_1367 : i32
        %parallel_loop3A_1369 = arith.constant 32 : i32
        %parallel_loop3A_1370 = arith.addi %parallel_loop3A_1368, %parallel_loop3A_1369 : i32
        %parallel_loop3A_1371 = arith.index_cast %parallel_loop3A_1370 : i32 to index
        %parallel_loop3A_1372 = tpu.vector_load %arg17[%parallel_loop3A_1371] {strides = array<i32>} : memref<8192xf32, #tpu.memory_space<vmem>>, vector<16xf32>,
        tpu.vector_store %arg17[%parallel_loop3A_1371], %parallel_loop3A_1366 {strides = array<i32>} : memref<8192xf32, #tpu.memory_space<vmem>>, vector<16xf32>,
        %parallel_loop3A_1373 = arith.constant 48 : i32
        %parallel_loop3A_1374 = arith.addi %parallel_loop3A_1301, %parallel_loop3A_1373 : i32
        %parallel_loop3A_1375 = arith.index_cast %parallel_loop3A_1374 : i32 to index
        %parallel_loop3A_1376 = tpu.vector_load %arg9[%parallel_loop3A_1375] {strides = array<i32>} : memref<43008xf32, #tpu.memory_space<vmem>>, vector<16xf32>,
        %parallel_loop3A_1377 = arith.constant 48 : i32
        %parallel_loop3A_1378 = arith.addi %parallel_loop3A_1303, %parallel_loop3A_1377 : i32
        %parallel_loop3A_1379 = arith.index_cast %parallel_loop3A_1378 : i32 to index
        %parallel_loop3A_1380 = tpu.vector_load %arg10[%parallel_loop3A_1379] {strides = array<i32>} : memref<6144xf32, #tpu.memory_space<vmem>>, vector<16xf32>,
        %parallel_loop3A_1381 = arith.constant 48 : i32
        %parallel_loop3A_1382 = vector.broadcast %parallel_loop3A_1381 : i32 to vector<16xi32>
        %parallel_loop3A_1383 = arith.addi %iota3A, %parallel_loop3A_1382 : vector<16xi32>
        %parallel_loop3A_1384 = tpu.vector_load_idx %arg15[%parallel_loop3A_1306, %parallel_loop3A_1383] : memref<128x128xf32, #tpu.memory_space<vmem>>[vector<16xi32>, vector<16xi32>], vector<16xf32>,
        %parallel_loop3A_1385 = arith.addf %parallel_loop3A_1376, %parallel_loop3A_1380 : vector<16xf32>
        %parallel_loop3A_1386 = vector.broadcast %parallel_loop3A_1305 : f32 to vector<16xf32>
        %parallel_loop3A_1387 = arith.mulf %parallel_loop3A_1384, %parallel_loop3A_1386 : vector<16xf32>
        %parallel_loop3A_1388 = arith.addf %parallel_loop3A_1385, %parallel_loop3A_1387 : vector<16xf32>
        %parallel_loop3A_1389 = arith.constant 64 : i32
        %parallel_loop3A_1390 = arith.muli %parallel_loop3A_1299, %parallel_loop3A_1389 : i32
        %parallel_loop3A_1391 = arith.constant 48 : i32
        %parallel_loop3A_1392 = arith.addi %parallel_loop3A_1390, %parallel_loop3A_1391 : i32
        %parallel_loop3A_1393 = arith.index_cast %parallel_loop3A_1392 : i32 to index
        %parallel_loop3A_1394 = tpu.vector_load %arg17[%parallel_loop3A_1393] {strides = array<i32>} : memref<8192xf32, #tpu.memory_space<vmem>>, vector<16xf32>,
        tpu.vector_store %arg17[%parallel_loop3A_1393], %parallel_loop3A_1388 {strides = array<i32>} : memref<8192xf32, #tpu.memory_space<vmem>>, vector<16xf32>,
        %parallel_loop3A_1395 = arith.constant 16 : i32
        %parallel_loop3A_1396 = arith.muli %parallel_loop3A_82, %parallel_loop3A_1395 : i32
        %parallel_loop3A_1397 = arith.constant 13 : i32
        %parallel_loop3A_1398 = arith.addi %parallel_loop3A_1396, %parallel_loop3A_1397 : i32
        %parallel_loop3A_1399 = vector.extract_strided_slice %parallel_loop3A_92 {offsets = [13], sizes = [1], strides = [1]} : vector<16xi32> to vector<1xi32>
        %parallel_loop3A_1400 = vector.extract %parallel_loop3A_1399[0] : i32 from vector<1xi32>
        %parallel_loop3A_1401 = vector.extract_strided_slice %parallel_loop3A_97 {offsets = [13], sizes = [1], strides = [1]} : vector<16xi32> to vector<1xi32>
        %parallel_loop3A_1402 = vector.extract %parallel_loop3A_1401[0] : i32 from vector<1xi32>
        %parallel_loop3A_1403 = vector.extract_strided_slice %parallel_loop3A_107 {offsets = [13], sizes = [1], strides = [1]} : vector<16xf32> to vector<1xf32>
        %parallel_loop3A_1404 = vector.extract %parallel_loop3A_1403[0] : f32 from vector<1xf32>
        %parallel_loop3A_1405 = vector.broadcast %parallel_loop3A_1398 : i32 to vector<16xi32>
        %parallel_loop3A_1406 = arith.constant 0 : i32
        %parallel_loop3A_1407 = arith.addi %parallel_loop3A_1400, %parallel_loop3A_1406 : i32
        %parallel_loop3A_1408 = arith.index_cast %parallel_loop3A_1407 : i32 to index
        %parallel_loop3A_1409 = tpu.vector_load %arg9[%parallel_loop3A_1408] {strides = array<i32>} : memref<43008xf32, #tpu.memory_space<vmem>>, vector<16xf32>,
        %parallel_loop3A_1410 = arith.constant 0 : i32
        %parallel_loop3A_1411 = arith.addi %parallel_loop3A_1402, %parallel_loop3A_1410 : i32
        %parallel_loop3A_1412 = arith.index_cast %parallel_loop3A_1411 : i32 to index
        %parallel_loop3A_1413 = tpu.vector_load %arg10[%parallel_loop3A_1412] {strides = array<i32>} : memref<6144xf32, #tpu.memory_space<vmem>>, vector<16xf32>,
        %parallel_loop3A_1414 = arith.constant 0 : i32
        %parallel_loop3A_1415 = vector.broadcast %parallel_loop3A_1414 : i32 to vector<16xi32>
        %parallel_loop3A_1416 = arith.addi %iota3A, %parallel_loop3A_1415 : vector<16xi32>
        %parallel_loop3A_1417 = tpu.vector_load_idx %arg15[%parallel_loop3A_1405, %parallel_loop3A_1416] : memref<128x128xf32, #tpu.memory_space<vmem>>[vector<16xi32>, vector<16xi32>], vector<16xf32>,
        %parallel_loop3A_1418 = arith.addf %parallel_loop3A_1409, %parallel_loop3A_1413 : vector<16xf32>
        %parallel_loop3A_1419 = vector.broadcast %parallel_loop3A_1404 : f32 to vector<16xf32>
        %parallel_loop3A_1420 = arith.mulf %parallel_loop3A_1417, %parallel_loop3A_1419 : vector<16xf32>
        %parallel_loop3A_1421 = arith.addf %parallel_loop3A_1418, %parallel_loop3A_1420 : vector<16xf32>
        %parallel_loop3A_1422 = arith.constant 64 : i32
        %parallel_loop3A_1423 = arith.muli %parallel_loop3A_1398, %parallel_loop3A_1422 : i32
        %parallel_loop3A_1424 = arith.constant 0 : i32
        %parallel_loop3A_1425 = arith.addi %parallel_loop3A_1423, %parallel_loop3A_1424 : i32
        %parallel_loop3A_1426 = arith.index_cast %parallel_loop3A_1425 : i32 to index
        %parallel_loop3A_1427 = tpu.vector_load %arg17[%parallel_loop3A_1426] {strides = array<i32>} : memref<8192xf32, #tpu.memory_space<vmem>>, vector<16xf32>,
        tpu.vector_store %arg17[%parallel_loop3A_1426], %parallel_loop3A_1421 {strides = array<i32>} : memref<8192xf32, #tpu.memory_space<vmem>>, vector<16xf32>,
        %parallel_loop3A_1428 = arith.constant 16 : i32
        %parallel_loop3A_1429 = arith.addi %parallel_loop3A_1400, %parallel_loop3A_1428 : i32
        %parallel_loop3A_1430 = arith.index_cast %parallel_loop3A_1429 : i32 to index
        %parallel_loop3A_1431 = tpu.vector_load %arg9[%parallel_loop3A_1430] {strides = array<i32>} : memref<43008xf32, #tpu.memory_space<vmem>>, vector<16xf32>,
        %parallel_loop3A_1432 = arith.constant 16 : i32
        %parallel_loop3A_1433 = arith.addi %parallel_loop3A_1402, %parallel_loop3A_1432 : i32
        %parallel_loop3A_1434 = arith.index_cast %parallel_loop3A_1433 : i32 to index
        %parallel_loop3A_1435 = tpu.vector_load %arg10[%parallel_loop3A_1434] {strides = array<i32>} : memref<6144xf32, #tpu.memory_space<vmem>>, vector<16xf32>,
        %parallel_loop3A_1436 = arith.constant 16 : i32
        %parallel_loop3A_1437 = vector.broadcast %parallel_loop3A_1436 : i32 to vector<16xi32>
        %parallel_loop3A_1438 = arith.addi %iota3A, %parallel_loop3A_1437 : vector<16xi32>
        %parallel_loop3A_1439 = tpu.vector_load_idx %arg15[%parallel_loop3A_1405, %parallel_loop3A_1438] : memref<128x128xf32, #tpu.memory_space<vmem>>[vector<16xi32>, vector<16xi32>], vector<16xf32>,
        %parallel_loop3A_1440 = arith.addf %parallel_loop3A_1431, %parallel_loop3A_1435 : vector<16xf32>
        %parallel_loop3A_1441 = vector.broadcast %parallel_loop3A_1404 : f32 to vector<16xf32>
        %parallel_loop3A_1442 = arith.mulf %parallel_loop3A_1439, %parallel_loop3A_1441 : vector<16xf32>
        %parallel_loop3A_1443 = arith.addf %parallel_loop3A_1440, %parallel_loop3A_1442 : vector<16xf32>
        %parallel_loop3A_1444 = arith.constant 64 : i32
        %parallel_loop3A_1445 = arith.muli %parallel_loop3A_1398, %parallel_loop3A_1444 : i32
        %parallel_loop3A_1446 = arith.constant 16 : i32
        %parallel_loop3A_1447 = arith.addi %parallel_loop3A_1445, %parallel_loop3A_1446 : i32
        %parallel_loop3A_1448 = arith.index_cast %parallel_loop3A_1447 : i32 to index
        %parallel_loop3A_1449 = tpu.vector_load %arg17[%parallel_loop3A_1448] {strides = array<i32>} : memref<8192xf32, #tpu.memory_space<vmem>>, vector<16xf32>,
        tpu.vector_store %arg17[%parallel_loop3A_1448], %parallel_loop3A_1443 {strides = array<i32>} : memref<8192xf32, #tpu.memory_space<vmem>>, vector<16xf32>,
        %parallel_loop3A_1450 = arith.constant 32 : i32
        %parallel_loop3A_1451 = arith.addi %parallel_loop3A_1400, %parallel_loop3A_1450 : i32
        %parallel_loop3A_1452 = arith.index_cast %parallel_loop3A_1451 : i32 to index
        %parallel_loop3A_1453 = tpu.vector_load %arg9[%parallel_loop3A_1452] {strides = array<i32>} : memref<43008xf32, #tpu.memory_space<vmem>>, vector<16xf32>,
        %parallel_loop3A_1454 = arith.constant 32 : i32
        %parallel_loop3A_1455 = arith.addi %parallel_loop3A_1402, %parallel_loop3A_1454 : i32
        %parallel_loop3A_1456 = arith.index_cast %parallel_loop3A_1455 : i32 to index
        %parallel_loop3A_1457 = tpu.vector_load %arg10[%parallel_loop3A_1456] {strides = array<i32>} : memref<6144xf32, #tpu.memory_space<vmem>>, vector<16xf32>,
        %parallel_loop3A_1458 = arith.constant 32 : i32
        %parallel_loop3A_1459 = vector.broadcast %parallel_loop3A_1458 : i32 to vector<16xi32>
        %parallel_loop3A_1460 = arith.addi %iota3A, %parallel_loop3A_1459 : vector<16xi32>
        %parallel_loop3A_1461 = tpu.vector_load_idx %arg15[%parallel_loop3A_1405, %parallel_loop3A_1460] : memref<128x128xf32, #tpu.memory_space<vmem>>[vector<16xi32>, vector<16xi32>], vector<16xf32>,
        %parallel_loop3A_1462 = arith.addf %parallel_loop3A_1453, %parallel_loop3A_1457 : vector<16xf32>
        %parallel_loop3A_1463 = vector.broadcast %parallel_loop3A_1404 : f32 to vector<16xf32>
        %parallel_loop3A_1464 = arith.mulf %parallel_loop3A_1461, %parallel_loop3A_1463 : vector<16xf32>
        %parallel_loop3A_1465 = arith.addf %parallel_loop3A_1462, %parallel_loop3A_1464 : vector<16xf32>
        %parallel_loop3A_1466 = arith.constant 64 : i32
        %parallel_loop3A_1467 = arith.muli %parallel_loop3A_1398, %parallel_loop3A_1466 : i32
        %parallel_loop3A_1468 = arith.constant 32 : i32
        %parallel_loop3A_1469 = arith.addi %parallel_loop3A_1467, %parallel_loop3A_1468 : i32
        %parallel_loop3A_1470 = arith.index_cast %parallel_loop3A_1469 : i32 to index
        %parallel_loop3A_1471 = tpu.vector_load %arg17[%parallel_loop3A_1470] {strides = array<i32>} : memref<8192xf32, #tpu.memory_space<vmem>>, vector<16xf32>,
        tpu.vector_store %arg17[%parallel_loop3A_1470], %parallel_loop3A_1465 {strides = array<i32>} : memref<8192xf32, #tpu.memory_space<vmem>>, vector<16xf32>,
        %parallel_loop3A_1472 = arith.constant 48 : i32
        %parallel_loop3A_1473 = arith.addi %parallel_loop3A_1400, %parallel_loop3A_1472 : i32
        %parallel_loop3A_1474 = arith.index_cast %parallel_loop3A_1473 : i32 to index
        %parallel_loop3A_1475 = tpu.vector_load %arg9[%parallel_loop3A_1474] {strides = array<i32>} : memref<43008xf32, #tpu.memory_space<vmem>>, vector<16xf32>,
        %parallel_loop3A_1476 = arith.constant 48 : i32
        %parallel_loop3A_1477 = arith.addi %parallel_loop3A_1402, %parallel_loop3A_1476 : i32
        %parallel_loop3A_1478 = arith.index_cast %parallel_loop3A_1477 : i32 to index
        %parallel_loop3A_1479 = tpu.vector_load %arg10[%parallel_loop3A_1478] {strides = array<i32>} : memref<6144xf32, #tpu.memory_space<vmem>>, vector<16xf32>,
        %parallel_loop3A_1480 = arith.constant 48 : i32
        %parallel_loop3A_1481 = vector.broadcast %parallel_loop3A_1480 : i32 to vector<16xi32>
        %parallel_loop3A_1482 = arith.addi %iota3A, %parallel_loop3A_1481 : vector<16xi32>
        %parallel_loop3A_1483 = tpu.vector_load_idx %arg15[%parallel_loop3A_1405, %parallel_loop3A_1482] : memref<128x128xf32, #tpu.memory_space<vmem>>[vector<16xi32>, vector<16xi32>], vector<16xf32>,
        %parallel_loop3A_1484 = arith.addf %parallel_loop3A_1475, %parallel_loop3A_1479 : vector<16xf32>
        %parallel_loop3A_1485 = vector.broadcast %parallel_loop3A_1404 : f32 to vector<16xf32>
        %parallel_loop3A_1486 = arith.mulf %parallel_loop3A_1483, %parallel_loop3A_1485 : vector<16xf32>
        %parallel_loop3A_1487 = arith.addf %parallel_loop3A_1484, %parallel_loop3A_1486 : vector<16xf32>
        %parallel_loop3A_1488 = arith.constant 64 : i32
        %parallel_loop3A_1489 = arith.muli %parallel_loop3A_1398, %parallel_loop3A_1488 : i32
        %parallel_loop3A_1490 = arith.constant 48 : i32
        %parallel_loop3A_1491 = arith.addi %parallel_loop3A_1489, %parallel_loop3A_1490 : i32
        %parallel_loop3A_1492 = arith.index_cast %parallel_loop3A_1491 : i32 to index
        %parallel_loop3A_1493 = tpu.vector_load %arg17[%parallel_loop3A_1492] {strides = array<i32>} : memref<8192xf32, #tpu.memory_space<vmem>>, vector<16xf32>,
        tpu.vector_store %arg17[%parallel_loop3A_1492], %parallel_loop3A_1487 {strides = array<i32>} : memref<8192xf32, #tpu.memory_space<vmem>>, vector<16xf32>,
        %parallel_loop3A_1494 = arith.constant 16 : i32
        %parallel_loop3A_1495 = arith.muli %parallel_loop3A_82, %parallel_loop3A_1494 : i32
        %parallel_loop3A_1496 = arith.constant 14 : i32
        %parallel_loop3A_1497 = arith.addi %parallel_loop3A_1495, %parallel_loop3A_1496 : i32
        %parallel_loop3A_1498 = vector.extract_strided_slice %parallel_loop3A_92 {offsets = [14], sizes = [1], strides = [1]} : vector<16xi32> to vector<1xi32>
        %parallel_loop3A_1499 = vector.extract %parallel_loop3A_1498[0] : i32 from vector<1xi32>
        %parallel_loop3A_1500 = vector.extract_strided_slice %parallel_loop3A_97 {offsets = [14], sizes = [1], strides = [1]} : vector<16xi32> to vector<1xi32>
        %parallel_loop3A_1501 = vector.extract %parallel_loop3A_1500[0] : i32 from vector<1xi32>
        %parallel_loop3A_1502 = vector.extract_strided_slice %parallel_loop3A_107 {offsets = [14], sizes = [1], strides = [1]} : vector<16xf32> to vector<1xf32>
        %parallel_loop3A_1503 = vector.extract %parallel_loop3A_1502[0] : f32 from vector<1xf32>
        %parallel_loop3A_1504 = vector.broadcast %parallel_loop3A_1497 : i32 to vector<16xi32>
        %parallel_loop3A_1505 = arith.constant 0 : i32
        %parallel_loop3A_1506 = arith.addi %parallel_loop3A_1499, %parallel_loop3A_1505 : i32
        %parallel_loop3A_1507 = arith.index_cast %parallel_loop3A_1506 : i32 to index
        %parallel_loop3A_1508 = tpu.vector_load %arg9[%parallel_loop3A_1507] {strides = array<i32>} : memref<43008xf32, #tpu.memory_space<vmem>>, vector<16xf32>,
        %parallel_loop3A_1509 = arith.constant 0 : i32
        %parallel_loop3A_1510 = arith.addi %parallel_loop3A_1501, %parallel_loop3A_1509 : i32
        %parallel_loop3A_1511 = arith.index_cast %parallel_loop3A_1510 : i32 to index
        %parallel_loop3A_1512 = tpu.vector_load %arg10[%parallel_loop3A_1511] {strides = array<i32>} : memref<6144xf32, #tpu.memory_space<vmem>>, vector<16xf32>,
        %parallel_loop3A_1513 = arith.constant 0 : i32
        %parallel_loop3A_1514 = vector.broadcast %parallel_loop3A_1513 : i32 to vector<16xi32>
        %parallel_loop3A_1515 = arith.addi %iota3A, %parallel_loop3A_1514 : vector<16xi32>
        %parallel_loop3A_1516 = tpu.vector_load_idx %arg15[%parallel_loop3A_1504, %parallel_loop3A_1515] : memref<128x128xf32, #tpu.memory_space<vmem>>[vector<16xi32>, vector<16xi32>], vector<16xf32>,
        %parallel_loop3A_1517 = arith.addf %parallel_loop3A_1508, %parallel_loop3A_1512 : vector<16xf32>
        %parallel_loop3A_1518 = vector.broadcast %parallel_loop3A_1503 : f32 to vector<16xf32>
        %parallel_loop3A_1519 = arith.mulf %parallel_loop3A_1516, %parallel_loop3A_1518 : vector<16xf32>
        %parallel_loop3A_1520 = arith.addf %parallel_loop3A_1517, %parallel_loop3A_1519 : vector<16xf32>
        %parallel_loop3A_1521 = arith.constant 64 : i32
        %parallel_loop3A_1522 = arith.muli %parallel_loop3A_1497, %parallel_loop3A_1521 : i32
        %parallel_loop3A_1523 = arith.constant 0 : i32
        %parallel_loop3A_1524 = arith.addi %parallel_loop3A_1522, %parallel_loop3A_1523 : i32
        %parallel_loop3A_1525 = arith.index_cast %parallel_loop3A_1524 : i32 to index
        %parallel_loop3A_1526 = tpu.vector_load %arg17[%parallel_loop3A_1525] {strides = array<i32>} : memref<8192xf32, #tpu.memory_space<vmem>>, vector<16xf32>,
        tpu.vector_store %arg17[%parallel_loop3A_1525], %parallel_loop3A_1520 {strides = array<i32>} : memref<8192xf32, #tpu.memory_space<vmem>>, vector<16xf32>,
        %parallel_loop3A_1527 = arith.constant 16 : i32
        %parallel_loop3A_1528 = arith.addi %parallel_loop3A_1499, %parallel_loop3A_1527 : i32
        %parallel_loop3A_1529 = arith.index_cast %parallel_loop3A_1528 : i32 to index
        %parallel_loop3A_1530 = tpu.vector_load %arg9[%parallel_loop3A_1529] {strides = array<i32>} : memref<43008xf32, #tpu.memory_space<vmem>>, vector<16xf32>,
        %parallel_loop3A_1531 = arith.constant 16 : i32
        %parallel_loop3A_1532 = arith.addi %parallel_loop3A_1501, %parallel_loop3A_1531 : i32
        %parallel_loop3A_1533 = arith.index_cast %parallel_loop3A_1532 : i32 to index
        %parallel_loop3A_1534 = tpu.vector_load %arg10[%parallel_loop3A_1533] {strides = array<i32>} : memref<6144xf32, #tpu.memory_space<vmem>>, vector<16xf32>,
        %parallel_loop3A_1535 = arith.constant 16 : i32
        %parallel_loop3A_1536 = vector.broadcast %parallel_loop3A_1535 : i32 to vector<16xi32>
        %parallel_loop3A_1537 = arith.addi %iota3A, %parallel_loop3A_1536 : vector<16xi32>
        %parallel_loop3A_1538 = tpu.vector_load_idx %arg15[%parallel_loop3A_1504, %parallel_loop3A_1537] : memref<128x128xf32, #tpu.memory_space<vmem>>[vector<16xi32>, vector<16xi32>], vector<16xf32>,
        %parallel_loop3A_1539 = arith.addf %parallel_loop3A_1530, %parallel_loop3A_1534 : vector<16xf32>
        %parallel_loop3A_1540 = vector.broadcast %parallel_loop3A_1503 : f32 to vector<16xf32>
        %parallel_loop3A_1541 = arith.mulf %parallel_loop3A_1538, %parallel_loop3A_1540 : vector<16xf32>
        %parallel_loop3A_1542 = arith.addf %parallel_loop3A_1539, %parallel_loop3A_1541 : vector<16xf32>
        %parallel_loop3A_1543 = arith.constant 64 : i32
        %parallel_loop3A_1544 = arith.muli %parallel_loop3A_1497, %parallel_loop3A_1543 : i32
        %parallel_loop3A_1545 = arith.constant 16 : i32
        %parallel_loop3A_1546 = arith.addi %parallel_loop3A_1544, %parallel_loop3A_1545 : i32
        %parallel_loop3A_1547 = arith.index_cast %parallel_loop3A_1546 : i32 to index
        %parallel_loop3A_1548 = tpu.vector_load %arg17[%parallel_loop3A_1547] {strides = array<i32>} : memref<8192xf32, #tpu.memory_space<vmem>>, vector<16xf32>,
        tpu.vector_store %arg17[%parallel_loop3A_1547], %parallel_loop3A_1542 {strides = array<i32>} : memref<8192xf32, #tpu.memory_space<vmem>>, vector<16xf32>,
        %parallel_loop3A_1549 = arith.constant 32 : i32
        %parallel_loop3A_1550 = arith.addi %parallel_loop3A_1499, %parallel_loop3A_1549 : i32
        %parallel_loop3A_1551 = arith.index_cast %parallel_loop3A_1550 : i32 to index
        %parallel_loop3A_1552 = tpu.vector_load %arg9[%parallel_loop3A_1551] {strides = array<i32>} : memref<43008xf32, #tpu.memory_space<vmem>>, vector<16xf32>,
        %parallel_loop3A_1553 = arith.constant 32 : i32
        %parallel_loop3A_1554 = arith.addi %parallel_loop3A_1501, %parallel_loop3A_1553 : i32
        %parallel_loop3A_1555 = arith.index_cast %parallel_loop3A_1554 : i32 to index
        %parallel_loop3A_1556 = tpu.vector_load %arg10[%parallel_loop3A_1555] {strides = array<i32>} : memref<6144xf32, #tpu.memory_space<vmem>>, vector<16xf32>,
        %parallel_loop3A_1557 = arith.constant 32 : i32
        %parallel_loop3A_1558 = vector.broadcast %parallel_loop3A_1557 : i32 to vector<16xi32>
        %parallel_loop3A_1559 = arith.addi %iota3A, %parallel_loop3A_1558 : vector<16xi32>
        %parallel_loop3A_1560 = tpu.vector_load_idx %arg15[%parallel_loop3A_1504, %parallel_loop3A_1559] : memref<128x128xf32, #tpu.memory_space<vmem>>[vector<16xi32>, vector<16xi32>], vector<16xf32>,
        %parallel_loop3A_1561 = arith.addf %parallel_loop3A_1552, %parallel_loop3A_1556 : vector<16xf32>
        %parallel_loop3A_1562 = vector.broadcast %parallel_loop3A_1503 : f32 to vector<16xf32>
        %parallel_loop3A_1563 = arith.mulf %parallel_loop3A_1560, %parallel_loop3A_1562 : vector<16xf32>
        %parallel_loop3A_1564 = arith.addf %parallel_loop3A_1561, %parallel_loop3A_1563 : vector<16xf32>
        %parallel_loop3A_1565 = arith.constant 64 : i32
        %parallel_loop3A_1566 = arith.muli %parallel_loop3A_1497, %parallel_loop3A_1565 : i32
        %parallel_loop3A_1567 = arith.constant 32 : i32
        %parallel_loop3A_1568 = arith.addi %parallel_loop3A_1566, %parallel_loop3A_1567 : i32
        %parallel_loop3A_1569 = arith.index_cast %parallel_loop3A_1568 : i32 to index
        %parallel_loop3A_1570 = tpu.vector_load %arg17[%parallel_loop3A_1569] {strides = array<i32>} : memref<8192xf32, #tpu.memory_space<vmem>>, vector<16xf32>,
        tpu.vector_store %arg17[%parallel_loop3A_1569], %parallel_loop3A_1564 {strides = array<i32>} : memref<8192xf32, #tpu.memory_space<vmem>>, vector<16xf32>,
        %parallel_loop3A_1571 = arith.constant 48 : i32
        %parallel_loop3A_1572 = arith.addi %parallel_loop3A_1499, %parallel_loop3A_1571 : i32
        %parallel_loop3A_1573 = arith.index_cast %parallel_loop3A_1572 : i32 to index
        %parallel_loop3A_1574 = tpu.vector_load %arg9[%parallel_loop3A_1573] {strides = array<i32>} : memref<43008xf32, #tpu.memory_space<vmem>>, vector<16xf32>,
        %parallel_loop3A_1575 = arith.constant 48 : i32
        %parallel_loop3A_1576 = arith.addi %parallel_loop3A_1501, %parallel_loop3A_1575 : i32
        %parallel_loop3A_1577 = arith.index_cast %parallel_loop3A_1576 : i32 to index
        %parallel_loop3A_1578 = tpu.vector_load %arg10[%parallel_loop3A_1577] {strides = array<i32>} : memref<6144xf32, #tpu.memory_space<vmem>>, vector<16xf32>,
        %parallel_loop3A_1579 = arith.constant 48 : i32
        %parallel_loop3A_1580 = vector.broadcast %parallel_loop3A_1579 : i32 to vector<16xi32>
        %parallel_loop3A_1581 = arith.addi %iota3A, %parallel_loop3A_1580 : vector<16xi32>
        %parallel_loop3A_1582 = tpu.vector_load_idx %arg15[%parallel_loop3A_1504, %parallel_loop3A_1581] : memref<128x128xf32, #tpu.memory_space<vmem>>[vector<16xi32>, vector<16xi32>], vector<16xf32>,
        %parallel_loop3A_1583 = arith.addf %parallel_loop3A_1574, %parallel_loop3A_1578 : vector<16xf32>
        %parallel_loop3A_1584 = vector.broadcast %parallel_loop3A_1503 : f32 to vector<16xf32>
        %parallel_loop3A_1585 = arith.mulf %parallel_loop3A_1582, %parallel_loop3A_1584 : vector<16xf32>
        %parallel_loop3A_1586 = arith.addf %parallel_loop3A_1583, %parallel_loop3A_1585 : vector<16xf32>
        %parallel_loop3A_1587 = arith.constant 64 : i32
        %parallel_loop3A_1588 = arith.muli %parallel_loop3A_1497, %parallel_loop3A_1587 : i32
        %parallel_loop3A_1589 = arith.constant 48 : i32
        %parallel_loop3A_1590 = arith.addi %parallel_loop3A_1588, %parallel_loop3A_1589 : i32
        %parallel_loop3A_1591 = arith.index_cast %parallel_loop3A_1590 : i32 to index
        %parallel_loop3A_1592 = tpu.vector_load %arg17[%parallel_loop3A_1591] {strides = array<i32>} : memref<8192xf32, #tpu.memory_space<vmem>>, vector<16xf32>,
        tpu.vector_store %arg17[%parallel_loop3A_1591], %parallel_loop3A_1586 {strides = array<i32>} : memref<8192xf32, #tpu.memory_space<vmem>>, vector<16xf32>,
        %parallel_loop3A_1593 = arith.constant 16 : i32
        %parallel_loop3A_1594 = arith.muli %parallel_loop3A_82, %parallel_loop3A_1593 : i32
        %parallel_loop3A_1595 = arith.constant 15 : i32
        %parallel_loop3A_1596 = arith.addi %parallel_loop3A_1594, %parallel_loop3A_1595 : i32
        %parallel_loop3A_1597 = vector.extract_strided_slice %parallel_loop3A_92 {offsets = [15], sizes = [1], strides = [1]} : vector<16xi32> to vector<1xi32>
        %parallel_loop3A_1598 = vector.extract %parallel_loop3A_1597[0] : i32 from vector<1xi32>
        %parallel_loop3A_1599 = vector.extract_strided_slice %parallel_loop3A_97 {offsets = [15], sizes = [1], strides = [1]} : vector<16xi32> to vector<1xi32>
        %parallel_loop3A_1600 = vector.extract %parallel_loop3A_1599[0] : i32 from vector<1xi32>
        %parallel_loop3A_1601 = vector.extract_strided_slice %parallel_loop3A_107 {offsets = [15], sizes = [1], strides = [1]} : vector<16xf32> to vector<1xf32>
        %parallel_loop3A_1602 = vector.extract %parallel_loop3A_1601[0] : f32 from vector<1xf32>
        %parallel_loop3A_1603 = vector.broadcast %parallel_loop3A_1596 : i32 to vector<16xi32>
        %parallel_loop3A_1604 = arith.constant 0 : i32
        %parallel_loop3A_1605 = arith.addi %parallel_loop3A_1598, %parallel_loop3A_1604 : i32
        %parallel_loop3A_1606 = arith.index_cast %parallel_loop3A_1605 : i32 to index
        %parallel_loop3A_1607 = tpu.vector_load %arg9[%parallel_loop3A_1606] {strides = array<i32>} : memref<43008xf32, #tpu.memory_space<vmem>>, vector<16xf32>,
        %parallel_loop3A_1608 = arith.constant 0 : i32
        %parallel_loop3A_1609 = arith.addi %parallel_loop3A_1600, %parallel_loop3A_1608 : i32
        %parallel_loop3A_1610 = arith.index_cast %parallel_loop3A_1609 : i32 to index
        %parallel_loop3A_1611 = tpu.vector_load %arg10[%parallel_loop3A_1610] {strides = array<i32>} : memref<6144xf32, #tpu.memory_space<vmem>>, vector<16xf32>,
        %parallel_loop3A_1612 = arith.constant 0 : i32
        %parallel_loop3A_1613 = vector.broadcast %parallel_loop3A_1612 : i32 to vector<16xi32>
        %parallel_loop3A_1614 = arith.addi %iota3A, %parallel_loop3A_1613 : vector<16xi32>
        %parallel_loop3A_1615 = tpu.vector_load_idx %arg15[%parallel_loop3A_1603, %parallel_loop3A_1614] : memref<128x128xf32, #tpu.memory_space<vmem>>[vector<16xi32>, vector<16xi32>], vector<16xf32>,
        %parallel_loop3A_1616 = arith.addf %parallel_loop3A_1607, %parallel_loop3A_1611 : vector<16xf32>
        %parallel_loop3A_1617 = vector.broadcast %parallel_loop3A_1602 : f32 to vector<16xf32>
        %parallel_loop3A_1618 = arith.mulf %parallel_loop3A_1615, %parallel_loop3A_1617 : vector<16xf32>
        %parallel_loop3A_1619 = arith.addf %parallel_loop3A_1616, %parallel_loop3A_1618 : vector<16xf32>
        %parallel_loop3A_1620 = arith.constant 64 : i32
        %parallel_loop3A_1621 = arith.muli %parallel_loop3A_1596, %parallel_loop3A_1620 : i32
        %parallel_loop3A_1622 = arith.constant 0 : i32
        %parallel_loop3A_1623 = arith.addi %parallel_loop3A_1621, %parallel_loop3A_1622 : i32
        %parallel_loop3A_1624 = arith.index_cast %parallel_loop3A_1623 : i32 to index
        %parallel_loop3A_1625 = tpu.vector_load %arg17[%parallel_loop3A_1624] {strides = array<i32>} : memref<8192xf32, #tpu.memory_space<vmem>>, vector<16xf32>,
        tpu.vector_store %arg17[%parallel_loop3A_1624], %parallel_loop3A_1619 {strides = array<i32>} : memref<8192xf32, #tpu.memory_space<vmem>>, vector<16xf32>,
        %parallel_loop3A_1626 = arith.constant 16 : i32
        %parallel_loop3A_1627 = arith.addi %parallel_loop3A_1598, %parallel_loop3A_1626 : i32
        %parallel_loop3A_1628 = arith.index_cast %parallel_loop3A_1627 : i32 to index
        %parallel_loop3A_1629 = tpu.vector_load %arg9[%parallel_loop3A_1628] {strides = array<i32>} : memref<43008xf32, #tpu.memory_space<vmem>>, vector<16xf32>,
        %parallel_loop3A_1630 = arith.constant 16 : i32
        %parallel_loop3A_1631 = arith.addi %parallel_loop3A_1600, %parallel_loop3A_1630 : i32
        %parallel_loop3A_1632 = arith.index_cast %parallel_loop3A_1631 : i32 to index
        %parallel_loop3A_1633 = tpu.vector_load %arg10[%parallel_loop3A_1632] {strides = array<i32>} : memref<6144xf32, #tpu.memory_space<vmem>>, vector<16xf32>,
        %parallel_loop3A_1634 = arith.constant 16 : i32
        %parallel_loop3A_1635 = vector.broadcast %parallel_loop3A_1634 : i32 to vector<16xi32>
        %parallel_loop3A_1636 = arith.addi %iota3A, %parallel_loop3A_1635 : vector<16xi32>
        %parallel_loop3A_1637 = tpu.vector_load_idx %arg15[%parallel_loop3A_1603, %parallel_loop3A_1636] : memref<128x128xf32, #tpu.memory_space<vmem>>[vector<16xi32>, vector<16xi32>], vector<16xf32>,
        %parallel_loop3A_1638 = arith.addf %parallel_loop3A_1629, %parallel_loop3A_1633 : vector<16xf32>
        %parallel_loop3A_1639 = vector.broadcast %parallel_loop3A_1602 : f32 to vector<16xf32>
        %parallel_loop3A_1640 = arith.mulf %parallel_loop3A_1637, %parallel_loop3A_1639 : vector<16xf32>
        %parallel_loop3A_1641 = arith.addf %parallel_loop3A_1638, %parallel_loop3A_1640 : vector<16xf32>
        %parallel_loop3A_1642 = arith.constant 64 : i32
        %parallel_loop3A_1643 = arith.muli %parallel_loop3A_1596, %parallel_loop3A_1642 : i32
        %parallel_loop3A_1644 = arith.constant 16 : i32
        %parallel_loop3A_1645 = arith.addi %parallel_loop3A_1643, %parallel_loop3A_1644 : i32
        %parallel_loop3A_1646 = arith.index_cast %parallel_loop3A_1645 : i32 to index
        %parallel_loop3A_1647 = tpu.vector_load %arg17[%parallel_loop3A_1646] {strides = array<i32>} : memref<8192xf32, #tpu.memory_space<vmem>>, vector<16xf32>,
        tpu.vector_store %arg17[%parallel_loop3A_1646], %parallel_loop3A_1641 {strides = array<i32>} : memref<8192xf32, #tpu.memory_space<vmem>>, vector<16xf32>,
        %parallel_loop3A_1648 = arith.constant 32 : i32
        %parallel_loop3A_1649 = arith.addi %parallel_loop3A_1598, %parallel_loop3A_1648 : i32
        %parallel_loop3A_1650 = arith.index_cast %parallel_loop3A_1649 : i32 to index
        %parallel_loop3A_1651 = tpu.vector_load %arg9[%parallel_loop3A_1650] {strides = array<i32>} : memref<43008xf32, #tpu.memory_space<vmem>>, vector<16xf32>,
        %parallel_loop3A_1652 = arith.constant 32 : i32
        %parallel_loop3A_1653 = arith.addi %parallel_loop3A_1600, %parallel_loop3A_1652 : i32
        %parallel_loop3A_1654 = arith.index_cast %parallel_loop3A_1653 : i32 to index
        %parallel_loop3A_1655 = tpu.vector_load %arg10[%parallel_loop3A_1654] {strides = array<i32>} : memref<6144xf32, #tpu.memory_space<vmem>>, vector<16xf32>,
        %parallel_loop3A_1656 = arith.constant 32 : i32
        %parallel_loop3A_1657 = vector.broadcast %parallel_loop3A_1656 : i32 to vector<16xi32>
        %parallel_loop3A_1658 = arith.addi %iota3A, %parallel_loop3A_1657 : vector<16xi32>
        %parallel_loop3A_1659 = tpu.vector_load_idx %arg15[%parallel_loop3A_1603, %parallel_loop3A_1658] : memref<128x128xf32, #tpu.memory_space<vmem>>[vector<16xi32>, vector<16xi32>], vector<16xf32>,
        %parallel_loop3A_1660 = arith.addf %parallel_loop3A_1651, %parallel_loop3A_1655 : vector<16xf32>
        %parallel_loop3A_1661 = vector.broadcast %parallel_loop3A_1602 : f32 to vector<16xf32>
        %parallel_loop3A_1662 = arith.mulf %parallel_loop3A_1659, %parallel_loop3A_1661 : vector<16xf32>
        %parallel_loop3A_1663 = arith.addf %parallel_loop3A_1660, %parallel_loop3A_1662 : vector<16xf32>
        %parallel_loop3A_1664 = arith.constant 64 : i32
        %parallel_loop3A_1665 = arith.muli %parallel_loop3A_1596, %parallel_loop3A_1664 : i32
        %parallel_loop3A_1666 = arith.constant 32 : i32
        %parallel_loop3A_1667 = arith.addi %parallel_loop3A_1665, %parallel_loop3A_1666 : i32
        %parallel_loop3A_1668 = arith.index_cast %parallel_loop3A_1667 : i32 to index
        %parallel_loop3A_1669 = tpu.vector_load %arg17[%parallel_loop3A_1668] {strides = array<i32>} : memref<8192xf32, #tpu.memory_space<vmem>>, vector<16xf32>,
        tpu.vector_store %arg17[%parallel_loop3A_1668], %parallel_loop3A_1663 {strides = array<i32>} : memref<8192xf32, #tpu.memory_space<vmem>>, vector<16xf32>,
        %parallel_loop3A_1670 = arith.constant 48 : i32
        %parallel_loop3A_1671 = arith.addi %parallel_loop3A_1598, %parallel_loop3A_1670 : i32
        %parallel_loop3A_1672 = arith.index_cast %parallel_loop3A_1671 : i32 to index
        %parallel_loop3A_1673 = tpu.vector_load %arg9[%parallel_loop3A_1672] {strides = array<i32>} : memref<43008xf32, #tpu.memory_space<vmem>>, vector<16xf32>,
        %parallel_loop3A_1674 = arith.constant 48 : i32
        %parallel_loop3A_1675 = arith.addi %parallel_loop3A_1600, %parallel_loop3A_1674 : i32
        %parallel_loop3A_1676 = arith.index_cast %parallel_loop3A_1675 : i32 to index
        %parallel_loop3A_1677 = tpu.vector_load %arg10[%parallel_loop3A_1676] {strides = array<i32>} : memref<6144xf32, #tpu.memory_space<vmem>>, vector<16xf32>,
        %parallel_loop3A_1678 = arith.constant 48 : i32
        %parallel_loop3A_1679 = vector.broadcast %parallel_loop3A_1678 : i32 to vector<16xi32>
        %parallel_loop3A_1680 = arith.addi %iota3A, %parallel_loop3A_1679 : vector<16xi32>
        %parallel_loop3A_1681 = tpu.vector_load_idx %arg15[%parallel_loop3A_1603, %parallel_loop3A_1680] : memref<128x128xf32, #tpu.memory_space<vmem>>[vector<16xi32>, vector<16xi32>], vector<16xf32>,
        %parallel_loop3A_1682 = arith.addf %parallel_loop3A_1673, %parallel_loop3A_1677 : vector<16xf32>
        %parallel_loop3A_1683 = vector.broadcast %parallel_loop3A_1602 : f32 to vector<16xf32>
        %parallel_loop3A_1684 = arith.mulf %parallel_loop3A_1681, %parallel_loop3A_1683 : vector<16xf32>
        %parallel_loop3A_1685 = arith.addf %parallel_loop3A_1682, %parallel_loop3A_1684 : vector<16xf32>
        %parallel_loop3A_1686 = arith.constant 64 : i32
        %parallel_loop3A_1687 = arith.muli %parallel_loop3A_1596, %parallel_loop3A_1686 : i32
        %parallel_loop3A_1688 = arith.constant 48 : i32
        %parallel_loop3A_1689 = arith.addi %parallel_loop3A_1687, %parallel_loop3A_1688 : i32
        %parallel_loop3A_1690 = arith.index_cast %parallel_loop3A_1689 : i32 to index
        %parallel_loop3A_1691 = tpu.vector_load %arg17[%parallel_loop3A_1690] {strides = array<i32>} : memref<8192xf32, #tpu.memory_space<vmem>>, vector<16xf32>,
        tpu.vector_store %arg17[%parallel_loop3A_1690], %parallel_loop3A_1685 {strides = array<i32>} : memref<8192xf32, #tpu.memory_space<vmem>>, vector<16xf32>,
      } {sc.loop_unroll_factor = 2 : i64, sc.parallel_access}
      %mul3A_68 = arith.constant 128 : i32
      %mul3A_69 = arith.muli %add3A_53, %mul3A_68 : i32
      %add3A_70 = arith.addi %mul3A_2, %mul3A_69 : i32
      %mul3A_71 = arith.constant 64 : i32
      %mul3A_72 = arith.muli %add3A_70, %mul3A_71 : i32
      %dma_start3A_73 = tpu.memref_slice %arg8[%mul3A_72] : memref<13107200xf32, #tpu.memory_space<hbm>> -> memref<8192xf32, #tpu.memory_space<hbm>>
      %dma_start3A_74 = tpu.memref_slice %arg8[%mul3A_72] : memref<13107200xf32, #tpu.memory_space<hbm>> -> memref<8192xf32, #tpu.memory_space<hbm>>
      tpu.enqueue_dma source(%arg17 : memref<8192xf32, #tpu.memory_space<vmem>>) target(%dma_start3A_74 : memref<8192xf32, #tpu.memory_space<hbm>>) target_semaphore(%arg21 : memref<!tpu.dma_semaphore, #tpu.memory_space<semaphore_mem>>)
      %add3A_75 = arith.constant 2 : i32
      %add3A_76 = arith.addi %add3A_53, %add3A_75 : i32
      %lt3A_77 = arith.constant 50 : i32
      %lt3A_78 = arith.cmpi slt, %add3A_76, %lt3A_77 : i32
      %convert_element_type3A_79 = arith.extui %lt3A_78 : i1 to i32
      %cond3A_80 = arith.constant 0 : i32
      %cond3A_81 = arith.cmpi ne, %convert_element_type3A_79, %cond3A_80 : i32
      scf.if %cond3A_81 {
        %add3A_82 = arith.constant 2 : i32
        %add3A_83 = arith.addi %add3A_53, %add3A_82 : i32
        %mul3A_84 = arith.constant 128 : i32
        %mul3A_85 = arith.muli %add3A_83, %mul3A_84 : i32
        %dma_start3A_86 = tpu.memref_slice %arg11[%mul3A_85] : memref<6400xi32, #tpu.memory_space<vmem>> -> memref<128xi32, #tpu.memory_space<vmem>>
        %dma_start3A_87 = arith.constant 0 : i32
        %dma_start3A_88 = arith.constant 0 : i32
        %dma_start3A_89 = tpu.memref_slice %arg2[%dma_start3A_87, %dma_start3A_88] : memref<1000000x128xf32, #tpu.memory_space<hbm>> -> memref<1000000x128xf32, #tpu.memory_space<hbm>>
        tpu.enqueue_indirect_dma source(%dma_start3A_89 : memref<1000000x128xf32, #tpu.memory_space<hbm>>) target(%arg15 : memref<128x128xf32, #tpu.memory_space<vmem>>) offsets(%dma_start3A_86 : memref<128xi32, #tpu.memory_space<vmem>>) semaphore(%arg19 : memref<!tpu.dma_semaphore, #tpu.memory_space<semaphore_mem>>)
      } else {
      }
    }
    %scan3A_16 = arith.constant 25 : i32
    %dma_wait3A = arith.constant 0 : i32
    %dma_wait3A_17 = tpu.memref_slice %arg8[%dma_wait3A] : memref<13107200xf32, #tpu.memory_space<hbm>> -> memref<8192xf32, #tpu.memory_space<hbm>>
    %dma_wait3A_18 = arith.constant 0 : i32
    %dma_wait3A_19 = tpu.memref_slice %arg8[%dma_wait3A_18] : memref<13107200xf32, #tpu.memory_space<hbm>> -> memref<8192xf32, #tpu.memory_space<hbm>>
    tpu.wait_dma2 semaphore(%arg20 : memref<!tpu.dma_semaphore, #tpu.memory_space<semaphore_mem>>) src(%arg16 : memref<8192xf32, #tpu.memory_space<vmem>>) dst(%dma_wait3A_19 : memref<8192xf32, #tpu.memory_space<hbm>>)
    %dma_wait3A_20 = arith.constant 0 : i32
    %dma_wait3A_21 = tpu.memref_slice %arg8[%dma_wait3A_20] : memref<13107200xf32, #tpu.memory_space<hbm>> -> memref<8192xf32, #tpu.memory_space<hbm>>
    %dma_wait3A_22 = arith.constant 0 : i32
    %dma_wait3A_23 = tpu.memref_slice %arg8[%dma_wait3A_22] : memref<13107200xf32, #tpu.memory_space<hbm>> -> memref<8192xf32, #tpu.memory_space<hbm>>
    tpu.wait_dma2 semaphore(%arg21 : memref<!tpu.dma_semaphore, #tpu.memory_space<semaphore_mem>>) src(%arg17 : memref<8192xf32, #tpu.memory_space<vmem>>) dst(%dma_wait3A_23 : memref<8192xf32, #tpu.memory_space<hbm>>)
    return
  }
}

module attributes {stable_mosaic.version = 14 : i64} {
  func.func @_prep_body(%arg0: memref<200x1024xi32, #tpu.memory_space<vmem>>, %arg1: memref<200x1024xi32, #tpu.memory_space<vmem>>, %arg2: memref<200x1024xi32, #tpu.memory_space<vmem>>, %arg3: memref<24x64xf32, #tpu.memory_space<vmem>>, %arg4: memref<4x64xf32, #tpu.memory_space<vmem>>, %arg5: memref<7x64xf32, #tpu.memory_space<vmem>>, %arg6: memref<200x1024xi32, #tpu.memory_space<vmem>>, %arg7: memref<24x4x7x64xf32, #tpu.memory_space<vmem>>) attributes {dimension_semantics = [], scalar_prefetch = 0 : i64, scratch_operands = 0 : i64, tpu.core_type = #tpu.core_type<tc>} {
    %get3A = arith.constant 0 : index
    %get3A_0 = arith.constant 0 : index
    %get3A_1 = vector.load %arg1[%get3A, %get3A_0] : memref<200x1024xi32, #tpu.memory_space<vmem>>, vector<200x1024xi32>
    %mul3A = arith.constant 7 : i32
    %mul3A_2 = vector.broadcast %mul3A : i32 to vector<200x1024xi32>
    %mul3A_3 = arith.muli %get3A_1, %mul3A_2 : vector<200x1024xi32>
    %get3A_4 = arith.constant 0 : index
    %get3A_5 = arith.constant 0 : index
    %get3A_6 = vector.load %arg2[%get3A_4, %get3A_5] : memref<200x1024xi32, #tpu.memory_space<vmem>>, vector<200x1024xi32>
    %add3A = arith.addi %mul3A_3, %get3A_6 : vector<200x1024xi32>
    %swap3A = arith.constant 0 : index
    %swap3A_7 = arith.constant 0 : index
    %swap3A_8 = vector.load %arg6[%swap3A, %swap3A_7] : memref<200x1024xi32, #tpu.memory_space<vmem>>, vector<200x1024xi32>
    tpu.vector_store %arg6[%swap3A, %swap3A_7], %add3A {strides = array<i32>} : memref<200x1024xi32, #tpu.memory_space<vmem>>, vector<200x1024xi32>,
    %get3A_9 = arith.constant 0 : index
    %get3A_10 = arith.constant 0 : index
    %get3A_11 = vector.load %arg3[%get3A_9, %get3A_10] : memref<24x64xf32, #tpu.memory_space<vmem>>, vector<24x64xf32>
    %get3A_12 = arith.constant 0 : index
    %get3A_13 = arith.constant 0 : index
    %get3A_14 = vector.load %arg4[%get3A_12, %get3A_13] : memref<4x64xf32, #tpu.memory_space<vmem>>, vector<4x64xf32>
    %get3A_15 = arith.constant 0 : index
    %get3A_16 = arith.constant 0 : index
    %get3A_17 = vector.load %arg5[%get3A_15, %get3A_16] : memref<7x64xf32, #tpu.memory_space<vmem>>, vector<7x64xf32>
    %broadcast_in_dim3A = vector.shape_cast %get3A_11 : vector<24x64xf32> to vector<24x1x1x64xf32>
    %broadcast_in_dim3A_18 = vector.shape_cast %get3A_14 : vector<4x64xf32> to vector<1x4x1x64xf32>
    %add3A_19 = vector.broadcast %broadcast_in_dim3A : vector<24x1x1x64xf32> to vector<24x4x1x64xf32>
    %add3A_20 = vector.broadcast %broadcast_in_dim3A_18 : vector<1x4x1x64xf32> to vector<24x4x1x64xf32>
    %add3A_21 = arith.addf %add3A_19, %add3A_20 : vector<24x4x1x64xf32>
    %broadcast_in_dim3A_22 = vector.shape_cast %get3A_17 : vector<7x64xf32> to vector<1x1x7x64xf32>
    %add3A_23 = vector.broadcast %add3A_21 : vector<24x4x1x64xf32> to vector<24x4x7x64xf32>
    %add3A_24 = vector.broadcast %broadcast_in_dim3A_22 : vector<1x1x7x64xf32> to vector<24x4x7x64xf32>
    %add3A_25 = arith.addf %add3A_23, %add3A_24 : vector<24x4x7x64xf32>
    %swap3A_26 = arith.constant 0 : index
    %swap3A_27 = arith.constant 0 : index
    %swap3A_28 = arith.constant 0 : index
    %swap3A_29 = arith.constant 0 : index
    %swap3A_30 = vector.load %arg7[%swap3A_26, %swap3A_27, %swap3A_28, %swap3A_29] : memref<24x4x7x64xf32, #tpu.memory_space<vmem>>, vector<24x4x7x64xf32>
    tpu.vector_store %arg7[%swap3A_26, %swap3A_27, %swap3A_28, %swap3A_29], %add3A_25 {strides = array<i32>} : memref<24x4x7x64xf32, #tpu.memory_space<vmem>>, vector<24x4x7x64xf32>,
    return
  }
}

module attributes {stable_mosaic.version = 14 : i64} {
  func.func @_widen_body(%arg0: i32, %arg1: memref<64x2048xf32, #tpu.memory_space<vmem>>, %arg2: memref<2048x128xf32, #tpu.memory_space<vmem>>) attributes {dimension_semantics = [#tpu.dimension_semantics<arbitrary>], iteration_bounds = array<i64: 489>, scalar_prefetch = 0 : i64, scratch_operands = 0 : i64, tpu.core_type = #tpu.core_type<tc>, window_params = [{transform_indices = @transform_0, window_bounds = array<i64: 64, 2048>}, {transform_indices = @transform_1, window_bounds = array<i64: 2048, 128>}]} {
    %get3A = arith.constant 0 : index
    %get3A_0 = arith.constant 0 : index
    %get3A_1 = vector.load %arg1[%get3A, %get3A_0] : memref<64x2048xf32, #tpu.memory_space<vmem>>, vector<64x2048xf32>
    %transpose3A = tpu.transpose %get3A_1, [1, 0] : vector<64x2048xf32> -> vector<2048x64xf32>
    %jit3A = arith.constant 0 : i32
    %convert_element_type3A = arith.sitofp %jit3A : i32 to f32
    %pad3A = vector.broadcast %convert_element_type3A : f32 to vector<2048x64xf32>
    %pad3A_2 = tpu.concatenate %transpose3A, %pad3A in 1 : vector<2048x64xf32>, vector<2048x64xf32> -> vector<2048x128xf32>
    %swap3A = arith.constant 0 : index
    %swap3A_3 = arith.constant 0 : index
    %swap3A_4 = vector.load %arg2[%swap3A, %swap3A_3] : memref<2048x128xf32, #tpu.memory_space<vmem>>, vector<2048x128xf32>
    tpu.vector_store %arg2[%swap3A, %swap3A_3], %pad3A_2 {strides = array<i32>} : memref<2048x128xf32, #tpu.memory_space<vmem>>, vector<2048x128xf32>,
    return
  }
  func.func @transform_0(%arg0: i32) -> (i32, i32) {
    %c0_i32 = arith.constant 0 : i32
    %c0_i32_0 = arith.constant 0 : i32
    return %c0_i32, %arg0 : i32, i32
  }
  func.func @transform_1(%arg0: i32) -> (i32, i32) {
    %c0_i32 = arith.constant 0 : i32
    %c0_i32_0 = arith.constant 0 : i32
    return %arg0, %c0_i32 : i32, i32
  }
}

</mosaic_0001>

<sc_bundles>
// kernel: kernel.5.cloned.1.call-start
scs
__scs_entry_jumppad:
0x0: {  	(pc) =	sbr.rel $0x88, $3  }
0x1: {  	(tag) =	ssettag $0x0;
	lr =	simm.s32 $0x1  }
0x2: {  	[smem:$0x3F98] =	sst lr;
	_ =	strace $0xD0000000  }
0x3: {  	_ = 	snop  }
0x4: {  	_ = 	snop  }
0x5: {  	_ = 	snop  }
0x6: {  	_ = 	snop  }
0x7: {  	_ = 	snop  }
__scs_overlays_trampoline_lowered:
0x8: {  	[smem:$0x3FA7] =	sst s0  }
0x9: {  	[smem:$0x3FA8] =	sst s1  }
0xa: {  	[smem:$0x3FA9] =	sst s2  }
0xb: {  	[smem:$0x3FAA] =	sst s3  }
0xc: {  	[smem:$0x3FAB] =	sst s4  }
0xd: {  	[smem:$0x3FAC] =	sst s5  }
0xe: {  	[smem:$0x3FAD] =	sst s6  }
0xf: {  	[smem:$0x3FAE] =	sst s7  }
0x10: {  	[smem:$0x3FAF] =	sst s8  }
0x11: {  	[smem:$0x3FB0] =	sst s9;
	s0 =	simm.s32 @!p0 $0x0  }
0x12: {  	s1 =	sld [smem:$0x3F96];
	s0 =	simm.s32 @p0 $0x1  }
0x13: {  	[smem:$0x3FB1] =	sst s0;
	s0 =	simm.s32 @!p1 $0x0  }
0x14: {  	s2 =	sld [smem:$0x3F95];
	s0 =	simm.s32 @p1 $0x1  }
0x15: {  	[smem:$0x3FB2] =	sst s0;
	s0 =	simm.s32 @!p2 $0x0  }
0x16: {  	s3 =	sld [smem:$0x3FDB];
	s0 =	simm.s32 @p2 $0x1  }
0x17: {  	s4 =	simm.s32 $0x1BF5;
	[smem:$0x3FB4] =	sst s0  }
0x18: {  	s0 =	sld [smem:$0x3F97];
	_ =	swait.ge [sflag:s4], $0x0  }
0x19: {  	s7 =	sld [smem:$0x3F98]  }
0x1a: {  	s8 =	sadd.s32 $0xFFFFE003, lr  }
0x1b: {  	s9 =	sadd.s32 $0xFFFFFEF7, lr;
	s5 =	simm.s32 $0xFFFFFFFF;
	p2 =	slt.u32 s8, $0xFFFFF086  }
0x1c: {  	p1 =	slt.u32 s9, $0xF7A;
	s5 =	simm.s32 @!p2 $0x0  }
0x1d: {  	s5 =	simm.s32 @p1 $0x1;
	p0 =	seq.s32 s7, s2  }
0x1e: {  	s7 =	smul.u32 @!p0 $0xF7A, s2;
	p2 =	seq.s32 @!p0 s5, $0x0  }
0x1f: {  	s9 =	smul.u32 $0xF7A, s1;
	s8 =	simm.s32 @!p0 $0x1BF5;
	p2 =	por !p2, p0  }
0x20: {  	[sflag:s8] =	ssyncset.s32 @!p0 $0xFFFFF086;
	s6 =	sadd.s32 @!p0 s3, s7;
	s7 =	simm.s32 @!p0 $0x108  }
0x21: {  	s3 =	sadd.s32 s3, s9;
	s6 =	sadd.s32 @!p0 $0x88, s6;
	s7 =	simm.s32 @p2 $0x1082  }
0x22: {  	[simem:s7], [sflag:s8] =	dma.local @!p0 [hbm:s6], $0xF7A  }
0x23: {  	s9 =	sor.u32 $0xD0000000, s2;
	s6 =	simm.s32 $0x108;
	_ =	swait.ge @!p0 [sflag:s8], $0x0  }
0x24: {  	s3 =	sadd.s32 $0x88, s3;
	s6 =	simm.s32 @!p1 $0x1082;
	[sflag:s4] =	ssyncset.s32 $0xFFFFF086  }
0x25: {  	[simem:s6], [sflag:s4] =	dma.local [hbm:s3], $0xF7A  }
0x26: {  	[smem:$0x3F98] =	sst s1;
	(tag) =	ssettag s2;
	_ =	strace s9  }
0x27: {  	s1 =	sld [smem:$0x3FA8]  }
0x28: {  	s2 =	sld [smem:$0x3FA9]  }
0x29: {  	s4 =	sld [smem:$0x3FAB]  }
0x2a: {  	p0 =	seq.s32 s5, $0x0;
	s5 =	sld [smem:$0x3FAC]  }
0x2b: {  	s6 =	sld [smem:$0x3FAD]  }
0x2c: {  	s7 =	sld [smem:$0x3FAE]  }
0x2d: {  	s3 =	simm.s32 $0x108;
	s8 =	sld [smem:$0x3FAF]  }
0x2e: {  	s3 =	simm.s32 @!p0 $0x1082;
	s9 =	sld [smem:$0x3FB0]  }
0x2f: {  	lr =	sadd.s32 s0, s3;
	s0 =	sld [smem:$0x3FA7]  }
0x30: {  	s3 =	sld [smem:$0x3FAA]  }
0x31: {  	[smem:$0x3FB3] =	sst s10  }
0x32: {  	s10 =	sld [smem:$0x3FB1];
	_ =	sdelay $0x3  }
0x33: {  	p0 =	seq.s32 s10, $0x1;
	s10 =	sld [smem:$0x3FB3];
	_ =	sdelay $0x3  }
0x34: {  	[smem:$0x3FB3] =	sst s10  }
0x35: {  	s10 =	sld [smem:$0x3FB2];
	_ =	sdelay $0x3  }
0x36: {  	p1 =	seq.s32 s10, $0x1;
	s10 =	sld [smem:$0x3FB3];
	_ =	sdelay $0x3  }
0x37: {  	[smem:$0x3FB3] =	sst s10  }
0x38: {  	s10 =	sld [smem:$0x3FB4]  }
0x39: {  	_ = 	snop;
	(pc) =	sbr.ind lr, $3  }
0x3a: {  	_ = 	snop  }
0x3b: {  	_ = 	snop  }
0x3c: {  	p2 =	seq.s32 s10, $0x1;
	s10 =	sld [smem:$0x3FB3]  }
0x3d: {  	_ =	shalt  }
0x3e: {  	_ =	shalt  }
0x3f: {  	_ =	shalt  }
0x40: {  	_ =	shalt  }
0x41: {  	_ =	shalt  }
0x42: {  	_ =	shalt  }
0x43: {  	_ =	shalt  }
0x44: {  	_ =	shalt  }
0x45: {  	_ =	shalt  }
0x46: {  	_ =	shalt  }
0x47: {  	_ =	shalt  }
0x48: {  	_ =	shalt  }
0x49: {  	_ =	shalt  }
0x4a: {  	_ =	shalt  }
0x4b: {  	_ =	shalt  }
0x4c: {  	_ =	shalt  }
0x4d: {  	_ =	shalt  }
0x4e: {  	_ =	shalt  }
0x4f: {  	_ =	shalt  }
0x50: {  	_ =	shalt  }
0x51: {  	_ =	shalt  }
0x52: {  	_ =	shalt  }
0x53: {  	_ =	shalt  }
0x54: {  	_ =	shalt  }
0x55: {  	_ =	shalt  }
0x56: {  	_ =	shalt  }
0x57: {  	_ =	shalt  }
0x58: {  	_ =	shalt  }
0x59: {  	_ =	shalt  }
0x5a: {  	_ =	shalt  }
0x5b: {  	_ =	shalt  }
0x5c: {  	_ =	shalt  }
0x5d: {  	_ =	shalt  }
0x5e: {  	_ =	shalt  }
0x5f: {  	_ =	shalt  }
0x60: {  	_ =	shalt  }
0x61: {  	_ =	shalt  }
0x62: {  	_ =	shalt  }
0x63: {  	_ =	shalt  }
0x64: {  	_ =	shalt  }
0x65: {  	_ =	shalt  }
0x66: {  	_ =	shalt  }
0x67: {  	_ =	shalt  }
0x68: {  	_ =	shalt  }
0x69: {  	_ =	shalt  }
0x6a: {  	_ =	shalt  }
0x6b: {  	_ =	shalt  }
0x6c: {  	_ =	shalt  }
0x6d: {  	_ =	shalt  }
0x6e: {  	_ =	shalt  }
0x6f: {  	_ =	shalt  }
0x70: {  	_ =	shalt  }
0x71: {  	_ =	shalt  }
0x72: {  	_ =	shalt  }
0x73: {  	_ =	shalt  }
0x74: {  	_ =	shalt  }
0x75: {  	_ =	shalt  }
0x76: {  	_ =	shalt  }
0x77: {  	_ =	shalt  }
0x78: {  	_ =	shalt  }
0x79: {  	_ =	shalt  }
0x7a: {  	_ =	shalt  }
0x7b: {  	_ =	shalt  }
0x7c: {  	_ =	shalt  }
0x7d: {  	_ =	shalt  }
0x7e: {  	_ =	shalt  }
0x7f: {  	_ =	shalt  }
0x80: {  	_ =	shalt  }
0x81: {  	_ =	shalt  }
0x82: {  	_ =	shalt  }
0x83: {  	_ =	shalt  }
0x84: {  	_ =	shalt  }
0x85: {  	_ =	shalt  }
0x86: {  	_ =	shalt  }
0x87: {  	_ =	shalt  }
.Lfunc_end0:
.L_simem_size_0:
called_computation.1_lowered:
.L_overlay_start_0:
0x88: {  	s2 =	sld [smem:$0x3FD9]  }
0x89: {  	s3 =	sld [smem:$0x3FFE];
	_ =	sdelay $0x1  }
0x8a: {  	s1 =	srdreg.scid  }
0x8b: {  	s0 =	sand.u32 $0x1, s1  }
0x8c: {  	s17 =	sshll.u32 s0, $0xA;
	s2 =	sadd.s32 s3, s2  }
0x8d: {  	s2 =	sadd.s32 s2, s17  }
0x8e: {  	[smem:$0x3FBF] =	sst s2  }
0x8f: {  	_ = 	snop  }
0x90: {  	s2 =	sld [smem:$0x3FD0];
	(tm) =	ssettm $0x1  }
0x91: {  	s18 =	sld [smem:$0x3FFB];
	_ =	sdelay $0x3  }
0x92: {  	_ =	strace s18  }
0x93: {  	s3 =	sld [smem:$0x3FFC];
	_ =	sdelay $0x3  }
0x94: {  	_ =	strace s3  }
0x95: {  	s3 =	sld [smem:$0x3FFD];
	_ =	sdelay $0x3  }
0x96: {  	_ =	strace s3  }
0x97: {  	_ =	strace $0x8FFFFFFF  }
0x98: {  	s19 =	sld [smem:$0x3FDB];
	_ =	sdelay $0x1  }
0x99: {  	s4 =	simm.s32 $_scs_section_size  }
0x9a: {  	s5 =	simm.s32 $_size__tile_overlayer_lowered;
	s6 =	simm.s32 $_tile_overlayer_lowered  }
0x9b: {  	s22 =	simm.s32 $0x1BFF;
	s21 =	sshll.u32 s6, $0x1;
	s3 =	sadd.s32 s4, s19  }
0x9c: {  	s7 =	simm.s32 $0x0;
	s20 =	sshll.u32 s5, $0x1;
	s5 =	sadd.s32 s21, s3  }
0x9d: {  	[timem:s7], [sflag:s22] =	dma.local [hbm:s5], s20  }
0x9e: {  	_ =	swait.ge [sflag:s22], s20  }
0x9f: {  	s4 =	ssub.s32 $0x0, s20;
	[sflag:s22] =	ssyncset.done $0x0  }
0xa0: {  	[sflag:s22] =	ssyncadd.s32 s4;
	_ =	sdelay $0x1  }
0xa1: {  	s23 =	simm.s32 $0x1B8B  }
0xa2: {  	_ =	swait.ge [sflag:s23], $0x1  }
0xa3: {  	[sflag:s23] =	ssyncset.done $0x0  }
0xa4: {  	s25 =	simm.s32 $0x1B8E;
	s24 =	sld [smem:$0x3FFE];
	[sflag:s23] =	ssyncadd.s32 $0xFFFFFFFF  }
0xa5: {  	s26 =	simm.s32 $execute0_lowered;
	[smem:$0x3FD2] =	sst s25  }
0xa6: {  	s5 =	sshll.u32 s26, $0x1;
	_ =	strace $0x80000046;
	[dreg:$0x1] =	wrdreg $0xFFFFFFFF  }
0xa7: {  	s28 =	simm.s32 $_size_execute0_lowered;
	s3 =	sadd.s32 s3, s5;
	[dreg:$0x0] =	wrdreg $0x0  }
0xa8: {  	s5 =	sshll.u32 s28, $0x1;
	[dreg:$0x2] =	wrdreg s3  }
0xa9: {  	[dreg:$0x3] =	wrdreg s5  }
0xaa: {  	[dreg:$0x4] =	wrdreg $0xC0  }
0xab: {  	_ =	task [dreg:s7], $0x5FFFF  }
0xac: {  	[dreg:$0x1] =	wrdreg $0xFFFFFFFF  }
0xad: {  	[dreg:$0x0] =	wrdreg $0x60  }
0xae: {  	[dreg:$0x2] =	wrdreg s24  }
0xaf: {  	[dreg:$0x3] =	wrdreg s2  }
0xb0: {  	[dreg:$0x4] =	wrdreg $0x9  }
0xb1: {  	_ =	task.clear_ibuf [dreg:s7], $0x5FFFF;
	_ =	strace $0x90000046  }
0xb2: {  	s29 =	simm.s32 $0x9;
	_ =	strace $0x80000048  }
0xb3: {  	_ =	swait.ge [sflag:s29], $0x1  }
0xb4: {  	[sflag:s29] =	ssyncadd.s32 $0xFFFFFFFF  }
0xb5: {  	_ =	strace $0x90000048  }
0xb6: {  	_ =	sfence  }
0xb7: {  	s30 =	sld [smem:$0x0];
	_ =	sdelay $0x2  }
0xb8: {  	s31 =	sshll.u32 s1, $0xD;
	s1 =	sshrl.u32 s1, $0x2  }
0xb9: {  	s3 =	sand.u32 $0x4000, s31;
	s1 =	sadd.s32 s1, s30  }
0xba: {  	s0 =	sor.u32 s3, s0;
	s1 =	sshll.u32 s1, $0x11  }
0xbb: {  	s0 =	sor.u32 s1, s0  }
0xbc: {  	s0 =	sadd.s32 $0x8F2B, s0  }
0xbd: {  	[sflag:s0] =	ssyncadd.remote.s32 $0x1  }
0xbe: {  	_ =	sfence.sel $0xFFFF  }
0xbf: {  	[dreg:$0x0] =	wrdreg $0xFFFFFFFF;
	(pc) =	sbr.abs _section_cstart, $3  }
0xc0: {  	[dreg:$0x1] =	wrdreg $0xFFFFFFFF  }
0xc1: {  	_ =	task.clear_ibuf [dreg:s7], $0x2FFFF;
	_ =	strace $0x9FFFFFFF  }
0xc2: {  	(tm) =	ssettm $0x7FFFFFFF  }
0xc3: {  	_ =	shalt  }
tec
execute0_lowered:
.L_overlay_start_1:
0x0: {  	(tag) =	ssettag $0x1  }
0x1: {  	s0 =	rddreg [dreg:$0x0]  }
0x2: {  	s1 =	srdreg.scid;
	s2 =	stileid.u32  }
0x3: {  	s3 =	simm.s32 $0x0;
	s1 =	sand.u32 $0x1, s1;
	s2 =	sshll.u32 s2, $0x1  }
0x4: {  	[smem:$0x7FF] =	sst s3;
	s4 =	sadd.s32 $0x15C00, s0;
	s26 =	sadd.s32 $0xE200, s0  }
0x5: {  	s5 =	sadd.s32 $0x1600, s0;
	s2 =	sor.u32 s1, s2;
	_ =	strace $0x80000047  }
0x6: {  	s1 =	ssub.s32 $0x2, s1;
	[dreg:$0x3] =	wrdreg s4;
	s25 =	smul.u32 $0x320, s2  }
0x7: {  	[dreg:$0x4] =	wrdreg s26;
	s28 =	sshrl.u32 s1, $0x1;
	s30 =	smul.u32 $0x64000, s2  }
0x8: {  	[dreg:$0x5] =	wrdreg s5;
	s1 =	ssub.s32 s1, s28;
	s0 =	sadd.s32 s25, s0  }
.Ltmp0:
0x9: {  	[dreg:$0x9] =	wrdreg s30;
	s31 =	smax.u32 s1, $0x1;
	(pc) =	sbr.rel .LBB2_1-.Ltmp0, $4  }
0xa: {  	s3 =	sadd.s32 $0x7E00, s0;
	[dreg:$0xa] =	wrdreg s31  }
0xb: {  	s29 =	sadd.s32 $0xF800, s0;
	[dreg:$0x6] =	wrdreg s3  }
0xc: {  	s18 =	simm.s32 $0x10B00;
	v0 =	vimm.f32 $1.000000000e+00;
	v1 =	vlaneseq.u32;
	s0 =	sadd.s32 $0x1A00, s0;
	[dreg:$0x7] =	wrdreg s29  }
0xd: {  	s20 =	simm.s32 $0x14B00;
	v2 =	vor.u32 $0x10, v1;
	v3 =	vor.u32 $0x20, v1;
	v4 =	vor.u32 $0x30, v1;
	s2 =	simm.s32 $0x0;
	[dreg:$0x8] =	wrdreg s0  }
.LBB2_8:
0xe: {  	s0 =	simm.s32 $0x3  }
0xf: {  	_ =	swait.ge [sflag:s0], $0x2000  }
0x10: {  	[sflag:s0] =	ssyncset.done $0x0  }
0x11: {  	s1 =	simm.s32 $0x4;
	[sflag:s0] =	ssyncadd.s32 $0xFFFFE000  }
0x12: {  	_ =	swait.ge [sflag:s1], $0x2000  }
0x13: {  	s2 =	rddreg [dreg:$0xb]  }
0x14: {  	s31 =	rddreg [dreg:$0xa];
	s2 =	sadd.s32 $0x1, s2  }
0x15: {  	p0 =	sne.s32 s2, s31  }
.Ltmp1:
0x16: {  	_ = 	snop;
	(pc) =	sbr.rel @!p0 .LBB2_9-.Ltmp1, $3  }
0x17: {  	_ =	sdelay $0x1  }
0x18: {  	[sflag:s1] =	ssyncset.done $0x0  }
0x19: {  	[sflag:s1] =	ssyncadd.s32 $0xFFFFE000  }
.LBB2_1:
0x1a: {  	[dreg:$0xb] =	wrdreg s2  }
0x1b: {  	s0 =	simm.s32 $0x0;
	s1 =	rddreg [dreg:$0x4];
	s13 =	simm.s32 $0x5  }
0x1c: {  	[tilespmem:s0], [sflag:$0x5] =	stream.linear.gather [hbm4b:s1+s0], $0xA800, $0x38;
	[tilespmem:$0x1CB00] =	vst v63  }
0x1d: {  	_ =	swait.ge [sflag:s13], $0xA800  }
0x1e: {  	[sflag:s13] =	ssyncset.done $0x0  }
0x1f: {  	s3 =	simm.s32 $0xA800;
	s14 =	rddreg [dreg:$0x5];
	[sflag:s13] =	ssyncadd.s32 $0xFFFF5800  }
0x20: {  	[tilespmem:s3], [sflag:$0x5] =	stream.linear.gather [hbm4b:s14+s0], $0x1800, $0x38;
	[tilespmem:$0x1CB00] =	vst v63  }
0x21: {  	_ =	swait.ge [sflag:s13], $0x1800  }
0x22: {  	[sflag:s13] =	ssyncset.done $0x0  }
0x23: {  	s16 =	simm.s32 $0xC000;
	s15 =	rddreg [dreg:$0x6];
	[sflag:s13] =	ssyncadd.s32 $0xFFFFE800  }
0x24: {  	[tilespmem:s16], [sflag:$0x5] =	stream.linear.gather [hbm4b:s15+s0], $0x1900, $0x38;
	[tilespmem:$0x1CB00] =	vst v63  }
0x25: {  	_ =	swait.ge [sflag:s13], $0x1900  }
0x26: {  	[sflag:s13] =	ssyncset.done $0x0  }
0x27: {  	s4 =	simm.s32 $0xD900;
	s17 =	rddreg [dreg:$0x7];
	[sflag:s13] =	ssyncadd.s32 $0xFFFFE700  }
0x28: {  	[tilespmem:s4], [sflag:$0x5] =	stream.linear.gather [hbm4b:s17+s0], $0x1900, $0x38;
	[tilespmem:$0x1CB00] =	vst v63  }
0x29: {  	s21 =	simm.s32 $0xF200;
	s23 =	simm.s32 $0x80;
	_ =	swait.ge [sflag:s13], $0x1900  }
0x2a: {  	s24 =	simm.s32 $0xC080;
	s29 =	simm.s32 $0xC010;
	[sflag:s13] =	ssyncset.done $0x0  }
0x2b: {  	s25 =	simm.s32 $0xC090;
	s19 =	rddreg [dreg:$0x8];
	[sflag:s13] =	ssyncadd.s32 $0xFFFFE700  }
0x2c: {  	[tilespmem:s21], [sflag:$0x5] =	stream.linear.gather [hbm4b:s19+s0], $0x1900, $0x38;
	[tilespmem:$0x1CB00] =	vst v63  }
0x2d: {  	s26 =	simm.s32 $0xF290;
	_ =	swait.ge [sflag:s13], $0x1900;
	[dreg:$0xf] =	wrdreg s25  }
0x2e: {  	s30 =	simm.s32 $0xF210;
	[dreg:$0x10] =	wrdreg s26;
	[sflag:s13] =	ssyncset.done $0x0  }
0x2f: {  	s28 =	simm.s32 $0xD990;
	s22 =	rddreg [dreg:$0x3];
	[sflag:s13] =	ssyncadd.s32 $0xFFFFE700  }
0x30: {  	[tilespmem:s18], [sflag:$0x1] =	stream.indirect.gather [hbm4b:s22+s23], $0x80, s16, s23, $0xb8;
	[tilespmem:$0x1CB00] =	vst v63  }
0x31: {  	s31 =	simm.s32 $0xD910;
	s3 =	simm.s32 $0x0;
	[dreg:$0x11] =	wrdreg s28  }
0x32: {  	[tilespmem:s20], [sflag:$0x2] =	stream.indirect.gather [hbm4b:s22+s23], $0x80, s24, s23, $0xb8;
	[tilespmem:$0x1CB00] =	vst v63  }
.LBB2_2:
0x33: {  	s0 =	simm.s32 $0x1  }
0x34: {  	_ =	swait.ge [sflag:s0], $0x4000  }
0x35: {  	p0 =	seq.s32 s3, $0x0;
	[sflag:s0] =	ssyncset.done $0x0  }
0x36: {  	[sflag:s0] =	ssyncadd.s32 $0xFFFFC000;
	s0 =	simm.s32 @!p0 $0x3  }
0x37: {  	s1 =	sshll.u32 s3, $0x1;
	_ =	swait.ge @!p0 [sflag:s0], $0x2000;
	[dreg:$0x12] =	wrdreg s3  }
0x38: {  	[dreg:$0x13] =	wrdreg s1  }
0x39: {  	s2 =	simm.s32 $0xFFFFFFFE;
	s5 =	simm.s32 $0x7C0;
	[dreg:$0xe] =	wrdreg s31  }
0x3a: {  	s6 =	simm.s32 $0x18F00;
	[dreg:$0xd] =	wrdreg s30;
	[sflag:s0] =	ssyncset.done @!p0 $0x0  }
0x3b: {  	s3 =	simm.s32 $0x1F;
	[dreg:$0xc] =	wrdreg s29;
	[sflag:s0] =	ssyncadd.s32 @!p0 $0xFFFFE000  }
.LBB2_3:
0x3c: {  	v5 =	vld [tilespmem:s31+$0xFFFFFFF0]  }
0x3d: {  	v6 =	vld [tilespmem:s30+$0xFFFFFFF0];
	_ =	sdelay $0x3  }
0x3e: {  	v7 =	vshll.u32 v5, $0x6  }
0x3f: {  	v6 =	vshll.u32 v6, $0x6;
	(v2sf) =	vpush v7, $0x0  }
0x40: {  	(v2sf) =	vpush v6, $0x0;
	_ =	sdelay $0x6  }
0x41: {  	s11 =	sshll.u32 s3, $0x7  }
0x42: {  	s0 =	sadd.s32 $0xFFFFF080, s11  }
0x43: {  	v5 =	vor.u32 s0, v1;
	_ =	sdelay $0x2  }
0x44: {  	v8 =	vld [tilespmem:s29+$0xFFFFFFF0];
	_ =	sdelay $0x1  }
0x45: {  	v11 =	vld.idx.msk [tilespmem:v5+s18+$0x0], $0xffff;
	s1 =	spop (v2sf)  }
0x46: {  	s12 =	spop (v2sf);
	v9 =	vld [tilespmem:s1+$0x0]  }
0x47: {  	v10 =	vld [tilespmem:s12+$0xA800]  }
0x48: {  	vm0 =	veq.s32 v8, $0x0  }
0x49: {  	v5 =	vsel vm0, $0x0, v0  }
0x4a: {  	v49 =	vbroadcast v5, $0x0;
	_ =	sdelay $0x1  }
0x4b: {  	v50 =	vmul.f32 v49, v11;
	v9 =	vadd.f32 v10, v9;
	_ =	sdelay $0x1  }
0x4c: {  	v51 =	vor.u32 s0, v2;
	v9 =	vadd.f32 v50, v9;
	_ =	sdelay $0x1  }
0x4d: {  	[tilespmem:s6+$0xFFFFFC00] =	vst v9  }
0x4e: {  	v9 =	vld [tilespmem:s1+$0x10]  }
0x4f: {  	v52 =	vld [tilespmem:s12+$0xA810]  }
0x50: {  	v10 =	vld.idx.msk [tilespmem:v51+s18+$0x0], $0xffff;
	_ =	sdelay $0x4  }
0x51: {  	v9 =	vadd.f32 v52, v9;
	v10 =	vmul.f32 v10, v49;
	_ =	sdelay $0x1  }
0x52: {  	v53 =	vor.u32 s0, v3;
	v9 =	vadd.f32 v10, v9;
	_ =	sdelay $0x1  }
0x53: {  	[tilespmem:s6+$0xFFFFFC10] =	vst v9  }
0x54: {  	v9 =	vld [tilespmem:s1+$0x20]  }
0x55: {  	v54 =	vld [tilespmem:s12+$0xA820]  }
0x56: {  	v10 =	vld.idx.msk [tilespmem:v53+s18+$0x0], $0xffff;
	_ =	sdelay $0x4  }
0x57: {  	v9 =	vadd.f32 v54, v9;
	v10 =	vmul.f32 v10, v49  }
0x58: {  	(v2sf) =	vpush v7, $0x1  }
0x59: {  	v55 =	vor.u32 s0, v4;
	(v2sf) =	vpush v6, $0x1;
	v9 =	vadd.f32 v10, v9;
	_ =	sdelay $0x1  }
0x5a: {  	[tilespmem:s6+$0xFFFFFC20] =	vst v9  }
0x5b: {  	v9 =	vld [tilespmem:s1+$0x30]  }
0x5c: {  	v56 =	vld [tilespmem:s12+$0xA830]  }
0x5d: {  	v10 =	vld.idx.msk [tilespmem:v55+s18+$0x0], $0xffff;
	_ =	sdelay $0x4  }
0x5e: {  	v9 =	vadd.f32 v56, v9;
	v8 =	vmul.f32 v10, v49  }
0x5f: {  	s13 =	sadd.s32 $0xFFFFF100, s11  }
0x60: {  	v57 =	vor.u32 s13, v1;
	v8 =	vadd.f32 v8, v9;
	_ =	sdelay $0x1  }
0x61: {  	s14 =	spop (v2sf);
	[tilespmem:s6+$0xFFFFFC30] =	vst v8  }
0x62: {  	s15 =	spop (v2sf);
	v8 =	vld [tilespmem:s14+$0x0]  }
0x63: {  	v58 =	vld [tilespmem:s15+$0xA800]  }
0x64: {  	v9 =	vld.idx.msk [tilespmem:v57+s18+$0x0], $0xffff;
	_ =	sdelay $0x2  }
0x65: {  	v59 =	vbroadcast v5, $0x1;
	_ =	sdelay $0x1  }
0x66: {  	v8 =	vadd.f32 v58, v8;
	v9 =	vmul.f32 v9, v59;
	_ =	sdelay $0x1  }
0x67: {  	v60 =	vor.u32 s13, v2;
	v8 =	vadd.f32 v9, v8;
	_ =	sdelay $0x1  }
0x68: {  	[tilespmem:s6+$0xFFFFFC40] =	vst v8  }
0x69: {  	v8 =	vld [tilespmem:s14+$0x10]  }
0x6a: {  	v61 =	vld [tilespmem:s15+$0xA810]  }
0x6b: {  	v9 =	vld.idx.msk [tilespmem:v60+s18+$0x0], $0xffff;
	_ =	sdelay $0x4  }
0x6c: {  	v8 =	vadd.f32 v61, v8;
	v9 =	vmul.f32 v9, v59;
	_ =	sdelay $0x1  }
0x6d: {  	s16 =	sadd.s32 $0xFFFFF880, s5;
	v62 =	vor.u32 s13, v3;
	v8 =	vadd.f32 v9, v8  }
0x6e: {  	s4 =	sor.u32 $0x50, s16  }
0x6f: {  	[tilespmem:s4+$0x18B00] =	vst v8  }
0x70: {  	v8 =	vld [tilespmem:s14+$0x20]  }
0x71: {  	v63 =	vld [tilespmem:s15+$0xA820]  }
0x72: {  	v9 =	vld.idx.msk [tilespmem:v62+s18+$0x0], $0xffff;
	_ =	sdelay $0x4  }
0x73: {  	v8 =	vadd.f32 v63, v8;
	v9 =	vmul.f32 v9, v59  }
0x74: {  	(v2sf) =	vpush v7, $0x2  }
0x75: {  	v12 =	vor.u32 s13, v4;
	(v2sf) =	vpush v6, $0x2;
	v8 =	vadd.f32 v9, v8  }
0x76: {  	s17 =	sor.u32 $0x60, s16  }
0x77: {  	[tilespmem:s17+$0x18B00] =	vst v8  }
0x78: {  	v8 =	vld [tilespmem:s14+$0x30]  }
0x79: {  	v13 =	vld [tilespmem:s15+$0xA830]  }
0x7a: {  	v9 =	vld.idx.msk [tilespmem:v12+s18+$0x0], $0xffff;
	_ =	sdelay $0x4  }
0x7b: {  	v8 =	vadd.f32 v13, v8;
	v9 =	vmul.f32 v9, v59  }
0x7c: {  	s19 =	sadd.s32 $0xFFFFF180, s11  }
0x7d: {  	v14 =	vor.u32 s19, v1;
	v8 =	vadd.f32 v9, v8  }
0x7e: {  	s21 =	sor.u32 $0x70, s16  }
0x7f: {  	s22 =	spop (v2sf);
	[tilespmem:s21+$0x18B00] =	vst v8  }
0x80: {  	s23 =	spop (v2sf);
	v8 =	vld [tilespmem:s22+$0x0]  }
0x81: {  	v15 =	vld [tilespmem:s23+$0xA800]  }
0x82: {  	v9 =	vld.idx.msk [tilespmem:v14+s18+$0x0], $0xffff;
	_ =	sdelay $0x2  }
0x83: {  	v16 =	vbroadcast v5, $0x2;
	_ =	sdelay $0x1  }
0x84: {  	v8 =	vadd.f32 v15, v8;
	v9 =	vmul.f32 v9, v16;
	_ =	sdelay $0x1  }
0x85: {  	v17 =	vor.u32 s19, v2;
	v8 =	vadd.f32 v9, v8;
	_ =	sdelay $0x1  }
0x86: {  	[tilespmem:s6+$0xFFFFFC80] =	vst v8  }
0x87: {  	v8 =	vld [tilespmem:s22+$0x10]  }
0x88: {  	v18 =	vld [tilespmem:s23+$0xA810]  }
0x89: {  	v9 =	vld.idx.msk [tilespmem:v17+s18+$0x0], $0xffff;
	_ =	sdelay $0x4  }
0x8a: {  	v8 =	vadd.f32 v18, v8;
	v9 =	vmul.f32 v9, v16;
	_ =	sdelay $0x1  }
0x8b: {  	v19 =	vor.u32 s19, v3;
	v8 =	vadd.f32 v9, v8;
	_ =	sdelay $0x1  }
0x8c: {  	[tilespmem:s6+$0xFFFFFC90] =	vst v8  }
0x8d: {  	v8 =	vld [tilespmem:s22+$0x20]  }
0x8e: {  	v20 =	vld [tilespmem:s23+$0xA820]  }
0x8f: {  	v9 =	vld.idx.msk [tilespmem:v19+s18+$0x0], $0xffff;
	_ =	sdelay $0x4  }
0x90: {  	v8 =	vadd.f32 v20, v8;
	v9 =	vmul.f32 v9, v16  }
0x91: {  	(v2sf) =	vpush v7, $0x3  }
0x92: {  	v21 =	vor.u32 s19, v4;
	(v2sf) =	vpush v6, $0x3;
	v8 =	vadd.f32 v9, v8;
	_ =	sdelay $0x1  }
0x93: {  	[tilespmem:s6+$0xFFFFFCA0] =	vst v8  }
0x94: {  	v8 =	vld [tilespmem:s22+$0x30]  }
0x95: {  	v22 =	vld [tilespmem:s23+$0xA830]  }
0x96: {  	v9 =	vld.idx.msk [tilespmem:v21+s18+$0x0], $0xffff;
	_ =	sdelay $0x4  }
0x97: {  	v8 =	vadd.f32 v22, v8;
	v9 =	vmul.f32 v9, v16  }
0x98: {  	s24 =	sadd.s32 $0xFFFFF200, s11  }
0x99: {  	v23 =	vor.u32 s24, v1;
	v8 =	vadd.f32 v9, v8;
	_ =	sdelay $0x1  }
0x9a: {  	s25 =	spop (v2sf);
	[tilespmem:s6+$0xFFFFFCB0] =	vst v8  }
0x9b: {  	s26 =	spop (v2sf);
	v8 =	vld [tilespmem:s25+$0x0]  }
0x9c: {  	v24 =	vld [tilespmem:s26+$0xA800]  }
0x9d: {  	v9 =	vld.idx.msk [tilespmem:v23+s18+$0x0], $0xffff;
	_ =	sdelay $0x2  }
0x9e: {  	v25 =	vbroadcast v5, $0x3;
	_ =	sdelay $0x1  }
0x9f: {  	v8 =	vadd.f32 v24, v8;
	v9 =	vmul.f32 v9, v25;
	_ =	sdelay $0x1  }
0xa0: {  	v26 =	vor.u32 s24, v2;
	v8 =	vadd.f32 v9, v8;
	_ =	sdelay $0x1  }
0xa1: {  	[tilespmem:s6+$0xFFFFFCC0] =	vst v8  }
0xa2: {  	v8 =	vld [tilespmem:s25+$0x10]  }
0xa3: {  	v27 =	vld [tilespmem:s26+$0xA810]  }
0xa4: {  	v9 =	vld.idx.msk [tilespmem:v26+s18+$0x0], $0xffff;
	_ =	sdelay $0x4  }
0xa5: {  	v8 =	vadd.f32 v27, v8;
	v9 =	vmul.f32 v9, v25;
	_ =	sdelay $0x1  }
0xa6: {  	s28 =	sadd.s32 $0xFFFFF900, s5;
	v28 =	vor.u32 s24, v3;
	v8 =	vadd.f32 v9, v8  }
0xa7: {  	s7 =	sor.u32 $0x50, s28  }
0xa8: {  	[tilespmem:s7+$0x18B00] =	vst v8  }
0xa9: {  	v8 =	vld [tilespmem:s25+$0x20]  }
0xaa: {  	v29 =	vld [tilespmem:s26+$0xA820]  }
0xab: {  	v9 =	vld.idx.msk [tilespmem:v28+s18+$0x0], $0xffff;
	_ =	sdelay $0x4  }
0xac: {  	v8 =	vadd.f32 v29, v8;
	v9 =	vmul.f32 v9, v25  }
0xad: {  	(v2sf) =	vpush v7, $0x4  }
0xae: {  	v30 =	vor.u32 s24, v4;
	(v2sf) =	vpush v6, $0x4;
	v8 =	vadd.f32 v9, v8  }
0xaf: {  	s8 =	sor.u32 $0x60, s28  }
0xb0: {  	[tilespmem:s8+$0x18B00] =	vst v8  }
0xb1: {  	v8 =	vld [tilespmem:s25+$0x30]  }
0xb2: {  	v31 =	vld [tilespmem:s26+$0xA830]  }
0xb3: {  	v9 =	vld.idx.msk [tilespmem:v30+s18+$0x0], $0xffff;
	_ =	sdelay $0x4  }
0xb4: {  	v8 =	vadd.f32 v31, v8;
	v9 =	vmul.f32 v9, v25  }
0xb5: {  	s9 =	sadd.s32 $0xFFFFF280, s11  }
0xb6: {  	v32 =	vor.u32 s9, v1;
	v8 =	vadd.f32 v9, v8  }
0xb7: {  	s10 =	sor.u32 $0x70, s28  }
0xb8: {  	s12 =	spop (v2sf);
	[tilespmem:s10+$0x18B00] =	vst v8  }
0xb9: {  	s13 =	spop (v2sf);
	v8 =	vld [tilespmem:s12+$0x0]  }
0xba: {  	v33 =	vld [tilespmem:s13+$0xA800]  }
0xbb: {  	v9 =	vld.idx.msk [tilespmem:v32+s18+$0x0], $0xffff;
	_ =	sdelay $0x2  }
0xbc: {  	v34 =	vbroadcast v5, $0x4;
	_ =	sdelay $0x1  }
0xbd: {  	v8 =	vadd.f32 v33, v8;
	v9 =	vmul.f32 v9, v34;
	_ =	sdelay $0x1  }
0xbe: {  	v35 =	vor.u32 s9, v2;
	v8 =	vadd.f32 v9, v8;
	_ =	sdelay $0x1  }
0xbf: {  	[tilespmem:s6+$0xFFFFFD00] =	vst v8  }
0xc0: {  	v8 =	vld [tilespmem:s12+$0x10]  }
0xc1: {  	v36 =	vld [tilespmem:s13+$0xA810]  }
0xc2: {  	v9 =	vld.idx.msk [tilespmem:v35+s18+$0x0], $0xffff;
	_ =	sdelay $0x4  }
0xc3: {  	v8 =	vadd.f32 v36, v8;
	v9 =	vmul.f32 v9, v34;
	_ =	sdelay $0x1  }
0xc4: {  	v37 =	vor.u32 s9, v3;
	v8 =	vadd.f32 v9, v8;
	_ =	sdelay $0x1  }
0xc5: {  	[tilespmem:s6+$0xFFFFFD10] =	vst v8  }
0xc6: {  	v8 =	vld [tilespmem:s12+$0x20]  }
0xc7: {  	v38 =	vld [tilespmem:s13+$0xA820]  }
0xc8: {  	v9 =	vld.idx.msk [tilespmem:v37+s18+$0x0], $0xffff;
	_ =	sdelay $0x4  }
0xc9: {  	v8 =	vadd.f32 v38, v8;
	v9 =	vmul.f32 v9, v34  }
0xca: {  	(v2sf) =	vpush v7, $0x5  }
0xcb: {  	v39 =	vor.u32 s9, v4;
	(v2sf) =	vpush v6, $0x5;
	v8 =	vadd.f32 v9, v8;
	_ =	sdelay $0x1  }
0xcc: {  	[tilespmem:s6+$0xFFFFFD20] =	vst v8  }
0xcd: {  	v8 =	vld [tilespmem:s12+$0x30]  }
0xce: {  	v40 =	vld [tilespmem:s13+$0xA830]  }
0xcf: {  	v9 =	vld.idx.msk [tilespmem:v39+s18+$0x0], $0xffff;
	_ =	sdelay $0x4  }
0xd0: {  	v8 =	vadd.f32 v40, v8;
	v9 =	vmul.f32 v9, v34  }
0xd1: {  	s14 =	sadd.s32 $0xFFFFF300, s11  }
0xd2: {  	v41 =	vor.u32 s14, v1;
	v8 =	vadd.f32 v9, v8;
	_ =	sdelay $0x1  }
0xd3: {  	s15 =	spop (v2sf);
	[tilespmem:s6+$0xFFFFFD30] =	vst v8  }
0xd4: {  	s16 =	spop (v2sf);
	v8 =	vld [tilespmem:s15+$0x0]  }
0xd5: {  	v42 =	vld [tilespmem:s16+$0xA800]  }
0xd6: {  	v9 =	vld.idx.msk [tilespmem:v41+s18+$0x0], $0xffff;
	_ =	sdelay $0x2  }
0xd7: {  	v43 =	vbroadcast v5, $0x5;
	_ =	sdelay $0x1  }
0xd8: {  	v8 =	vadd.f32 v42, v8;
	v9 =	vmul.f32 v9, v43;
	_ =	sdelay $0x1  }
0xd9: {  	v44 =	vor.u32 s14, v2;
	v8 =	vadd.f32 v9, v8;
	_ =	sdelay $0x1  }
0xda: {  	[tilespmem:s6+$0xFFFFFD40] =	vst v8  }
0xdb: {  	v8 =	vld [tilespmem:s15+$0x10]  }
0xdc: {  	v45 =	vld [tilespmem:s16+$0xA810]  }
0xdd: {  	v9 =	vld.idx.msk [tilespmem:v44+s18+$0x0], $0xffff;
	_ =	sdelay $0x4  }
0xde: {  	v8 =	vadd.f32 v45, v8;
	v9 =	vmul.f32 v9, v43;
	_ =	sdelay $0x1  }
0xdf: {  	s17 =	sadd.s32 $0xFFFFF980, s5;
	v46 =	vor.u32 s14, v3;
	v8 =	vadd.f32 v9, v8  }
0xe0: {  	s19 =	sor.u32 $0x50, s17  }
0xe1: {  	[tilespmem:s19+$0x18B00] =	vst v8  }
0xe2: {  	v8 =	vld [tilespmem:s15+$0x20]  }
0xe3: {  	v47 =	vld [tilespmem:s16+$0xA820]  }
0xe4: {  	v9 =	vld.idx.msk [tilespmem:v46+s18+$0x0], $0xffff;
	_ =	sdelay $0x4  }
0xe5: {  	v8 =	vadd.f32 v47, v8;
	v9 =	vmul.f32 v9, v43  }
0xe6: {  	(v2sf) =	vpush v7, $0x6  }
0xe7: {  	(v2sf) =	vpush v6, $0x6;
	v48 =	vor.u32 s14, v4;
	v8 =	vadd.f32 v9, v8  }
0xe8: {  	s21 =	sor.u32 $0x60, s17  }
0xe9: {  	[tilespmem:s21+$0x18B00] =	vst v8  }
0xea: {  	v8 =	vld [tilespmem:s15+$0x30]  }
0xeb: {  	v49 =	vld [tilespmem:s16+$0xA830]  }
0xec: {  	v9 =	vld.idx.msk [tilespmem:v48+s18+$0x0], $0xffff;
	_ =	sdelay $0x4  }
0xed: {  	v8 =	vadd.f32 v49, v8;
	v9 =	vmul.f32 v9, v43  }
0xee: {  	s22 =	sadd.s32 $0xFFFFF380, s11  }
0xef: {  	v50 =	vor.u32 s22, v1;
	v8 =	vadd.f32 v9, v8  }
0xf0: {  	s23 =	sor.u32 $0x70, s17  }
0xf1: {  	s24 =	spop (v2sf);
	[tilespmem:s23+$0x18B00] =	vst v8  }
0xf2: {  	s25 =	spop (v2sf);
	v8 =	vld [tilespmem:s24+$0x0]  }
0xf3: {  	v51 =	vld [tilespmem:s25+$0xA800]  }
0xf4: {  	v9 =	vld.idx.msk [tilespmem:v50+s18+$0x0], $0xffff;
	_ =	sdelay $0x2  }
0xf5: {  	v52 =	vbroadcast v5, $0x6;
	_ =	sdelay $0x1  }
0xf6: {  	v8 =	vadd.f32 v51, v8;
	v9 =	vmul.f32 v9, v52;
	_ =	sdelay $0x1  }
0xf7: {  	v53 =	vor.u32 s22, v2;
	v8 =	vadd.f32 v9, v8;
	_ =	sdelay $0x1  }
0xf8: {  	[tilespmem:s6+$0xFFFFFD80] =	vst v8  }
0xf9: {  	v8 =	vld [tilespmem:s24+$0x10]  }
0xfa: {  	v54 =	vld [tilespmem:s25+$0xA810]  }
0xfb: {  	v9 =	vld.idx.msk [tilespmem:v53+s18+$0x0], $0xffff;
	_ =	sdelay $0x4  }
0xfc: {  	v8 =	vadd.f32 v54, v8;
	v9 =	vmul.f32 v9, v52;
	_ =	sdelay $0x1  }
0xfd: {  	v55 =	vor.u32 s22, v3;
	v8 =	vadd.f32 v9, v8;
	_ =	sdelay $0x1  }
0xfe: {  	[tilespmem:s6+$0xFFFFFD90] =	vst v8  }
0xff: {  	v8 =	vld [tilespmem:s24+$0x20]  }
0x100: {  	v56 =	vld [tilespmem:s25+$0xA820]  }
0x101: {  	v9 =	vld.idx.msk [tilespmem:v55+s18+$0x0], $0xffff;
	_ =	sdelay $0x4  }
0x102: {  	(v2sf) =	vpush v7, $0x7;
	v8 =	vadd.f32 v56, v8;
	v9 =	vmul.f32 v9, v52  }
0x103: {  	(v2sf) =	vpush v6, $0x7  }
0x104: {  	v57 =	vor.u32 s22, v4;
	v8 =	vadd.f32 v9, v8;
	_ =	sdelay $0x1  }
0x105: {  	[tilespmem:s6+$0xFFFFFDA0] =	vst v8  }
0x106: {  	v8 =	vld [tilespmem:s24+$0x30]  }
0x107: {  	v58 =	vld [tilespmem:s25+$0xA830]  }
0x108: {  	v9 =	vld.idx.msk [tilespmem:v57+s18+$0x0], $0xffff;
	_ =	sdelay $0x4  }
0x109: {  	(v2sf) =	vpush v7, $0x8;
	v8 =	vadd.f32 v58, v8;
	v9 =	vmul.f32 v9, v52  }
0x10a: {  	(v2sf) =	vpush v6, $0x8  }
0x10b: {  	(v2sf) =	vpush v7, $0x9;
	v8 =	vadd.f32 v9, v8  }
0x10c: {  	[dreg:$0x17] =	wrdreg s3;
	(v2sf) =	vpush v6, $0x9;
	s1 =	spop (v2sf)  }
0x10d: {  	[dreg:$0x15] =	wrdreg s2;
	(v2sf) =	vpush v7, $0xA;
	s0 =	spop (v2sf);
	[tilespmem:s6+$0xFFFFFDB0] =	vst v8  }
0x10e: {  	(v2sf) =	vpush v6, $0xA  }
0x10f: {  	(v2sf) =	vpush v7, $0xB  }
0x110: {  	(v2sf) =	vpush v6, $0xB  }
0x111: {  	(v2sf) =	vpush v7, $0xC  }
0x112: {  	(v2sf) =	vpush v6, $0xC  }
0x113: {  	v59 =	vld [tilespmem:s31+$0x0];
	(v2sf) =	vpush v7, $0xD  }
0x114: {  	v60 =	vld [tilespmem:s30+$0x0];
	(v2sf) =	vpush v6, $0xD  }
0x115: {  	(v2sf) =	vpush v7, $0xE  }
0x116: {  	(v2sf) =	vpush v6, $0xE  }
0x117: {  	(v2sf) =	vpush v7, $0xF  }
0x118: {  	s7 =	spop (v2sf);
	v8 =	vshll.u32 v59, $0x6;
	(v2sf) =	vpush v6, $0xF  }
0x119: {  	s8 =	spop (v2sf);
	v7 =	vshll.u32 v60, $0x6;
	(v2sf) =	vpush v8, $0x0  }
0x11a: {  	s9 =	spop (v2sf);
	(v2sf) =	vpush v7, $0x0  }
0x11b: {  	s4 =	spop (v2sf)  }
0x11c: {  	s10 =	spop (v2sf)  }
0x11d: {  	s23 =	spop (v2sf)  }
0x11e: {  	s21 =	spop (v2sf)  }
0x11f: {  	s3 =	spop (v2sf)  }
0x120: {  	s2 =	spop (v2sf)  }
0x121: {  	s17 =	spop (v2sf)  }
0x122: {  	s13 =	sadd.s32 $0xFFFFF880, s11;
	s24 =	spop (v2sf)  }
0x123: {  	v6 =	vor.u32 s13, v1;
	s22 =	spop (v2sf)  }
0x124: {  	s12 =	spop (v2sf)  }
0x125: {  	s28 =	spop (v2sf)  }
0x126: {  	v61 =	vld [tilespmem:s29+$0x0];
	s14 =	spop (v2sf)  }
0x127: {  	s26 =	spop (v2sf)  }
0x128: {  	v12 =	vld.idx.msk [tilespmem:v6+s18+$0x0], $0xffff;
	s16 =	spop (v2sf)  }
0x129: {  	s15 =	spop (v2sf);
	v62 =	vld [tilespmem:s16+$0x0]  }
0x12a: {  	v63 =	vld [tilespmem:s15+$0xA800]  }
0x12b: {  	vm15 =	veq.s32 v61, $0x0  }
0x12c: {  	v6 =	vsel vm15, $0x0, v0  }
0x12d: {  	v16 =	vbroadcast v6, $0x0;
	_ =	sdelay $0x1  }
0x12e: {  	v17 =	vmul.f32 v16, v12;
	v10 =	vadd.f32 v63, v62;
	_ =	sdelay $0x1  }
0x12f: {  	v18 =	vor.u32 s13, v2;
	v10 =	vadd.f32 v17, v10;
	_ =	sdelay $0x1  }
0x130: {  	[tilespmem:s6+$0x0] =	vst v10  }
0x131: {  	v10 =	vld [tilespmem:s16+$0x10]  }
0x132: {  	v19 =	vld [tilespmem:s15+$0xA810]  }
0x133: {  	v11 =	vld.idx.msk [tilespmem:v18+s18+$0x0], $0xffff;
	_ =	sdelay $0x4  }
0x134: {  	v10 =	vadd.f32 v19, v10;
	v11 =	vmul.f32 v11, v16;
	_ =	sdelay $0x1  }
0x135: {  	v20 =	vor.u32 s13, v3;
	v10 =	vadd.f32 v11, v10;
	_ =	sdelay $0x1  }
0x136: {  	[tilespmem:s6+$0x10] =	vst v10  }
0x137: {  	v10 =	vld [tilespmem:s16+$0x20]  }
0x138: {  	v21 =	vld [tilespmem:s15+$0xA820]  }
0x139: {  	v11 =	vld.idx.msk [tilespmem:v20+s18+$0x0], $0xffff;
	_ =	sdelay $0x4  }
0x13a: {  	v10 =	vadd.f32 v21, v10;
	v11 =	vmul.f32 v11, v16  }
0x13b: {  	(v2sf) =	vpush v8, $0x1  }
0x13c: {  	v22 =	vor.u32 s13, v4;
	(v2sf) =	vpush v7, $0x1;
	v10 =	vadd.f32 v11, v10;
	_ =	sdelay $0x1  }
0x13d: {  	[tilespmem:s6+$0x20] =	vst v10  }
0x13e: {  	v10 =	vld [tilespmem:s16+$0x30]  }
0x13f: {  	v23 =	vld [tilespmem:s15+$0xA830]  }
0x140: {  	v11 =	vld.idx.msk [tilespmem:v22+s18+$0x0], $0xffff;
	_ =	sdelay $0x4  }
0x141: {  	v10 =	vadd.f32 v23, v10;
	v9 =	vmul.f32 v11, v16  }
0x142: {  	s15 =	sadd.s32 $0xFFFFF900, s11  }
0x143: {  	v24 =	vor.u32 s15, v1;
	v9 =	vadd.f32 v9, v10;
	_ =	sdelay $0x1  }
0x144: {  	s16 =	spop (v2sf);
	[tilespmem:s6+$0x30] =	vst v9  }
0x145: {  	s25 =	spop (v2sf);
	v9 =	vld [tilespmem:s16+$0x0]  }
0x146: {  	v25 =	vld [tilespmem:s25+$0xA800]  }
0x147: {  	v10 =	vld.idx.msk [tilespmem:v24+s18+$0x0], $0xffff;
	_ =	sdelay $0x2  }
0x148: {  	v26 =	vbroadcast v6, $0x1;
	_ =	sdelay $0x1  }
0x149: {  	v9 =	vadd.f32 v25, v9;
	v10 =	vmul.f32 v10, v26;
	_ =	sdelay $0x1  }
0x14a: {  	v27 =	vor.u32 s15, v2;
	v9 =	vadd.f32 v10, v9;
	_ =	sdelay $0x1  }
0x14b: {  	[tilespmem:s6+$0x40] =	vst v9  }
0x14c: {  	v9 =	vld [tilespmem:s16+$0x10]  }
0x14d: {  	v28 =	vld [tilespmem:s25+$0xA810]  }
0x14e: {  	v10 =	vld.idx.msk [tilespmem:v27+s18+$0x0], $0xffff;
	_ =	sdelay $0x4  }
0x14f: {  	v9 =	vadd.f32 v28, v9;
	v10 =	vmul.f32 v10, v26;
	_ =	sdelay $0x1  }
0x150: {  	s19 =	sadd.s32 $0xFFFFFC80, s5;
	v29 =	vor.u32 s15, v3;
	v9 =	vadd.f32 v10, v9  }
0x151: {  	[dreg:$0x19] =	wrdreg s26;
	s26 =	sor.u32 $0x50, s19  }
0x152: {  	[tilespmem:s26+$0x18B00] =	vst v9  }
0x153: {  	v9 =	vld [tilespmem:s16+$0x20]  }
0x154: {  	v30 =	vld [tilespmem:s25+$0xA820]  }
0x155: {  	v10 =	vld.idx.msk [tilespmem:v29+s18+$0x0], $0xffff;
	_ =	sdelay $0x4  }
0x156: {  	v9 =	vadd.f32 v30, v9;
	v10 =	vmul.f32 v10, v26  }
0x157: {  	(v2sf) =	vpush v8, $0x2  }
0x158: {  	v31 =	vor.u32 s15, v4;
	(v2sf) =	vpush v7, $0x2;
	v9 =	vadd.f32 v10, v9  }
0x159: {  	[dreg:$0x1b] =	wrdreg s14;
	s14 =	sor.u32 $0x60, s19  }
0x15a: {  	[tilespmem:s14+$0x18B00] =	vst v9  }
0x15b: {  	v9 =	vld [tilespmem:s16+$0x30]  }
0x15c: {  	v32 =	vld [tilespmem:s25+$0xA830]  }
0x15d: {  	v10 =	vld.idx.msk [tilespmem:v31+s18+$0x0], $0xffff;
	_ =	sdelay $0x4  }
0x15e: {  	v9 =	vadd.f32 v32, v9;
	v10 =	vmul.f32 v10, v26  }
0x15f: {  	s16 =	sadd.s32 $0xFFFFF980, s11  }
0x160: {  	v33 =	vor.u32 s16, v1;
	v9 =	vadd.f32 v10, v9  }
0x161: {  	s19 =	sor.u32 $0x70, s19  }
0x162: {  	s25 =	spop (v2sf);
	[tilespmem:s19+$0x18B00] =	vst v9  }
0x163: {  	s26 =	spop (v2sf);
	v9 =	vld [tilespmem:s25+$0x0]  }
0x164: {  	v34 =	vld [tilespmem:s26+$0xA800]  }
0x165: {  	v10 =	vld.idx.msk [tilespmem:v33+s18+$0x0], $0xffff;
	_ =	sdelay $0x2  }
0x166: {  	v35 =	vbroadcast v6, $0x2;
	_ =	sdelay $0x1  }
0x167: {  	v9 =	vadd.f32 v34, v9;
	v10 =	vmul.f32 v10, v35;
	_ =	sdelay $0x1  }
0x168: {  	v36 =	vor.u32 s16, v2;
	v9 =	vadd.f32 v10, v9;
	_ =	sdelay $0x1  }
0x169: {  	[tilespmem:s6+$0x80] =	vst v9  }
0x16a: {  	v9 =	vld [tilespmem:s25+$0x10]  }
0x16b: {  	v37 =	vld [tilespmem:s26+$0xA810]  }
0x16c: {  	v10 =	vld.idx.msk [tilespmem:v36+s18+$0x0], $0xffff;
	_ =	sdelay $0x4  }
0x16d: {  	v9 =	vadd.f32 v37, v9;
	v10 =	vmul.f32 v10, v35;
	_ =	sdelay $0x1  }
0x16e: {  	v38 =	vor.u32 s16, v3;
	v9 =	vadd.f32 v10, v9;
	_ =	sdelay $0x1  }
0x16f: {  	[tilespmem:s6+$0x90] =	vst v9  }
0x170: {  	v9 =	vld [tilespmem:s25+$0x20]  }
0x171: {  	v39 =	vld [tilespmem:s26+$0xA820]  }
0x172: {  	v10 =	vld.idx.msk [tilespmem:v38+s18+$0x0], $0xffff;
	_ =	sdelay $0x4  }
0x173: {  	v9 =	vadd.f32 v39, v9;
	v10 =	vmul.f32 v10, v35  }
0x174: {  	(v2sf) =	vpush v8, $0x3  }
0x175: {  	v40 =	vor.u32 s16, v4;
	(v2sf) =	vpush v7, $0x3;
	v9 =	vadd.f32 v10, v9;
	_ =	sdelay $0x1  }
0x176: {  	[tilespmem:s6+$0xA0] =	vst v9  }
0x177: {  	v9 =	vld [tilespmem:s25+$0x30]  }
0x178: {  	v41 =	vld [tilespmem:s26+$0xA830]  }
0x179: {  	v10 =	vld.idx.msk [tilespmem:v40+s18+$0x0], $0xffff;
	_ =	sdelay $0x4  }
0x17a: {  	v9 =	vadd.f32 v41, v9;
	v10 =	vmul.f32 v10, v35  }
0x17b: {  	s14 =	sadd.s32 $0xFFFFFA00, s11  }
0x17c: {  	v42 =	vor.u32 s14, v1;
	v9 =	vadd.f32 v10, v9;
	_ =	sdelay $0x1  }
0x17d: {  	s15 =	spop (v2sf);
	[tilespmem:s6+$0xB0] =	vst v9  }
0x17e: {  	s16 =	spop (v2sf);
	v9 =	vld [tilespmem:s15+$0x0]  }
0x17f: {  	v43 =	vld [tilespmem:s16+$0xA800]  }
0x180: {  	v10 =	vld.idx.msk [tilespmem:v42+s18+$0x0], $0xffff;
	_ =	sdelay $0x2  }
0x181: {  	v44 =	vbroadcast v6, $0x3;
	_ =	sdelay $0x1  }
0x182: {  	v9 =	vadd.f32 v43, v9;
	v10 =	vmul.f32 v10, v44;
	_ =	sdelay $0x1  }
0x183: {  	v45 =	vor.u32 s14, v2;
	v9 =	vadd.f32 v10, v9;
	_ =	sdelay $0x1  }
0x184: {  	[tilespmem:s6+$0xC0] =	vst v9  }
0x185: {  	v9 =	vld [tilespmem:s15+$0x10]  }
0x186: {  	v46 =	vld [tilespmem:s16+$0xA810]  }
0x187: {  	v10 =	vld.idx.msk [tilespmem:v45+s18+$0x0], $0xffff;
	_ =	sdelay $0x4  }
0x188: {  	v9 =	vadd.f32 v46, v9;
	v10 =	vmul.f32 v10, v44;
	_ =	sdelay $0x1  }
0x189: {  	v47 =	vor.u32 s14, v3;
	s19 =	sadd.s32 $0xFFFFFD00, s5;
	v9 =	vadd.f32 v10, v9  }
0x18a: {  	s25 =	sor.u32 $0x50, s19  }
0x18b: {  	[tilespmem:s25+$0x18B00] =	vst v9  }
0x18c: {  	v9 =	vld [tilespmem:s15+$0x20]  }
0x18d: {  	v48 =	vld [tilespmem:s16+$0xA820]  }
0x18e: {  	v10 =	vld.idx.msk [tilespmem:v47+s18+$0x0], $0xffff;
	_ =	sdelay $0x4  }
0x18f: {  	v9 =	vadd.f32 v48, v9;
	v10 =	vmul.f32 v10, v44  }
0x190: {  	(v2sf) =	vpush v8, $0x4  }
0x191: {  	v49 =	vor.u32 s14, v4;
	(v2sf) =	vpush v7, $0x4;
	v9 =	vadd.f32 v10, v9  }
0x192: {  	s14 =	sor.u32 $0x60, s19  }
0x193: {  	[tilespmem:s14+$0x18B00] =	vst v9  }
0x194: {  	v9 =	vld [tilespmem:s15+$0x30]  }
0x195: {  	v50 =	vld [tilespmem:s16+$0xA830]  }
0x196: {  	v10 =	vld.idx.msk [tilespmem:v49+s18+$0x0], $0xffff;
	_ =	sdelay $0x4  }
0x197: {  	v9 =	vadd.f32 v50, v9;
	v10 =	vmul.f32 v10, v44  }
0x198: {  	s16 =	sadd.s32 $0xFFFFFA80, s11  }
0x199: {  	v51 =	vor.u32 s16, v1;
	v9 =	vadd.f32 v10, v9  }
0x19a: {  	s19 =	sor.u32 $0x70, s19  }
0x19b: {  	s25 =	spop (v2sf);
	[tilespmem:s19+$0x18B00] =	vst v9  }
0x19c: {  	s26 =	spop (v2sf);
	v9 =	vld [tilespmem:s25+$0x0]  }
0x19d: {  	v52 =	vld [tilespmem:s26+$0xA800]  }
0x19e: {  	v10 =	vld.idx.msk [tilespmem:v51+s18+$0x0], $0xffff;
	_ =	sdelay $0x2  }
0x19f: {  	v53 =	vbroadcast v6, $0x4;
	_ =	sdelay $0x1  }
0x1a0: {  	v9 =	vadd.f32 v52, v9;
	v10 =	vmul.f32 v10, v53;
	_ =	sdelay $0x1  }
0x1a1: {  	v54 =	vor.u32 s16, v2;
	v9 =	vadd.f32 v10, v9;
	_ =	sdelay $0x1  }
0x1a2: {  	[tilespmem:s6+$0x100] =	vst v9  }
0x1a3: {  	v9 =	vld [tilespmem:s25+$0x10]  }
0x1a4: {  	v55 =	vld [tilespmem:s26+$0xA810]  }
0x1a5: {  	v10 =	vld.idx.msk [tilespmem:v54+s18+$0x0], $0xffff;
	_ =	sdelay $0x4  }
0x1a6: {  	v9 =	vadd.f32 v55, v9;
	v10 =	vmul.f32 v10, v53;
	_ =	sdelay $0x1  }
0x1a7: {  	v56 =	vor.u32 s16, v3;
	v9 =	vadd.f32 v10, v9;
	_ =	sdelay $0x1  }
0x1a8: {  	[tilespmem:s6+$0x110] =	vst v9  }
0x1a9: {  	v9 =	vld [tilespmem:s25+$0x20]  }
0x1aa: {  	v57 =	vld [tilespmem:s26+$0xA820]  }
0x1ab: {  	v10 =	vld.idx.msk [tilespmem:v56+s18+$0x0], $0xffff;
	_ =	sdelay $0x4  }
0x1ac: {  	v9 =	vadd.f32 v57, v9;
	v10 =	vmul.f32 v10, v53  }
0x1ad: {  	(v2sf) =	vpush v8, $0x5  }
0x1ae: {  	(v2sf) =	vpush v7, $0x5;
	v58 =	vor.u32 s16, v4;
	v9 =	vadd.f32 v10, v9;
	_ =	sdelay $0x1  }
0x1af: {  	[tilespmem:s6+$0x120] =	vst v9  }
0x1b0: {  	v9 =	vld [tilespmem:s25+$0x30]  }
0x1b1: {  	v59 =	vld [tilespmem:s26+$0xA830]  }
0x1b2: {  	v10 =	vld.idx.msk [tilespmem:v58+s18+$0x0], $0xffff;
	_ =	sdelay $0x4  }
0x1b3: {  	v9 =	vadd.f32 v59, v9;
	v10 =	vmul.f32 v10, v53  }
0x1b4: {  	s14 =	sadd.s32 $0xFFFFFB00, s11  }
0x1b5: {  	v60 =	vor.u32 s14, v1;
	v9 =	vadd.f32 v10, v9;
	_ =	sdelay $0x1  }
0x1b6: {  	s15 =	spop (v2sf);
	[tilespmem:s6+$0x130] =	vst v9  }
0x1b7: {  	s16 =	spop (v2sf);
	v9 =	vld [tilespmem:s15+$0x0]  }
0x1b8: {  	v61 =	vld [tilespmem:s16+$0xA800]  }
0x1b9: {  	v10 =	vld.idx.msk [tilespmem:v60+s18+$0x0], $0xffff;
	_ =	sdelay $0x2  }
0x1ba: {  	v62 =	vbroadcast v6, $0x5;
	_ =	sdelay $0x1  }
0x1bb: {  	v9 =	vadd.f32 v61, v9;
	v10 =	vmul.f32 v10, v62;
	_ =	sdelay $0x1  }
0x1bc: {  	v63 =	vor.u32 s14, v2;
	v9 =	vadd.f32 v10, v9;
	_ =	sdelay $0x1  }
0x1bd: {  	[tilespmem:s6+$0x140] =	vst v9  }
0x1be: {  	v9 =	vld [tilespmem:s15+$0x10]  }
0x1bf: {  	v13 =	vld [tilespmem:s16+$0xA810]  }
0x1c0: {  	v10 =	vld.idx.msk [tilespmem:v63+s18+$0x0], $0xffff;
	_ =	sdelay $0x4  }
0x1c1: {  	v9 =	vadd.f32 v13, v9;
	v10 =	vmul.f32 v10, v62;
	_ =	sdelay $0x1  }
0x1c2: {  	v14 =	vor.u32 s14, v3;
	s19 =	sadd.s32 $0xFFFFFD80, s5;
	v9 =	vadd.f32 v10, v9  }
0x1c3: {  	s25 =	sor.u32 $0x50, s19  }
0x1c4: {  	[tilespmem:s25+$0x18B00] =	vst v9  }
0x1c5: {  	v9 =	vld [tilespmem:s15+$0x20]  }
0x1c6: {  	v15 =	vld [tilespmem:s16+$0xA820]  }
0x1c7: {  	v10 =	vld.idx.msk [tilespmem:v14+s18+$0x0], $0xffff;
	_ =	sdelay $0x4  }
0x1c8: {  	v9 =	vadd.f32 v15, v9;
	v10 =	vmul.f32 v10, v62  }
0x1c9: {  	(v2sf) =	vpush v8, $0x6  }
0x1ca: {  	v16 =	vor.u32 s14, v4;
	(v2sf) =	vpush v7, $0x6;
	v9 =	vadd.f32 v10, v9  }
0x1cb: {  	s14 =	sor.u32 $0x60, s19  }
0x1cc: {  	[tilespmem:s14+$0x18B00] =	vst v9  }
0x1cd: {  	v9 =	vld [tilespmem:s15+$0x30]  }
0x1ce: {  	v17 =	vld [tilespmem:s16+$0xA830]  }
0x1cf: {  	v10 =	vld.idx.msk [tilespmem:v16+s18+$0x0], $0xffff;
	_ =	sdelay $0x4  }
0x1d0: {  	v9 =	vadd.f32 v17, v9;
	v10 =	vmul.f32 v10, v62  }
0x1d1: {  	s16 =	sadd.s32 $0xFFFFFB80, s11  }
0x1d2: {  	v18 =	vor.u32 s16, v1;
	v9 =	vadd.f32 v10, v9  }
0x1d3: {  	s19 =	sor.u32 $0x70, s19  }
0x1d4: {  	s25 =	spop (v2sf);
	[tilespmem:s19+$0x18B00] =	vst v9  }
0x1d5: {  	s26 =	spop (v2sf);
	v9 =	vld [tilespmem:s25+$0x0]  }
0x1d6: {  	v19 =	vld [tilespmem:s26+$0xA800]  }
0x1d7: {  	v10 =	vld.idx.msk [tilespmem:v18+s18+$0x0], $0xffff;
	_ =	sdelay $0x2  }
0x1d8: {  	v20 =	vbroadcast v6, $0x6;
	_ =	sdelay $0x1  }
0x1d9: {  	v9 =	vadd.f32 v19, v9;
	v10 =	vmul.f32 v10, v20;
	_ =	sdelay $0x1  }
0x1da: {  	v21 =	vor.u32 s16, v2;
	v9 =	vadd.f32 v10, v9;
	_ =	sdelay $0x1  }
0x1db: {  	[tilespmem:s6+$0x180] =	vst v9  }
0x1dc: {  	v9 =	vld [tilespmem:s25+$0x10]  }
0x1dd: {  	v22 =	vld [tilespmem:s26+$0xA810]  }
0x1de: {  	v10 =	vld.idx.msk [tilespmem:v21+s18+$0x0], $0xffff;
	_ =	sdelay $0x4  }
0x1df: {  	v9 =	vadd.f32 v22, v9;
	v10 =	vmul.f32 v10, v20;
	_ =	sdelay $0x1  }
0x1e0: {  	v23 =	vor.u32 s16, v3;
	v9 =	vadd.f32 v10, v9;
	_ =	sdelay $0x1  }
0x1e1: {  	[tilespmem:s6+$0x190] =	vst v9  }
0x1e2: {  	v9 =	vld [tilespmem:s25+$0x20]  }
0x1e3: {  	v24 =	vld [tilespmem:s26+$0xA820]  }
0x1e4: {  	v10 =	vld.idx.msk [tilespmem:v23+s18+$0x0], $0xffff;
	_ =	sdelay $0x4  }
0x1e5: {  	v9 =	vadd.f32 v24, v9;
	v10 =	vmul.f32 v10, v20  }
0x1e6: {  	(v2sf) =	vpush v8, $0x7  }
0x1e7: {  	(v2sf) =	vpush v7, $0x7;
	v25 =	vor.u32 s16, v4;
	v9 =	vadd.f32 v10, v9;
	_ =	sdelay $0x1  }
0x1e8: {  	[tilespmem:s6+$0x1A0] =	vst v9  }
0x1e9: {  	v9 =	vld [tilespmem:s25+$0x30]  }
0x1ea: {  	v26 =	vld [tilespmem:s26+$0xA830]  }
0x1eb: {  	v10 =	vld.idx.msk [tilespmem:v25+s18+$0x0], $0xffff;
	_ =	sdelay $0x2  }
0x1ec: {  	s13 =	sadd.s32 $0xFFFFF400, s11  }
0x1ed: {  	v13 =	vor.u32 s13, v1  }
0x1ee: {  	v9 =	vadd.f32 v26, v9;
	v10 =	vmul.f32 v10, v20  }
0x1ef: {  	s15 =	sadd.s32 $0xFFFFFC00, s11  }
0x1f0: {  	v27 =	vld [tilespmem:s1+$0x0];
	v28 =	vor.u32 s15, v1;
	v9 =	vadd.f32 v10, v9  }
0x1f1: {  	v29 =	vld [tilespmem:s0+$0xA800]  }
0x1f2: {  	v13 =	vld.idx.msk [tilespmem:v13+s18+$0x0], $0xffff;
	s16 =	spop (v2sf);
	[tilespmem:s6+$0x1B0] =	vst v9  }
0x1f3: {  	s19 =	spop (v2sf);
	v9 =	vld [tilespmem:s16+$0x0]  }
0x1f4: {  	v14 =	vld [tilespmem:s19+$0xA800]  }
0x1f5: {  	v15 =	vbroadcast v5, $0x7;
	v10 =	vld.idx.msk [tilespmem:v28+s18+$0x0], $0xffff;
	_ =	sdelay $0x1  }
0x1f6: {  	v11 =	vadd.f32 v29, v27;
	v30 =	vmul.f32 v13, v15  }
0x1f7: {  	v31 =	vbroadcast v6, $0x7  }
0x1f8: {  	v32 =	vor.u32 s13, v2;
	v11 =	vadd.f32 v30, v11  }
0x1f9: {  	v9 =	vadd.f32 v14, v9;
	v10 =	vmul.f32 v10, v31  }
0x1fa: {  	[tilespmem:s6+$0xFFFFFDC0] =	vst v11  }
0x1fb: {  	v33 =	vor.u32 s15, v2;
	v11 =	vld [tilespmem:s1+$0x10];
	v9 =	vadd.f32 v10, v9  }
0x1fc: {  	v34 =	vld [tilespmem:s0+$0xA810]  }
0x1fd: {  	v12 =	vld.idx.msk [tilespmem:v32+s18+$0x0], $0xffff;
	[tilespmem:s6+$0x1C0] =	vst v9  }
0x1fe: {  	v9 =	vld [tilespmem:s16+$0x10]  }
0x1ff: {  	v16 =	vld [tilespmem:s19+$0xA810]  }
0x200: {  	v10 =	vld.idx.msk [tilespmem:v33+s18+$0x0], $0xffff;
	_ =	sdelay $0x1  }
0x201: {  	v11 =	vadd.f32 v34, v11;
	v12 =	vmul.f32 v12, v15;
	_ =	sdelay $0x1  }
0x202: {  	v35 =	vor.u32 s13, v3;
	v11 =	vadd.f32 v12, v11;
	s26 =	sadd.s32 $0xFFFFFA00, s5  }
0x203: {  	s25 =	sor.u32 $0x50, s26;
	v9 =	vadd.f32 v16, v9;
	v10 =	vmul.f32 v10, v31  }
0x204: {  	[tilespmem:s25+$0x18B00] =	vst v11  }
0x205: {  	v36 =	vor.u32 s15, v3;
	s25 =	sadd.s32 $0xFFFFFE00, s5;
	v11 =	vld [tilespmem:s1+$0x20];
	v9 =	vadd.f32 v10, v9  }
0x206: {  	v37 =	vld [tilespmem:s0+$0xA820];
	s14 =	sor.u32 $0x50, s25  }
0x207: {  	v38 =	vld.idx.msk [tilespmem:v35+s18+$0x0], $0xffff;
	[tilespmem:s14+$0x18B00] =	vst v9  }
0x208: {  	v39 =	vld [tilespmem:s16+$0x20]  }
0x209: {  	v40 =	vld [tilespmem:s19+$0xA820]  }
0x20a: {  	v10 =	vld.idx.msk [tilespmem:v36+s18+$0x0], $0xffff;
	_ =	sdelay $0x1  }
0x20b: {  	v11 =	vadd.f32 v37, v11;
	v9 =	vmul.f32 v38, v15;
	_ =	sdelay $0x1  }
0x20c: {  	v41 =	vor.u32 s13, v4;
	v9 =	vadd.f32 v9, v11  }
0x20d: {  	s14 =	sor.u32 $0x60, s26;
	v12 =	vadd.f32 v40, v39;
	v10 =	vmul.f32 v10, v31  }
0x20e: {  	(v2sf) =	vpush v8, $0x8;
	[tilespmem:s14+$0x18B00] =	vst v9  }
0x20f: {  	v42 =	vor.u32 s15, v4;
	(v2sf) =	vpush v7, $0x8;
	v9 =	vld [tilespmem:s1+$0x30];
	v10 =	vadd.f32 v10, v12  }
0x210: {  	s13 =	sor.u32 $0x60, s25;
	v43 =	vld [tilespmem:s0+$0xA830]  }
0x211: {  	v11 =	vld.idx.msk [tilespmem:v41+s18+$0x0], $0xffff;
	[tilespmem:s13+$0x18B00] =	vst v10  }
0x212: {  	v10 =	vld [tilespmem:s16+$0x30]  }
0x213: {  	v44 =	vld [tilespmem:s19+$0xA830]  }
0x214: {  	v14 =	vld.idx.msk [tilespmem:v42+s18+$0x0], $0xffff;
	_ =	sdelay $0x1  }
0x215: {  	v9 =	vadd.f32 v43, v9;
	v11 =	vmul.f32 v11, v15  }
0x216: {  	s0 =	sadd.s32 $0xFFFFF480, s11  }
0x217: {  	v45 =	vor.u32 s0, v1;
	v9 =	vadd.f32 v11, v9  }
0x218: {  	s14 =	sor.u32 $0x70, s26;
	v10 =	vadd.f32 v44, v10;
	v46 =	vmul.f32 v14, v31  }
0x219: {  	s15 =	sadd.s32 $0xFFFFFC80, s11;
	[tilespmem:s14+$0x18B00] =	vst v9  }
0x21a: {  	v47 =	vor.u32 s15, v1;
	v9 =	vld [tilespmem:s7+$0x0];
	v10 =	vadd.f32 v46, v10  }
0x21b: {  	s16 =	sor.u32 $0x70, s25;
	v48 =	vld [tilespmem:s8+$0xA800]  }
0x21c: {  	s19 =	spop (v2sf);
	v11 =	vld.idx.msk [tilespmem:v45+s18+$0x0], $0xffff;
	[tilespmem:s16+$0x18B00] =	vst v10  }
0x21d: {  	s25 =	spop (v2sf);
	v10 =	vld [tilespmem:s19+$0x0]  }
0x21e: {  	v49 =	vld [tilespmem:s25+$0xA800]  }
0x21f: {  	v50 =	vbroadcast v5, $0x8;
	v12 =	vld.idx.msk [tilespmem:v47+s18+$0x0], $0xffff;
	_ =	sdelay $0x1  }
0x220: {  	v9 =	vadd.f32 v48, v9;
	v11 =	vmul.f32 v11, v50  }
0x221: {  	v51 =	vbroadcast v6, $0x8  }
0x222: {  	v52 =	vor.u32 s0, v2;
	v9 =	vadd.f32 v11, v9  }
0x223: {  	v10 =	vadd.f32 v49, v10;
	v12 =	vmul.f32 v12, v51  }
0x224: {  	[tilespmem:s6+$0xFFFFFE00] =	vst v9  }
0x225: {  	v53 =	vor.u32 s15, v2;
	v9 =	vld [tilespmem:s7+$0x10];
	v10 =	vadd.f32 v12, v10  }
0x226: {  	v54 =	vld [tilespmem:s8+$0xA810]  }
0x227: {  	v11 =	vld.idx.msk [tilespmem:v52+s18+$0x0], $0xffff;
	[tilespmem:s6+$0x200] =	vst v10  }
0x228: {  	v10 =	vld [tilespmem:s19+$0x10]  }
0x229: {  	v55 =	vld [tilespmem:s25+$0xA810]  }
0x22a: {  	v12 =	vld.idx.msk [tilespmem:v53+s18+$0x0], $0xffff;
	_ =	sdelay $0x1  }
0x22b: {  	v9 =	vadd.f32 v54, v9;
	v11 =	vmul.f32 v11, v50;
	_ =	sdelay $0x1  }
0x22c: {  	v56 =	vor.u32 s0, v3;
	v9 =	vadd.f32 v11, v9  }
0x22d: {  	v10 =	vadd.f32 v55, v10;
	v12 =	vmul.f32 v12, v51  }
0x22e: {  	[tilespmem:s6+$0xFFFFFE10] =	vst v9  }
0x22f: {  	v57 =	vor.u32 s15, v3;
	v9 =	vld [tilespmem:s7+$0x20];
	v10 =	vadd.f32 v12, v10  }
0x230: {  	v58 =	vld [tilespmem:s8+$0xA820]  }
0x231: {  	v11 =	vld.idx.msk [tilespmem:v56+s18+$0x0], $0xffff;
	[tilespmem:s6+$0x210] =	vst v10  }
0x232: {  	v10 =	vld [tilespmem:s19+$0x20]  }
0x233: {  	v59 =	vld [tilespmem:s25+$0xA820]  }
0x234: {  	v12 =	vld.idx.msk [tilespmem:v57+s18+$0x0], $0xffff;
	_ =	sdelay $0x1  }
0x235: {  	v9 =	vadd.f32 v58, v9;
	v11 =	vmul.f32 v11, v50;
	_ =	sdelay $0x1  }
0x236: {  	v60 =	vor.u32 s0, v4;
	v9 =	vadd.f32 v11, v9  }
0x237: {  	v10 =	vadd.f32 v59, v10;
	v12 =	vmul.f32 v12, v51  }
0x238: {  	(v2sf) =	vpush v8, $0x9;
	[tilespmem:s6+$0xFFFFFE20] =	vst v9  }
0x239: {  	v61 =	vor.u32 s15, v4;
	(v2sf) =	vpush v7, $0x9;
	v9 =	vld [tilespmem:s7+$0x30];
	v10 =	vadd.f32 v12, v10  }
0x23a: {  	v62 =	vld [tilespmem:s8+$0xA830]  }
0x23b: {  	v11 =	vld.idx.msk [tilespmem:v60+s18+$0x0], $0xffff;
	[tilespmem:s6+$0x220] =	vst v10  }
0x23c: {  	v10 =	vld [tilespmem:s19+$0x30]  }
0x23d: {  	v63 =	vld [tilespmem:s25+$0xA830]  }
0x23e: {  	v12 =	vld.idx.msk [tilespmem:v61+s18+$0x0], $0xffff;
	_ =	sdelay $0x1  }
0x23f: {  	v9 =	vadd.f32 v62, v9;
	v11 =	vmul.f32 v11, v50  }
0x240: {  	s26 =	sadd.s32 $0xFFFFF500, s11  }
0x241: {  	v19 =	vor.u32 s26, v1;
	v9 =	vadd.f32 v11, v9  }
0x242: {  	v10 =	vadd.f32 v63, v10;
	v12 =	vmul.f32 v12, v51  }
0x243: {  	s1 =	sadd.s32 $0xFFFFFD00, s11;
	[tilespmem:s6+$0xFFFFFE30] =	vst v9  }
0x244: {  	v20 =	vor.u32 s1, v1;
	v9 =	vld [tilespmem:s9+$0x0];
	v10 =	vadd.f32 v12, v10  }
0x245: {  	v21 =	vld [tilespmem:s4+$0xA800]  }
0x246: {  	s7 =	spop (v2sf);
	v11 =	vld.idx.msk [tilespmem:v19+s18+$0x0], $0xffff;
	[tilespmem:s6+$0x230] =	vst v10  }
0x247: {  	s8 =	spop (v2sf);
	v10 =	vld [tilespmem:s7+$0x0]  }
0x248: {  	v22 =	vld [tilespmem:s8+$0xA800]  }
0x249: {  	v23 =	vbroadcast v5, $0x9;
	v12 =	vld.idx.msk [tilespmem:v20+s18+$0x0], $0xffff;
	_ =	sdelay $0x1  }
0x24a: {  	v9 =	vadd.f32 v21, v9;
	v11 =	vmul.f32 v11, v23  }
0x24b: {  	v24 =	vbroadcast v6, $0x9  }
0x24c: {  	v25 =	vor.u32 s26, v2;
	v9 =	vadd.f32 v11, v9  }
0x24d: {  	v10 =	vadd.f32 v22, v10;
	v12 =	vmul.f32 v12, v24  }
0x24e: {  	[tilespmem:s6+$0xFFFFFE40] =	vst v9  }
0x24f: {  	v26 =	vor.u32 s1, v2;
	v9 =	vld [tilespmem:s9+$0x10];
	v10 =	vadd.f32 v12, v10  }
0x250: {  	v27 =	vld [tilespmem:s4+$0xA810]  }
0x251: {  	v11 =	vld.idx.msk [tilespmem:v25+s18+$0x0], $0xffff;
	[tilespmem:s6+$0x240] =	vst v10  }
0x252: {  	v10 =	vld [tilespmem:s7+$0x10]  }
0x253: {  	v28 =	vld [tilespmem:s8+$0xA810]  }
0x254: {  	v12 =	vld.idx.msk [tilespmem:v26+s18+$0x0], $0xffff;
	_ =	sdelay $0x1  }
0x255: {  	v9 =	vadd.f32 v27, v9;
	v11 =	vmul.f32 v11, v23;
	_ =	sdelay $0x1  }
0x256: {  	v29 =	vor.u32 s26, v3;
	s13 =	sadd.s32 $0xFFFFFA80, s5;
	v9 =	vadd.f32 v11, v9  }
0x257: {  	s16 =	sor.u32 $0x50, s13;
	v10 =	vadd.f32 v28, v10;
	v12 =	vmul.f32 v12, v24  }
0x258: {  	[tilespmem:s16+$0x18B00] =	vst v9  }
0x259: {  	v30 =	vor.u32 s1, v3;
	s19 =	sadd.s32 $0xFFFFFE80, s5;
	v9 =	vld [tilespmem:s9+$0x20];
	v10 =	vadd.f32 v12, v10  }
0x25a: {  	s25 =	sor.u32 $0x50, s19;
	v31 =	vld [tilespmem:s4+$0xA820]  }
0x25b: {  	v32 =	vld.idx.msk [tilespmem:v29+s18+$0x0], $0xffff;
	[tilespmem:s25+$0x18B00] =	vst v10  }
0x25c: {  	v33 =	vld [tilespmem:s7+$0x20]  }
0x25d: {  	v34 =	vld [tilespmem:s8+$0xA820]  }
0x25e: {  	v12 =	vld.idx.msk [tilespmem:v30+s18+$0x0], $0xffff;
	_ =	sdelay $0x1  }
0x25f: {  	v9 =	vadd.f32 v31, v9;
	v10 =	vmul.f32 v32, v23;
	_ =	sdelay $0x1  }
0x260: {  	v35 =	vor.u32 s26, v4;
	v9 =	vadd.f32 v10, v9  }
0x261: {  	s26 =	sor.u32 $0x60, s13;
	v11 =	vadd.f32 v34, v33;
	v12 =	vmul.f32 v12, v24  }
0x262: {  	(v2sf) =	vpush v8, $0xA;
	[tilespmem:s26+$0x18B00] =	vst v9  }
0x263: {  	v36 =	vor.u32 s1, v4;
	(v2sf) =	vpush v7, $0xA;
	v9 =	vld [tilespmem:s9+$0x30];
	v11 =	vadd.f32 v12, v11  }
0x264: {  	v37 =	vld [tilespmem:s4+$0xA830];
	s4 =	sor.u32 $0x60, s19  }
0x265: {  	v10 =	vld.idx.msk [tilespmem:v35+s18+$0x0], $0xffff;
	[tilespmem:s4+$0x18B00] =	vst v11  }
0x266: {  	v11 =	vld [tilespmem:s7+$0x30]  }
0x267: {  	v38 =	vld [tilespmem:s8+$0xA830]  }
0x268: {  	v14 =	vld.idx.msk [tilespmem:v36+s18+$0x0], $0xffff;
	_ =	sdelay $0x1  }
0x269: {  	v9 =	vadd.f32 v37, v9;
	v10 =	vmul.f32 v10, v23  }
0x26a: {  	s9 =	sadd.s32 $0xFFFFF580, s11  }
0x26b: {  	v39 =	vor.u32 s9, v1;
	v9 =	vadd.f32 v10, v9  }
0x26c: {  	s15 =	sor.u32 $0x70, s13;
	v11 =	vadd.f32 v38, v11;
	v40 =	vmul.f32 v14, v24  }
0x26d: {  	s16 =	sadd.s32 $0xFFFFFD80, s11;
	[tilespmem:s15+$0x18B00] =	vst v9  }
0x26e: {  	v41 =	vor.u32 s16, v1;
	v9 =	vld [tilespmem:s10+$0x0];
	v11 =	vadd.f32 v40, v11  }
0x26f: {  	s19 =	sor.u32 $0x70, s19;
	v42 =	vld [tilespmem:s23+$0xA800]  }
0x270: {  	s25 =	spop (v2sf);
	v10 =	vld.idx.msk [tilespmem:v39+s18+$0x0], $0xffff;
	[tilespmem:s19+$0x18B00] =	vst v11  }
0x271: {  	s26 =	spop (v2sf);
	v11 =	vld [tilespmem:s25+$0x0]  }
0x272: {  	v43 =	vld [tilespmem:s26+$0xA800]  }
0x273: {  	v44 =	vbroadcast v5, $0xA;
	v12 =	vld.idx.msk [tilespmem:v41+s18+$0x0], $0xffff;
	_ =	sdelay $0x1  }
0x274: {  	v9 =	vadd.f32 v42, v9;
	v10 =	vmul.f32 v10, v44  }
0x275: {  	v45 =	vbroadcast v6, $0xA  }
0x276: {  	v46 =	vor.u32 s9, v2;
	v9 =	vadd.f32 v10, v9  }
0x277: {  	v11 =	vadd.f32 v43, v11;
	v12 =	vmul.f32 v12, v45  }
0x278: {  	[tilespmem:s6+$0xFFFFFE80] =	vst v9  }
0x279: {  	v47 =	vor.u32 s16, v2;
	v9 =	vld [tilespmem:s10+$0x10];
	v11 =	vadd.f32 v12, v11  }
0x27a: {  	v48 =	vld [tilespmem:s23+$0xA810]  }
0x27b: {  	v10 =	vld.idx.msk [tilespmem:v46+s18+$0x0], $0xffff;
	[tilespmem:s6+$0x280] =	vst v11  }
0x27c: {  	v11 =	vld [tilespmem:s25+$0x10]  }
0x27d: {  	v49 =	vld [tilespmem:s26+$0xA810]  }
0x27e: {  	v12 =	vld.idx.msk [tilespmem:v47+s18+$0x0], $0xffff;
	_ =	sdelay $0x1  }
0x27f: {  	v9 =	vadd.f32 v48, v9;
	v10 =	vmul.f32 v10, v44;
	_ =	sdelay $0x1  }
0x280: {  	v50 =	vor.u32 s9, v3;
	v9 =	vadd.f32 v10, v9  }
0x281: {  	v11 =	vadd.f32 v49, v11;
	v12 =	vmul.f32 v12, v45  }
0x282: {  	[tilespmem:s6+$0xFFFFFE90] =	vst v9  }
0x283: {  	v51 =	vor.u32 s16, v3;
	v9 =	vld [tilespmem:s10+$0x20];
	v11 =	vadd.f32 v12, v11  }
0x284: {  	v52 =	vld [tilespmem:s23+$0xA820]  }
0x285: {  	v10 =	vld.idx.msk [tilespmem:v50+s18+$0x0], $0xffff;
	[tilespmem:s6+$0x290] =	vst v11  }
0x286: {  	v11 =	vld [tilespmem:s25+$0x20]  }
0x287: {  	v53 =	vld [tilespmem:s26+$0xA820]  }
0x288: {  	v12 =	vld.idx.msk [tilespmem:v51+s18+$0x0], $0xffff;
	_ =	sdelay $0x1  }
0x289: {  	v9 =	vadd.f32 v52, v9;
	v10 =	vmul.f32 v10, v44;
	_ =	sdelay $0x1  }
0x28a: {  	v54 =	vor.u32 s9, v4;
	v9 =	vadd.f32 v10, v9  }
0x28b: {  	v11 =	vadd.f32 v53, v11;
	v12 =	vmul.f32 v12, v45  }
0x28c: {  	(v2sf) =	vpush v8, $0xB;
	[tilespmem:s6+$0xFFFFFEA0] =	vst v9  }
0x28d: {  	v55 =	vor.u32 s16, v4;
	(v2sf) =	vpush v7, $0xB;
	v9 =	vld [tilespmem:s10+$0x30];
	v11 =	vadd.f32 v12, v11  }
0x28e: {  	v56 =	vld [tilespmem:s23+$0xA830]  }
0x28f: {  	v10 =	vld.idx.msk [tilespmem:v54+s18+$0x0], $0xffff;
	[tilespmem:s6+$0x2A0] =	vst v11  }
0x290: {  	v11 =	vld [tilespmem:s25+$0x30]  }
0x291: {  	v57 =	vld [tilespmem:s26+$0xA830]  }
0x292: {  	v12 =	vld.idx.msk [tilespmem:v55+s18+$0x0], $0xffff;
	_ =	sdelay $0x1  }
0x293: {  	v9 =	vadd.f32 v56, v9;
	v10 =	vmul.f32 v10, v44  }
0x294: {  	s4 =	sadd.s32 $0xFFFFF600, s11  }
0x295: {  	v58 =	vor.u32 s4, v1;
	v9 =	vadd.f32 v10, v9  }
0x296: {  	v11 =	vadd.f32 v57, v11;
	v12 =	vmul.f32 v12, v45  }
0x297: {  	s7 =	sadd.s32 $0xFFFFFE00, s11;
	[tilespmem:s6+$0xFFFFFEB0] =	vst v9  }
0x298: {  	v59 =	vor.u32 s7, v1;
	v9 =	vld [tilespmem:s21+$0x0];
	v11 =	vadd.f32 v12, v11  }
0x299: {  	v60 =	vld [tilespmem:s3+$0xA800]  }
0x29a: {  	s8 =	spop (v2sf);
	v10 =	vld.idx.msk [tilespmem:v58+s18+$0x0], $0xffff;
	[tilespmem:s6+$0x2B0] =	vst v11  }
0x29b: {  	s13 =	spop (v2sf);
	v11 =	vld [tilespmem:s8+$0x0]  }
0x29c: {  	v61 =	vld [tilespmem:s13+$0xA800]  }
0x29d: {  	v62 =	vbroadcast v5, $0xB;
	v12 =	vld.idx.msk [tilespmem:v59+s18+$0x0], $0xffff;
	_ =	sdelay $0x1  }
0x29e: {  	v9 =	vadd.f32 v60, v9;
	v10 =	vmul.f32 v10, v62  }
0x29f: {  	v63 =	vbroadcast v6, $0xB  }
0x2a0: {  	v19 =	vor.u32 s4, v2;
	v9 =	vadd.f32 v10, v9  }
0x2a1: {  	v11 =	vadd.f32 v61, v11;
	v12 =	vmul.f32 v12, v63  }
0x2a2: {  	[tilespmem:s6+$0xFFFFFEC0] =	vst v9  }
0x2a3: {  	v20 =	vor.u32 s7, v2;
	v9 =	vld [tilespmem:s21+$0x10];
	v11 =	vadd.f32 v12, v11  }
0x2a4: {  	v21 =	vld [tilespmem:s3+$0xA810]  }
0x2a5: {  	v10 =	vld.idx.msk [tilespmem:v19+s18+$0x0], $0xffff;
	[tilespmem:s6+$0x2C0] =	vst v11  }
0x2a6: {  	v11 =	vld [tilespmem:s8+$0x10]  }
0x2a7: {  	v22 =	vld [tilespmem:s13+$0xA810]  }
0x2a8: {  	v12 =	vld.idx.msk [tilespmem:v20+s18+$0x0], $0xffff;
	_ =	sdelay $0x1  }
0x2a9: {  	v9 =	vadd.f32 v21, v9;
	v10 =	vmul.f32 v10, v62;
	_ =	sdelay $0x1  }
0x2aa: {  	s14 =	sadd.s32 $0xFFFFFB00, s5;
	v23 =	vor.u32 s4, v3;
	v9 =	vadd.f32 v10, v9  }
0x2ab: {  	s15 =	sor.u32 $0x50, s14;
	v11 =	vadd.f32 v22, v11;
	v12 =	vmul.f32 v12, v63  }
0x2ac: {  	[tilespmem:s15+$0x18B00] =	vst v9  }
0x2ad: {  	s16 =	sadd.s32 $0xFFFFFF00, s5;
	v24 =	vor.u32 s7, v3;
	v9 =	vld [tilespmem:s21+$0x20];
	v11 =	vadd.f32 v12, v11  }
0x2ae: {  	s19 =	sor.u32 $0x50, s16;
	v25 =	vld [tilespmem:s3+$0xA820]  }
0x2af: {  	v10 =	vld.idx.msk [tilespmem:v23+s18+$0x0], $0xffff;
	[tilespmem:s19+$0x18B00] =	vst v11  }
0x2b0: {  	v11 =	vld [tilespmem:s8+$0x20]  }
0x2b1: {  	v26 =	vld [tilespmem:s13+$0xA820]  }
0x2b2: {  	v12 =	vld.idx.msk [tilespmem:v24+s18+$0x0], $0xffff;
	_ =	sdelay $0x1  }
0x2b3: {  	v9 =	vadd.f32 v25, v9;
	v10 =	vmul.f32 v10, v62;
	_ =	sdelay $0x1  }
0x2b4: {  	v27 =	vor.u32 s4, v4;
	v9 =	vadd.f32 v10, v9  }
0x2b5: {  	s23 =	sor.u32 $0x60, s14;
	v11 =	vadd.f32 v26, v11;
	v12 =	vmul.f32 v12, v63  }
0x2b6: {  	(v2sf) =	vpush v8, $0xC;
	[tilespmem:s23+$0x18B00] =	vst v9  }
0x2b7: {  	v28 =	vor.u32 s7, v4;
	(v2sf) =	vpush v7, $0xC;
	v9 =	vld [tilespmem:s21+$0x30];
	v11 =	vadd.f32 v12, v11  }
0x2b8: {  	s25 =	sor.u32 $0x60, s16;
	v29 =	vld [tilespmem:s3+$0xA830]  }
0x2b9: {  	v10 =	vld.idx.msk [tilespmem:v27+s18+$0x0], $0xffff;
	[tilespmem:s25+$0x18B00] =	vst v11  }
0x2ba: {  	v11 =	vld [tilespmem:s8+$0x30]  }
0x2bb: {  	v30 =	vld [tilespmem:s13+$0xA830]  }
0x2bc: {  	v14 =	vld.idx.msk [tilespmem:v28+s18+$0x0], $0xffff;
	_ =	sdelay $0x1  }
0x2bd: {  	v9 =	vadd.f32 v29, v9;
	v10 =	vmul.f32 v10, v62  }
0x2be: {  	s26 =	sadd.s32 $0xFFFFF680, s11  }
0x2bf: {  	v31 =	vor.u32 s26, v1;
	v9 =	vadd.f32 v10, v9  }
0x2c0: {  	s3 =	sor.u32 $0x70, s14;
	v11 =	vadd.f32 v30, v11;
	v32 =	vmul.f32 v14, v63  }
0x2c1: {  	s4 =	sadd.s32 $0xFFFFFE80, s11;
	[tilespmem:s3+$0x18B00] =	vst v9  }
0x2c2: {  	v33 =	vor.u32 s4, v1;
	v9 =	vld [tilespmem:s2+$0x0];
	v11 =	vadd.f32 v32, v11  }
0x2c3: {  	s7 =	sor.u32 $0x70, s16;
	v34 =	vld [tilespmem:s17+$0xA800]  }
0x2c4: {  	s8 =	spop (v2sf);
	v10 =	vld.idx.msk [tilespmem:v31+s18+$0x0], $0xffff;
	[tilespmem:s7+$0x18B00] =	vst v11  }
0x2c5: {  	s9 =	spop (v2sf);
	v11 =	vld [tilespmem:s8+$0x0]  }
0x2c6: {  	v35 =	vld [tilespmem:s9+$0xA800]  }
0x2c7: {  	v36 =	vbroadcast v5, $0xC;
	v12 =	vld.idx.msk [tilespmem:v33+s18+$0x0], $0xffff;
	_ =	sdelay $0x1  }
0x2c8: {  	v9 =	vadd.f32 v34, v9;
	v10 =	vmul.f32 v10, v36  }
0x2c9: {  	v37 =	vbroadcast v6, $0xC  }
0x2ca: {  	v38 =	vor.u32 s26, v2;
	v9 =	vadd.f32 v10, v9  }
0x2cb: {  	v11 =	vadd.f32 v35, v11;
	v12 =	vmul.f32 v12, v37  }
0x2cc: {  	[tilespmem:s6+$0xFFFFFF00] =	vst v9  }
0x2cd: {  	v39 =	vor.u32 s4, v2;
	v9 =	vld [tilespmem:s2+$0x10];
	v11 =	vadd.f32 v12, v11  }
0x2ce: {  	v40 =	vld [tilespmem:s17+$0xA810]  }
0x2cf: {  	v10 =	vld.idx.msk [tilespmem:v38+s18+$0x0], $0xffff;
	[tilespmem:s6+$0x300] =	vst v11  }
0x2d0: {  	v11 =	vld [tilespmem:s8+$0x10]  }
0x2d1: {  	v41 =	vld [tilespmem:s9+$0xA810]  }
0x2d2: {  	v12 =	vld.idx.msk [tilespmem:v39+s18+$0x0], $0xffff;
	_ =	sdelay $0x1  }
0x2d3: {  	v9 =	vadd.f32 v40, v9;
	v10 =	vmul.f32 v10, v36;
	_ =	sdelay $0x1  }
0x2d4: {  	v42 =	vor.u32 s26, v3;
	v9 =	vadd.f32 v10, v9  }
0x2d5: {  	v11 =	vadd.f32 v41, v11;
	v12 =	vmul.f32 v12, v37  }
0x2d6: {  	[tilespmem:s6+$0xFFFFFF10] =	vst v9  }
0x2d7: {  	v43 =	vor.u32 s4, v3;
	v9 =	vld [tilespmem:s2+$0x20];
	v11 =	vadd.f32 v12, v11  }
0x2d8: {  	v44 =	vld [tilespmem:s17+$0xA820]  }
0x2d9: {  	v10 =	vld.idx.msk [tilespmem:v42+s18+$0x0], $0xffff;
	[tilespmem:s6+$0x310] =	vst v11  }
0x2da: {  	v11 =	vld [tilespmem:s8+$0x20]  }
0x2db: {  	v45 =	vld [tilespmem:s9+$0xA820]  }
0x2dc: {  	v12 =	vld.idx.msk [tilespmem:v43+s18+$0x0], $0xffff;
	_ =	sdelay $0x1  }
0x2dd: {  	v9 =	vadd.f32 v44, v9;
	v10 =	vmul.f32 v10, v36;
	_ =	sdelay $0x1  }
0x2de: {  	v46 =	vor.u32 s26, v4;
	v9 =	vadd.f32 v10, v9  }
0x2df: {  	v11 =	vadd.f32 v45, v11;
	v12 =	vmul.f32 v12, v37  }
0x2e0: {  	(v2sf) =	vpush v8, $0xD;
	[tilespmem:s6+$0xFFFFFF20] =	vst v9  }
0x2e1: {  	v47 =	vor.u32 s4, v4;
	(v2sf) =	vpush v7, $0xD;
	v9 =	vld [tilespmem:s2+$0x30];
	v11 =	vadd.f32 v12, v11  }
0x2e2: {  	v48 =	vld [tilespmem:s17+$0xA830]  }
0x2e3: {  	v10 =	vld.idx.msk [tilespmem:v46+s18+$0x0], $0xffff;
	[tilespmem:s6+$0x320] =	vst v11  }
0x2e4: {  	v11 =	vld [tilespmem:s8+$0x30]  }
0x2e5: {  	v49 =	vld [tilespmem:s9+$0xA830]  }
0x2e6: {  	v12 =	vld.idx.msk [tilespmem:v47+s18+$0x0], $0xffff;
	_ =	sdelay $0x1  }
0x2e7: {  	v9 =	vadd.f32 v48, v9;
	v10 =	vmul.f32 v10, v36  }
0x2e8: {  	s10 =	sadd.s32 $0xFFFFF700, s11  }
0x2e9: {  	v50 =	vor.u32 s10, v1;
	v9 =	vadd.f32 v10, v9  }
0x2ea: {  	v11 =	vadd.f32 v49, v11;
	v12 =	vmul.f32 v12, v37  }
0x2eb: {  	s13 =	sadd.s32 $0xFFFFFF00, s11;
	[tilespmem:s6+$0xFFFFFF30] =	vst v9  }
0x2ec: {  	v51 =	vor.u32 s13, v1;
	v9 =	vld [tilespmem:s24+$0x0];
	v11 =	vadd.f32 v12, v11  }
0x2ed: {  	v52 =	vld [tilespmem:s22+$0xA800]  }
0x2ee: {  	s14 =	spop (v2sf);
	v10 =	vld.idx.msk [tilespmem:v50+s18+$0x0], $0xffff;
	[tilespmem:s6+$0x330] =	vst v11  }
0x2ef: {  	s15 =	spop (v2sf);
	v11 =	vld [tilespmem:s14+$0x0]  }
0x2f0: {  	v53 =	vld [tilespmem:s15+$0xA800]  }
0x2f1: {  	v54 =	vbroadcast v5, $0xD;
	v12 =	vld.idx.msk [tilespmem:v51+s18+$0x0], $0xffff;
	_ =	sdelay $0x1  }
0x2f2: {  	v9 =	vadd.f32 v52, v9;
	v10 =	vmul.f32 v10, v54  }
0x2f3: {  	v55 =	vbroadcast v6, $0xD  }
0x2f4: {  	v56 =	vor.u32 s10, v2;
	v9 =	vadd.f32 v10, v9  }
0x2f5: {  	v11 =	vadd.f32 v53, v11;
	v12 =	vmul.f32 v12, v55  }
0x2f6: {  	[tilespmem:s6+$0xFFFFFF40] =	vst v9  }
0x2f7: {  	v57 =	vor.u32 s13, v2;
	v9 =	vld [tilespmem:s24+$0x10];
	v11 =	vadd.f32 v12, v11  }
0x2f8: {  	v58 =	vld [tilespmem:s22+$0xA810]  }
0x2f9: {  	v10 =	vld.idx.msk [tilespmem:v56+s18+$0x0], $0xffff;
	[tilespmem:s6+$0x340] =	vst v11  }
0x2fa: {  	v11 =	vld [tilespmem:s14+$0x10]  }
0x2fb: {  	v59 =	vld [tilespmem:s15+$0xA810]  }
0x2fc: {  	v12 =	vld.idx.msk [tilespmem:v57+s18+$0x0], $0xffff;
	_ =	sdelay $0x1  }
0x2fd: {  	v9 =	vadd.f32 v58, v9;
	v10 =	vmul.f32 v10, v54;
	_ =	sdelay $0x1  }
0x2fe: {  	s16 =	sadd.s32 $0xFFFFFB80, s5;
	v60 =	vor.u32 s10, v3;
	v9 =	vadd.f32 v10, v9  }
0x2ff: {  	s17 =	sor.u32 $0x50, s16;
	v11 =	vadd.f32 v59, v11;
	v12 =	vmul.f32 v12, v55  }
0x300: {  	[tilespmem:s17+$0x18B00] =	vst v9  }
0x301: {  	s19 =	sadd.s32 $0xFFFFFF80, s5;
	v61 =	vor.u32 s13, v3;
	v9 =	vld [tilespmem:s24+$0x20];
	v11 =	vadd.f32 v12, v11  }
0x302: {  	s21 =	sor.u32 $0x50, s19;
	v62 =	vld [tilespmem:s22+$0xA820]  }
0x303: {  	v10 =	vld.idx.msk [tilespmem:v60+s18+$0x0], $0xffff;
	[tilespmem:s21+$0x18B00] =	vst v11  }
0x304: {  	v11 =	vld [tilespmem:s14+$0x20]  }
0x305: {  	v63 =	vld [tilespmem:s15+$0xA820]  }
0x306: {  	v12 =	vld.idx.msk [tilespmem:v61+s18+$0x0], $0xffff;
	_ =	sdelay $0x1  }
0x307: {  	v9 =	vadd.f32 v62, v9;
	v10 =	vmul.f32 v10, v54;
	_ =	sdelay $0x1  }
0x308: {  	v19 =	vor.u32 s10, v4;
	v9 =	vadd.f32 v10, v9  }
0x309: {  	s23 =	sor.u32 $0x60, s16;
	v11 =	vadd.f32 v63, v11;
	v12 =	vmul.f32 v12, v55  }
0x30a: {  	(v2sf) =	vpush v8, $0xE;
	[tilespmem:s23+$0x18B00] =	vst v9  }
0x30b: {  	v20 =	vor.u32 s13, v4;
	(v2sf) =	vpush v7, $0xE;
	v9 =	vld [tilespmem:s24+$0x30];
	v11 =	vadd.f32 v12, v11  }
0x30c: {  	s25 =	sor.u32 $0x60, s19;
	v21 =	vld [tilespmem:s22+$0xA830]  }
0x30d: {  	v10 =	vld.idx.msk [tilespmem:v19+s18+$0x0], $0xffff;
	[tilespmem:s25+$0x18B00] =	vst v11  }
0x30e: {  	v11 =	vld [tilespmem:s14+$0x30]  }
0x30f: {  	v22 =	vld [tilespmem:s15+$0xA830]  }
0x310: {  	v14 =	vld.idx.msk [tilespmem:v20+s18+$0x0], $0xffff;
	_ =	sdelay $0x1  }
0x311: {  	v9 =	vadd.f32 v21, v9;
	v10 =	vmul.f32 v10, v54  }
0x312: {  	s26 =	sadd.s32 $0xFFFFF780, s11  }
0x313: {  	v23 =	vor.u32 s26, v1;
	v9 =	vadd.f32 v10, v9  }
0x314: {  	s2 =	sor.u32 $0x70, s16;
	v11 =	vadd.f32 v22, v11;
	v24 =	vmul.f32 v14, v55  }
0x315: {  	s3 =	sadd.s32 $0xFFFFFF80, s11;
	[tilespmem:s2+$0x18B00] =	vst v9  }
0x316: {  	v25 =	vor.u32 s3, v1;
	v9 =	vld [tilespmem:s12+$0x0];
	v11 =	vadd.f32 v24, v11  }
0x317: {  	s4 =	sor.u32 $0x70, s19;
	v26 =	vld [tilespmem:s28+$0xA800]  }
0x318: {  	s7 =	spop (v2sf);
	v10 =	vld.idx.msk [tilespmem:v23+s18+$0x0], $0xffff;
	[tilespmem:s4+$0x18B00] =	vst v11  }
0x319: {  	s8 =	spop (v2sf);
	v11 =	vld [tilespmem:s7+$0x0]  }
0x31a: {  	v27 =	vld [tilespmem:s8+$0xA800]  }
0x31b: {  	v28 =	vbroadcast v5, $0xE;
	v12 =	vld.idx.msk [tilespmem:v25+s18+$0x0], $0xffff;
	_ =	sdelay $0x1  }
0x31c: {  	v9 =	vadd.f32 v26, v9;
	v10 =	vmul.f32 v10, v28  }
0x31d: {  	v29 =	vbroadcast v6, $0xE  }
0x31e: {  	v30 =	vor.u32 s26, v2;
	v9 =	vadd.f32 v10, v9  }
0x31f: {  	v11 =	vadd.f32 v27, v11;
	v12 =	vmul.f32 v12, v29  }
0x320: {  	[tilespmem:s6+$0xFFFFFF80] =	vst v9  }
0x321: {  	v31 =	vor.u32 s3, v2;
	v9 =	vld [tilespmem:s12+$0x10];
	v11 =	vadd.f32 v12, v11  }
0x322: {  	v32 =	vld [tilespmem:s28+$0xA810]  }
0x323: {  	v10 =	vld.idx.msk [tilespmem:v30+s18+$0x0], $0xffff;
	[tilespmem:s6+$0x380] =	vst v11  }
0x324: {  	v11 =	vld [tilespmem:s7+$0x10]  }
0x325: {  	v33 =	vld [tilespmem:s8+$0xA810]  }
0x326: {  	v12 =	vld.idx.msk [tilespmem:v31+s18+$0x0], $0xffff;
	_ =	sdelay $0x1  }
0x327: {  	v9 =	vadd.f32 v32, v9;
	v10 =	vmul.f32 v10, v28;
	_ =	sdelay $0x1  }
0x328: {  	v34 =	vor.u32 s26, v3;
	v9 =	vadd.f32 v10, v9  }
0x329: {  	v11 =	vadd.f32 v33, v11;
	v12 =	vmul.f32 v12, v29  }
0x32a: {  	[tilespmem:s6+$0xFFFFFF90] =	vst v9  }
0x32b: {  	v35 =	vor.u32 s3, v3;
	v9 =	vld [tilespmem:s12+$0x20];
	v11 =	vadd.f32 v12, v11  }
0x32c: {  	v36 =	vld [tilespmem:s28+$0xA820]  }
0x32d: {  	v10 =	vld.idx.msk [tilespmem:v34+s18+$0x0], $0xffff;
	[tilespmem:s6+$0x390] =	vst v11  }
0x32e: {  	v11 =	vld [tilespmem:s7+$0x20]  }
0x32f: {  	v37 =	vld [tilespmem:s8+$0xA820]  }
0x330: {  	v12 =	vld.idx.msk [tilespmem:v35+s18+$0x0], $0xffff;
	_ =	sdelay $0x1  }
0x331: {  	v9 =	vadd.f32 v36, v9;
	v10 =	vmul.f32 v10, v28;
	_ =	sdelay $0x1  }
0x332: {  	v38 =	vor.u32 s26, v4;
	v9 =	vadd.f32 v10, v9  }
0x333: {  	v39 =	vadd.f32 v37, v11;
	v40 =	vmul.f32 v12, v29  }
0x334: {  	(v2sf) =	vpush v8, $0xF;
	[tilespmem:s6+$0xFFFFFFA0] =	vst v9  }
0x335: {  	v43 =	vor.u32 s3, v4;
	(v2sf) =	vpush v7, $0xF;
	v41 =	vld [tilespmem:s12+$0x30];
	v42 =	vadd.f32 v40, v39  }
0x336: {  	v7 =	vld [tilespmem:s28+$0xA830]  }
0x337: {  	v44 =	vld.idx.msk [tilespmem:v38+s18+$0x0], $0xffff;
	[tilespmem:s6+$0x3A0] =	vst v42  }
0x338: {  	v9 =	vld [tilespmem:s7+$0x30]  }
0x339: {  	v45 =	vld [tilespmem:s8+$0xA830]  }
0x33a: {  	v10 =	vld.idx.msk [tilespmem:v43+s18+$0x0], $0xffff;
	_ =	sdelay $0x1  }
0x33b: {  	v7 =	vadd.f32 v7, v41;
	v46 =	vmul.f32 v44, v28  }
0x33c: {  	s9 =	sadd.s32 $0xFFFFF800, s11  }
0x33d: {  	v47 =	vor.u32 s9, v1;
	v7 =	vadd.f32 v46, v7  }
0x33e: {  	v9 =	vadd.f32 v45, v9;
	v10 =	vmul.f32 v10, v29  }
0x33f: {  	s10 =	rddreg [dreg:$0x1b];
	[tilespmem:s6+$0xFFFFFFB0] =	vst v7  }
0x340: {  	v48 =	vor.u32 s11, v1;
	s12 =	rddreg [dreg:$0x19];
	v7 =	vld [tilespmem:s10+$0x0];
	v9 =	vadd.f32 v10, v9  }
0x341: {  	v49 =	vld [tilespmem:s12+$0xA800]  }
0x342: {  	s13 =	spop (v2sf);
	v8 =	vld.idx.msk [tilespmem:v47+s18+$0x0], $0xffff;
	[tilespmem:s6+$0x3B0] =	vst v9  }
0x343: {  	s14 =	spop (v2sf);
	v9 =	vld [tilespmem:s13+$0x0]  }
0x344: {  	v50 =	vld [tilespmem:s14+$0xA800]  }
0x345: {  	v5 =	vbroadcast v5, $0xF;
	v10 =	vld.idx.msk [tilespmem:v48+s18+$0x0], $0xffff;
	_ =	sdelay $0x1  }
0x346: {  	v7 =	vadd.f32 v49, v7;
	v8 =	vmul.f32 v8, v5  }
0x347: {  	v6 =	vbroadcast v6, $0xF  }
0x348: {  	v51 =	vor.u32 s9, v2;
	v7 =	vadd.f32 v8, v7  }
0x349: {  	v9 =	vadd.f32 v50, v9;
	v10 =	vmul.f32 v10, v6  }
0x34a: {  	[tilespmem:s6+$0xFFFFFFC0] =	vst v7  }
0x34b: {  	v52 =	vor.u32 s11, v2;
	v7 =	vld [tilespmem:s10+$0x10];
	v9 =	vadd.f32 v10, v9  }
0x34c: {  	v53 =	vld [tilespmem:s12+$0xA810]  }
0x34d: {  	v8 =	vld.idx.msk [tilespmem:v51+s18+$0x0], $0xffff;
	[tilespmem:s6+$0x3C0] =	vst v9  }
0x34e: {  	v9 =	vld [tilespmem:s13+$0x10]  }
0x34f: {  	v54 =	vld [tilespmem:s14+$0xA810]  }
0x350: {  	v10 =	vld.idx.msk [tilespmem:v52+s18+$0x0], $0xffff;
	_ =	sdelay $0x1  }
0x351: {  	v7 =	vadd.f32 v53, v7;
	v8 =	vmul.f32 v8, v5;
	_ =	sdelay $0x1  }
0x352: {  	s17 =	sadd.s32 $0xFFFFFC00, s5;
	v55 =	vor.u32 s9, v3;
	v7 =	vadd.f32 v8, v7  }
0x353: {  	s19 =	sor.u32 $0x50, s17;
	v9 =	vadd.f32 v54, v9;
	v10 =	vmul.f32 v10, v6  }
0x354: {  	s15 =	smov.u32 s10;
	[tilespmem:s19+$0x18B00] =	vst v7  }
0x355: {  	v56 =	vor.u32 s11, v3;
	s16 =	smov.u32 s12;
	v7 =	vld [tilespmem:s15+$0x20];
	v9 =	vadd.f32 v10, v9  }
0x356: {  	s21 =	sor.u32 $0x50, s5;
	v57 =	vld [tilespmem:s16+$0xA820]  }
0x357: {  	v8 =	vld.idx.msk [tilespmem:v55+s18+$0x0], $0xffff;
	[tilespmem:s21+$0x18B00] =	vst v9  }
0x358: {  	v9 =	vld [tilespmem:s13+$0x20]  }
0x359: {  	v58 =	vld [tilespmem:s14+$0xA820]  }
0x35a: {  	v10 =	vld.idx.msk [tilespmem:v56+s18+$0x0], $0xffff;
	_ =	sdelay $0x1  }
0x35b: {  	v7 =	vadd.f32 v57, v7;
	v8 =	vmul.f32 v8, v5;
	_ =	sdelay $0x1  }
0x35c: {  	v59 =	vor.u32 s9, v4;
	v7 =	vadd.f32 v8, v7  }
0x35d: {  	s22 =	sor.u32 $0x60, s17;
	v9 =	vadd.f32 v58, v9;
	v10 =	vmul.f32 v10, v6  }
0x35e: {  	[tilespmem:s22+$0x18B00] =	vst v7  }
0x35f: {  	v60 =	vor.u32 s11, v4;
	v7 =	vld [tilespmem:s15+$0x30];
	v9 =	vadd.f32 v10, v9  }
0x360: {  	s23 =	sor.u32 $0x60, s5;
	v61 =	vld [tilespmem:s16+$0xA830]  }
0x361: {  	v8 =	vld.idx.msk [tilespmem:v59+s18+$0x0], $0xffff;
	[tilespmem:s23+$0x18B00] =	vst v9  }
0x362: {  	v9 =	vld [tilespmem:s13+$0x30]  }
0x363: {  	v62 =	vld [tilespmem:s14+$0xA830]  }
0x364: {  	v10 =	vld.idx.msk [tilespmem:v60+s18+$0x0], $0xffff;
	_ =	sdelay $0x1  }
0x365: {  	s24 =	rddreg [dreg:$0x15]  }
0x366: {  	s2 =	sadd.s32 $0x2, s24  }
0x367: {  	p1 =	slt.u32 s2, $0x6;
	v7 =	vadd.f32 v61, v7;
	v5 =	vmul.f32 v8, v5  }
.Ltmp2:
0x368: {  	v63 =	vadd.f32 v62, v9;
	v6 =	vmul.f32 v10, v6;
	(pc) =	sbr.rel @p1 .LBB2_3-.Ltmp2, $4  }
0x369: {  	v5 =	vadd.f32 v5, v7  }
0x36a: {  	s29 =	sadd.s32 $0x20, s29;
	s30 =	sadd.s32 $0x20, s30;
	s25 =	sor.u32 $0x70, s17;
	v6 =	vadd.f32 v6, v63  }
0x36b: {  	s31 =	sadd.s32 $0x20, s31;
	s26 =	rddreg [dreg:$0x17];
	s28 =	sor.u32 $0x70, s5;
	[tilespmem:s25+$0x18B00] =	vst v5  }
0x36c: {  	s3 =	sadd.s32 $0x20, s26;
	s5 =	sadd.s32 $0x800, s5;
	s6 =	sadd.s32 $0x800, s6;
	[tilespmem:s28+$0x18B00] =	vst v6  }
0x36d: {  	s3 =	rddreg [dreg:$0x12]  }
0x36e: {  	s1 =	rddreg [dreg:$0x9];
	s0 =	sshll.u32 s3, $0xE  }
0x36f: {  	s0 =	sadd.s32 s1, s0  }
0x370: {  	s24 =	rddreg [dreg:$0x1];
	s25 =	simm.s32 $0x0;
	s0 =	sshrl.u32 s0, $0x3  }
0x371: {  	s2 =	simm.s32 $0x18B00;
	p1 =	seq.s32 s3, $0x18;
	s0 =	sadd.s32 s24, s0  }
0x372: {  	[hbm4b:s0+s25] =	stream.linear.scatter [tilespmem:s2], [sflag:$0x3], $0x2000, $0x38;
	[tilespmem:$0x1CB00] =	vst v63  }
0x373: {  	s0 =	sshll.u32 @!p1 s3, $0x8  }
0x374: {  	s26 =	simm.s32 $0x2;
	s1 =	simm.s32 @!p1 $0x80;
	s0 =	sand.u32 @!p1 $0x3FFFFF00, s0  }
0x375: {  	s2 =	simm.s32 @!p1 $0x10B00;
	s3 =	rddreg [dreg:$0x3];
	s0 =	sadd.s32 @!p1 $0xC100, s0  }
0x376: {  	[tilespmem:s2], [sflag:$0x1] =	stream.indirect.gather @!p1 [hbm4b:s3+s1], $0x80, s0, s1, $0xb8;
	[tilespmem:$0x1CB00] =	vst v63  }
0x377: {  	_ =	swait.ge [sflag:s26], $0x4000  }
0x378: {  	[sflag:s26] =	ssyncset.done $0x0  }
0x379: {  	s0 =	simm.s32 @!p0 $0x4;
	[sflag:s26] =	ssyncadd.s32 $0xFFFFC000  }
0x37a: {  	_ =	swait.ge @!p0 [sflag:s0], $0x2000  }
0x37b: {  	s28 =	rddreg [dreg:$0x13]  }
0x37c: {  	s5 =	simm.s32 $0x7C0;
	s31 =	rddreg [dreg:$0x11]  }
0x37d: {  	s6 =	simm.s32 $0x1AF00;
	s2 =	simm.s32 $0xFFFFFFFE;
	s30 =	rddreg [dreg:$0x10]  }
0x37e: {  	[sflag:s0] =	ssyncset.done @!p0 $0x0;
	s29 =	rddreg [dreg:$0xf];
	s1 =	sor.u32 $0x1, s28  }
0x37f: {  	s3 =	simm.s32 $0x1F;
	[sflag:s0] =	ssyncadd.s32 @!p0 $0xFFFFE000;
	[dreg:$0x14] =	wrdreg s1  }
.LBB2_5:
0x380: {  	v5 =	vld [tilespmem:s31+$0xFFFFFFF0]  }
0x381: {  	v6 =	vld [tilespmem:s30+$0xFFFFFFF0];
	_ =	sdelay $0x3  }
0x382: {  	v7 =	vshll.u32 v5, $0x6  }
0x383: {  	v6 =	vshll.u32 v6, $0x6;
	(v2sf) =	vpush v7, $0x0  }
0x384: {  	(v2sf) =	vpush v6, $0x0;
	_ =	sdelay $0x6  }
0x385: {  	s11 =	sshll.u32 s3, $0x7  }
0x386: {  	s0 =	sadd.s32 $0xFFFFF080, s11  }
0x387: {  	v5 =	vor.u32 s0, v1;
	_ =	sdelay $0x2  }
0x388: {  	v8 =	vld [tilespmem:s29+$0xFFFFFFF0];
	_ =	sdelay $0x1  }
0x389: {  	v11 =	vld.idx.msk [tilespmem:v5+s20+$0x0], $0xffff;
	s1 =	spop (v2sf)  }
0x38a: {  	s12 =	spop (v2sf);
	v9 =	vld [tilespmem:s1+$0x0]  }
0x38b: {  	v10 =	vld [tilespmem:s12+$0xA800]  }
0x38c: {  	vm0 =	veq.s32 v8, $0x0  }
0x38d: {  	v5 =	vsel vm0, $0x0, v0  }
0x38e: {  	v49 =	vbroadcast v5, $0x0;
	_ =	sdelay $0x1  }
0x38f: {  	v50 =	vmul.f32 v49, v11;
	v9 =	vadd.f32 v10, v9;
	_ =	sdelay $0x1  }
0x390: {  	v51 =	vor.u32 s0, v2;
	v9 =	vadd.f32 v50, v9;
	_ =	sdelay $0x1  }
0x391: {  	[tilespmem:s6+$0xFFFFFC00] =	vst v9  }
0x392: {  	v9 =	vld [tilespmem:s1+$0x10]  }
0x393: {  	v52 =	vld [tilespmem:s12+$0xA810]  }
0x394: {  	v10 =	vld.idx.msk [tilespmem:v51+s20+$0x0], $0xffff;
	_ =	sdelay $0x4  }
0x395: {  	v9 =	vadd.f32 v52, v9;
	v10 =	vmul.f32 v10, v49;
	_ =	sdelay $0x1  }
0x396: {  	v53 =	vor.u32 s0, v3;
	v9 =	vadd.f32 v10, v9;
	_ =	sdelay $0x1  }
0x397: {  	[tilespmem:s6+$0xFFFFFC10] =	vst v9  }
0x398: {  	v9 =	vld [tilespmem:s1+$0x20]  }
0x399: {  	v54 =	vld [tilespmem:s12+$0xA820]  }
0x39a: {  	v10 =	vld.idx.msk [tilespmem:v53+s20+$0x0], $0xffff;
	_ =	sdelay $0x4  }
0x39b: {  	v9 =	vadd.f32 v54, v9;
	v10 =	vmul.f32 v10, v49  }
0x39c: {  	(v2sf) =	vpush v7, $0x1  }
0x39d: {  	v55 =	vor.u32 s0, v4;
	(v2sf) =	vpush v6, $0x1;
	v9 =	vadd.f32 v10, v9;
	_ =	sdelay $0x1  }
0x39e: {  	[tilespmem:s6+$0xFFFFFC20] =	vst v9  }
0x39f: {  	v9 =	vld [tilespmem:s1+$0x30]  }
0x3a0: {  	v56 =	vld [tilespmem:s12+$0xA830]  }
0x3a1: {  	v10 =	vld.idx.msk [tilespmem:v55+s20+$0x0], $0xffff;
	_ =	sdelay $0x4  }
0x3a2: {  	v9 =	vadd.f32 v56, v9;
	v8 =	vmul.f32 v10, v49  }
0x3a3: {  	s13 =	sadd.s32 $0xFFFFF100, s11  }
0x3a4: {  	v57 =	vor.u32 s13, v1;
	v8 =	vadd.f32 v8, v9;
	_ =	sdelay $0x1  }
0x3a5: {  	s14 =	spop (v2sf);
	[tilespmem:s6+$0xFFFFFC30] =	vst v8  }
0x3a6: {  	s15 =	spop (v2sf);
	v8 =	vld [tilespmem:s14+$0x0]  }
0x3a7: {  	v58 =	vld [tilespmem:s15+$0xA800]  }
0x3a8: {  	v9 =	vld.idx.msk [tilespmem:v57+s20+$0x0], $0xffff;
	_ =	sdelay $0x2  }
0x3a9: {  	v59 =	vbroadcast v5, $0x1;
	_ =	sdelay $0x1  }
0x3aa: {  	v8 =	vadd.f32 v58, v8;
	v9 =	vmul.f32 v9, v59;
	_ =	sdelay $0x1  }
0x3ab: {  	v60 =	vor.u32 s13, v2;
	v8 =	vadd.f32 v9, v8;
	_ =	sdelay $0x1  }
0x3ac: {  	[tilespmem:s6+$0xFFFFFC40] =	vst v8  }
0x3ad: {  	v8 =	vld [tilespmem:s14+$0x10]  }
0x3ae: {  	v61 =	vld [tilespmem:s15+$0xA810]  }
0x3af: {  	v9 =	vld.idx.msk [tilespmem:v60+s20+$0x0], $0xffff;
	_ =	sdelay $0x4  }
0x3b0: {  	v8 =	vadd.f32 v61, v8;
	v9 =	vmul.f32 v9, v59;
	_ =	sdelay $0x1  }
0x3b1: {  	s16 =	sadd.s32 $0xFFFFF880, s5;
	v62 =	vor.u32 s13, v3;
	v8 =	vadd.f32 v9, v8  }
0x3b2: {  	s4 =	sor.u32 $0x50, s16  }
0x3b3: {  	[tilespmem:s4+$0x1AB00] =	vst v8  }
0x3b4: {  	v8 =	vld [tilespmem:s14+$0x20]  }
0x3b5: {  	v63 =	vld [tilespmem:s15+$0xA820]  }
0x3b6: {  	v9 =	vld.idx.msk [tilespmem:v62+s20+$0x0], $0xffff;
	_ =	sdelay $0x4  }
0x3b7: {  	v8 =	vadd.f32 v63, v8;
	v9 =	vmul.f32 v9, v59  }
0x3b8: {  	(v2sf) =	vpush v7, $0x2  }
0x3b9: {  	v12 =	vor.u32 s13, v4;
	(v2sf) =	vpush v6, $0x2;
	v8 =	vadd.f32 v9, v8  }
0x3ba: {  	s17 =	sor.u32 $0x60, s16  }
0x3bb: {  	[tilespmem:s17+$0x1AB00] =	vst v8  }
0x3bc: {  	v8 =	vld [tilespmem:s14+$0x30]  }
0x3bd: {  	v13 =	vld [tilespmem:s15+$0xA830]  }
0x3be: {  	v9 =	vld.idx.msk [tilespmem:v12+s20+$0x0], $0xffff;
	_ =	sdelay $0x4  }
0x3bf: {  	v8 =	vadd.f32 v13, v8;
	v9 =	vmul.f32 v9, v59  }
0x3c0: {  	s19 =	sadd.s32 $0xFFFFF180, s11  }
0x3c1: {  	v14 =	vor.u32 s19, v1;
	v8 =	vadd.f32 v9, v8  }
0x3c2: {  	s21 =	sor.u32 $0x70, s16  }
0x3c3: {  	s22 =	spop (v2sf);
	[tilespmem:s21+$0x1AB00] =	vst v8  }
0x3c4: {  	s23 =	spop (v2sf);
	v8 =	vld [tilespmem:s22+$0x0]  }
0x3c5: {  	v15 =	vld [tilespmem:s23+$0xA800]  }
0x3c6: {  	v9 =	vld.idx.msk [tilespmem:v14+s20+$0x0], $0xffff;
	_ =	sdelay $0x2  }
0x3c7: {  	v16 =	vbroadcast v5, $0x2;
	_ =	sdelay $0x1  }
0x3c8: {  	v8 =	vadd.f32 v15, v8;
	v9 =	vmul.f32 v9, v16;
	_ =	sdelay $0x1  }
0x3c9: {  	v17 =	vor.u32 s19, v2;
	v8 =	vadd.f32 v9, v8;
	_ =	sdelay $0x1  }
0x3ca: {  	[tilespmem:s6+$0xFFFFFC80] =	vst v8  }
0x3cb: {  	v8 =	vld [tilespmem:s22+$0x10]  }
0x3cc: {  	v18 =	vld [tilespmem:s23+$0xA810]  }
0x3cd: {  	v9 =	vld.idx.msk [tilespmem:v17+s20+$0x0], $0xffff;
	_ =	sdelay $0x4  }
0x3ce: {  	v8 =	vadd.f32 v18, v8;
	v9 =	vmul.f32 v9, v16;
	_ =	sdelay $0x1  }
0x3cf: {  	v19 =	vor.u32 s19, v3;
	v8 =	vadd.f32 v9, v8;
	_ =	sdelay $0x1  }
0x3d0: {  	[tilespmem:s6+$0xFFFFFC90] =	vst v8  }
0x3d1: {  	v8 =	vld [tilespmem:s22+$0x20]  }
0x3d2: {  	v20 =	vld [tilespmem:s23+$0xA820]  }
0x3d3: {  	v9 =	vld.idx.msk [tilespmem:v19+s20+$0x0], $0xffff;
	_ =	sdelay $0x4  }
0x3d4: {  	v8 =	vadd.f32 v20, v8;
	v9 =	vmul.f32 v9, v16  }
0x3d5: {  	(v2sf) =	vpush v7, $0x3  }
0x3d6: {  	v21 =	vor.u32 s19, v4;
	(v2sf) =	vpush v6, $0x3;
	v8 =	vadd.f32 v9, v8;
	_ =	sdelay $0x1  }
0x3d7: {  	[tilespmem:s6+$0xFFFFFCA0] =	vst v8  }
0x3d8: {  	v8 =	vld [tilespmem:s22+$0x30]  }
0x3d9: {  	v22 =	vld [tilespmem:s23+$0xA830]  }
0x3da: {  	v9 =	vld.idx.msk [tilespmem:v21+s20+$0x0], $0xffff;
	_ =	sdelay $0x4  }
0x3db: {  	v8 =	vadd.f32 v22, v8;
	v9 =	vmul.f32 v9, v16  }
0x3dc: {  	s24 =	sadd.s32 $0xFFFFF200, s11  }
0x3dd: {  	v23 =	vor.u32 s24, v1;
	v8 =	vadd.f32 v9, v8;
	_ =	sdelay $0x1  }
0x3de: {  	s25 =	spop (v2sf);
	[tilespmem:s6+$0xFFFFFCB0] =	vst v8  }
0x3df: {  	s26 =	spop (v2sf);
	v8 =	vld [tilespmem:s25+$0x0]  }
0x3e0: {  	v24 =	vld [tilespmem:s26+$0xA800]  }
0x3e1: {  	v9 =	vld.idx.msk [tilespmem:v23+s20+$0x0], $0xffff;
	_ =	sdelay $0x2  }
0x3e2: {  	v25 =	vbroadcast v5, $0x3;
	_ =	sdelay $0x1  }
0x3e3: {  	v8 =	vadd.f32 v24, v8;
	v9 =	vmul.f32 v9, v25;
	_ =	sdelay $0x1  }
0x3e4: {  	v26 =	vor.u32 s24, v2;
	v8 =	vadd.f32 v9, v8;
	_ =	sdelay $0x1  }
0x3e5: {  	[tilespmem:s6+$0xFFFFFCC0] =	vst v8  }
0x3e6: {  	v8 =	vld [tilespmem:s25+$0x10]  }
0x3e7: {  	v27 =	vld [tilespmem:s26+$0xA810]  }
0x3e8: {  	v9 =	vld.idx.msk [tilespmem:v26+s20+$0x0], $0xffff;
	_ =	sdelay $0x4  }
0x3e9: {  	v8 =	vadd.f32 v27, v8;
	v9 =	vmul.f32 v9, v25;
	_ =	sdelay $0x1  }
0x3ea: {  	s28 =	sadd.s32 $0xFFFFF900, s5;
	v28 =	vor.u32 s24, v3;
	v8 =	vadd.f32 v9, v8  }
0x3eb: {  	s7 =	sor.u32 $0x50, s28  }
0x3ec: {  	[tilespmem:s7+$0x1AB00] =	vst v8  }
0x3ed: {  	v8 =	vld [tilespmem:s25+$0x20]  }
0x3ee: {  	v29 =	vld [tilespmem:s26+$0xA820]  }
0x3ef: {  	v9 =	vld.idx.msk [tilespmem:v28+s20+$0x0], $0xffff;
	_ =	sdelay $0x4  }
0x3f0: {  	v8 =	vadd.f32 v29, v8;
	v9 =	vmul.f32 v9, v25  }
0x3f1: {  	(v2sf) =	vpush v7, $0x4  }
0x3f2: {  	v30 =	vor.u32 s24, v4;
	(v2sf) =	vpush v6, $0x4;
	v8 =	vadd.f32 v9, v8  }
0x3f3: {  	s8 =	sor.u32 $0x60, s28  }
0x3f4: {  	[tilespmem:s8+$0x1AB00] =	vst v8  }
0x3f5: {  	v8 =	vld [tilespmem:s25+$0x30]  }
0x3f6: {  	v31 =	vld [tilespmem:s26+$0xA830]  }
0x3f7: {  	v9 =	vld.idx.msk [tilespmem:v30+s20+$0x0], $0xffff;
	_ =	sdelay $0x4  }
0x3f8: {  	v8 =	vadd.f32 v31, v8;
	v9 =	vmul.f32 v9, v25  }
0x3f9: {  	s9 =	sadd.s32 $0xFFFFF280, s11  }
0x3fa: {  	v32 =	vor.u32 s9, v1;
	v8 =	vadd.f32 v9, v8  }
0x3fb: {  	s10 =	sor.u32 $0x70, s28  }
0x3fc: {  	s12 =	spop (v2sf);
	[tilespmem:s10+$0x1AB00] =	vst v8  }
0x3fd: {  	s13 =	spop (v2sf);
	v8 =	vld [tilespmem:s12+$0x0]  }
0x3fe: {  	v33 =	vld [tilespmem:s13+$0xA800]  }
0x3ff: {  	v9 =	vld.idx.msk [tilespmem:v32+s20+$0x0], $0xffff;
	_ =	sdelay $0x2  }
0x400: {  	v34 =	vbroadcast v5, $0x4;
	_ =	sdelay $0x1  }
0x401: {  	v8 =	vadd.f32 v33, v8;
	v9 =	vmul.f32 v9, v34;
	_ =	sdelay $0x1  }
0x402: {  	v35 =	vor.u32 s9, v2;
	v8 =	vadd.f32 v9, v8;
	_ =	sdelay $0x1  }
0x403: {  	[tilespmem:s6+$0xFFFFFD00] =	vst v8  }
0x404: {  	v8 =	vld [tilespmem:s12+$0x10]  }
0x405: {  	v36 =	vld [tilespmem:s13+$0xA810]  }
0x406: {  	v9 =	vld.idx.msk [tilespmem:v35+s20+$0x0], $0xffff;
	_ =	sdelay $0x4  }
0x407: {  	v8 =	vadd.f32 v36, v8;
	v9 =	vmul.f32 v9, v34;
	_ =	sdelay $0x1  }
0x408: {  	v37 =	vor.u32 s9, v3;
	v8 =	vadd.f32 v9, v8;
	_ =	sdelay $0x1  }
0x409: {  	[tilespmem:s6+$0xFFFFFD10] =	vst v8  }
0x40a: {  	v8 =	vld [tilespmem:s12+$0x20]  }
0x40b: {  	v38 =	vld [tilespmem:s13+$0xA820]  }
0x40c: {  	v9 =	vld.idx.msk [tilespmem:v37+s20+$0x0], $0xffff;
	_ =	sdelay $0x4  }
0x40d: {  	v8 =	vadd.f32 v38, v8;
	v9 =	vmul.f32 v9, v34  }
0x40e: {  	(v2sf) =	vpush v7, $0x5  }
0x40f: {  	v39 =	vor.u32 s9, v4;
	(v2sf) =	vpush v6, $0x5;
	v8 =	vadd.f32 v9, v8;
	_ =	sdelay $0x1  }
0x410: {  	[tilespmem:s6+$0xFFFFFD20] =	vst v8  }
0x411: {  	v8 =	vld [tilespmem:s12+$0x30]  }
0x412: {  	v40 =	vld [tilespmem:s13+$0xA830]  }
0x413: {  	v9 =	vld.idx.msk [tilespmem:v39+s20+$0x0], $0xffff;
	_ =	sdelay $0x4  }
0x414: {  	v8 =	vadd.f32 v40, v8;
	v9 =	vmul.f32 v9, v34  }
0x415: {  	s14 =	sadd.s32 $0xFFFFF300, s11  }
0x416: {  	v41 =	vor.u32 s14, v1;
	v8 =	vadd.f32 v9, v8;
	_ =	sdelay $0x1  }
0x417: {  	s15 =	spop (v2sf);
	[tilespmem:s6+$0xFFFFFD30] =	vst v8  }
0x418: {  	s16 =	spop (v2sf);
	v8 =	vld [tilespmem:s15+$0x0]  }
0x419: {  	v42 =	vld [tilespmem:s16+$0xA800]  }
0x41a: {  	v9 =	vld.idx.msk [tilespmem:v41+s20+$0x0], $0xffff;
	_ =	sdelay $0x2  }
0x41b: {  	v43 =	vbroadcast v5, $0x5;
	_ =	sdelay $0x1  }
0x41c: {  	v8 =	vadd.f32 v42, v8;
	v9 =	vmul.f32 v9, v43;
	_ =	sdelay $0x1  }
0x41d: {  	v44 =	vor.u32 s14, v2;
	v8 =	vadd.f32 v9, v8;
	_ =	sdelay $0x1  }
0x41e: {  	[tilespmem:s6+$0xFFFFFD40] =	vst v8  }
0x41f: {  	v8 =	vld [tilespmem:s15+$0x10]  }
0x420: {  	v45 =	vld [tilespmem:s16+$0xA810]  }
0x421: {  	v9 =	vld.idx.msk [tilespmem:v44+s20+$0x0], $0xffff;
	_ =	sdelay $0x4  }
0x422: {  	v8 =	vadd.f32 v45, v8;
	v9 =	vmul.f32 v9, v43;
	_ =	sdelay $0x1  }
0x423: {  	s17 =	sadd.s32 $0xFFFFF980, s5;
	v46 =	vor.u32 s14, v3;
	v8 =	vadd.f32 v9, v8  }
0x424: {  	s19 =	sor.u32 $0x50, s17  }
0x425: {  	[tilespmem:s19+$0x1AB00] =	vst v8  }
0x426: {  	v8 =	vld [tilespmem:s15+$0x20]  }
0x427: {  	v47 =	vld [tilespmem:s16+$0xA820]  }
0x428: {  	v9 =	vld.idx.msk [tilespmem:v46+s20+$0x0], $0xffff;
	_ =	sdelay $0x4  }
0x429: {  	v8 =	vadd.f32 v47, v8;
	v9 =	vmul.f32 v9, v43  }
0x42a: {  	(v2sf) =	vpush v7, $0x6  }
0x42b: {  	(v2sf) =	vpush v6, $0x6;
	v48 =	vor.u32 s14, v4;
	v8 =	vadd.f32 v9, v8  }
0x42c: {  	s21 =	sor.u32 $0x60, s17  }
0x42d: {  	[tilespmem:s21+$0x1AB00] =	vst v8  }
0x42e: {  	v8 =	vld [tilespmem:s15+$0x30]  }
0x42f: {  	v49 =	vld [tilespmem:s16+$0xA830]  }
0x430: {  	v9 =	vld.idx.msk [tilespmem:v48+s20+$0x0], $0xffff;
	_ =	sdelay $0x4  }
0x431: {  	v8 =	vadd.f32 v49, v8;
	v9 =	vmul.f32 v9, v43  }
0x432: {  	s22 =	sadd.s32 $0xFFFFF380, s11  }
0x433: {  	v50 =	vor.u32 s22, v1;
	v8 =	vadd.f32 v9, v8  }
0x434: {  	s23 =	sor.u32 $0x70, s17  }
0x435: {  	s24 =	spop (v2sf);
	[tilespmem:s23+$0x1AB00] =	vst v8  }
0x436: {  	s25 =	spop (v2sf);
	v8 =	vld [tilespmem:s24+$0x0]  }
0x437: {  	v51 =	vld [tilespmem:s25+$0xA800]  }
0x438: {  	v9 =	vld.idx.msk [tilespmem:v50+s20+$0x0], $0xffff;
	_ =	sdelay $0x2  }
0x439: {  	v52 =	vbroadcast v5, $0x6;
	_ =	sdelay $0x1  }
0x43a: {  	v8 =	vadd.f32 v51, v8;
	v9 =	vmul.f32 v9, v52;
	_ =	sdelay $0x1  }
0x43b: {  	v53 =	vor.u32 s22, v2;
	v8 =	vadd.f32 v9, v8;
	_ =	sdelay $0x1  }
0x43c: {  	[tilespmem:s6+$0xFFFFFD80] =	vst v8  }
0x43d: {  	v8 =	vld [tilespmem:s24+$0x10]  }
0x43e: {  	v54 =	vld [tilespmem:s25+$0xA810]  }
0x43f: {  	v9 =	vld.idx.msk [tilespmem:v53+s20+$0x0], $0xffff;
	_ =	sdelay $0x4  }
0x440: {  	v8 =	vadd.f32 v54, v8;
	v9 =	vmul.f32 v9, v52;
	_ =	sdelay $0x1  }
0x441: {  	v55 =	vor.u32 s22, v3;
	v8 =	vadd.f32 v9, v8;
	_ =	sdelay $0x1  }
0x442: {  	[tilespmem:s6+$0xFFFFFD90] =	vst v8  }
0x443: {  	v8 =	vld [tilespmem:s24+$0x20]  }
0x444: {  	v56 =	vld [tilespmem:s25+$0xA820]  }
0x445: {  	v9 =	vld.idx.msk [tilespmem:v55+s20+$0x0], $0xffff;
	_ =	sdelay $0x4  }
0x446: {  	(v2sf) =	vpush v7, $0x7;
	v8 =	vadd.f32 v56, v8;
	v9 =	vmul.f32 v9, v52  }
0x447: {  	(v2sf) =	vpush v6, $0x7  }
0x448: {  	v57 =	vor.u32 s22, v4;
	v8 =	vadd.f32 v9, v8;
	_ =	sdelay $0x1  }
0x449: {  	[tilespmem:s6+$0xFFFFFDA0] =	vst v8  }
0x44a: {  	v8 =	vld [tilespmem:s24+$0x30]  }
0x44b: {  	v58 =	vld [tilespmem:s25+$0xA830]  }
0x44c: {  	v9 =	vld.idx.msk [tilespmem:v57+s20+$0x0], $0xffff;
	_ =	sdelay $0x4  }
0x44d: {  	(v2sf) =	vpush v7, $0x8;
	v8 =	vadd.f32 v58, v8;
	v9 =	vmul.f32 v9, v52  }
0x44e: {  	(v2sf) =	vpush v6, $0x8  }
0x44f: {  	(v2sf) =	vpush v7, $0x9;
	v8 =	vadd.f32 v9, v8  }
0x450: {  	[dreg:$0x18] =	wrdreg s3;
	(v2sf) =	vpush v6, $0x9;
	s1 =	spop (v2sf)  }
0x451: {  	[dreg:$0x16] =	wrdreg s2;
	(v2sf) =	vpush v7, $0xA;
	s0 =	spop (v2sf);
	[tilespmem:s6+$0xFFFFFDB0] =	vst v8  }
0x452: {  	(v2sf) =	vpush v6, $0xA  }
0x453: {  	(v2sf) =	vpush v7, $0xB  }
0x454: {  	(v2sf) =	vpush v6, $0xB  }
0x455: {  	(v2sf) =	vpush v7, $0xC  }
0x456: {  	(v2sf) =	vpush v6, $0xC  }
0x457: {  	v59 =	vld [tilespmem:s31+$0x0];
	(v2sf) =	vpush v7, $0xD  }
0x458: {  	v60 =	vld [tilespmem:s30+$0x0];
	(v2sf) =	vpush v6, $0xD  }
0x459: {  	(v2sf) =	vpush v7, $0xE  }
0x45a: {  	(v2sf) =	vpush v6, $0xE  }
0x45b: {  	(v2sf) =	vpush v7, $0xF  }
0x45c: {  	s7 =	spop (v2sf);
	v8 =	vshll.u32 v59, $0x6;
	(v2sf) =	vpush v6, $0xF  }
0x45d: {  	s8 =	spop (v2sf);
	v7 =	vshll.u32 v60, $0x6;
	(v2sf) =	vpush v8, $0x0  }
0x45e: {  	s9 =	spop (v2sf);
	(v2sf) =	vpush v7, $0x0  }
0x45f: {  	s4 =	spop (v2sf)  }
0x460: {  	s10 =	spop (v2sf)  }
0x461: {  	s23 =	spop (v2sf)  }
0x462: {  	s21 =	spop (v2sf)  }
0x463: {  	s3 =	spop (v2sf)  }
0x464: {  	s2 =	spop (v2sf)  }
0x465: {  	s17 =	spop (v2sf)  }
0x466: {  	s13 =	sadd.s32 $0xFFFFF880, s11;
	s24 =	spop (v2sf)  }
0x467: {  	v6 =	vor.u32 s13, v1;
	s22 =	spop (v2sf)  }
0x468: {  	s12 =	spop (v2sf)  }
0x469: {  	s28 =	spop (v2sf)  }
0x46a: {  	v61 =	vld [tilespmem:s29+$0x0];
	s14 =	spop (v2sf)  }
0x46b: {  	s26 =	spop (v2sf)  }
0x46c: {  	v12 =	vld.idx.msk [tilespmem:v6+s20+$0x0], $0xffff;
	s15 =	spop (v2sf)  }
0x46d: {  	s16 =	spop (v2sf);
	v62 =	vld [tilespmem:s15+$0x0]  }
0x46e: {  	v63 =	vld [tilespmem:s16+$0xA800]  }
0x46f: {  	vm15 =	veq.s32 v61, $0x0  }
0x470: {  	v6 =	vsel vm15, $0x0, v0  }
0x471: {  	v16 =	vbroadcast v6, $0x0;
	_ =	sdelay $0x1  }
0x472: {  	v17 =	vmul.f32 v16, v12;
	v10 =	vadd.f32 v63, v62;
	_ =	sdelay $0x1  }
0x473: {  	v18 =	vor.u32 s13, v2;
	v10 =	vadd.f32 v17, v10;
	_ =	sdelay $0x1  }
0x474: {  	[tilespmem:s6+$0x0] =	vst v10  }
0x475: {  	v10 =	vld [tilespmem:s15+$0x10]  }
0x476: {  	v19 =	vld [tilespmem:s16+$0xA810]  }
0x477: {  	v11 =	vld.idx.msk [tilespmem:v18+s20+$0x0], $0xffff;
	_ =	sdelay $0x4  }
0x478: {  	v10 =	vadd.f32 v19, v10;
	v11 =	vmul.f32 v11, v16;
	_ =	sdelay $0x1  }
0x479: {  	v20 =	vor.u32 s13, v3;
	v10 =	vadd.f32 v11, v10;
	_ =	sdelay $0x1  }
0x47a: {  	[tilespmem:s6+$0x10] =	vst v10  }
0x47b: {  	v10 =	vld [tilespmem:s15+$0x20]  }
0x47c: {  	v21 =	vld [tilespmem:s16+$0xA820]  }
0x47d: {  	v11 =	vld.idx.msk [tilespmem:v20+s20+$0x0], $0xffff;
	_ =	sdelay $0x4  }
0x47e: {  	v10 =	vadd.f32 v21, v10;
	v11 =	vmul.f32 v11, v16  }
0x47f: {  	(v2sf) =	vpush v8, $0x1  }
0x480: {  	v22 =	vor.u32 s13, v4;
	(v2sf) =	vpush v7, $0x1;
	v10 =	vadd.f32 v11, v10;
	_ =	sdelay $0x1  }
0x481: {  	[tilespmem:s6+$0x20] =	vst v10  }
0x482: {  	v10 =	vld [tilespmem:s15+$0x30]  }
0x483: {  	v23 =	vld [tilespmem:s16+$0xA830]  }
0x484: {  	v11 =	vld.idx.msk [tilespmem:v22+s20+$0x0], $0xffff;
	_ =	sdelay $0x4  }
0x485: {  	v10 =	vadd.f32 v23, v10;
	v9 =	vmul.f32 v11, v16  }
0x486: {  	s15 =	sadd.s32 $0xFFFFF900, s11  }
0x487: {  	v24 =	vor.u32 s15, v1;
	v9 =	vadd.f32 v9, v10;
	_ =	sdelay $0x1  }
0x488: {  	s16 =	spop (v2sf);
	[tilespmem:s6+$0x30] =	vst v9  }
0x489: {  	s25 =	spop (v2sf);
	v9 =	vld [tilespmem:s16+$0x0]  }
0x48a: {  	v25 =	vld [tilespmem:s25+$0xA800]  }
0x48b: {  	v10 =	vld.idx.msk [tilespmem:v24+s20+$0x0], $0xffff;
	_ =	sdelay $0x2  }
0x48c: {  	v26 =	vbroadcast v6, $0x1;
	_ =	sdelay $0x1  }
0x48d: {  	v9 =	vadd.f32 v25, v9;
	v10 =	vmul.f32 v10, v26;
	_ =	sdelay $0x1  }
0x48e: {  	v27 =	vor.u32 s15, v2;
	v9 =	vadd.f32 v10, v9;
	_ =	sdelay $0x1  }
0x48f: {  	[tilespmem:s6+$0x40] =	vst v9  }
0x490: {  	v9 =	vld [tilespmem:s16+$0x10]  }
0x491: {  	v28 =	vld [tilespmem:s25+$0xA810]  }
0x492: {  	v10 =	vld.idx.msk [tilespmem:v27+s20+$0x0], $0xffff;
	_ =	sdelay $0x4  }
0x493: {  	v9 =	vadd.f32 v28, v9;
	v10 =	vmul.f32 v10, v26;
	_ =	sdelay $0x1  }
0x494: {  	s19 =	sadd.s32 $0xFFFFFC80, s5;
	v29 =	vor.u32 s15, v3;
	v9 =	vadd.f32 v10, v9  }
0x495: {  	[dreg:$0x1a] =	wrdreg s26;
	s26 =	sor.u32 $0x50, s19  }
0x496: {  	[tilespmem:s26+$0x1AB00] =	vst v9  }
0x497: {  	v9 =	vld [tilespmem:s16+$0x20]  }
0x498: {  	v30 =	vld [tilespmem:s25+$0xA820]  }
0x499: {  	v10 =	vld.idx.msk [tilespmem:v29+s20+$0x0], $0xffff;
	_ =	sdelay $0x4  }
0x49a: {  	v9 =	vadd.f32 v30, v9;
	v10 =	vmul.f32 v10, v26  }
0x49b: {  	(v2sf) =	vpush v8, $0x2  }
0x49c: {  	v31 =	vor.u32 s15, v4;
	(v2sf) =	vpush v7, $0x2;
	v9 =	vadd.f32 v10, v9  }
0x49d: {  	[dreg:$0x1c] =	wrdreg s14;
	s14 =	sor.u32 $0x60, s19  }
0x49e: {  	[tilespmem:s14+$0x1AB00] =	vst v9  }
0x49f: {  	v9 =	vld [tilespmem:s16+$0x30]  }
0x4a0: {  	v32 =	vld [tilespmem:s25+$0xA830]  }
0x4a1: {  	v10 =	vld.idx.msk [tilespmem:v31+s20+$0x0], $0xffff;
	_ =	sdelay $0x4  }
0x4a2: {  	v9 =	vadd.f32 v32, v9;
	v10 =	vmul.f32 v10, v26  }
0x4a3: {  	s16 =	sadd.s32 $0xFFFFF980, s11  }
0x4a4: {  	v33 =	vor.u32 s16, v1;
	v9 =	vadd.f32 v10, v9  }
0x4a5: {  	s19 =	sor.u32 $0x70, s19  }
0x4a6: {  	s25 =	spop (v2sf);
	[tilespmem:s19+$0x1AB00] =	vst v9  }
0x4a7: {  	s26 =	spop (v2sf);
	v9 =	vld [tilespmem:s25+$0x0]  }
0x4a8: {  	v34 =	vld [tilespmem:s26+$0xA800]  }
0x4a9: {  	v10 =	vld.idx.msk [tilespmem:v33+s20+$0x0], $0xffff;
	_ =	sdelay $0x2  }
0x4aa: {  	v35 =	vbroadcast v6, $0x2;
	_ =	sdelay $0x1  }
0x4ab: {  	v9 =	vadd.f32 v34, v9;
	v10 =	vmul.f32 v10, v35;
	_ =	sdelay $0x1  }
0x4ac: {  	v36 =	vor.u32 s16, v2;
	v9 =	vadd.f32 v10, v9;
	_ =	sdelay $0x1  }
0x4ad: {  	[tilespmem:s6+$0x80] =	vst v9  }
0x4ae: {  	v9 =	vld [tilespmem:s25+$0x10]  }
0x4af: {  	v37 =	vld [tilespmem:s26+$0xA810]  }
0x4b0: {  	v10 =	vld.idx.msk [tilespmem:v36+s20+$0x0], $0xffff;
	_ =	sdelay $0x4  }
0x4b1: {  	v9 =	vadd.f32 v37, v9;
	v10 =	vmul.f32 v10, v35;
	_ =	sdelay $0x1  }
0x4b2: {  	v38 =	vor.u32 s16, v3;
	v9 =	vadd.f32 v10, v9;
	_ =	sdelay $0x1  }
0x4b3: {  	[tilespmem:s6+$0x90] =	vst v9  }
0x4b4: {  	v9 =	vld [tilespmem:s25+$0x20]  }
0x4b5: {  	v39 =	vld [tilespmem:s26+$0xA820]  }
0x4b6: {  	v10 =	vld.idx.msk [tilespmem:v38+s20+$0x0], $0xffff;
	_ =	sdelay $0x4  }
0x4b7: {  	v9 =	vadd.f32 v39, v9;
	v10 =	vmul.f32 v10, v35  }
0x4b8: {  	(v2sf) =	vpush v8, $0x3  }
0x4b9: {  	v40 =	vor.u32 s16, v4;
	(v2sf) =	vpush v7, $0x3;
	v9 =	vadd.f32 v10, v9;
	_ =	sdelay $0x1  }
0x4ba: {  	[tilespmem:s6+$0xA0] =	vst v9  }
0x4bb: {  	v9 =	vld [tilespmem:s25+$0x30]  }
0x4bc: {  	v41 =	vld [tilespmem:s26+$0xA830]  }
0x4bd: {  	v10 =	vld.idx.msk [tilespmem:v40+s20+$0x0], $0xffff;
	_ =	sdelay $0x4  }
0x4be: {  	v9 =	vadd.f32 v41, v9;
	v10 =	vmul.f32 v10, v35  }
0x4bf: {  	s14 =	sadd.s32 $0xFFFFFA00, s11  }
0x4c0: {  	v42 =	vor.u32 s14, v1;
	v9 =	vadd.f32 v10, v9;
	_ =	sdelay $0x1  }
0x4c1: {  	s15 =	spop (v2sf);
	[tilespmem:s6+$0xB0] =	vst v9  }
0x4c2: {  	s16 =	spop (v2sf);
	v9 =	vld [tilespmem:s15+$0x0]  }
0x4c3: {  	v43 =	vld [tilespmem:s16+$0xA800]  }
0x4c4: {  	v10 =	vld.idx.msk [tilespmem:v42+s20+$0x0], $0xffff;
	_ =	sdelay $0x2  }
0x4c5: {  	v44 =	vbroadcast v6, $0x3;
	_ =	sdelay $0x1  }
0x4c6: {  	v9 =	vadd.f32 v43, v9;
	v10 =	vmul.f32 v10, v44;
	_ =	sdelay $0x1  }
0x4c7: {  	v45 =	vor.u32 s14, v2;
	v9 =	vadd.f32 v10, v9;
	_ =	sdelay $0x1  }
0x4c8: {  	[tilespmem:s6+$0xC0] =	vst v9  }
0x4c9: {  	v9 =	vld [tilespmem:s15+$0x10]  }
0x4ca: {  	v46 =	vld [tilespmem:s16+$0xA810]  }
0x4cb: {  	v10 =	vld.idx.msk [tilespmem:v45+s20+$0x0], $0xffff;
	_ =	sdelay $0x4  }
0x4cc: {  	v9 =	vadd.f32 v46, v9;
	v10 =	vmul.f32 v10, v44;
	_ =	sdelay $0x1  }
0x4cd: {  	v47 =	vor.u32 s14, v3;
	s19 =	sadd.s32 $0xFFFFFD00, s5;
	v9 =	vadd.f32 v10, v9  }
0x4ce: {  	s25 =	sor.u32 $0x50, s19  }
0x4cf: {  	[tilespmem:s25+$0x1AB00] =	vst v9  }
0x4d0: {  	v9 =	vld [tilespmem:s15+$0x20]  }
0x4d1: {  	v48 =	vld [tilespmem:s16+$0xA820]  }
0x4d2: {  	v10 =	vld.idx.msk [tilespmem:v47+s20+$0x0], $0xffff;
	_ =	sdelay $0x4  }
0x4d3: {  	v9 =	vadd.f32 v48, v9;
	v10 =	vmul.f32 v10, v44  }
0x4d4: {  	(v2sf) =	vpush v8, $0x4  }
0x4d5: {  	v49 =	vor.u32 s14, v4;
	(v2sf) =	vpush v7, $0x4;
	v9 =	vadd.f32 v10, v9  }
0x4d6: {  	s14 =	sor.u32 $0x60, s19  }
0x4d7: {  	[tilespmem:s14+$0x1AB00] =	vst v9  }
0x4d8: {  	v9 =	vld [tilespmem:s15+$0x30]  }
0x4d9: {  	v50 =	vld [tilespmem:s16+$0xA830]  }
0x4da: {  	v10 =	vld.idx.msk [tilespmem:v49+s20+$0x0], $0xffff;
	_ =	sdelay $0x4  }
0x4db: {  	v9 =	vadd.f32 v50, v9;
	v10 =	vmul.f32 v10, v44  }
0x4dc: {  	s16 =	sadd.s32 $0xFFFFFA80, s11  }
0x4dd: {  	v51 =	vor.u32 s16, v1;
	v9 =	vadd.f32 v10, v9  }
0x4de: {  	s19 =	sor.u32 $0x70, s19  }
0x4df: {  	s25 =	spop (v2sf);
	[tilespmem:s19+$0x1AB00] =	vst v9  }
0x4e0: {  	s26 =	spop (v2sf);
	v9 =	vld [tilespmem:s25+$0x0]  }
0x4e1: {  	v52 =	vld [tilespmem:s26+$0xA800]  }
0x4e2: {  	v10 =	vld.idx.msk [tilespmem:v51+s20+$0x0], $0xffff;
	_ =	sdelay $0x2  }
0x4e3: {  	v53 =	vbroadcast v6, $0x4;
	_ =	sdelay $0x1  }
0x4e4: {  	v9 =	vadd.f32 v52, v9;
	v10 =	vmul.f32 v10, v53;
	_ =	sdelay $0x1  }
0x4e5: {  	v54 =	vor.u32 s16, v2;
	v9 =	vadd.f32 v10, v9;
	_ =	sdelay $0x1  }
0x4e6: {  	[tilespmem:s6+$0x100] =	vst v9  }
0x4e7: {  	v9 =	vld [tilespmem:s25+$0x10]  }
0x4e8: {  	v55 =	vld [tilespmem:s26+$0xA810]  }
0x4e9: {  	v10 =	vld.idx.msk [tilespmem:v54+s20+$0x0], $0xffff;
	_ =	sdelay $0x4  }
0x4ea: {  	v9 =	vadd.f32 v55, v9;
	v10 =	vmul.f32 v10, v53;
	_ =	sdelay $0x1  }
0x4eb: {  	v56 =	vor.u32 s16, v3;
	v9 =	vadd.f32 v10, v9;
	_ =	sdelay $0x1  }
0x4ec: {  	[tilespmem:s6+$0x110] =	vst v9  }
0x4ed: {  	v9 =	vld [tilespmem:s25+$0x20]  }
0x4ee: {  	v57 =	vld [tilespmem:s26+$0xA820]  }
0x4ef: {  	v10 =	vld.idx.msk [tilespmem:v56+s20+$0x0], $0xffff;
	_ =	sdelay $0x4  }
0x4f0: {  	v9 =	vadd.f32 v57, v9;
	v10 =	vmul.f32 v10, v53  }
0x4f1: {  	(v2sf) =	vpush v8, $0x5  }
0x4f2: {  	(v2sf) =	vpush v7, $0x5;
	v58 =	vor.u32 s16, v4;
	v9 =	vadd.f32 v10, v9;
	_ =	sdelay $0x1  }
0x4f3: {  	[tilespmem:s6+$0x120] =	vst v9  }
0x4f4: {  	v9 =	vld [tilespmem:s25+$0x30]  }
0x4f5: {  	v59 =	vld [tilespmem:s26+$0xA830]  }
0x4f6: {  	v10 =	vld.idx.msk [tilespmem:v58+s20+$0x0], $0xffff;
	_ =	sdelay $0x4  }
0x4f7: {  	v9 =	vadd.f32 v59, v9;
	v10 =	vmul.f32 v10, v53  }
0x4f8: {  	s14 =	sadd.s32 $0xFFFFFB00, s11  }
0x4f9: {  	v60 =	vor.u32 s14, v1;
	v9 =	vadd.f32 v10, v9;
	_ =	sdelay $0x1  }
0x4fa: {  	s15 =	spop (v2sf);
	[tilespmem:s6+$0x130] =	vst v9  }
0x4fb: {  	s16 =	spop (v2sf);
	v9 =	vld [tilespmem:s15+$0x0]  }
0x4fc: {  	v61 =	vld [tilespmem:s16+$0xA800]  }
0x4fd: {  	v10 =	vld.idx.msk [tilespmem:v60+s20+$0x0], $0xffff;
	_ =	sdelay $0x2  }
0x4fe: {  	v62 =	vbroadcast v6, $0x5;
	_ =	sdelay $0x1  }
0x4ff: {  	v9 =	vadd.f32 v61, v9;
	v10 =	vmul.f32 v10, v62;
	_ =	sdelay $0x1  }
0x500: {  	v63 =	vor.u32 s14, v2;
	v9 =	vadd.f32 v10, v9;
	_ =	sdelay $0x1  }
0x501: {  	[tilespmem:s6+$0x140] =	vst v9  }
0x502: {  	v9 =	vld [tilespmem:s15+$0x10]  }
0x503: {  	v13 =	vld [tilespmem:s16+$0xA810]  }
0x504: {  	v10 =	vld.idx.msk [tilespmem:v63+s20+$0x0], $0xffff;
	_ =	sdelay $0x4  }
0x505: {  	v9 =	vadd.f32 v13, v9;
	v10 =	vmul.f32 v10, v62;
	_ =	sdelay $0x1  }
0x506: {  	v14 =	vor.u32 s14, v3;
	s19 =	sadd.s32 $0xFFFFFD80, s5;
	v9 =	vadd.f32 v10, v9  }
0x507: {  	s25 =	sor.u32 $0x50, s19  }
0x508: {  	[tilespmem:s25+$0x1AB00] =	vst v9  }
0x509: {  	v9 =	vld [tilespmem:s15+$0x20]  }
0x50a: {  	v15 =	vld [tilespmem:s16+$0xA820]  }
0x50b: {  	v10 =	vld.idx.msk [tilespmem:v14+s20+$0x0], $0xffff;
	_ =	sdelay $0x4  }
0x50c: {  	v9 =	vadd.f32 v15, v9;
	v10 =	vmul.f32 v10, v62  }
0x50d: {  	(v2sf) =	vpush v8, $0x6  }
0x50e: {  	v16 =	vor.u32 s14, v4;
	(v2sf) =	vpush v7, $0x6;
	v9 =	vadd.f32 v10, v9  }
0x50f: {  	s14 =	sor.u32 $0x60, s19  }
0x510: {  	[tilespmem:s14+$0x1AB00] =	vst v9  }
0x511: {  	v9 =	vld [tilespmem:s15+$0x30]  }
0x512: {  	v17 =	vld [tilespmem:s16+$0xA830]  }
0x513: {  	v10 =	vld.idx.msk [tilespmem:v16+s20+$0x0], $0xffff;
	_ =	sdelay $0x4  }
0x514: {  	v9 =	vadd.f32 v17, v9;
	v10 =	vmul.f32 v10, v62  }
0x515: {  	s16 =	sadd.s32 $0xFFFFFB80, s11  }
0x516: {  	v18 =	vor.u32 s16, v1;
	v9 =	vadd.f32 v10, v9  }
0x517: {  	s19 =	sor.u32 $0x70, s19  }
0x518: {  	s25 =	spop (v2sf);
	[tilespmem:s19+$0x1AB00] =	vst v9  }
0x519: {  	s26 =	spop (v2sf);
	v9 =	vld [tilespmem:s25+$0x0]  }
0x51a: {  	v19 =	vld [tilespmem:s26+$0xA800]  }
0x51b: {  	v10 =	vld.idx.msk [tilespmem:v18+s20+$0x0], $0xffff;
	_ =	sdelay $0x2  }
0x51c: {  	v20 =	vbroadcast v6, $0x6;
	_ =	sdelay $0x1  }
0x51d: {  	v9 =	vadd.f32 v19, v9;
	v10 =	vmul.f32 v10, v20;
	_ =	sdelay $0x1  }
0x51e: {  	v21 =	vor.u32 s16, v2;
	v9 =	vadd.f32 v10, v9;
	_ =	sdelay $0x1  }
0x51f: {  	[tilespmem:s6+$0x180] =	vst v9  }
0x520: {  	v9 =	vld [tilespmem:s25+$0x10]  }
0x521: {  	v22 =	vld [tilespmem:s26+$0xA810]  }
0x522: {  	v10 =	vld.idx.msk [tilespmem:v21+s20+$0x0], $0xffff;
	_ =	sdelay $0x4  }
0x523: {  	v9 =	vadd.f32 v22, v9;
	v10 =	vmul.f32 v10, v20;
	_ =	sdelay $0x1  }
0x524: {  	v23 =	vor.u32 s16, v3;
	v9 =	vadd.f32 v10, v9;
	_ =	sdelay $0x1  }
0x525: {  	[tilespmem:s6+$0x190] =	vst v9  }
0x526: {  	v9 =	vld [tilespmem:s25+$0x20]  }
0x527: {  	v24 =	vld [tilespmem:s26+$0xA820]  }
0x528: {  	v10 =	vld.idx.msk [tilespmem:v23+s20+$0x0], $0xffff;
	_ =	sdelay $0x4  }
0x529: {  	v9 =	vadd.f32 v24, v9;
	v10 =	vmul.f32 v10, v20  }
0x52a: {  	(v2sf) =	vpush v8, $0x7  }
0x52b: {  	(v2sf) =	vpush v7, $0x7;
	v25 =	vor.u32 s16, v4;
	v9 =	vadd.f32 v10, v9;
	_ =	sdelay $0x1  }
0x52c: {  	[tilespmem:s6+$0x1A0] =	vst v9  }
0x52d: {  	v9 =	vld [tilespmem:s25+$0x30]  }
0x52e: {  	v26 =	vld [tilespmem:s26+$0xA830]  }
0x52f: {  	v10 =	vld.idx.msk [tilespmem:v25+s20+$0x0], $0xffff;
	_ =	sdelay $0x2  }
0x530: {  	s13 =	sadd.s32 $0xFFFFF400, s11  }
0x531: {  	v13 =	vor.u32 s13, v1  }
0x532: {  	v9 =	vadd.f32 v26, v9;
	v10 =	vmul.f32 v10, v20  }
0x533: {  	s15 =	sadd.s32 $0xFFFFFC00, s11  }
0x534: {  	v27 =	vld [tilespmem:s1+$0x0];
	v28 =	vor.u32 s15, v1;
	v9 =	vadd.f32 v10, v9  }
0x535: {  	v29 =	vld [tilespmem:s0+$0xA800]  }
0x536: {  	v13 =	vld.idx.msk [tilespmem:v13+s20+$0x0], $0xffff;
	s16 =	spop (v2sf);
	[tilespmem:s6+$0x1B0] =	vst v9  }
0x537: {  	s19 =	spop (v2sf);
	v9 =	vld [tilespmem:s16+$0x0]  }
0x538: {  	v14 =	vld [tilespmem:s19+$0xA800]  }
0x539: {  	v15 =	vbroadcast v5, $0x7;
	v10 =	vld.idx.msk [tilespmem:v28+s20+$0x0], $0xffff;
	_ =	sdelay $0x1  }
0x53a: {  	v11 =	vadd.f32 v29, v27;
	v30 =	vmul.f32 v13, v15  }
0x53b: {  	v31 =	vbroadcast v6, $0x7  }
0x53c: {  	v32 =	vor.u32 s13, v2;
	v11 =	vadd.f32 v30, v11  }
0x53d: {  	v9 =	vadd.f32 v14, v9;
	v10 =	vmul.f32 v10, v31  }
0x53e: {  	[tilespmem:s6+$0xFFFFFDC0] =	vst v11  }
0x53f: {  	v33 =	vor.u32 s15, v2;
	v11 =	vld [tilespmem:s1+$0x10];
	v9 =	vadd.f32 v10, v9  }
0x540: {  	v34 =	vld [tilespmem:s0+$0xA810]  }
0x541: {  	v12 =	vld.idx.msk [tilespmem:v32+s20+$0x0], $0xffff;
	[tilespmem:s6+$0x1C0] =	vst v9  }
0x542: {  	v9 =	vld [tilespmem:s16+$0x10]  }
0x543: {  	v16 =	vld [tilespmem:s19+$0xA810]  }
0x544: {  	v10 =	vld.idx.msk [tilespmem:v33+s20+$0x0], $0xffff;
	_ =	sdelay $0x1  }
0x545: {  	v11 =	vadd.f32 v34, v11;
	v12 =	vmul.f32 v12, v15;
	_ =	sdelay $0x1  }
0x546: {  	v35 =	vor.u32 s13, v3;
	v11 =	vadd.f32 v12, v11;
	s26 =	sadd.s32 $0xFFFFFA00, s5  }
0x547: {  	s25 =	sor.u32 $0x50, s26;
	v9 =	vadd.f32 v16, v9;
	v10 =	vmul.f32 v10, v31  }
0x548: {  	[tilespmem:s25+$0x1AB00] =	vst v11  }
0x549: {  	v36 =	vor.u32 s15, v3;
	s25 =	sadd.s32 $0xFFFFFE00, s5;
	v11 =	vld [tilespmem:s1+$0x20];
	v9 =	vadd.f32 v10, v9  }
0x54a: {  	v37 =	vld [tilespmem:s0+$0xA820];
	s14 =	sor.u32 $0x50, s25  }
0x54b: {  	v38 =	vld.idx.msk [tilespmem:v35+s20+$0x0], $0xffff;
	[tilespmem:s14+$0x1AB00] =	vst v9  }
0x54c: {  	v39 =	vld [tilespmem:s16+$0x20]  }
0x54d: {  	v40 =	vld [tilespmem:s19+$0xA820]  }
0x54e: {  	v10 =	vld.idx.msk [tilespmem:v36+s20+$0x0], $0xffff;
	_ =	sdelay $0x1  }
0x54f: {  	v11 =	vadd.f32 v37, v11;
	v9 =	vmul.f32 v38, v15;
	_ =	sdelay $0x1  }
0x550: {  	v41 =	vor.u32 s13, v4;
	v9 =	vadd.f32 v9, v11  }
0x551: {  	s14 =	sor.u32 $0x60, s26;
	v12 =	vadd.f32 v40, v39;
	v10 =	vmul.f32 v10, v31  }
0x552: {  	(v2sf) =	vpush v8, $0x8;
	[tilespmem:s14+$0x1AB00] =	vst v9  }
0x553: {  	v42 =	vor.u32 s15, v4;
	(v2sf) =	vpush v7, $0x8;
	v9 =	vld [tilespmem:s1+$0x30];
	v10 =	vadd.f32 v10, v12  }
0x554: {  	s13 =	sor.u32 $0x60, s25;
	v43 =	vld [tilespmem:s0+$0xA830]  }
0x555: {  	v11 =	vld.idx.msk [tilespmem:v41+s20+$0x0], $0xffff;
	[tilespmem:s13+$0x1AB00] =	vst v10  }
0x556: {  	v10 =	vld [tilespmem:s16+$0x30]  }
0x557: {  	v44 =	vld [tilespmem:s19+$0xA830]  }
0x558: {  	v14 =	vld.idx.msk [tilespmem:v42+s20+$0x0], $0xffff;
	_ =	sdelay $0x1  }
0x559: {  	v9 =	vadd.f32 v43, v9;
	v11 =	vmul.f32 v11, v15  }
0x55a: {  	s0 =	sadd.s32 $0xFFFFF480, s11  }
0x55b: {  	v45 =	vor.u32 s0, v1;
	v9 =	vadd.f32 v11, v9  }
0x55c: {  	s14 =	sor.u32 $0x70, s26;
	v10 =	vadd.f32 v44, v10;
	v46 =	vmul.f32 v14, v31  }
0x55d: {  	s15 =	sadd.s32 $0xFFFFFC80, s11;
	[tilespmem:s14+$0x1AB00] =	vst v9  }
0x55e: {  	v47 =	vor.u32 s15, v1;
	v9 =	vld [tilespmem:s7+$0x0];
	v10 =	vadd.f32 v46, v10  }
0x55f: {  	s16 =	sor.u32 $0x70, s25;
	v48 =	vld [tilespmem:s8+$0xA800]  }
0x560: {  	s19 =	spop (v2sf);
	v11 =	vld.idx.msk [tilespmem:v45+s20+$0x0], $0xffff;
	[tilespmem:s16+$0x1AB00] =	vst v10  }
0x561: {  	s25 =	spop (v2sf);
	v10 =	vld [tilespmem:s19+$0x0]  }
0x562: {  	v49 =	vld [tilespmem:s25+$0xA800]  }
0x563: {  	v50 =	vbroadcast v5, $0x8;
	v12 =	vld.idx.msk [tilespmem:v47+s20+$0x0], $0xffff;
	_ =	sdelay $0x1  }
0x564: {  	v9 =	vadd.f32 v48, v9;
	v11 =	vmul.f32 v11, v50  }
0x565: {  	v51 =	vbroadcast v6, $0x8  }
0x566: {  	v52 =	vor.u32 s0, v2;
	v9 =	vadd.f32 v11, v9  }
0x567: {  	v10 =	vadd.f32 v49, v10;
	v12 =	vmul.f32 v12, v51  }
0x568: {  	[tilespmem:s6+$0xFFFFFE00] =	vst v9  }
0x569: {  	v53 =	vor.u32 s15, v2;
	v9 =	vld [tilespmem:s7+$0x10];
	v10 =	vadd.f32 v12, v10  }
0x56a: {  	v54 =	vld [tilespmem:s8+$0xA810]  }
0x56b: {  	v11 =	vld.idx.msk [tilespmem:v52+s20+$0x0], $0xffff;
	[tilespmem:s6+$0x200] =	vst v10  }
0x56c: {  	v10 =	vld [tilespmem:s19+$0x10]  }
0x56d: {  	v55 =	vld [tilespmem:s25+$0xA810]  }
0x56e: {  	v12 =	vld.idx.msk [tilespmem:v53+s20+$0x0], $0xffff;
	_ =	sdelay $0x1  }
0x56f: {  	v9 =	vadd.f32 v54, v9;
	v11 =	vmul.f32 v11, v50;
	_ =	sdelay $0x1  }
0x570: {  	v56 =	vor.u32 s0, v3;
	v9 =	vadd.f32 v11, v9  }
0x571: {  	v10 =	vadd.f32 v55, v10;
	v12 =	vmul.f32 v12, v51  }
0x572: {  	[tilespmem:s6+$0xFFFFFE10] =	vst v9  }
0x573: {  	v57 =	vor.u32 s15, v3;
	v9 =	vld [tilespmem:s7+$0x20];
	v10 =	vadd.f32 v12, v10  }
0x574: {  	v58 =	vld [tilespmem:s8+$0xA820]  }
0x575: {  	v11 =	vld.idx.msk [tilespmem:v56+s20+$0x0], $0xffff;
	[tilespmem:s6+$0x210] =	vst v10  }
0x576: {  	v10 =	vld [tilespmem:s19+$0x20]  }
0x577: {  	v59 =	vld [tilespmem:s25+$0xA820]  }
0x578: {  	v12 =	vld.idx.msk [tilespmem:v57+s20+$0x0], $0xffff;
	_ =	sdelay $0x1  }
0x579: {  	v9 =	vadd.f32 v58, v9;
	v11 =	vmul.f32 v11, v50;
	_ =	sdelay $0x1  }
0x57a: {  	v60 =	vor.u32 s0, v4;
	v9 =	vadd.f32 v11, v9  }
0x57b: {  	v10 =	vadd.f32 v59, v10;
	v12 =	vmul.f32 v12, v51  }
0x57c: {  	(v2sf) =	vpush v8, $0x9;
	[tilespmem:s6+$0xFFFFFE20] =	vst v9  }
0x57d: {  	v61 =	vor.u32 s15, v4;
	(v2sf) =	vpush v7, $0x9;
	v9 =	vld [tilespmem:s7+$0x30];
	v10 =	vadd.f32 v12, v10  }
0x57e: {  	v62 =	vld [tilespmem:s8+$0xA830]  }
0x57f: {  	v11 =	vld.idx.msk [tilespmem:v60+s20+$0x0], $0xffff;
	[tilespmem:s6+$0x220] =	vst v10  }
0x580: {  	v10 =	vld [tilespmem:s19+$0x30]  }
0x581: {  	v63 =	vld [tilespmem:s25+$0xA830]  }
0x582: {  	v12 =	vld.idx.msk [tilespmem:v61+s20+$0x0], $0xffff;
	_ =	sdelay $0x1  }
0x583: {  	v9 =	vadd.f32 v62, v9;
	v11 =	vmul.f32 v11, v50  }
0x584: {  	s26 =	sadd.s32 $0xFFFFF500, s11  }
0x585: {  	v19 =	vor.u32 s26, v1;
	v9 =	vadd.f32 v11, v9  }
0x586: {  	v10 =	vadd.f32 v63, v10;
	v12 =	vmul.f32 v12, v51  }
0x587: {  	s1 =	sadd.s32 $0xFFFFFD00, s11;
	[tilespmem:s6+$0xFFFFFE30] =	vst v9  }
0x588: {  	v20 =	vor.u32 s1, v1;
	v9 =	vld [tilespmem:s9+$0x0];
	v10 =	vadd.f32 v12, v10  }
0x589: {  	v21 =	vld [tilespmem:s4+$0xA800]  }
0x58a: {  	s7 =	spop (v2sf);
	v11 =	vld.idx.msk [tilespmem:v19+s20+$0x0], $0xffff;
	[tilespmem:s6+$0x230] =	vst v10  }
0x58b: {  	s8 =	spop (v2sf);
	v10 =	vld [tilespmem:s7+$0x0]  }
0x58c: {  	v22 =	vld [tilespmem:s8+$0xA800]  }
0x58d: {  	v23 =	vbroadcast v5, $0x9;
	v12 =	vld.idx.msk [tilespmem:v20+s20+$0x0], $0xffff;
	_ =	sdelay $0x1  }
0x58e: {  	v9 =	vadd.f32 v21, v9;
	v11 =	vmul.f32 v11, v23  }
0x58f: {  	v24 =	vbroadcast v6, $0x9  }
0x590: {  	v25 =	vor.u32 s26, v2;
	v9 =	vadd.f32 v11, v9  }
0x591: {  	v10 =	vadd.f32 v22, v10;
	v12 =	vmul.f32 v12, v24  }
0x592: {  	[tilespmem:s6+$0xFFFFFE40] =	vst v9  }
0x593: {  	v26 =	vor.u32 s1, v2;
	v9 =	vld [tilespmem:s9+$0x10];
	v10 =	vadd.f32 v12, v10  }
0x594: {  	v27 =	vld [tilespmem:s4+$0xA810]  }
0x595: {  	v11 =	vld.idx.msk [tilespmem:v25+s20+$0x0], $0xffff;
	[tilespmem:s6+$0x240] =	vst v10  }
0x596: {  	v10 =	vld [tilespmem:s7+$0x10]  }
0x597: {  	v28 =	vld [tilespmem:s8+$0xA810]  }
0x598: {  	v12 =	vld.idx.msk [tilespmem:v26+s20+$0x0], $0xffff;
	_ =	sdelay $0x1  }
0x599: {  	v9 =	vadd.f32 v27, v9;
	v11 =	vmul.f32 v11, v23;
	_ =	sdelay $0x1  }
0x59a: {  	v29 =	vor.u32 s26, v3;
	s13 =	sadd.s32 $0xFFFFFA80, s5;
	v9 =	vadd.f32 v11, v9  }
0x59b: {  	s16 =	sor.u32 $0x50, s13;
	v10 =	vadd.f32 v28, v10;
	v12 =	vmul.f32 v12, v24  }
0x59c: {  	[tilespmem:s16+$0x1AB00] =	vst v9  }
0x59d: {  	v30 =	vor.u32 s1, v3;
	s19 =	sadd.s32 $0xFFFFFE80, s5;
	v9 =	vld [tilespmem:s9+$0x20];
	v10 =	vadd.f32 v12, v10  }
0x59e: {  	s25 =	sor.u32 $0x50, s19;
	v31 =	vld [tilespmem:s4+$0xA820]  }
0x59f: {  	v32 =	vld.idx.msk [tilespmem:v29+s20+$0x0], $0xffff;
	[tilespmem:s25+$0x1AB00] =	vst v10  }
0x5a0: {  	v33 =	vld [tilespmem:s7+$0x20]  }
0x5a1: {  	v34 =	vld [tilespmem:s8+$0xA820]  }
0x5a2: {  	v12 =	vld.idx.msk [tilespmem:v30+s20+$0x0], $0xffff;
	_ =	sdelay $0x1  }
0x5a3: {  	v9 =	vadd.f32 v31, v9;
	v10 =	vmul.f32 v32, v23;
	_ =	sdelay $0x1  }
0x5a4: {  	v35 =	vor.u32 s26, v4;
	v9 =	vadd.f32 v10, v9  }
0x5a5: {  	s26 =	sor.u32 $0x60, s13;
	v11 =	vadd.f32 v34, v33;
	v12 =	vmul.f32 v12, v24  }
0x5a6: {  	(v2sf) =	vpush v8, $0xA;
	[tilespmem:s26+$0x1AB00] =	vst v9  }
0x5a7: {  	v36 =	vor.u32 s1, v4;
	(v2sf) =	vpush v7, $0xA;
	v9 =	vld [tilespmem:s9+$0x30];
	v11 =	vadd.f32 v12, v11  }
0x5a8: {  	v37 =	vld [tilespmem:s4+$0xA830];
	s4 =	sor.u32 $0x60, s19  }
0x5a9: {  	v10 =	vld.idx.msk [tilespmem:v35+s20+$0x0], $0xffff;
	[tilespmem:s4+$0x1AB00] =	vst v11  }
0x5aa: {  	v11 =	vld [tilespmem:s7+$0x30]  }
0x5ab: {  	v38 =	vld [tilespmem:s8+$0xA830]  }
0x5ac: {  	v14 =	vld.idx.msk [tilespmem:v36+s20+$0x0], $0xffff;
	_ =	sdelay $0x1  }
0x5ad: {  	v9 =	vadd.f32 v37, v9;
	v10 =	vmul.f32 v10, v23  }
0x5ae: {  	s9 =	sadd.s32 $0xFFFFF580, s11  }
0x5af: {  	v39 =	vor.u32 s9, v1;
	v9 =	vadd.f32 v10, v9  }
0x5b0: {  	s15 =	sor.u32 $0x70, s13;
	v11 =	vadd.f32 v38, v11;
	v40 =	vmul.f32 v14, v24  }
0x5b1: {  	s16 =	sadd.s32 $0xFFFFFD80, s11;
	[tilespmem:s15+$0x1AB00] =	vst v9  }
0x5b2: {  	v41 =	vor.u32 s16, v1;
	v9 =	vld [tilespmem:s10+$0x0];
	v11 =	vadd.f32 v40, v11  }
0x5b3: {  	s19 =	sor.u32 $0x70, s19;
	v42 =	vld [tilespmem:s23+$0xA800]  }
0x5b4: {  	s25 =	spop (v2sf);
	v10 =	vld.idx.msk [tilespmem:v39+s20+$0x0], $0xffff;
	[tilespmem:s19+$0x1AB00] =	vst v11  }
0x5b5: {  	s26 =	spop (v2sf);
	v11 =	vld [tilespmem:s25+$0x0]  }
0x5b6: {  	v43 =	vld [tilespmem:s26+$0xA800]  }
0x5b7: {  	v44 =	vbroadcast v5, $0xA;
	v12 =	vld.idx.msk [tilespmem:v41+s20+$0x0], $0xffff;
	_ =	sdelay $0x1  }
0x5b8: {  	v9 =	vadd.f32 v42, v9;
	v10 =	vmul.f32 v10, v44  }
0x5b9: {  	v45 =	vbroadcast v6, $0xA  }
0x5ba: {  	v46 =	vor.u32 s9, v2;
	v9 =	vadd.f32 v10, v9  }
0x5bb: {  	v11 =	vadd.f32 v43, v11;
	v12 =	vmul.f32 v12, v45  }
0x5bc: {  	[tilespmem:s6+$0xFFFFFE80] =	vst v9  }
0x5bd: {  	v47 =	vor.u32 s16, v2;
	v9 =	vld [tilespmem:s10+$0x10];
	v11 =	vadd.f32 v12, v11  }
0x5be: {  	v48 =	vld [tilespmem:s23+$0xA810]  }
0x5bf: {  	v10 =	vld.idx.msk [tilespmem:v46+s20+$0x0], $0xffff;
	[tilespmem:s6+$0x280] =	vst v11  }
0x5c0: {  	v11 =	vld [tilespmem:s25+$0x10]  }
0x5c1: {  	v49 =	vld [tilespmem:s26+$0xA810]  }
0x5c2: {  	v12 =	vld.idx.msk [tilespmem:v47+s20+$0x0], $0xffff;
	_ =	sdelay $0x1  }
0x5c3: {  	v9 =	vadd.f32 v48, v9;
	v10 =	vmul.f32 v10, v44;
	_ =	sdelay $0x1  }
0x5c4: {  	v50 =	vor.u32 s9, v3;
	v9 =	vadd.f32 v10, v9  }
0x5c5: {  	v11 =	vadd.f32 v49, v11;
	v12 =	vmul.f32 v12, v45  }
0x5c6: {  	[tilespmem:s6+$0xFFFFFE90] =	vst v9  }
0x5c7: {  	v51 =	vor.u32 s16, v3;
	v9 =	vld [tilespmem:s10+$0x20];
	v11 =	vadd.f32 v12, v11  }
0x5c8: {  	v52 =	vld [tilespmem:s23+$0xA820]  }
0x5c9: {  	v10 =	vld.idx.msk [tilespmem:v50+s20+$0x0], $0xffff;
	[tilespmem:s6+$0x290] =	vst v11  }
0x5ca: {  	v11 =	vld [tilespmem:s25+$0x20]  }
0x5cb: {  	v53 =	vld [tilespmem:s26+$0xA820]  }
0x5cc: {  	v12 =	vld.idx.msk [tilespmem:v51+s20+$0x0], $0xffff;
	_ =	sdelay $0x1  }
0x5cd: {  	v9 =	vadd.f32 v52, v9;
	v10 =	vmul.f32 v10, v44;
	_ =	sdelay $0x1  }
0x5ce: {  	v54 =	vor.u32 s9, v4;
	v9 =	vadd.f32 v10, v9  }
0x5cf: {  	v11 =	vadd.f32 v53, v11;
	v12 =	vmul.f32 v12, v45  }
0x5d0: {  	(v2sf) =	vpush v8, $0xB;
	[tilespmem:s6+$0xFFFFFEA0] =	vst v9  }
0x5d1: {  	v55 =	vor.u32 s16, v4;
	(v2sf) =	vpush v7, $0xB;
	v9 =	vld [tilespmem:s10+$0x30];
	v11 =	vadd.f32 v12, v11  }
0x5d2: {  	v56 =	vld [tilespmem:s23+$0xA830]  }
0x5d3: {  	v10 =	vld.idx.msk [tilespmem:v54+s20+$0x0], $0xffff;
	[tilespmem:s6+$0x2A0] =	vst v11  }
0x5d4: {  	v11 =	vld [tilespmem:s25+$0x30]  }
0x5d5: {  	v57 =	vld [tilespmem:s26+$0xA830]  }
0x5d6: {  	v12 =	vld.idx.msk [tilespmem:v55+s20+$0x0], $0xffff;
	_ =	sdelay $0x1  }
0x5d7: {  	v9 =	vadd.f32 v56, v9;
	v10 =	vmul.f32 v10, v44  }
0x5d8: {  	s4 =	sadd.s32 $0xFFFFF600, s11  }
0x5d9: {  	v58 =	vor.u32 s4, v1;
	v9 =	vadd.f32 v10, v9  }
0x5da: {  	v11 =	vadd.f32 v57, v11;
	v12 =	vmul.f32 v12, v45  }
0x5db: {  	s7 =	sadd.s32 $0xFFFFFE00, s11;
	[tilespmem:s6+$0xFFFFFEB0] =	vst v9  }
0x5dc: {  	v59 =	vor.u32 s7, v1;
	v9 =	vld [tilespmem:s21+$0x0];
	v11 =	vadd.f32 v12, v11  }
0x5dd: {  	v60 =	vld [tilespmem:s3+$0xA800]  }
0x5de: {  	s8 =	spop (v2sf);
	v10 =	vld.idx.msk [tilespmem:v58+s20+$0x0], $0xffff;
	[tilespmem:s6+$0x2B0] =	vst v11  }
0x5df: {  	s13 =	spop (v2sf);
	v11 =	vld [tilespmem:s8+$0x0]  }
0x5e0: {  	v61 =	vld [tilespmem:s13+$0xA800]  }
0x5e1: {  	v62 =	vbroadcast v5, $0xB;
	v12 =	vld.idx.msk [tilespmem:v59+s20+$0x0], $0xffff;
	_ =	sdelay $0x1  }
0x5e2: {  	v9 =	vadd.f32 v60, v9;
	v10 =	vmul.f32 v10, v62  }
0x5e3: {  	v63 =	vbroadcast v6, $0xB  }
0x5e4: {  	v19 =	vor.u32 s4, v2;
	v9 =	vadd.f32 v10, v9  }
0x5e5: {  	v11 =	vadd.f32 v61, v11;
	v12 =	vmul.f32 v12, v63  }
0x5e6: {  	[tilespmem:s6+$0xFFFFFEC0] =	vst v9  }
0x5e7: {  	v20 =	vor.u32 s7, v2;
	v9 =	vld [tilespmem:s21+$0x10];
	v11 =	vadd.f32 v12, v11  }
0x5e8: {  	v21 =	vld [tilespmem:s3+$0xA810]  }
0x5e9: {  	v10 =	vld.idx.msk [tilespmem:v19+s20+$0x0], $0xffff;
	[tilespmem:s6+$0x2C0] =	vst v11  }
0x5ea: {  	v11 =	vld [tilespmem:s8+$0x10]  }
0x5eb: {  	v22 =	vld [tilespmem:s13+$0xA810]  }
0x5ec: {  	v12 =	vld.idx.msk [tilespmem:v20+s20+$0x0], $0xffff;
	_ =	sdelay $0x1  }
0x5ed: {  	v9 =	vadd.f32 v21, v9;
	v10 =	vmul.f32 v10, v62;
	_ =	sdelay $0x1  }
0x5ee: {  	s14 =	sadd.s32 $0xFFFFFB00, s5;
	v23 =	vor.u32 s4, v3;
	v9 =	vadd.f32 v10, v9  }
0x5ef: {  	s15 =	sor.u32 $0x50, s14;
	v11 =	vadd.f32 v22, v11;
	v12 =	vmul.f32 v12, v63  }
0x5f0: {  	[tilespmem:s15+$0x1AB00] =	vst v9  }
0x5f1: {  	s16 =	sadd.s32 $0xFFFFFF00, s5;
	v24 =	vor.u32 s7, v3;
	v9 =	vld [tilespmem:s21+$0x20];
	v11 =	vadd.f32 v12, v11  }
0x5f2: {  	s19 =	sor.u32 $0x50, s16;
	v25 =	vld [tilespmem:s3+$0xA820]  }
0x5f3: {  	v10 =	vld.idx.msk [tilespmem:v23+s20+$0x0], $0xffff;
	[tilespmem:s19+$0x1AB00] =	vst v11  }
0x5f4: {  	v11 =	vld [tilespmem:s8+$0x20]  }
0x5f5: {  	v26 =	vld [tilespmem:s13+$0xA820]  }
0x5f6: {  	v12 =	vld.idx.msk [tilespmem:v24+s20+$0x0], $0xffff;
	_ =	sdelay $0x1  }
0x5f7: {  	v9 =	vadd.f32 v25, v9;
	v10 =	vmul.f32 v10, v62;
	_ =	sdelay $0x1  }
0x5f8: {  	v27 =	vor.u32 s4, v4;
	v9 =	vadd.f32 v10, v9  }
0x5f9: {  	s23 =	sor.u32 $0x60, s14;
	v11 =	vadd.f32 v26, v11;
	v12 =	vmul.f32 v12, v63  }
0x5fa: {  	(v2sf) =	vpush v8, $0xC;
	[tilespmem:s23+$0x1AB00] =	vst v9  }
0x5fb: {  	v28 =	vor.u32 s7, v4;
	(v2sf) =	vpush v7, $0xC;
	v9 =	vld [tilespmem:s21+$0x30];
	v11 =	vadd.f32 v12, v11  }
0x5fc: {  	s25 =	sor.u32 $0x60, s16;
	v29 =	vld [tilespmem:s3+$0xA830]  }
0x5fd: {  	v10 =	vld.idx.msk [tilespmem:v27+s20+$0x0], $0xffff;
	[tilespmem:s25+$0x1AB00] =	vst v11  }
0x5fe: {  	v11 =	vld [tilespmem:s8+$0x30]  }
0x5ff: {  	v30 =	vld [tilespmem:s13+$0xA830]  }
0x600: {  	v14 =	vld.idx.msk [tilespmem:v28+s20+$0x0], $0xffff;
	_ =	sdelay $0x1  }
0x601: {  	v9 =	vadd.f32 v29, v9;
	v10 =	vmul.f32 v10, v62  }
0x602: {  	s26 =	sadd.s32 $0xFFFFF680, s11  }
0x603: {  	v31 =	vor.u32 s26, v1;
	v9 =	vadd.f32 v10, v9  }
0x604: {  	s3 =	sor.u32 $0x70, s14;
	v11 =	vadd.f32 v30, v11;
	v32 =	vmul.f32 v14, v63  }
0x605: {  	s4 =	sadd.s32 $0xFFFFFE80, s11;
	[tilespmem:s3+$0x1AB00] =	vst v9  }
0x606: {  	v33 =	vor.u32 s4, v1;
	v9 =	vld [tilespmem:s2+$0x0];
	v11 =	vadd.f32 v32, v11  }
0x607: {  	s7 =	sor.u32 $0x70, s16;
	v34 =	vld [tilespmem:s17+$0xA800]  }
0x608: {  	s8 =	spop (v2sf);
	v10 =	vld.idx.msk [tilespmem:v31+s20+$0x0], $0xffff;
	[tilespmem:s7+$0x1AB00] =	vst v11  }
0x609: {  	s9 =	spop (v2sf);
	v11 =	vld [tilespmem:s8+$0x0]  }
0x60a: {  	v35 =	vld [tilespmem:s9+$0xA800]  }
0x60b: {  	v36 =	vbroadcast v5, $0xC;
	v12 =	vld.idx.msk [tilespmem:v33+s20+$0x0], $0xffff;
	_ =	sdelay $0x1  }
0x60c: {  	v9 =	vadd.f32 v34, v9;
	v10 =	vmul.f32 v10, v36  }
0x60d: {  	v37 =	vbroadcast v6, $0xC  }
0x60e: {  	v38 =	vor.u32 s26, v2;
	v9 =	vadd.f32 v10, v9  }
0x60f: {  	v11 =	vadd.f32 v35, v11;
	v12 =	vmul.f32 v12, v37  }
0x610: {  	[tilespmem:s6+$0xFFFFFF00] =	vst v9  }
0x611: {  	v39 =	vor.u32 s4, v2;
	v9 =	vld [tilespmem:s2+$0x10];
	v11 =	vadd.f32 v12, v11  }
0x612: {  	v40 =	vld [tilespmem:s17+$0xA810]  }
0x613: {  	v10 =	vld.idx.msk [tilespmem:v38+s20+$0x0], $0xffff;
	[tilespmem:s6+$0x300] =	vst v11  }
0x614: {  	v11 =	vld [tilespmem:s8+$0x10]  }
0x615: {  	v41 =	vld [tilespmem:s9+$0xA810]  }
0x616: {  	v12 =	vld.idx.msk [tilespmem:v39+s20+$0x0], $0xffff;
	_ =	sdelay $0x1  }
0x617: {  	v9 =	vadd.f32 v40, v9;
	v10 =	vmul.f32 v10, v36;
	_ =	sdelay $0x1  }
0x618: {  	v42 =	vor.u32 s26, v3;
	v9 =	vadd.f32 v10, v9  }
0x619: {  	v11 =	vadd.f32 v41, v11;
	v12 =	vmul.f32 v12, v37  }
0x61a: {  	[tilespmem:s6+$0xFFFFFF10] =	vst v9  }
0x61b: {  	v43 =	vor.u32 s4, v3;
	v9 =	vld [tilespmem:s2+$0x20];
	v11 =	vadd.f32 v12, v11  }
0x61c: {  	v44 =	vld [tilespmem:s17+$0xA820]  }
0x61d: {  	v10 =	vld.idx.msk [tilespmem:v42+s20+$0x0], $0xffff;
	[tilespmem:s6+$0x310] =	vst v11  }
0x61e: {  	v11 =	vld [tilespmem:s8+$0x20]  }
0x61f: {  	v45 =	vld [tilespmem:s9+$0xA820]  }
0x620: {  	v12 =	vld.idx.msk [tilespmem:v43+s20+$0x0], $0xffff;
	_ =	sdelay $0x1  }
0x621: {  	v9 =	vadd.f32 v44, v9;
	v10 =	vmul.f32 v10, v36;
	_ =	sdelay $0x1  }
0x622: {  	v46 =	vor.u32 s26, v4;
	v9 =	vadd.f32 v10, v9  }
0x623: {  	v11 =	vadd.f32 v45, v11;
	v12 =	vmul.f32 v12, v37  }
0x624: {  	(v2sf) =	vpush v8, $0xD;
	[tilespmem:s6+$0xFFFFFF20] =	vst v9  }
0x625: {  	v47 =	vor.u32 s4, v4;
	(v2sf) =	vpush v7, $0xD;
	v9 =	vld [tilespmem:s2+$0x30];
	v11 =	vadd.f32 v12, v11  }
0x626: {  	v48 =	vld [tilespmem:s17+$0xA830]  }
0x627: {  	v10 =	vld.idx.msk [tilespmem:v46+s20+$0x0], $0xffff;
	[tilespmem:s6+$0x320] =	vst v11  }
0x628: {  	v11 =	vld [tilespmem:s8+$0x30]  }
0x629: {  	v49 =	vld [tilespmem:s9+$0xA830]  }
0x62a: {  	v12 =	vld.idx.msk [tilespmem:v47+s20+$0x0], $0xffff;
	_ =	sdelay $0x1  }
0x62b: {  	v9 =	vadd.f32 v48, v9;
	v10 =	vmul.f32 v10, v36  }
0x62c: {  	s10 =	sadd.s32 $0xFFFFF700, s11  }
0x62d: {  	v50 =	vor.u32 s10, v1;
	v9 =	vadd.f32 v10, v9  }
0x62e: {  	v11 =	vadd.f32 v49, v11;
	v12 =	vmul.f32 v12, v37  }
0x62f: {  	s13 =	sadd.s32 $0xFFFFFF00, s11;
	[tilespmem:s6+$0xFFFFFF30] =	vst v9  }
0x630: {  	v51 =	vor.u32 s13, v1;
	v9 =	vld [tilespmem:s24+$0x0];
	v11 =	vadd.f32 v12, v11  }
0x631: {  	v52 =	vld [tilespmem:s22+$0xA800]  }
0x632: {  	s14 =	spop (v2sf);
	v10 =	vld.idx.msk [tilespmem:v50+s20+$0x0], $0xffff;
	[tilespmem:s6+$0x330] =	vst v11  }
0x633: {  	s15 =	spop (v2sf);
	v11 =	vld [tilespmem:s14+$0x0]  }
0x634: {  	v53 =	vld [tilespmem:s15+$0xA800]  }
0x635: {  	v54 =	vbroadcast v5, $0xD;
	v12 =	vld.idx.msk [tilespmem:v51+s20+$0x0], $0xffff;
	_ =	sdelay $0x1  }
0x636: {  	v9 =	vadd.f32 v52, v9;
	v10 =	vmul.f32 v10, v54  }
0x637: {  	v55 =	vbroadcast v6, $0xD  }
0x638: {  	v56 =	vor.u32 s10, v2;
	v9 =	vadd.f32 v10, v9  }
0x639: {  	v11 =	vadd.f32 v53, v11;
	v12 =	vmul.f32 v12, v55  }
0x63a: {  	[tilespmem:s6+$0xFFFFFF40] =	vst v9  }
0x63b: {  	v57 =	vor.u32 s13, v2;
	v9 =	vld [tilespmem:s24+$0x10];
	v11 =	vadd.f32 v12, v11  }
0x63c: {  	v58 =	vld [tilespmem:s22+$0xA810]  }
0x63d: {  	v10 =	vld.idx.msk [tilespmem:v56+s20+$0x0], $0xffff;
	[tilespmem:s6+$0x340] =	vst v11  }
0x63e: {  	v11 =	vld [tilespmem:s14+$0x10]  }
0x63f: {  	v59 =	vld [tilespmem:s15+$0xA810]  }
0x640: {  	v12 =	vld.idx.msk [tilespmem:v57+s20+$0x0], $0xffff;
	_ =	sdelay $0x1  }
0x641: {  	v9 =	vadd.f32 v58, v9;
	v10 =	vmul.f32 v10, v54;
	_ =	sdelay $0x1  }
0x642: {  	s16 =	sadd.s32 $0xFFFFFB80, s5;
	v60 =	vor.u32 s10, v3;
	v9 =	vadd.f32 v10, v9  }
0x643: {  	s17 =	sor.u32 $0x50, s16;
	v11 =	vadd.f32 v59, v11;
	v12 =	vmul.f32 v12, v55  }
0x644: {  	[tilespmem:s17+$0x1AB00] =	vst v9  }
0x645: {  	s19 =	sadd.s32 $0xFFFFFF80, s5;
	v61 =	vor.u32 s13, v3;
	v9 =	vld [tilespmem:s24+$0x20];
	v11 =	vadd.f32 v12, v11  }
0x646: {  	s21 =	sor.u32 $0x50, s19;
	v62 =	vld [tilespmem:s22+$0xA820]  }
0x647: {  	v10 =	vld.idx.msk [tilespmem:v60+s20+$0x0], $0xffff;
	[tilespmem:s21+$0x1AB00] =	vst v11  }
0x648: {  	v11 =	vld [tilespmem:s14+$0x20]  }
0x649: {  	v63 =	vld [tilespmem:s15+$0xA820]  }
0x64a: {  	v12 =	vld.idx.msk [tilespmem:v61+s20+$0x0], $0xffff;
	_ =	sdelay $0x1  }
0x64b: {  	v9 =	vadd.f32 v62, v9;
	v10 =	vmul.f32 v10, v54;
	_ =	sdelay $0x1  }
0x64c: {  	v19 =	vor.u32 s10, v4;
	v9 =	vadd.f32 v10, v9  }
0x64d: {  	s23 =	sor.u32 $0x60, s16;
	v11 =	vadd.f32 v63, v11;
	v12 =	vmul.f32 v12, v55  }
0x64e: {  	(v2sf) =	vpush v8, $0xE;
	[tilespmem:s23+$0x1AB00] =	vst v9  }
0x64f: {  	v20 =	vor.u32 s13, v4;
	(v2sf) =	vpush v7, $0xE;
	v9 =	vld [tilespmem:s24+$0x30];
	v11 =	vadd.f32 v12, v11  }
0x650: {  	s25 =	sor.u32 $0x60, s19;
	v21 =	vld [tilespmem:s22+$0xA830]  }
0x651: {  	v10 =	vld.idx.msk [tilespmem:v19+s20+$0x0], $0xffff;
	[tilespmem:s25+$0x1AB00] =	vst v11  }
0x652: {  	v11 =	vld [tilespmem:s14+$0x30]  }
0x653: {  	v22 =	vld [tilespmem:s15+$0xA830]  }
0x654: {  	v14 =	vld.idx.msk [tilespmem:v20+s20+$0x0], $0xffff;
	_ =	sdelay $0x1  }
0x655: {  	v9 =	vadd.f32 v21, v9;
	v10 =	vmul.f32 v10, v54  }
0x656: {  	s26 =	sadd.s32 $0xFFFFF780, s11  }
0x657: {  	v23 =	vor.u32 s26, v1;
	v9 =	vadd.f32 v10, v9  }
0x658: {  	s2 =	sor.u32 $0x70, s16;
	v11 =	vadd.f32 v22, v11;
	v24 =	vmul.f32 v14, v55  }
0x659: {  	s3 =	sadd.s32 $0xFFFFFF80, s11;
	[tilespmem:s2+$0x1AB00] =	vst v9  }
0x65a: {  	v25 =	vor.u32 s3, v1;
	v9 =	vld [tilespmem:s12+$0x0];
	v11 =	vadd.f32 v24, v11  }
0x65b: {  	s4 =	sor.u32 $0x70, s19;
	v26 =	vld [tilespmem:s28+$0xA800]  }
0x65c: {  	s7 =	spop (v2sf);
	v10 =	vld.idx.msk [tilespmem:v23+s20+$0x0], $0xffff;
	[tilespmem:s4+$0x1AB00] =	vst v11  }
0x65d: {  	s8 =	spop (v2sf);
	v11 =	vld [tilespmem:s7+$0x0]  }
0x65e: {  	v27 =	vld [tilespmem:s8+$0xA800]  }
0x65f: {  	v28 =	vbroadcast v5, $0xE;
	v12 =	vld.idx.msk [tilespmem:v25+s20+$0x0], $0xffff;
	_ =	sdelay $0x1  }
0x660: {  	v9 =	vadd.f32 v26, v9;
	v10 =	vmul.f32 v10, v28  }
0x661: {  	v29 =	vbroadcast v6, $0xE  }
0x662: {  	v30 =	vor.u32 s26, v2;
	v9 =	vadd.f32 v10, v9  }
0x663: {  	v11 =	vadd.f32 v27, v11;
	v12 =	vmul.f32 v12, v29  }
0x664: {  	[tilespmem:s6+$0xFFFFFF80] =	vst v9  }
0x665: {  	v31 =	vor.u32 s3, v2;
	v9 =	vld [tilespmem:s12+$0x10];
	v11 =	vadd.f32 v12, v11  }
0x666: {  	v32 =	vld [tilespmem:s28+$0xA810]  }
0x667: {  	v10 =	vld.idx.msk [tilespmem:v30+s20+$0x0], $0xffff;
	[tilespmem:s6+$0x380] =	vst v11  }
0x668: {  	v11 =	vld [tilespmem:s7+$0x10]  }
0x669: {  	v33 =	vld [tilespmem:s8+$0xA810]  }
0x66a: {  	v12 =	vld.idx.msk [tilespmem:v31+s20+$0x0], $0xffff;
	_ =	sdelay $0x1  }
0x66b: {  	v9 =	vadd.f32 v32, v9;
	v10 =	vmul.f32 v10, v28;
	_ =	sdelay $0x1  }
0x66c: {  	v34 =	vor.u32 s26, v3;
	v9 =	vadd.f32 v10, v9  }
0x66d: {  	v11 =	vadd.f32 v33, v11;
	v12 =	vmul.f32 v12, v29  }
0x66e: {  	[tilespmem:s6+$0xFFFFFF90] =	vst v9  }
0x66f: {  	v35 =	vor.u32 s3, v3;
	v9 =	vld [tilespmem:s12+$0x20];
	v11 =	vadd.f32 v12, v11  }
0x670: {  	v36 =	vld [tilespmem:s28+$0xA820]  }
0x671: {  	v10 =	vld.idx.msk [tilespmem:v34+s20+$0x0], $0xffff;
	[tilespmem:s6+$0x390] =	vst v11  }
0x672: {  	v11 =	vld [tilespmem:s7+$0x20]  }
0x673: {  	v37 =	vld [tilespmem:s8+$0xA820]  }
0x674: {  	v12 =	vld.idx.msk [tilespmem:v35+s20+$0x0], $0xffff;
	_ =	sdelay $0x1  }
0x675: {  	v9 =	vadd.f32 v36, v9;
	v10 =	vmul.f32 v10, v28;
	_ =	sdelay $0x1  }
0x676: {  	v38 =	vor.u32 s26, v4;
	v9 =	vadd.f32 v10, v9  }
0x677: {  	v39 =	vadd.f32 v37, v11;
	v40 =	vmul.f32 v12, v29  }
0x678: {  	(v2sf) =	vpush v8, $0xF;
	[tilespmem:s6+$0xFFFFFFA0] =	vst v9  }
0x679: {  	v43 =	vor.u32 s3, v4;
	(v2sf) =	vpush v7, $0xF;
	v41 =	vld [tilespmem:s12+$0x30];
	v42 =	vadd.f32 v40, v39  }
0x67a: {  	v7 =	vld [tilespmem:s28+$0xA830]  }
0x67b: {  	v44 =	vld.idx.msk [tilespmem:v38+s20+$0x0], $0xffff;
	[tilespmem:s6+$0x3A0] =	vst v42  }
0x67c: {  	v9 =	vld [tilespmem:s7+$0x30]  }
0x67d: {  	v45 =	vld [tilespmem:s8+$0xA830]  }
0x67e: {  	v10 =	vld.idx.msk [tilespmem:v43+s20+$0x0], $0xffff;
	_ =	sdelay $0x1  }
0x67f: {  	v7 =	vadd.f32 v7, v41;
	v46 =	vmul.f32 v44, v28  }
0x680: {  	s9 =	sadd.s32 $0xFFFFF800, s11  }
0x681: {  	v47 =	vor.u32 s9, v1;
	v7 =	vadd.f32 v46, v7  }
0x682: {  	v9 =	vadd.f32 v45, v9;
	v10 =	vmul.f32 v10, v29  }
0x683: {  	s10 =	rddreg [dreg:$0x1c];
	[tilespmem:s6+$0xFFFFFFB0] =	vst v7  }
0x684: {  	v48 =	vor.u32 s11, v1;
	s12 =	rddreg [dreg:$0x1a];
	v7 =	vld [tilespmem:s10+$0x0];
	v9 =	vadd.f32 v10, v9  }
0x685: {  	v49 =	vld [tilespmem:s12+$0xA800]  }
0x686: {  	s13 =	spop (v2sf);
	v8 =	vld.idx.msk [tilespmem:v47+s20+$0x0], $0xffff;
	[tilespmem:s6+$0x3B0] =	vst v9  }
0x687: {  	s14 =	spop (v2sf);
	v9 =	vld [tilespmem:s13+$0x0]  }
0x688: {  	v50 =	vld [tilespmem:s14+$0xA800]  }
0x689: {  	v5 =	vbroadcast v5, $0xF;
	v10 =	vld.idx.msk [tilespmem:v48+s20+$0x0], $0xffff;
	_ =	sdelay $0x1  }
0x68a: {  	v7 =	vadd.f32 v49, v7;
	v8 =	vmul.f32 v8, v5  }
0x68b: {  	v6 =	vbroadcast v6, $0xF  }
0x68c: {  	v51 =	vor.u32 s9, v2;
	v7 =	vadd.f32 v8, v7  }
0x68d: {  	v9 =	vadd.f32 v50, v9;
	v10 =	vmul.f32 v10, v6  }
0x68e: {  	[tilespmem:s6+$0xFFFFFFC0] =	vst v7  }
0x68f: {  	v52 =	vor.u32 s11, v2;
	v7 =	vld [tilespmem:s10+$0x10];
	v9 =	vadd.f32 v10, v9  }
0x690: {  	v53 =	vld [tilespmem:s12+$0xA810]  }
0x691: {  	v8 =	vld.idx.msk [tilespmem:v51+s20+$0x0], $0xffff;
	[tilespmem:s6+$0x3C0] =	vst v9  }
0x692: {  	v9 =	vld [tilespmem:s13+$0x10]  }
0x693: {  	v54 =	vld [tilespmem:s14+$0xA810]  }
0x694: {  	v10 =	vld.idx.msk [tilespmem:v52+s20+$0x0], $0xffff;
	_ =	sdelay $0x1  }
0x695: {  	v7 =	vadd.f32 v53, v7;
	v8 =	vmul.f32 v8, v5;
	_ =	sdelay $0x1  }
0x696: {  	s17 =	sadd.s32 $0xFFFFFC00, s5;
	v55 =	vor.u32 s9, v3;
	v7 =	vadd.f32 v8, v7  }
0x697: {  	s19 =	sor.u32 $0x50, s17;
	v9 =	vadd.f32 v54, v9;
	v10 =	vmul.f32 v10, v6  }
0x698: {  	s15 =	smov.u32 s10;
	[tilespmem:s19+$0x1AB00] =	vst v7  }
0x699: {  	v56 =	vor.u32 s11, v3;
	s16 =	smov.u32 s12;
	v7 =	vld [tilespmem:s15+$0x20];
	v9 =	vadd.f32 v10, v9  }
0x69a: {  	s21 =	sor.u32 $0x50, s5;
	v57 =	vld [tilespmem:s16+$0xA820]  }
0x69b: {  	v8 =	vld.idx.msk [tilespmem:v55+s20+$0x0], $0xffff;
	[tilespmem:s21+$0x1AB00] =	vst v9  }
0x69c: {  	v9 =	vld [tilespmem:s13+$0x20]  }
0x69d: {  	v58 =	vld [tilespmem:s14+$0xA820]  }
0x69e: {  	v10 =	vld.idx.msk [tilespmem:v56+s20+$0x0], $0xffff;
	_ =	sdelay $0x1  }
0x69f: {  	v7 =	vadd.f32 v57, v7;
	v8 =	vmul.f32 v8, v5;
	_ =	sdelay $0x1  }
0x6a0: {  	v59 =	vor.u32 s9, v4;
	v7 =	vadd.f32 v8, v7  }
0x6a1: {  	s22 =	sor.u32 $0x60, s17;
	v9 =	vadd.f32 v58, v9;
	v10 =	vmul.f32 v10, v6  }
0x6a2: {  	[tilespmem:s22+$0x1AB00] =	vst v7  }
0x6a3: {  	v60 =	vor.u32 s11, v4;
	v7 =	vld [tilespmem:s15+$0x30];
	v9 =	vadd.f32 v10, v9  }
0x6a4: {  	s23 =	sor.u32 $0x60, s5;
	v61 =	vld [tilespmem:s16+$0xA830]  }
0x6a5: {  	v8 =	vld.idx.msk [tilespmem:v59+s20+$0x0], $0xffff;
	[tilespmem:s23+$0x1AB00] =	vst v9  }
0x6a6: {  	v9 =	vld [tilespmem:s13+$0x30]  }
0x6a7: {  	v62 =	vld [tilespmem:s14+$0xA830]  }
0x6a8: {  	v10 =	vld.idx.msk [tilespmem:v60+s20+$0x0], $0xffff;
	_ =	sdelay $0x1  }
0x6a9: {  	s24 =	rddreg [dreg:$0x16]  }
0x6aa: {  	s2 =	sadd.s32 $0x2, s24  }
0x6ab: {  	p0 =	slt.u32 s2, $0x6;
	v7 =	vadd.f32 v61, v7;
	v5 =	vmul.f32 v8, v5  }
.Ltmp3:
0x6ac: {  	v63 =	vadd.f32 v62, v9;
	v6 =	vmul.f32 v10, v6;
	(pc) =	sbr.rel @p0 .LBB2_5-.Ltmp3, $4  }
0x6ad: {  	v5 =	vadd.f32 v5, v7  }
0x6ae: {  	s29 =	sadd.s32 $0x20, s29;
	s30 =	sadd.s32 $0x20, s30;
	s25 =	sor.u32 $0x70, s17;
	v6 =	vadd.f32 v6, v63  }
0x6af: {  	s31 =	sadd.s32 $0x20, s31;
	s26 =	rddreg [dreg:$0x18];
	s28 =	sor.u32 $0x70, s5;
	[tilespmem:s25+$0x1AB00] =	vst v5  }
0x6b0: {  	s3 =	sadd.s32 $0x20, s26;
	s5 =	sadd.s32 $0x800, s5;
	s6 =	sadd.s32 $0x800, s6;
	[tilespmem:s28+$0x1AB00] =	vst v6  }
0x6b1: {  	s0 =	rddreg [dreg:$0x14]  }
.Ltmp4:
0x6b2: {  	s1 =	rddreg [dreg:$0x9];
	s0 =	sshll.u32 s0, $0xD;
	(pc) =	sbr.rel @p1 .LBB2_8-.Ltmp4, $4  }
0x6b3: {  	s0 =	sadd.s32 s1, s0  }
0x6b4: {  	s30 =	rddreg [dreg:$0x1];
	s0 =	sshrl.u32 s0, $0x3  }
0x6b5: {  	s31 =	simm.s32 $0x0;
	s2 =	simm.s32 $0x1AB00;
	s0 =	sadd.s32 s30, s0  }
0x6b6: {  	[hbm4b:s0+s31] =	stream.linear.scatter [tilespmem:s2], [sflag:$0x4], $0x2000, $0x38;
	[tilespmem:$0x1CB00] =	vst v63  }
0x6b7: {  	s3 =	rddreg [dreg:$0x12]  }
0x6b8: {  	s1 =	rddreg [dreg:$0x3]  }
0x6b9: {  	s29 =	rddreg [dreg:$0xc]  }
0x6ba: {  	s30 =	rddreg [dreg:$0xd];
	s0 =	sshll.u32 s3, $0x8  }
0x6bb: {  	s31 =	rddreg [dreg:$0xe];
	s0 =	sand.u32 $0x3FFFFF00, s0  }
0x6bc: {  	s2 =	simm.s32 $0x80;
	s25 =	rddreg [dreg:$0xf];
	s0 =	sadd.s32 $0xC180, s0  }
0x6bd: {  	[tilespmem:s20], [sflag:$0x2] =	stream.indirect.gather [hbm4b:s1+s2], $0x80, s0, s2, $0xb8;
	[tilespmem:$0x1CB00] =	vst v63  }
.Ltmp5:
0x6be: {  	s26 =	rddreg [dreg:$0x10];
	(pc) =	sbr.rel .LBB2_2-.Ltmp5, $4  }
0x6bf: {  	s28 =	rddreg [dreg:$0x11];
	s0 =	sadd.s32 $0x100, s25  }
0x6c0: {  	s3 =	sadd.s32 $0x1, s3;
	[dreg:$0xf] =	wrdreg s0;
	s0 =	sadd.s32 $0x100, s26  }
0x6c1: {  	s29 =	sadd.s32 $0x100, s29;
	[dreg:$0x10] =	wrdreg s0;
	s0 =	sadd.s32 $0x100, s28  }
0x6c2: {  	s30 =	sadd.s32 $0x100, s30;
	s31 =	sadd.s32 $0x100, s31;
	[dreg:$0x11] =	wrdreg s0  }
.LBB2_9:
0x6c3: {  	_ =	sfence.sel $0x180000  }
0x6c4: {  	[bflag:$0x0] =	sbarrier.arrive $0xFFFF  }
0x6c5: {  	_ =	strace $0x90000047  }
0x6c6: {  	s0 =	stileid.u32;
	[bflag:$0x2] =	sbarrier.arrive $0xFFFF  }
0x6c7: {  	p0 =	sne.s32 s0, $0x0;
	s0 =	rddreg [dreg:$0x2]  }
0x6c8: {  	s0 =	sadd.s32 @!p0 $0x100000, s0  }
0x6c9: {  	[sflag:s0] =	ssyncadd.tile.s32 @!p0 $0x1;
	_ =	shalt  }
.Lfunc_end2:
_tile_overlayer_lowered:
.L_overlay_start_2:
0x6ca: {  	(tag) =	ssettag $0x2  }
0x6cb: {  	s0 =	rddreg [dreg:$0x0];
	s2 =	stileid.u32  }
0x6cc: {  	s1 =	rddreg [dreg:$0x1];
	p0 =	sne.s32 s2, $0x0  }
0x6cd: {  	s3 =	rddreg [dreg:$0x2];
	[bflag:$0x3] =	sbarrier.arrive $0xFFFF;
	s2 =	simm.s32 @!p0 $0x1C05  }
0x6ce: {  	[timem:s3], [sflag:s2] =	dma.local @!p0 [hbm:s0], s1  }
0x6cf: {  	s0 =	simm.s32 @!p0 $0x5  }
0x6d0: {  	_ =	swait.ge @!p0 [sflag:s0], s1  }
0x6d1: {  	s1 =	ssub.s32 @!p0 $0x0, s1;
	[sflag:s0] =	ssyncset.done @!p0 $0x0  }
0x6d2: {  	[sflag:s0] =	ssyncadd.s32 @!p0 s1  }
0x6d3: {  	[bflag:$0x3] =	sbarrier.arrive $0xFFFF  }
0x6d4: {  	_ =	shalt  }

// kernel: sparse-core-data-format-call.cloned.1.call-start
scs
called_computation_lowered:
.L_overlay_start_0:
0x0: {  	s2 =	sld [smem:$0x3FD9]  }
0x1: {  	s3 =	sld [smem:$0x3FFE];
	_ =	sdelay $0x1  }
0x2: {  	s1 =	srdreg.scid  }
0x3: {  	s0 =	sand.u32 $0x1, s1  }
0x4: {  	s18 =	sshll.u32 s0, $0xA;
	s2 =	sadd.s32 s3, s2  }
0x5: {  	s2 =	sadd.s32 s2, s18  }
0x6: {  	[smem:$0x3FBF] =	sst s2  }
0x7: {  	_ = 	snop  }
0x8: {  	s2 =	sld [smem:$0x3FD0];
	(tm) =	ssettm $0x1  }
0x9: {  	s19 =	sld [smem:$0x3FFB];
	_ =	sdelay $0x3  }
0xa: {  	_ =	strace s19  }
0xb: {  	s3 =	sld [smem:$0x3FFC];
	_ =	sdelay $0x3  }
0xc: {  	_ =	strace s3  }
0xd: {  	s3 =	sld [smem:$0x3FFD];
	_ =	sdelay $0x3  }
0xe: {  	_ =	strace s3  }
0xf: {  	_ =	strace $0x8FFFFFFF  }
0x10: {  	s20 =	sld [smem:$0x3FDB];
	_ =	sdelay $0x1  }
0x11: {  	s4 =	simm.s32 $_scs_section_size  }
0x12: {  	s5 =	simm.s32 $_size__tile_overlayer_lowered;
	s6 =	simm.s32 $_tile_overlayer_lowered  }
0x13: {  	s23 =	simm.s32 $0x1BFF;
	s22 =	sshll.u32 s6, $0x1;
	s3 =	sadd.s32 s4, s20  }
0x14: {  	s7 =	simm.s32 $0x0;
	s21 =	sshll.u32 s5, $0x1;
	s5 =	sadd.s32 s22, s3  }
0x15: {  	[timem:s7], [sflag:s23] =	dma.local [hbm:s5], s21  }
0x16: {  	_ =	swait.ge [sflag:s23], s21  }
0x17: {  	s4 =	ssub.s32 $0x0, s21;
	[sflag:s23] =	ssyncset.done $0x0  }
0x18: {  	[sflag:s23] =	ssyncadd.s32 s4;
	_ =	sdelay $0x1  }
0x19: {  	s24 =	simm.s32 $0x1B8B  }
0x1a: {  	_ =	swait.ge [sflag:s24], $0x1  }
0x1b: {  	[sflag:s24] =	ssyncset.done $0x0  }
0x1c: {  	s26 =	simm.s32 $0x1B8E;
	s25 =	sld [smem:$0x3FFE];
	[sflag:s24] =	ssyncadd.s32 $0xFFFFFFFF  }
0x1d: {  	s27 =	simm.s32 $execute0_lowered;
	[smem:$0x3FD2] =	sst s26  }
0x1e: {  	s5 =	sshll.u32 s27, $0x1;
	_ =	strace $0x80000049;
	[dreg:$0x1] =	wrdreg $0xFFFFFFFF  }
0x1f: {  	s28 =	simm.s32 $_size_execute0_lowered;
	s3 =	sadd.s32 s3, s5;
	[dreg:$0x0] =	wrdreg $0x0  }
0x20: {  	s5 =	sshll.u32 s28, $0x1;
	[dreg:$0x2] =	wrdreg s3  }
0x21: {  	[dreg:$0x3] =	wrdreg s5  }
0x22: {  	[dreg:$0x4] =	wrdreg $0xC0  }
0x23: {  	_ =	task [dreg:s7], $0x5FFFF  }
0x24: {  	[dreg:$0x1] =	wrdreg $0xFFFFFFFF  }
0x25: {  	[dreg:$0x0] =	wrdreg $0x60  }
0x26: {  	[dreg:$0x2] =	wrdreg s25  }
0x27: {  	[dreg:$0x3] =	wrdreg s2  }
0x28: {  	[dreg:$0x4] =	wrdreg $0x9  }
0x29: {  	_ =	task.clear_ibuf [dreg:s7], $0x5FFFF;
	_ =	strace $0x90000049  }
0x2a: {  	s29 =	simm.s32 $0x9;
	_ =	strace $0x8000004B  }
0x2b: {  	_ =	swait.ge [sflag:s29], $0x1  }
0x2c: {  	[sflag:s29] =	ssyncadd.s32 $0xFFFFFFFF  }
0x2d: {  	_ =	strace $0x9000004B  }
0x2e: {  	_ =	sfence  }
0x2f: {  	s30 =	sld [smem:$0x0];
	_ =	sdelay $0x2  }
0x30: {  	s31 =	sshll.u32 s1, $0xD;
	s1 =	sshrl.u32 s1, $0x2  }
0x31: {  	s3 =	sand.u32 $0x4000, s31;
	s1 =	sadd.s32 s1, s30  }
0x32: {  	s0 =	sor.u32 s3, s0;
	s1 =	sshll.u32 s1, $0x11  }
0x33: {  	s0 =	sor.u32 s1, s0  }
0x34: {  	s0 =	sadd.s32 $0x8F2B, s0  }
0x35: {  	[sflag:s0] =	ssyncadd.remote.s32 $0x1  }
0x36: {  	_ =	sfence.sel $0xFFFF  }
0x37: {  	[dreg:$0x0] =	wrdreg $0xFFFFFFFF;
	(pc) =	sbr.abs _section_cstart, $3  }
0x38: {  	[dreg:$0x1] =	wrdreg $0xFFFFFFFF  }
0x39: {  	_ =	task.clear_ibuf [dreg:s7], $0x2FFFF;
	_ =	strace $0x9FFFFFFF  }
0x3a: {  	(tm) =	ssettm $0x7FFFFFFF  }
0x3b: {  	_ =	shalt  }
tec
execute0_lowered:
.L_overlay_start_1:
0x0: {  	(tag) =	ssettag $0x1  }
0x1: {  	s7 =	rddreg [dreg:$0x0]  }
0x2: {  	s2 =	rddreg [dreg:$0x1]  }
0x3: {  	s0 =	stileid.u32;
	s1 =	srdreg.scid;
	s31 =	simm.s32 $0x2  }
0x4: {  	s14 =	simm.s32 $0x0;
	s15 =	simm.s32 $0x0;
	s13 =	simm.s32 $0x0  }
0x5: {  	s3 =	sshll.u32 s0, $0x5;
	s4 =	sshll.u32 s1, $0x9;
	s5 =	sshll.u32 s0, $0x1  }
0x6: {  	s1 =	rddreg [dreg:$0x2];
	s4 =	sor.u32 s3, s4;
	s3 =	sand.u32 $0x6, s5  }
0x7: {  	_ =	strace $0x8000004A;
	s4 =	sand.u32 $0x380, s4;
	s5 =	ssub.s32 $0xC8, s3  }
0x8: {  	s12 =	smov.u32 s3;
	s8 =	sshll.u32 s4, $0x4;
	s6 =	sand.u32 $0x6, s5  }
0x9: {  	s9 =	ssub.s32 $0x400, s4;
	s11 =	sshrl.u32 s5, $0x3;
	s5 =	simm.s32 $0x1  }
0xa: {  	p0 =	sne.s32 s6, $0x0;
	s6 =	simm.s32 $0x1;
	s10 =	sand.u32 $0x380, s9  }
0xb: {  	s6 =	simm.s32 @!p0 $0x0;
	p0 =	sne.s32 s10, $0x0;
	s10 =	simm.s32 $0x1  }
.Ltmp0:
0xc: {  	s9 =	sshrl.u32 s9, $0xA;
	s10 =	simm.s32 @!p0 $0x0;
	(pc) =	sbr.rel .LBB1_1-.Ltmp0, $4  }
0xd: {  	[sflag:s5] =	ssyncpa.u1 $0x0;
	s6 =	sadd.s32 s6, s11;
	s9 =	sadd.s32 s10, s9  }
0xe: {  	s8 =	sadd.s32 s8, s7;
	[sflag:s31] =	ssyncpa.u1 $0x0;
	s6 =	smul.u32 s6, s9  }
0xf: {  	s7 =	sadd.s32 $0x1600, s8;
	s8 =	sadd.s32 $0x5600, s8;
	p0 =	por $0x0, $0x0  }
0x10: {  	s11 =	simm.s32 $0x2000;
	s10 =	simm.s32 $0x400;
	s9 =	sadd.s32 $0x1, s6  }
.LBB1_7:
0x11: {  	s16 =	sadd.s32 $0x8, s12  }
0x12: {  	p2 =	sgt.s32 s16, $0xC7  }
0x13: {  	s16 =	smov.u32 @p2 s3;
	p2 =	sne.s32 s13, s9  }
.Ltmp1:
0x14: {  	p1 =	slt.u32 s13, $0x2;
	(pc) =	sbr.rel @!p2 .LBB1_8-.Ltmp1, $4  }
0x15: {  	s14 =	simm.s32 @!p1 $0x2  }
0x16: {  	s17 =	sadd.s32 $0x1, s13;
	s15 =	smov.u32 s12;
	_ =	swait.ge @!p1 [sflag:s14], $0x4000  }
0x17: {  	p0 =	por !p0, !p0;
	s13 =	smov.u32 s17;
	[sflag:s14] =	ssyncset.done @!p1 $0x0  }
0x18: {  	s12 =	smov.u32 s16;
	[sflag:s14] =	ssyncadd.s32 @!p1 $0xFFFFC000;
	s14 =	smov.u32 s4  }
.LBB1_1:
0x19: {  	p1 =	sge.u32 s13, s6  }
0x1a: {  	s16 =	sxor.u32 @!p1 $0xFFFFFFFF, s13  }
0x1b: {  	s17 =	sshll.u32 @!p1 s12, $0xE;
	s19 =	simm.s32 @!p1 $0x40;
	s16 =	sshll.u32 @!p1 s16, $0xE  }
0x1c: {  	s20 =	simm.s32 @!p1 $0x80;
	s18 =	sadd.s32 @!p1 s17, s7;
	s16 =	sand.u32 @!p1 $0x4000, s16  }
0x1d: {  	[tilespmem:s16], [sflag:$0x1] =	stream.strided.gather @!p1 [hbm4b:s18+s19], $0x2000, s20, s19, $0x38;
	[tilespmem:$0x10100] =	vst v63  }
0x1e: {  	s31 =	sadd.s32 $0xFFFFFFFF, s13;
	s17 =	sadd.s32 @!p1 s17, s8;
	s16 =	sor.u32 @!p1 $0x2000, s16  }
0x1f: {  	[tilespmem:s16], [sflag:$0x1] =	stream.strided.gather @!p1 [hbm4b:s17+s19], $0x2000, s20, s19, $0x38;
	[tilespmem:$0x10100] =	vst v63  }
0x20: {  	p1 =	sge.u32 s31, s6  }
.Ltmp2:
0x21: {  	_ = 	snop;
	(pc) =	sbr.rel @p1 .LBB1_7-.Ltmp2, $1  }
0x22: {  	_ =	sdelay $0x3  }
0x23: {  	s16 =	simm.s32 $0x1;
	s18 =	sand.u32 $0x1, s13  }
0x24: {  	_ =	swait.ge [sflag:s5], $0x4000;
	s16 =	simm.s32 @!p0 $0x0;
	s18 =	smul.u32 $0x10200, s18  }
0x25: {  	p2 =	por $0x1, $0x1;
	[sflag:s5] =	ssyncset.done $0x0;
	s17 =	smul.u32 $0x10200, s16  }
0x26: {  	s19 =	sshll.u32 s16, $0x10;
	[sflag:s5] =	ssyncadd.s32 $0xFFFFC000;
	s30 =	sshrl.u32 s18, $0x2  }
0x27: {  	s31 =	sshrl.u32 s19, $0x2;
	s19 =	simm.s32 $0x0;
	s17 =	sshrl.u32 s17, $0x2  }
0x28: {  	s16 =	sor.u32 $0x8000, s30;
	s18 =	sadd.s32 $0x20, s31;
	s17 =	sor.u32 $0x8000, s17  }
.LBB1_3:
0x29: {  	s20 =	sshll.u32 s19, $0xD  }
0x2a: {  	s20 =	sand.u32 $0x3FFFE000, s20  }
0x2b: {  	s22 =	sadd.s32 s20, s18  }
0x2c: {  	s31 =	smul.u32 $0x8100, s19;
	v3 =	vld [tilespmem:s22+$0x10]  }
0x2d: {  	v1 =	vld [tilespmem:s22+$0xFFFFFFF0]  }
0x2e: {  	s19 =	sshra.s32 s31, $0x2;
	v0 =	vld [tilespmem:s22+$0x0]  }
0x2f: {  	s19 =	sadd.s32 s19, s17;
	v2 =	vld [tilespmem:s22+$0xFFFFFFE0]  }
0x30: {  	s20 =	sadd.s32 $0x0, s19  }
0x31: {  	p1 =	por p2, p2;
	s21 =	simm.s32 $0x4;
	s22 =	sadd.s32 $0x40, s22;
	[tilespmem:s20+$0x1830 ss:$0x81] =	vst.msk $0xffff, v3  }
.LBB1_4:
0x32: {  	v3 =	vld [tilespmem:s22+$0x10];
	p2 =	sne.s32 s21, $0x1FC;
	[tilespmem:s20+$0x810 ss:$0x81] =	vst.msk $0xffff, v1;
	s23 =	smov.u32 s21;
	s21 =	sadd.s32 $0x4, s21  }
.Ltmp3:
0x33: {  	v1 =	vld [tilespmem:s22+$0xFFFFFFF0];
	[tilespmem:s20+$0x1020 ss:$0x81] =	vst.msk $0xffff, v0;
	(pc) =	sbr.rel @p2 .LBB1_4-.Ltmp3, $4  }
0x34: {  	v0 =	vld [tilespmem:s22+$0x0];
	[tilespmem:s20+$0x0 ss:$0x81] =	vst.msk $0xffff, v2  }
0x35: {  	s20 =	sshra.s32 s23, $0x2;
	v2 =	vld [tilespmem:s22+$0xFFFFFFE0]  }
0x36: {  	s20 =	sadd.s32 s20, s19  }
0x37: {  	s22 =	sadd.s32 $0x40, s22;
	[tilespmem:s20+$0x1830 ss:$0x81] =	vst.msk $0xffff, v3  }
.Ltmp4:
0x38: {  	(pc) =	sbr.rel @p1 .LBB1_3-.Ltmp4, $4  }
0x39: {  	_ = 	snop  }
0x3a: {  	[tilespmem:s20+$0x810 ss:$0x81] =	vst.msk $0xffff, v1  }
0x3b: {  	[tilespmem:s20+$0x1020 ss:$0x81] =	vst.msk $0xffff, v0  }
0x3c: {  	s19 =	simm.s32 $0x1;
	p2 =	por $0x0, $0x0;
	[tilespmem:s20+$0x0 ss:$0x81] =	vst.msk $0xffff, v2  }
.Ltmp5:
0x3d: {  	(pc) =	sbr.rel .LBB1_7-.Ltmp5, $4  }
0x3e: {  	_ = 	snop  }
0x3f: {  	s15 =	sshll.u32 s15, $0xD;
	s14 =	sadd.s32 s2, s14  }
0x40: {  	s14 =	sadd.s32 s15, s14  }
0x41: {  	[hbm4b:s14+s10] =	stream.strided.scatter [tilespmem:s16], [sflag:$0x2], $0x4000, s11, s10, $0x20;
	[tilespmem:$0x10100] =	vst v63  }
.LBB1_8:
0x42: {  	_ =	sfence.sel $0x180000  }
0x43: {  	s2 =	simm.s32 $0x1;
	[bflag:$0x0] =	sbarrier.arrive $0xFFFF  }
0x44: {  	s31 =	simm.s32 $0x2;
	[sflag:s2] =	ssyncpa.u1 $0x1  }
0x45: {  	[sflag:s31] =	ssyncpa.u1 $0x1  }
0x46: {  	p0 =	sne.s32 s0, $0x0;
	_ =	strace $0x9000004A  }
0x47: {  	s0 =	sadd.s32 @!p0 $0x100000, s1;
	[bflag:$0x2] =	sbarrier.arrive $0xFFFF  }
0x48: {  	[sflag:s0] =	ssyncadd.tile.s32 @!p0 $0x1;
	_ =	shalt  }
.Lfunc_end1:
_tile_overlayer_lowered:
.L_overlay_start_2:
0x49: {  	(tag) =	ssettag $0x2  }
0x4a: {  	s0 =	rddreg [dreg:$0x0];
	s2 =	stileid.u32  }
0x4b: {  	s1 =	rddreg [dreg:$0x1];
	p0 =	sne.s32 s2, $0x0  }
0x4c: {  	s3 =	rddreg [dreg:$0x2];
	[bflag:$0x3] =	sbarrier.arrive $0xFFFF;
	s2 =	simm.s32 @!p0 $0x1C01  }
0x4d: {  	[timem:s3], [sflag:s2] =	dma.local @!p0 [hbm:s0], s1  }
0x4e: {  	s0 =	simm.s32 @!p0 $0x1  }
0x4f: {  	_ =	swait.ge @!p0 [sflag:s0], s1  }
0x50: {  	s1 =	ssub.s32 @!p0 $0x0, s1;
	[sflag:s0] =	ssyncset.done @!p0 $0x0  }
0x51: {  	[sflag:s0] =	ssyncadd.s32 @!p0 s1  }
0x52: {  	[bflag:$0x3] =	sbarrier.arrive $0xFFFF  }
0x53: {  	_ =	shalt  }

</sc_bundles>
